<compile_context>
chip_gen: v7x
topology: tpu7x:2x2x1
jax: 0.10.2.dev20260603
libtpu: 0.0.44.dev20260713+nightly
codegen_flags: <defaults>
</compile_context>

<pallas_src>
import jax
import jax.numpy as jnp
from jax import lax
from jax.experimental import pallas as pl
from jax.experimental.pallas import tpu as pltpu
from jax.experimental.pallas import tpu_sc as plsc

F = 26
B = 4096
VOCAB = 100000
FED = 32
N = 4
D = 32
HID = 208
T = 200
NITEMS = 1000000
SED = 128

NC = 2
NS = 16
NW = NC * NS
LANES = 16

_MESH = plsc.VectorSubcoreMesh(core_axis_name="c", subcore_axis_name="s")
_SC_UNTILED = pltpu.CompilerParams(use_tc_tiling_on_sc=False)


BPW = B // NW


def _nonseq_body(idx_hbm, tables_hbm, out_hbm, idx_v, rows_v, sem):
    wid = lax.axis_index("s") * NC + lax.axis_index("c")
    b0 = wid * BPW
    for f in range(F):
        pltpu.sync_copy(idx_hbm.at[pl.ds(f * B + b0, BPW)], idx_v)
        for c in range(BPW // LANES):
            sl = pl.ds(c * LANES, LANES)
            idx_v[sl] = idx_v[sl] + f * VOCAB
        pltpu.async_copy(tables_hbm.at[idx_v], rows_v, sem).wait()
        pltpu.sync_copy(rows_v, out_hbm.at[f, pl.ds(b0, BPW)])


_nonseq_gather = pl.kernel(
    _nonseq_body,
    out_type=jax.ShapeDtypeStruct((F, B, FED), jnp.float32),
    mesh=_MESH,
    scratch_types=[
        pltpu.VMEM((BPW,), jnp.int32),
        pltpu.VMEM((BPW, FED), jnp.float32),
        pltpu.SemaphoreType.DMA,
    ],
    compiler_params=_SC_UNTILED,
)


BLK = 512


def _head_proj_body(e_ref, w_ref, o_ref):
    accs = [jnp.zeros((BLK, D), jnp.float32) for _ in range(N)]
    for f in range(F):
        e_f = e_ref[f]
        j0 = f * FED
        for n in range(j0 // HID, (j0 + FED - 1) // HID + 1):
            lo = max(j0, n * HID)
            hi = min(j0 + FED, (n + 1) * HID)
            w = w_ref[n, :, lo - n * HID:hi - n * HID]
            ef = e_f[:, lo - j0:hi - j0]
            accs[n] = accs[n] + lax.dot_general(
                ef, w, (((1,), (1,)), ((), ())),
                preferred_element_type=jnp.float32)
    o_ref[:, :] = jnp.concatenate(accs, axis=1)


def _head_proj(e, head_W):
    return pl.pallas_call(
        _head_proj_body,
        grid=(B // BLK,),
        in_specs=[
            pl.BlockSpec((F, BLK, FED), lambda i: (0, i, 0)),
            pl.BlockSpec((N, D, HID), lambda i: (0, 0, 0)),
        ],
        out_specs=pl.BlockSpec((BLK, N * D), lambda i: (i, 0)),
        out_shape=jax.ShapeDtypeStruct((B, N * D), jnp.float32),
    )(e, head_W)


ROWS = B * T
RPW = ROWS // NW
CHUNKS = RPW // T
SPLIT = 104
NBUF = 4


def _seq_body(idx_hbm, item_hbm, pos_hbm, out_hbm, *rest):
    idx_bufs = rest[0:NBUF]
    row_bufs = rest[NBUF:2 * NBUF]
    pos_v = rest[2 * NBUF]
    gsems = rest[2 * NBUF + 1:3 * NBUF + 1]
    wsems = rest[3 * NBUF + 1:4 * NBUF + 1]

    wid = lax.axis_index("s") * NC + lax.axis_index("c")
    b0 = wid * CHUNKS
    pltpu.sync_copy(pos_hbm, pos_v)

    def start_gather(c, j):
        pltpu.sync_copy(idx_hbm.at[pl.ds((b0 + c) * T, T)], idx_bufs[j])
        pltpu.async_copy(item_hbm.at[idx_bufs[j].at[pl.ds(0, SPLIT)]],
                         row_bufs[j].at[pl.ds(0, SPLIT)], gsems[j])
        pltpu.async_copy(item_hbm.at[idx_bufs[j].at[pl.ds(SPLIT, T - SPLIT)]],
                         row_bufs[j].at[pl.ds(SPLIT, T - SPLIT)], gsems[j])

    def wait_gather(j):
        pltpu.make_async_copy(item_hbm.at[idx_bufs[j]], row_bufs[j],
                              gsems[j]).wait()

    def wait_wb(c, j):
        pltpu.make_async_copy(row_bufs[j], out_hbm.at[b0 + c], wsems[j]).wait()

    start_gather(0, 0)

    def body(g, carry):
        for j in range(NBUF):
            c = g * NBUF + j
            jn = (j + 1) % NBUF
            @pl.when(c >= NBUF - 1)
            def _():
                wait_wb(c - (NBUF - 1), jn)

            @pl.when(c + 1 < CHUNKS)
            def _():
                start_gather(c + 1, jn)

            wait_gather(j)

            def add_row(r, c2):
                for s in range(SED // LANES):
                    sl = pl.ds(s * LANES, LANES)
                    row_bufs[j][r, sl] = row_bufs[j][r, sl] + pos_v[r, sl]
                return c2

            lax.fori_loop(0, T, add_row, 0)
            pltpu.async_copy(row_bufs[j], out_hbm.at[b0 + c], wsems[j])
        return carry

    lax.fori_loop(0, CHUNKS // NBUF, body, 0)
    for j in range(1, NBUF):
        wait_wb(CHUNKS - NBUF + j, j)


_seq_gather = pl.kernel(
    _seq_body,
    out_type=jax.ShapeDtypeStruct((B, T, SED), jnp.float32),
    mesh=_MESH,
    scratch_types=(
        [pltpu.VMEM((T,), jnp.int32)] * NBUF
        + [pltpu.VMEM((T, SED), jnp.float32)] * NBUF
        + [pltpu.VMEM((T, SED), jnp.float32)]
        + [pltpu.SemaphoreType.DMA] * (2 * NBUF)
    ),
)


def kernel(non_seq_indices, seq_features, feature_tables, head_W, item_table, pos_table):
    tables_flat = feature_tables.reshape(F * VOCAB, FED)
    e = _nonseq_gather(non_seq_indices.reshape(F * B), tables_flat)
    x = _head_proj(e, head_W).reshape(B, N, D)
    seq = _seq_gather(seq_features.reshape(ROWS), item_table, pos_table)
    return x, seq

# --- scband reference (transcript-rebuilt; emitter-appended) ---
"""Pipeline reference for scband-feature-encoder-86586540687588 (READ-ONLY COPY).

The authoritative reference and input builder live on the scoring server;
editing this copy changes nothing except your own understanding.
"""

import jax, jax.numpy as jnp
import numpy as np

F = 26
B = 4096
VOCAB = 100000
FED = 32
N = 4
D = 32
HID = 208
T = 200
NITEMS = 1000000
SED = 128

def setup_inputs(seed: int = 0):
    key = jax.random.key(seed)
    ks = jax.random.split(key, 6)
    non_seq_indices = jax.random.randint(ks[0], (F, B), 0, VOCAB, dtype=jnp.int32)
    seq_features = jax.random.randint(ks[1], (B, T), 0, NITEMS, dtype=jnp.int32)
    feature_tables = 0.02 * jax.random.normal(ks[2], (F, VOCAB, FED), dtype=jnp.float32)
    limit = float(np.sqrt(6.0 / (HID + D)))
    head_W = jax.random.uniform(ks[3], (N, D, HID), dtype=jnp.float32, minval=-limit, maxval=limit)
    item_table = 0.02 * jax.random.normal(ks[4], (NITEMS, SED), dtype=jnp.float32)
    pos_table = 0.02 * jax.random.normal(ks[5], (T, SED), dtype=jnp.float32)
    return {"non_seq_indices": non_seq_indices, "seq_features": seq_features, "feature_tables": feature_tables, "head_W": head_W, "item_table": item_table, "pos_table": pos_table}

def reference(non_seq_indices, seq_features, feature_tables, head_W, item_table, pos_table):
    # Non-sequence features: per-field embedding lookup (sorted key order == stacked axis 0)
    embs = jax.vmap(lambda tbl, idx: jnp.take(tbl, idx, axis=0))(feature_tables, non_seq_indices)  # (F, B, FED)
    e_ns = jnp.transpose(embs, (1, 0, 2)).reshape(non_seq_indices.shape[1], F * FED)  # concat along feature dim
    # Split into N contiguous chunks of head_input_dim, project each with its own Linear (no bias)
    sub = e_ns.reshape(-1, N, HID)
    x = jnp.einsum('bnd,nkd->bnk', sub, head_W)  # (B, N, D)
    # Sequence features: item embedding lookup + learned positional embedding
    seq_emb = jnp.take(item_table, seq_features, axis=0)  # (B, T, SED)
    pos_emb = jnp.take(pos_table, jnp.arange(T), axis=0)[None, :, :]  # (1, T, SED)
    seq = seq_emb + pos_emb
    return (x, seq)

if __name__ == "__main__":
    import jax
    _d = setup_inputs()
    print(jax.jit(kernel)(*tuple(_d.values())))

</pallas_src>

<mosaic_0001>
#map = affine_map<(d0, d1) -> (0)>
#map1 = affine_map<(d0, d1) -> (0, 0)>
#map2 = affine_map<(d0, d1) -> (0, 0, 0)>
module attributes {stable_mosaic.version = 14 : i64} {
  func.func @_seq_body(%arg0: i32, %arg1: i32, %arg2: memref<819200xi32, #tpu.memory_space<hbm>>, %arg3: memref<1000000x128xf32, #tpu.memory_space<hbm>>, %arg4: memref<200x128xf32, #tpu.memory_space<hbm>>, %arg5: memref<4096x200x128xf32, #tpu.memory_space<hbm>>, %arg6: memref<200xi32, #tpu.memory_space<vmem>>, %arg7: memref<200xi32, #tpu.memory_space<vmem>>, %arg8: memref<200xi32, #tpu.memory_space<vmem>>, %arg9: memref<200xi32, #tpu.memory_space<vmem>>, %arg10: memref<200x128xf32, #tpu.memory_space<vmem>>, %arg11: memref<200x128xf32, #tpu.memory_space<vmem>>, %arg12: memref<200x128xf32, #tpu.memory_space<vmem>>, %arg13: memref<200x128xf32, #tpu.memory_space<vmem>>, %arg14: memref<200x128xf32, #tpu.memory_space<vmem>>, %arg15: memref<!tpu.dma_semaphore, #tpu.memory_space<semaphore_mem>>, %arg16: memref<!tpu.dma_semaphore, #tpu.memory_space<semaphore_mem>>, %arg17: memref<!tpu.dma_semaphore, #tpu.memory_space<semaphore_mem>>, %arg18: memref<!tpu.dma_semaphore, #tpu.memory_space<semaphore_mem>>, %arg19: memref<!tpu.dma_semaphore, #tpu.memory_space<semaphore_mem>>, %arg20: memref<!tpu.dma_semaphore, #tpu.memory_space<semaphore_mem>>, %arg21: memref<!tpu.dma_semaphore, #tpu.memory_space<semaphore_mem>>, %arg22: memref<!tpu.dma_semaphore, #tpu.memory_space<semaphore_mem>>) attributes {dimension_semantics = [#tpu.dimension_semantics<core_parallel>, #tpu.dimension_semantics<subcore_parallel>], iteration_bounds = array<i64: 2, 16>, scalar_prefetch = 0 : i64, scratch_operands = 17 : i64, tpu.core_type = #tpu.core_type<sc_vector_subcore>, window_params = [{transform_indices = #map}, {transform_indices = #map1}, {transform_indices = #map1}, {transform_indices = #map2}]} {
    %mul3A = arith.constant 2 : i32
    %mul3A_0 = arith.muli %arg1, %mul3A : i32
    %add3A = arith.addi %mul3A_0, %arg0 : i32
    %mul3A_1 = arith.constant 128 : i32
    %mul3A_2 = arith.muli %add3A, %mul3A_1 : i32
    "tpu.region"() ({
      %run_scoped3A = tpu.sem_alloc : memref<!tpu.dma_semaphore, #tpu.memory_space<semaphore_mem>>
      tpu.enqueue_dma source(%arg4 : memref<200x128xf32, #tpu.memory_space<hbm>>) target(%arg14 : memref<200x128xf32, #tpu.memory_space<vmem>>) target_semaphore(%run_scoped3A : memref<!tpu.dma_semaphore, #tpu.memory_space<semaphore_mem>>)
      tpu.wait_dma2 semaphore(%run_scoped3A : memref<!tpu.dma_semaphore, #tpu.memory_space<semaphore_mem>>) src(%arg4 : memref<200x128xf32, #tpu.memory_space<hbm>>) dst(%arg14 : memref<200x128xf32, #tpu.memory_space<vmem>>)
      tpu.yield
    }) : () -> ()
    %add3A_3 = arith.constant 0 : i32
    %add3A_4 = arith.addi %mul3A_2, %add3A_3 : i32
    %mul3A_5 = arith.constant 200 : i32
    %mul3A_6 = arith.muli %add3A_4, %mul3A_5 : i32
    "tpu.region"() ({
      %run_scoped3A = tpu.sem_alloc : memref<!tpu.dma_semaphore, #tpu.memory_space<semaphore_mem>>
      %dma_start3A_56 = tpu.memref_slice %arg2[%mul3A_6] : memref<819200xi32, #tpu.memory_space<hbm>> -> memref<200xi32, #tpu.memory_space<hbm>>
      %dma_start3A_57 = tpu.memref_slice %arg2[%mul3A_6] : memref<819200xi32, #tpu.memory_space<hbm>> -> memref<200xi32, #tpu.memory_space<hbm>>
      tpu.enqueue_dma source(%dma_start3A_57 : memref<200xi32, #tpu.memory_space<hbm>>) target(%arg6 : memref<200xi32, #tpu.memory_space<vmem>>) target_semaphore(%run_scoped3A : memref<!tpu.dma_semaphore, #tpu.memory_space<semaphore_mem>>)
      %dma_wait3A_58 = tpu.memref_slice %arg2[%mul3A_6] : memref<819200xi32, #tpu.memory_space<hbm>> -> memref<200xi32, #tpu.memory_space<hbm>>
      %dma_wait3A_59 = tpu.memref_slice %arg2[%mul3A_6] : memref<819200xi32, #tpu.memory_space<hbm>> -> memref<200xi32, #tpu.memory_space<hbm>>
      tpu.wait_dma2 semaphore(%run_scoped3A : memref<!tpu.dma_semaphore, #tpu.memory_space<semaphore_mem>>) src(%dma_wait3A_59 : memref<200xi32, #tpu.memory_space<hbm>>) dst(%arg6 : memref<200xi32, #tpu.memory_space<vmem>>)
      tpu.yield
    }) : () -> ()
    %dma_start3A = arith.constant 0 : i32
    %dma_start3A_7 = arith.constant 0 : i32
    %dma_start3A_8 = tpu.memref_slice %arg10[%dma_start3A, %dma_start3A_7] : memref<200x128xf32, #tpu.memory_space<vmem>> -> memref<104x128xf32, #tpu.memory_space<vmem>>
    %dma_start3A_9 = arith.constant 0 : i32
    %dma_start3A_10 = tpu.memref_slice %arg6[%dma_start3A_9] : memref<200xi32, #tpu.memory_space<vmem>> -> memref<104xi32, #tpu.memory_space<vmem>>
    %dma_start3A_11 = arith.constant 0 : i32
    %dma_start3A_12 = arith.constant 0 : i32
    %dma_start3A_13 = tpu.memref_slice %arg3[%dma_start3A_11, %dma_start3A_12] : memref<1000000x128xf32, #tpu.memory_space<hbm>> -> memref<1000000x128xf32, #tpu.memory_space<hbm>>
    tpu.enqueue_indirect_dma source(%dma_start3A_13 : memref<1000000x128xf32, #tpu.memory_space<hbm>>) target(%dma_start3A_8 : memref<104x128xf32, #tpu.memory_space<vmem>>) offsets(%dma_start3A_10 : memref<104xi32, #tpu.memory_space<vmem>>) semaphore(%arg15 : memref<!tpu.dma_semaphore, #tpu.memory_space<semaphore_mem>>)
    %dma_start3A_14 = arith.constant 104 : i32
    %dma_start3A_15 = arith.constant 0 : i32
    %dma_start3A_16 = tpu.memref_slice %arg10[%dma_start3A_14, %dma_start3A_15] : memref<200x128xf32, #tpu.memory_space<vmem>> -> memref<96x128xf32, #tpu.memory_space<vmem>>
    %dma_start3A_17 = arith.constant 104 : i32
    %dma_start3A_18 = tpu.memref_slice %arg6[%dma_start3A_17] : memref<200xi32, #tpu.memory_space<vmem>> -> memref<96xi32, #tpu.memory_space<vmem>>
    %dma_start3A_19 = arith.constant 0 : i32
    %dma_start3A_20 = arith.constant 0 : i32
    %dma_start3A_21 = tpu.memref_slice %arg3[%dma_start3A_19, %dma_start3A_20] : memref<1000000x128xf32, #tpu.memory_space<hbm>> -> memref<1000000x128xf32, #tpu.memory_space<hbm>>
    tpu.enqueue_indirect_dma source(%dma_start3A_21 : memref<1000000x128xf32, #tpu.memory_space<hbm>>) target(%dma_start3A_16 : memref<96x128xf32, #tpu.memory_space<vmem>>) offsets(%dma_start3A_18 : memref<96xi32, #tpu.memory_space<vmem>>) semaphore(%arg15 : memref<!tpu.dma_semaphore, #tpu.memory_space<semaphore_mem>>)
    %scan3A = arith.constant 0 : i32
    %scan3A_22 = arith.constant 0 : i32
    %scan3A_23 = arith.constant 32 : i32
    %scan3A_24 = arith.addi %scan3A_22, %scan3A_23 : i32
    %scan3A_25 = arith.constant 1 : i32
    scf.for %scan3A_56 = %scan3A_22 to %scan3A_24 step %scan3A_25  : i32 {
      %mul3A_57 = arith.constant 4 : i32
      %mul3A_58 = arith.muli %scan3A_56, %mul3A_57 : i32
      %add3A_59 = arith.constant 0 : i32
      %add3A_60 = arith.addi %mul3A_58, %add3A_59 : i32
      %ge3A = arith.constant 3 : i32
      %ge3A_61 = arith.cmpi sge, %add3A_60, %ge3A : i32
      %convert_element_type3A = arith.extui %ge3A_61 : i1 to i32
      %cond3A = arith.constant 0 : i32
      %cond3A_62 = arith.cmpi ne, %convert_element_type3A, %cond3A : i32
      scf.if %cond3A_62 {
        %sub3A = arith.constant 3 : i32
        %sub3A_189 = arith.subi %add3A_60, %sub3A : i32
        %add3A_190 = arith.addi %mul3A_2, %sub3A_189 : i32
        %dma_wait3A_191 = arith.constant 0 : i32
        %dma_wait3A_192 = arith.constant 0 : i32
        %dma_wait3A_193 = tpu.memref_slice %arg5[%add3A_190, %dma_wait3A_191, %dma_wait3A_192] : memref<4096x200x128xf32, #tpu.memory_space<hbm>> -> memref<1x200x128xf32, #tpu.memory_space<hbm>>
        %dma_wait3A_194 = tpu.memref_squeeze %dma_wait3A_193 : memref<1x200x128xf32, #tpu.memory_space<hbm>> -> memref<200x128xf32, #tpu.memory_space<hbm>>
        %dma_wait3A_195 = arith.constant 0 : i32
        %dma_wait3A_196 = arith.constant 0 : i32
        %dma_wait3A_197 = tpu.memref_slice %arg5[%add3A_190, %dma_wait3A_195, %dma_wait3A_196] : memref<4096x200x128xf32, #tpu.memory_space<hbm>> -> memref<1x200x128xf32, #tpu.memory_space<hbm>>
        %dma_wait3A_198 = tpu.memref_squeeze %dma_wait3A_197 : memref<1x200x128xf32, #tpu.memory_space<hbm>> -> memref<200x128xf32, #tpu.memory_space<hbm>>
        tpu.wait_dma2 semaphore(%arg20 : memref<!tpu.dma_semaphore, #tpu.memory_space<semaphore_mem>>) src(%arg11 : memref<200x128xf32, #tpu.memory_space<vmem>>) dst(%dma_wait3A_198 : memref<200x128xf32, #tpu.memory_space<hbm>>)
      } else {
      }
      %add3A_63 = arith.constant 1 : i32
      %add3A_64 = arith.addi %add3A_60, %add3A_63 : i32
      %lt3A = arith.constant 128 : i32
      %lt3A_65 = arith.cmpi slt, %add3A_64, %lt3A : i32
      %convert_element_type3A_66 = arith.extui %lt3A_65 : i1 to i32
      %cond3A_67 = arith.constant 0 : i32
      %cond3A_68 = arith.cmpi ne, %convert_element_type3A_66, %cond3A_67 : i32
      scf.if %cond3A_68 {
        %add3A_189 = arith.constant 1 : i32
        %add3A_190 = arith.addi %add3A_60, %add3A_189 : i32
        %add3A_191 = arith.addi %mul3A_2, %add3A_190 : i32
        %mul3A_192 = arith.constant 200 : i32
        %mul3A_193 = arith.muli %add3A_191, %mul3A_192 : i32
        "tpu.region"() ({
          %run_scoped3A = tpu.sem_alloc : memref<!tpu.dma_semaphore, #tpu.memory_space<semaphore_mem>>
          %dma_start3A_210 = tpu.memref_slice %arg2[%mul3A_193] : memref<819200xi32, #tpu.memory_space<hbm>> -> memref<200xi32, #tpu.memory_space<hbm>>
          %dma_start3A_211 = tpu.memref_slice %arg2[%mul3A_193] : memref<819200xi32, #tpu.memory_space<hbm>> -> memref<200xi32, #tpu.memory_space<hbm>>
          tpu.enqueue_dma source(%dma_start3A_211 : memref<200xi32, #tpu.memory_space<hbm>>) target(%arg7 : memref<200xi32, #tpu.memory_space<vmem>>) target_semaphore(%run_scoped3A : memref<!tpu.dma_semaphore, #tpu.memory_space<semaphore_mem>>)
          %dma_wait3A_212 = tpu.memref_slice %arg2[%mul3A_193] : memref<819200xi32, #tpu.memory_space<hbm>> -> memref<200xi32, #tpu.memory_space<hbm>>
          %dma_wait3A_213 = tpu.memref_slice %arg2[%mul3A_193] : memref<819200xi32, #tpu.memory_space<hbm>> -> memref<200xi32, #tpu.memory_space<hbm>>
          tpu.wait_dma2 semaphore(%run_scoped3A : memref<!tpu.dma_semaphore, #tpu.memory_space<semaphore_mem>>) src(%dma_wait3A_213 : memref<200xi32, #tpu.memory_space<hbm>>) dst(%arg7 : memref<200xi32, #tpu.memory_space<vmem>>)
          tpu.yield
        }) : () -> ()
        %dma_start3A_194 = arith.constant 0 : i32
        %dma_start3A_195 = arith.constant 0 : i32
        %dma_start3A_196 = tpu.memref_slice %arg11[%dma_start3A_194, %dma_start3A_195] : memref<200x128xf32, #tpu.memory_space<vmem>> -> memref<104x128xf32, #tpu.memory_space<vmem>>
        %dma_start3A_197 = arith.constant 0 : i32
        %dma_start3A_198 = tpu.memref_slice %arg7[%dma_start3A_197] : memref<200xi32, #tpu.memory_space<vmem>> -> memref<104xi32, #tpu.memory_space<vmem>>
        %dma_start3A_199 = arith.constant 0 : i32
        %dma_start3A_200 = arith.constant 0 : i32
        %dma_start3A_201 = tpu.memref_slice %arg3[%dma_start3A_199, %dma_start3A_200] : memref<1000000x128xf32, #tpu.memory_space<hbm>> -> memref<1000000x128xf32, #tpu.memory_space<hbm>>
        tpu.enqueue_indirect_dma source(%dma_start3A_201 : memref<1000000x128xf32, #tpu.memory_space<hbm>>) target(%dma_start3A_196 : memref<104x128xf32, #tpu.memory_space<vmem>>) offsets(%dma_start3A_198 : memref<104xi32, #tpu.memory_space<vmem>>) semaphore(%arg16 : memref<!tpu.dma_semaphore, #tpu.memory_space<semaphore_mem>>)
        %dma_start3A_202 = arith.constant 104 : i32
        %dma_start3A_203 = arith.constant 0 : i32
        %dma_start3A_204 = tpu.memref_slice %arg11[%dma_start3A_202, %dma_start3A_203] : memref<200x128xf32, #tpu.memory_space<vmem>> -> memref<96x128xf32, #tpu.memory_space<vmem>>
        %dma_start3A_205 = arith.constant 104 : i32
        %dma_start3A_206 = tpu.memref_slice %arg7[%dma_start3A_205] : memref<200xi32, #tpu.memory_space<vmem>> -> memref<96xi32, #tpu.memory_space<vmem>>
        %dma_start3A_207 = arith.constant 0 : i32
        %dma_start3A_208 = arith.constant 0 : i32
        %dma_start3A_209 = tpu.memref_slice %arg3[%dma_start3A_207, %dma_start3A_208] : memref<1000000x128xf32, #tpu.memory_space<hbm>> -> memref<1000000x128xf32, #tpu.memory_space<hbm>>
        tpu.enqueue_indirect_dma source(%dma_start3A_209 : memref<1000000x128xf32, #tpu.memory_space<hbm>>) target(%dma_start3A_204 : memref<96x128xf32, #tpu.memory_space<vmem>>) offsets(%dma_start3A_206 : memref<96xi32, #tpu.memory_space<vmem>>) semaphore(%arg16 : memref<!tpu.dma_semaphore, #tpu.memory_space<semaphore_mem>>)
      } else {
      }
      %dma_wait3A_69 = arith.constant 0 : i32
      %dma_wait3A_70 = arith.constant 0 : i32
      %dma_wait3A_71 = tpu.memref_slice %arg3[%dma_wait3A_69, %dma_wait3A_70] : memref<1000000x128xf32, #tpu.memory_space<hbm>> -> memref<1000000x128xf32, #tpu.memory_space<hbm>>
      tpu.wait_indirect_dma semaphore(%arg15 : memref<!tpu.dma_semaphore, #tpu.memory_space<semaphore_mem>>) src(%dma_wait3A_71 : memref<1000000x128xf32, #tpu.memory_space<hbm>>) dst(%arg10 : memref<200x128xf32, #tpu.memory_space<vmem>>)
      %scan3A_72 = arith.constant 0 : i32
      %scan3A_73 = arith.constant 0 : i32
      %scan3A_74 = arith.constant 200 : i32
      %scan3A_75 = arith.addi %scan3A_73, %scan3A_74 : i32
      %scan3A_76 = arith.constant 1 : i32
      scf.for %scan3A_189 = %scan3A_73 to %scan3A_75 step %scan3A_76  : i32 {
        %get3A = arith.index_cast %scan3A_189 : i32 to index
        %get3A_190 = arith.constant 0 : index
        %get3A_191 = tpu.vector_load %arg10[%get3A, %get3A_190] {strides = array<i32>} : memref<200x128xf32, #tpu.memory_space<vmem>>, vector<1x16xf32>,
        %get3A_192 = vector.shape_cast %get3A_191 : vector<1x16xf32> to vector<16xf32>
        %get3A_193 = arith.index_cast %scan3A_189 : i32 to index
        %get3A_194 = arith.constant 0 : index
        %get3A_195 = tpu.vector_load %arg14[%get3A_193, %get3A_194] {strides = array<i32>} : memref<200x128xf32, #tpu.memory_space<vmem>>, vector<1x16xf32>,
        %get3A_196 = vector.shape_cast %get3A_195 : vector<1x16xf32> to vector<16xf32>
        %add3A_197 = arith.addf %get3A_192, %get3A_196 : vector<16xf32>
        %swap3A = arith.index_cast %scan3A_189 : i32 to index
        %swap3A_198 = arith.constant 0 : index
        %swap3A_199 = tpu.vector_load %arg10[%swap3A, %swap3A_198] {strides = array<i32>} : memref<200x128xf32, #tpu.memory_space<vmem>>, vector<1x16xf32>,
        %swap3A_200 = vector.shape_cast %swap3A_199 : vector<1x16xf32> to vector<16xf32>
        %swap3A_201 = vector.shape_cast %add3A_197 : vector<16xf32> to vector<1x16xf32>
        tpu.vector_store %arg10[%swap3A, %swap3A_198], %swap3A_201 {strides = array<i32>} : memref<200x128xf32, #tpu.memory_space<vmem>>, vector<1x16xf32>,
        %get3A_202 = arith.index_cast %scan3A_189 : i32 to index
        %get3A_203 = arith.constant 16 : index
        %get3A_204 = tpu.vector_load %arg10[%get3A_202, %get3A_203] {strides = array<i32>} : memref<200x128xf32, #tpu.memory_space<vmem>>, vector<1x16xf32>,
        %get3A_205 = vector.shape_cast %get3A_204 : vector<1x16xf32> to vector<16xf32>
        %get3A_206 = arith.index_cast %scan3A_189 : i32 to index
        %get3A_207 = arith.constant 16 : index
        %get3A_208 = tpu.vector_load %arg14[%get3A_206, %get3A_207] {strides = array<i32>} : memref<200x128xf32, #tpu.memory_space<vmem>>, vector<1x16xf32>,
        %get3A_209 = vector.shape_cast %get3A_208 : vector<1x16xf32> to vector<16xf32>
        %add3A_210 = arith.addf %get3A_205, %get3A_209 : vector<16xf32>
        %swap3A_211 = arith.index_cast %scan3A_189 : i32 to index
        %swap3A_212 = arith.constant 16 : index
        %swap3A_213 = tpu.vector_load %arg10[%swap3A_211, %swap3A_212] {strides = array<i32>} : memref<200x128xf32, #tpu.memory_space<vmem>>, vector<1x16xf32>,
        %swap3A_214 = vector.shape_cast %swap3A_213 : vector<1x16xf32> to vector<16xf32>
        %swap3A_215 = vector.shape_cast %add3A_210 : vector<16xf32> to vector<1x16xf32>
        tpu.vector_store %arg10[%swap3A_211, %swap3A_212], %swap3A_215 {strides = array<i32>} : memref<200x128xf32, #tpu.memory_space<vmem>>, vector<1x16xf32>,
        %get3A_216 = arith.index_cast %scan3A_189 : i32 to index
        %get3A_217 = arith.constant 32 : index
        %get3A_218 = tpu.vector_load %arg10[%get3A_216, %get3A_217] {strides = array<i32>} : memref<200x128xf32, #tpu.memory_space<vmem>>, vector<1x16xf32>,
        %get3A_219 = vector.shape_cast %get3A_218 : vector<1x16xf32> to vector<16xf32>
        %get3A_220 = arith.index_cast %scan3A_189 : i32 to index
        %get3A_221 = arith.constant 32 : index
        %get3A_222 = tpu.vector_load %arg14[%get3A_220, %get3A_221] {strides = array<i32>} : memref<200x128xf32, #tpu.memory_space<vmem>>, vector<1x16xf32>,
        %get3A_223 = vector.shape_cast %get3A_222 : vector<1x16xf32> to vector<16xf32>
        %add3A_224 = arith.addf %get3A_219, %get3A_223 : vector<16xf32>
        %swap3A_225 = arith.index_cast %scan3A_189 : i32 to index
        %swap3A_226 = arith.constant 32 : index
        %swap3A_227 = tpu.vector_load %arg10[%swap3A_225, %swap3A_226] {strides = array<i32>} : memref<200x128xf32, #tpu.memory_space<vmem>>, vector<1x16xf32>,
        %swap3A_228 = vector.shape_cast %swap3A_227 : vector<1x16xf32> to vector<16xf32>
        %swap3A_229 = vector.shape_cast %add3A_224 : vector<16xf32> to vector<1x16xf32>
        tpu.vector_store %arg10[%swap3A_225, %swap3A_226], %swap3A_229 {strides = array<i32>} : memref<200x128xf32, #tpu.memory_space<vmem>>, vector<1x16xf32>,
        %get3A_230 = arith.index_cast %scan3A_189 : i32 to index
        %get3A_231 = arith.constant 48 : index
        %get3A_232 = tpu.vector_load %arg10[%get3A_230, %get3A_231] {strides = array<i32>} : memref<200x128xf32, #tpu.memory_space<vmem>>, vector<1x16xf32>,
        %get3A_233 = vector.shape_cast %get3A_232 : vector<1x16xf32> to vector<16xf32>
        %get3A_234 = arith.index_cast %scan3A_189 : i32 to index
        %get3A_235 = arith.constant 48 : index
        %get3A_236 = tpu.vector_load %arg14[%get3A_234, %get3A_235] {strides = array<i32>} : memref<200x128xf32, #tpu.memory_space<vmem>>, vector<1x16xf32>,
        %get3A_237 = vector.shape_cast %get3A_236 : vector<1x16xf32> to vector<16xf32>
        %add3A_238 = arith.addf %get3A_233, %get3A_237 : vector<16xf32>
        %swap3A_239 = arith.index_cast %scan3A_189 : i32 to index
        %swap3A_240 = arith.constant 48 : index
        %swap3A_241 = tpu.vector_load %arg10[%swap3A_239, %swap3A_240] {strides = array<i32>} : memref<200x128xf32, #tpu.memory_space<vmem>>, vector<1x16xf32>,
        %swap3A_242 = vector.shape_cast %swap3A_241 : vector<1x16xf32> to vector<16xf32>
        %swap3A_243 = vector.shape_cast %add3A_238 : vector<16xf32> to vector<1x16xf32>
        tpu.vector_store %arg10[%swap3A_239, %swap3A_240], %swap3A_243 {strides = array<i32>} : memref<200x128xf32, #tpu.memory_space<vmem>>, vector<1x16xf32>,
        %get3A_244 = arith.index_cast %scan3A_189 : i32 to index
        %get3A_245 = arith.constant 64 : index
        %get3A_246 = tpu.vector_load %arg10[%get3A_244, %get3A_245] {strides = array<i32>} : memref<200x128xf32, #tpu.memory_space<vmem>>, vector<1x16xf32>,
        %get3A_247 = vector.shape_cast %get3A_246 : vector<1x16xf32> to vector<16xf32>
        %get3A_248 = arith.index_cast %scan3A_189 : i32 to index
        %get3A_249 = arith.constant 64 : index
        %get3A_250 = tpu.vector_load %arg14[%get3A_248, %get3A_249] {strides = array<i32>} : memref<200x128xf32, #tpu.memory_space<vmem>>, vector<1x16xf32>,
        %get3A_251 = vector.shape_cast %get3A_250 : vector<1x16xf32> to vector<16xf32>
        %add3A_252 = arith.addf %get3A_247, %get3A_251 : vector<16xf32>
        %swap3A_253 = arith.index_cast %scan3A_189 : i32 to index
        %swap3A_254 = arith.constant 64 : index
        %swap3A_255 = tpu.vector_load %arg10[%swap3A_253, %swap3A_254] {strides = array<i32>} : memref<200x128xf32, #tpu.memory_space<vmem>>, vector<1x16xf32>,
        %swap3A_256 = vector.shape_cast %swap3A_255 : vector<1x16xf32> to vector<16xf32>
        %swap3A_257 = vector.shape_cast %add3A_252 : vector<16xf32> to vector<1x16xf32>
        tpu.vector_store %arg10[%swap3A_253, %swap3A_254], %swap3A_257 {strides = array<i32>} : memref<200x128xf32, #tpu.memory_space<vmem>>, vector<1x16xf32>,
        %get3A_258 = arith.index_cast %scan3A_189 : i32 to index
        %get3A_259 = arith.constant 80 : index
        %get3A_260 = tpu.vector_load %arg10[%get3A_258, %get3A_259] {strides = array<i32>} : memref<200x128xf32, #tpu.memory_space<vmem>>, vector<1x16xf32>,
        %get3A_261 = vector.shape_cast %get3A_260 : vector<1x16xf32> to vector<16xf32>
        %get3A_262 = arith.index_cast %scan3A_189 : i32 to index
        %get3A_263 = arith.constant 80 : index
        %get3A_264 = tpu.vector_load %arg14[%get3A_262, %get3A_263] {strides = array<i32>} : memref<200x128xf32, #tpu.memory_space<vmem>>, vector<1x16xf32>,
        %get3A_265 = vector.shape_cast %get3A_264 : vector<1x16xf32> to vector<16xf32>
        %add3A_266 = arith.addf %get3A_261, %get3A_265 : vector<16xf32>
        %swap3A_267 = arith.index_cast %scan3A_189 : i32 to index
        %swap3A_268 = arith.constant 80 : index
        %swap3A_269 = tpu.vector_load %arg10[%swap3A_267, %swap3A_268] {strides = array<i32>} : memref<200x128xf32, #tpu.memory_space<vmem>>, vector<1x16xf32>,
        %swap3A_270 = vector.shape_cast %swap3A_269 : vector<1x16xf32> to vector<16xf32>
        %swap3A_271 = vector.shape_cast %add3A_266 : vector<16xf32> to vector<1x16xf32>
        tpu.vector_store %arg10[%swap3A_267, %swap3A_268], %swap3A_271 {strides = array<i32>} : memref<200x128xf32, #tpu.memory_space<vmem>>, vector<1x16xf32>,
        %get3A_272 = arith.index_cast %scan3A_189 : i32 to index
        %get3A_273 = arith.constant 96 : index
        %get3A_274 = tpu.vector_load %arg10[%get3A_272, %get3A_273] {strides = array<i32>} : memref<200x128xf32, #tpu.memory_space<vmem>>, vector<1x16xf32>,
        %get3A_275 = vector.shape_cast %get3A_274 : vector<1x16xf32> to vector<16xf32>
        %get3A_276 = arith.index_cast %scan3A_189 : i32 to index
        %get3A_277 = arith.constant 96 : index
        %get3A_278 = tpu.vector_load %arg14[%get3A_276, %get3A_277] {strides = array<i32>} : memref<200x128xf32, #tpu.memory_space<vmem>>, vector<1x16xf32>,
        %get3A_279 = vector.shape_cast %get3A_278 : vector<1x16xf32> to vector<16xf32>
        %add3A_280 = arith.addf %get3A_275, %get3A_279 : vector<16xf32>
        %swap3A_281 = arith.index_cast %scan3A_189 : i32 to index
        %swap3A_282 = arith.constant 96 : index
        %swap3A_283 = tpu.vector_load %arg10[%swap3A_281, %swap3A_282] {strides = array<i32>} : memref<200x128xf32, #tpu.memory_space<vmem>>, vector<1x16xf32>,
        %swap3A_284 = vector.shape_cast %swap3A_283 : vector<1x16xf32> to vector<16xf32>
        %swap3A_285 = vector.shape_cast %add3A_280 : vector<16xf32> to vector<1x16xf32>
        tpu.vector_store %arg10[%swap3A_281, %swap3A_282], %swap3A_285 {strides = array<i32>} : memref<200x128xf32, #tpu.memory_space<vmem>>, vector<1x16xf32>,
        %get3A_286 = arith.index_cast %scan3A_189 : i32 to index
        %get3A_287 = arith.constant 112 : index
        %get3A_288 = tpu.vector_load %arg10[%get3A_286, %get3A_287] {strides = array<i32>} : memref<200x128xf32, #tpu.memory_space<vmem>>, vector<1x16xf32>,
        %get3A_289 = vector.shape_cast %get3A_288 : vector<1x16xf32> to vector<16xf32>
        %get3A_290 = arith.index_cast %scan3A_189 : i32 to index
        %get3A_291 = arith.constant 112 : index
        %get3A_292 = tpu.vector_load %arg14[%get3A_290, %get3A_291] {strides = array<i32>} : memref<200x128xf32, #tpu.memory_space<vmem>>, vector<1x16xf32>,
        %get3A_293 = vector.shape_cast %get3A_292 : vector<1x16xf32> to vector<16xf32>
        %add3A_294 = arith.addf %get3A_289, %get3A_293 : vector<16xf32>
        %swap3A_295 = arith.index_cast %scan3A_189 : i32 to index
        %swap3A_296 = arith.constant 112 : index
        %swap3A_297 = tpu.vector_load %arg10[%swap3A_295, %swap3A_296] {strides = array<i32>} : memref<200x128xf32, #tpu.memory_space<vmem>>, vector<1x16xf32>,
        %swap3A_298 = vector.shape_cast %swap3A_297 : vector<1x16xf32> to vector<16xf32>
        %swap3A_299 = vector.shape_cast %add3A_294 : vector<16xf32> to vector<1x16xf32>
        tpu.vector_store %arg10[%swap3A_295, %swap3A_296], %swap3A_299 {strides = array<i32>} : memref<200x128xf32, #tpu.memory_space<vmem>>, vector<1x16xf32>,
      }
      %scan3A_77 = arith.constant 200 : i32
      %add3A_78 = arith.addi %mul3A_2, %add3A_60 : i32
      %dma_start3A_79 = arith.constant 0 : i32
      %dma_start3A_80 = arith.constant 0 : i32
      %dma_start3A_81 = tpu.memref_slice %arg5[%add3A_78, %dma_start3A_79, %dma_start3A_80] : memref<4096x200x128xf32, #tpu.memory_space<hbm>> -> memref<1x200x128xf32, #tpu.memory_space<hbm>>
      %dma_start3A_82 = tpu.memref_squeeze %dma_start3A_81 : memref<1x200x128xf32, #tpu.memory_space<hbm>> -> memref<200x128xf32, #tpu.memory_space<hbm>>
      %dma_start3A_83 = arith.constant 0 : i32
      %dma_start3A_84 = arith.constant 0 : i32
      %dma_start3A_85 = tpu.memref_slice %arg5[%add3A_78, %dma_start3A_83, %dma_start3A_84] : memref<4096x200x128xf32, #tpu.memory_space<hbm>> -> memref<1x200x128xf32, #tpu.memory_space<hbm>>
      %dma_start3A_86 = tpu.memref_squeeze %dma_start3A_85 : memref<1x200x128xf32, #tpu.memory_space<hbm>> -> memref<200x128xf32, #tpu.memory_space<hbm>>
      tpu.enqueue_dma source(%arg10 : memref<200x128xf32, #tpu.memory_space<vmem>>) target(%dma_start3A_86 : memref<200x128xf32, #tpu.memory_space<hbm>>) target_semaphore(%arg19 : memref<!tpu.dma_semaphore, #tpu.memory_space<semaphore_mem>>)
      %mul3A_87 = arith.constant 4 : i32
      %mul3A_88 = arith.muli %scan3A_56, %mul3A_87 : i32
      %add3A_89 = arith.constant 1 : i32
      %add3A_90 = arith.addi %mul3A_88, %add3A_89 : i32
      %ge3A_91 = arith.constant 3 : i32
      %ge3A_92 = arith.cmpi sge, %add3A_90, %ge3A_91 : i32
      %convert_element_type3A_93 = arith.extui %ge3A_92 : i1 to i32
      %cond3A_94 = arith.constant 0 : i32
      %cond3A_95 = arith.cmpi ne, %convert_element_type3A_93, %cond3A_94 : i32
      scf.if %cond3A_95 {
        %sub3A = arith.constant 3 : i32
        %sub3A_189 = arith.subi %add3A_90, %sub3A : i32
        %add3A_190 = arith.addi %mul3A_2, %sub3A_189 : i32
        %dma_wait3A_191 = arith.constant 0 : i32
        %dma_wait3A_192 = arith.constant 0 : i32
        %dma_wait3A_193 = tpu.memref_slice %arg5[%add3A_190, %dma_wait3A_191, %dma_wait3A_192] : memref<4096x200x128xf32, #tpu.memory_space<hbm>> -> memref<1x200x128xf32, #tpu.memory_space<hbm>>
        %dma_wait3A_194 = tpu.memref_squeeze %dma_wait3A_193 : memref<1x200x128xf32, #tpu.memory_space<hbm>> -> memref<200x128xf32, #tpu.memory_space<hbm>>
        %dma_wait3A_195 = arith.constant 0 : i32
        %dma_wait3A_196 = arith.constant 0 : i32
        %dma_wait3A_197 = tpu.memref_slice %arg5[%add3A_190, %dma_wait3A_195, %dma_wait3A_196] : memref<4096x200x128xf32, #tpu.memory_space<hbm>> -> memref<1x200x128xf32, #tpu.memory_space<hbm>>
        %dma_wait3A_198 = tpu.memref_squeeze %dma_wait3A_197 : memref<1x200x128xf32, #tpu.memory_space<hbm>> -> memref<200x128xf32, #tpu.memory_space<hbm>>
        tpu.wait_dma2 semaphore(%arg21 : memref<!tpu.dma_semaphore, #tpu.memory_space<semaphore_mem>>) src(%arg12 : memref<200x128xf32, #tpu.memory_space<vmem>>) dst(%dma_wait3A_198 : memref<200x128xf32, #tpu.memory_space<hbm>>)
      } else {
      }
      %add3A_96 = arith.constant 1 : i32
      %add3A_97 = arith.addi %add3A_90, %add3A_96 : i32
      %lt3A_98 = arith.constant 128 : i32
      %lt3A_99 = arith.cmpi slt, %add3A_97, %lt3A_98 : i32
      %convert_element_type3A_100 = arith.extui %lt3A_99 : i1 to i32
      %cond3A_101 = arith.constant 0 : i32
      %cond3A_102 = arith.cmpi ne, %convert_element_type3A_100, %cond3A_101 : i32
      scf.if %cond3A_102 {
        %add3A_189 = arith.constant 1 : i32
        %add3A_190 = arith.addi %add3A_90, %add3A_189 : i32
        %add3A_191 = arith.addi %mul3A_2, %add3A_190 : i32
        %mul3A_192 = arith.constant 200 : i32
        %mul3A_193 = arith.muli %add3A_191, %mul3A_192 : i32
        "tpu.region"() ({
          %run_scoped3A = tpu.sem_alloc : memref<!tpu.dma_semaphore, #tpu.memory_space<semaphore_mem>>
          %dma_start3A_210 = tpu.memref_slice %arg2[%mul3A_193] : memref<819200xi32, #tpu.memory_space<hbm>> -> memref<200xi32, #tpu.memory_space<hbm>>
          %dma_start3A_211 = tpu.memref_slice %arg2[%mul3A_193] : memref<819200xi32, #tpu.memory_space<hbm>> -> memref<200xi32, #tpu.memory_space<hbm>>
          tpu.enqueue_dma source(%dma_start3A_211 : memref<200xi32, #tpu.memory_space<hbm>>) target(%arg8 : memref<200xi32, #tpu.memory_space<vmem>>) target_semaphore(%run_scoped3A : memref<!tpu.dma_semaphore, #tpu.memory_space<semaphore_mem>>)
          %dma_wait3A_212 = tpu.memref_slice %arg2[%mul3A_193] : memref<819200xi32, #tpu.memory_space<hbm>> -> memref<200xi32, #tpu.memory_space<hbm>>
          %dma_wait3A_213 = tpu.memref_slice %arg2[%mul3A_193] : memref<819200xi32, #tpu.memory_space<hbm>> -> memref<200xi32, #tpu.memory_space<hbm>>
          tpu.wait_dma2 semaphore(%run_scoped3A : memref<!tpu.dma_semaphore, #tpu.memory_space<semaphore_mem>>) src(%dma_wait3A_213 : memref<200xi32, #tpu.memory_space<hbm>>) dst(%arg8 : memref<200xi32, #tpu.memory_space<vmem>>)
          tpu.yield
        }) : () -> ()
        %dma_start3A_194 = arith.constant 0 : i32
        %dma_start3A_195 = arith.constant 0 : i32
        %dma_start3A_196 = tpu.memref_slice %arg12[%dma_start3A_194, %dma_start3A_195] : memref<200x128xf32, #tpu.memory_space<vmem>> -> memref<104x128xf32, #tpu.memory_space<vmem>>
        %dma_start3A_197 = arith.constant 0 : i32
        %dma_start3A_198 = tpu.memref_slice %arg8[%dma_start3A_197] : memref<200xi32, #tpu.memory_space<vmem>> -> memref<104xi32, #tpu.memory_space<vmem>>
        %dma_start3A_199 = arith.constant 0 : i32
        %dma_start3A_200 = arith.constant 0 : i32
        %dma_start3A_201 = tpu.memref_slice %arg3[%dma_start3A_199, %dma_start3A_200] : memref<1000000x128xf32, #tpu.memory_space<hbm>> -> memref<1000000x128xf32, #tpu.memory_space<hbm>>
        tpu.enqueue_indirect_dma source(%dma_start3A_201 : memref<1000000x128xf32, #tpu.memory_space<hbm>>) target(%dma_start3A_196 : memref<104x128xf32, #tpu.memory_space<vmem>>) offsets(%dma_start3A_198 : memref<104xi32, #tpu.memory_space<vmem>>) semaphore(%arg17 : memref<!tpu.dma_semaphore, #tpu.memory_space<semaphore_mem>>)
        %dma_start3A_202 = arith.constant 104 : i32
        %dma_start3A_203 = arith.constant 0 : i32
        %dma_start3A_204 = tpu.memref_slice %arg12[%dma_start3A_202, %dma_start3A_203] : memref<200x128xf32, #tpu.memory_space<vmem>> -> memref<96x128xf32, #tpu.memory_space<vmem>>
        %dma_start3A_205 = arith.constant 104 : i32
        %dma_start3A_206 = tpu.memref_slice %arg8[%dma_start3A_205] : memref<200xi32, #tpu.memory_space<vmem>> -> memref<96xi32, #tpu.memory_space<vmem>>
        %dma_start3A_207 = arith.constant 0 : i32
        %dma_start3A_208 = arith.constant 0 : i32
        %dma_start3A_209 = tpu.memref_slice %arg3[%dma_start3A_207, %dma_start3A_208] : memref<1000000x128xf32, #tpu.memory_space<hbm>> -> memref<1000000x128xf32, #tpu.memory_space<hbm>>
        tpu.enqueue_indirect_dma source(%dma_start3A_209 : memref<1000000x128xf32, #tpu.memory_space<hbm>>) target(%dma_start3A_204 : memref<96x128xf32, #tpu.memory_space<vmem>>) offsets(%dma_start3A_206 : memref<96xi32, #tpu.memory_space<vmem>>) semaphore(%arg17 : memref<!tpu.dma_semaphore, #tpu.memory_space<semaphore_mem>>)
      } else {
      }
      %dma_wait3A_103 = arith.constant 0 : i32
      %dma_wait3A_104 = arith.constant 0 : i32
      %dma_wait3A_105 = tpu.memref_slice %arg3[%dma_wait3A_103, %dma_wait3A_104] : memref<1000000x128xf32, #tpu.memory_space<hbm>> -> memref<1000000x128xf32, #tpu.memory_space<hbm>>
      tpu.wait_indirect_dma semaphore(%arg16 : memref<!tpu.dma_semaphore, #tpu.memory_space<semaphore_mem>>) src(%dma_wait3A_105 : memref<1000000x128xf32, #tpu.memory_space<hbm>>) dst(%arg11 : memref<200x128xf32, #tpu.memory_space<vmem>>)
      %scan3A_106 = arith.constant 0 : i32
      %scan3A_107 = arith.constant 0 : i32
      %scan3A_108 = arith.constant 200 : i32
      %scan3A_109 = arith.addi %scan3A_107, %scan3A_108 : i32
      %scan3A_110 = arith.constant 1 : i32
      scf.for %scan3A_189 = %scan3A_107 to %scan3A_109 step %scan3A_110  : i32 {
        %get3A = arith.index_cast %scan3A_189 : i32 to index
        %get3A_190 = arith.constant 0 : index
        %get3A_191 = tpu.vector_load %arg11[%get3A, %get3A_190] {strides = array<i32>} : memref<200x128xf32, #tpu.memory_space<vmem>>, vector<1x16xf32>,
        %get3A_192 = vector.shape_cast %get3A_191 : vector<1x16xf32> to vector<16xf32>
        %get3A_193 = arith.index_cast %scan3A_189 : i32 to index
        %get3A_194 = arith.constant 0 : index
        %get3A_195 = tpu.vector_load %arg14[%get3A_193, %get3A_194] {strides = array<i32>} : memref<200x128xf32, #tpu.memory_space<vmem>>, vector<1x16xf32>,
        %get3A_196 = vector.shape_cast %get3A_195 : vector<1x16xf32> to vector<16xf32>
        %add3A_197 = arith.addf %get3A_192, %get3A_196 : vector<16xf32>
        %swap3A = arith.index_cast %scan3A_189 : i32 to index
        %swap3A_198 = arith.constant 0 : index
        %swap3A_199 = tpu.vector_load %arg11[%swap3A, %swap3A_198] {strides = array<i32>} : memref<200x128xf32, #tpu.memory_space<vmem>>, vector<1x16xf32>,
        %swap3A_200 = vector.shape_cast %swap3A_199 : vector<1x16xf32> to vector<16xf32>
        %swap3A_201 = vector.shape_cast %add3A_197 : vector<16xf32> to vector<1x16xf32>
        tpu.vector_store %arg11[%swap3A, %swap3A_198], %swap3A_201 {strides = array<i32>} : memref<200x128xf32, #tpu.memory_space<vmem>>, vector<1x16xf32>,
        %get3A_202 = arith.index_cast %scan3A_189 : i32 to index
        %get3A_203 = arith.constant 16 : index
        %get3A_204 = tpu.vector_load %arg11[%get3A_202, %get3A_203] {strides = array<i32>} : memref<200x128xf32, #tpu.memory_space<vmem>>, vector<1x16xf32>,
        %get3A_205 = vector.shape_cast %get3A_204 : vector<1x16xf32> to vector<16xf32>
        %get3A_206 = arith.index_cast %scan3A_189 : i32 to index
        %get3A_207 = arith.constant 16 : index
        %get3A_208 = tpu.vector_load %arg14[%get3A_206, %get3A_207] {strides = array<i32>} : memref<200x128xf32, #tpu.memory_space<vmem>>, vector<1x16xf32>,
        %get3A_209 = vector.shape_cast %get3A_208 : vector<1x16xf32> to vector<16xf32>
        %add3A_210 = arith.addf %get3A_205, %get3A_209 : vector<16xf32>
        %swap3A_211 = arith.index_cast %scan3A_189 : i32 to index
        %swap3A_212 = arith.constant 16 : index
        %swap3A_213 = tpu.vector_load %arg11[%swap3A_211, %swap3A_212] {strides = array<i32>} : memref<200x128xf32, #tpu.memory_space<vmem>>, vector<1x16xf32>,
        %swap3A_214 = vector.shape_cast %swap3A_213 : vector<1x16xf32> to vector<16xf32>
        %swap3A_215 = vector.shape_cast %add3A_210 : vector<16xf32> to vector<1x16xf32>
        tpu.vector_store %arg11[%swap3A_211, %swap3A_212], %swap3A_215 {strides = array<i32>} : memref<200x128xf32, #tpu.memory_space<vmem>>, vector<1x16xf32>,
        %get3A_216 = arith.index_cast %scan3A_189 : i32 to index
        %get3A_217 = arith.constant 32 : index
        %get3A_218 = tpu.vector_load %arg11[%get3A_216, %get3A_217] {strides = array<i32>} : memref<200x128xf32, #tpu.memory_space<vmem>>, vector<1x16xf32>,
        %get3A_219 = vector.shape_cast %get3A_218 : vector<1x16xf32> to vector<16xf32>
        %get3A_220 = arith.index_cast %scan3A_189 : i32 to index
        %get3A_221 = arith.constant 32 : index
        %get3A_222 = tpu.vector_load %arg14[%get3A_220, %get3A_221] {strides = array<i32>} : memref<200x128xf32, #tpu.memory_space<vmem>>, vector<1x16xf32>,
        %get3A_223 = vector.shape_cast %get3A_222 : vector<1x16xf32> to vector<16xf32>
        %add3A_224 = arith.addf %get3A_219, %get3A_223 : vector<16xf32>
        %swap3A_225 = arith.index_cast %scan3A_189 : i32 to index
        %swap3A_226 = arith.constant 32 : index
        %swap3A_227 = tpu.vector_load %arg11[%swap3A_225, %swap3A_226] {strides = array<i32>} : memref<200x128xf32, #tpu.memory_space<vmem>>, vector<1x16xf32>,
        %swap3A_228 = vector.shape_cast %swap3A_227 : vector<1x16xf32> to vector<16xf32>
        %swap3A_229 = vector.shape_cast %add3A_224 : vector<16xf32> to vector<1x16xf32>
        tpu.vector_store %arg11[%swap3A_225, %swap3A_226], %swap3A_229 {strides = array<i32>} : memref<200x128xf32, #tpu.memory_space<vmem>>, vector<1x16xf32>,
        %get3A_230 = arith.index_cast %scan3A_189 : i32 to index
        %get3A_231 = arith.constant 48 : index
        %get3A_232 = tpu.vector_load %arg11[%get3A_230, %get3A_231] {strides = array<i32>} : memref<200x128xf32, #tpu.memory_space<vmem>>, vector<1x16xf32>,
        %get3A_233 = vector.shape_cast %get3A_232 : vector<1x16xf32> to vector<16xf32>
        %get3A_234 = arith.index_cast %scan3A_189 : i32 to index
        %get3A_235 = arith.constant 48 : index
        %get3A_236 = tpu.vector_load %arg14[%get3A_234, %get3A_235] {strides = array<i32>} : memref<200x128xf32, #tpu.memory_space<vmem>>, vector<1x16xf32>,
        %get3A_237 = vector.shape_cast %get3A_236 : vector<1x16xf32> to vector<16xf32>
        %add3A_238 = arith.addf %get3A_233, %get3A_237 : vector<16xf32>
        %swap3A_239 = arith.index_cast %scan3A_189 : i32 to index
        %swap3A_240 = arith.constant 48 : index
        %swap3A_241 = tpu.vector_load %arg11[%swap3A_239, %swap3A_240] {strides = array<i32>} : memref<200x128xf32, #tpu.memory_space<vmem>>, vector<1x16xf32>,
        %swap3A_242 = vector.shape_cast %swap3A_241 : vector<1x16xf32> to vector<16xf32>
        %swap3A_243 = vector.shape_cast %add3A_238 : vector<16xf32> to vector<1x16xf32>
        tpu.vector_store %arg11[%swap3A_239, %swap3A_240], %swap3A_243 {strides = array<i32>} : memref<200x128xf32, #tpu.memory_space<vmem>>, vector<1x16xf32>,
        %get3A_244 = arith.index_cast %scan3A_189 : i32 to index
        %get3A_245 = arith.constant 64 : index
        %get3A_246 = tpu.vector_load %arg11[%get3A_244, %get3A_245] {strides = array<i32>} : memref<200x128xf32, #tpu.memory_space<vmem>>, vector<1x16xf32>,
        %get3A_247 = vector.shape_cast %get3A_246 : vector<1x16xf32> to vector<16xf32>
        %get3A_248 = arith.index_cast %scan3A_189 : i32 to index
        %get3A_249 = arith.constant 64 : index
        %get3A_250 = tpu.vector_load %arg14[%get3A_248, %get3A_249] {strides = array<i32>} : memref<200x128xf32, #tpu.memory_space<vmem>>, vector<1x16xf32>,
        %get3A_251 = vector.shape_cast %get3A_250 : vector<1x16xf32> to vector<16xf32>
        %add3A_252 = arith.addf %get3A_247, %get3A_251 : vector<16xf32>
        %swap3A_253 = arith.index_cast %scan3A_189 : i32 to index
        %swap3A_254 = arith.constant 64 : index
        %swap3A_255 = tpu.vector_load %arg11[%swap3A_253, %swap3A_254] {strides = array<i32>} : memref<200x128xf32, #tpu.memory_space<vmem>>, vector<1x16xf32>,
        %swap3A_256 = vector.shape_cast %swap3A_255 : vector<1x16xf32> to vector<16xf32>
        %swap3A_257 = vector.shape_cast %add3A_252 : vector<16xf32> to vector<1x16xf32>
        tpu.vector_store %arg11[%swap3A_253, %swap3A_254], %swap3A_257 {strides = array<i32>} : memref<200x128xf32, #tpu.memory_space<vmem>>, vector<1x16xf32>,
        %get3A_258 = arith.index_cast %scan3A_189 : i32 to index
        %get3A_259 = arith.constant 80 : index
        %get3A_260 = tpu.vector_load %arg11[%get3A_258, %get3A_259] {strides = array<i32>} : memref<200x128xf32, #tpu.memory_space<vmem>>, vector<1x16xf32>,
        %get3A_261 = vector.shape_cast %get3A_260 : vector<1x16xf32> to vector<16xf32>
        %get3A_262 = arith.index_cast %scan3A_189 : i32 to index
        %get3A_263 = arith.constant 80 : index
        %get3A_264 = tpu.vector_load %arg14[%get3A_262, %get3A_263] {strides = array<i32>} : memref<200x128xf32, #tpu.memory_space<vmem>>, vector<1x16xf32>,
        %get3A_265 = vector.shape_cast %get3A_264 : vector<1x16xf32> to vector<16xf32>
        %add3A_266 = arith.addf %get3A_261, %get3A_265 : vector<16xf32>
        %swap3A_267 = arith.index_cast %scan3A_189 : i32 to index
        %swap3A_268 = arith.constant 80 : index
        %swap3A_269 = tpu.vector_load %arg11[%swap3A_267, %swap3A_268] {strides = array<i32>} : memref<200x128xf32, #tpu.memory_space<vmem>>, vector<1x16xf32>,
        %swap3A_270 = vector.shape_cast %swap3A_269 : vector<1x16xf32> to vector<16xf32>
        %swap3A_271 = vector.shape_cast %add3A_266 : vector<16xf32> to vector<1x16xf32>
        tpu.vector_store %arg11[%swap3A_267, %swap3A_268], %swap3A_271 {strides = array<i32>} : memref<200x128xf32, #tpu.memory_space<vmem>>, vector<1x16xf32>,
        %get3A_272 = arith.index_cast %scan3A_189 : i32 to index
        %get3A_273 = arith.constant 96 : index
        %get3A_274 = tpu.vector_load %arg11[%get3A_272, %get3A_273] {strides = array<i32>} : memref<200x128xf32, #tpu.memory_space<vmem>>, vector<1x16xf32>,
        %get3A_275 = vector.shape_cast %get3A_274 : vector<1x16xf32> to vector<16xf32>
        %get3A_276 = arith.index_cast %scan3A_189 : i32 to index
        %get3A_277 = arith.constant 96 : index
        %get3A_278 = tpu.vector_load %arg14[%get3A_276, %get3A_277] {strides = array<i32>} : memref<200x128xf32, #tpu.memory_space<vmem>>, vector<1x16xf32>,
        %get3A_279 = vector.shape_cast %get3A_278 : vector<1x16xf32> to vector<16xf32>
        %add3A_280 = arith.addf %get3A_275, %get3A_279 : vector<16xf32>
        %swap3A_281 = arith.index_cast %scan3A_189 : i32 to index
        %swap3A_282 = arith.constant 96 : index
        %swap3A_283 = tpu.vector_load %arg11[%swap3A_281, %swap3A_282] {strides = array<i32>} : memref<200x128xf32, #tpu.memory_space<vmem>>, vector<1x16xf32>,
        %swap3A_284 = vector.shape_cast %swap3A_283 : vector<1x16xf32> to vector<16xf32>
        %swap3A_285 = vector.shape_cast %add3A_280 : vector<16xf32> to vector<1x16xf32>
        tpu.vector_store %arg11[%swap3A_281, %swap3A_282], %swap3A_285 {strides = array<i32>} : memref<200x128xf32, #tpu.memory_space<vmem>>, vector<1x16xf32>,
        %get3A_286 = arith.index_cast %scan3A_189 : i32 to index
        %get3A_287 = arith.constant 112 : index
        %get3A_288 = tpu.vector_load %arg11[%get3A_286, %get3A_287] {strides = array<i32>} : memref<200x128xf32, #tpu.memory_space<vmem>>, vector<1x16xf32>,
        %get3A_289 = vector.shape_cast %get3A_288 : vector<1x16xf32> to vector<16xf32>
        %get3A_290 = arith.index_cast %scan3A_189 : i32 to index
        %get3A_291 = arith.constant 112 : index
        %get3A_292 = tpu.vector_load %arg14[%get3A_290, %get3A_291] {strides = array<i32>} : memref<200x128xf32, #tpu.memory_space<vmem>>, vector<1x16xf32>,
        %get3A_293 = vector.shape_cast %get3A_292 : vector<1x16xf32> to vector<16xf32>
        %add3A_294 = arith.addf %get3A_289, %get3A_293 : vector<16xf32>
        %swap3A_295 = arith.index_cast %scan3A_189 : i32 to index
        %swap3A_296 = arith.constant 112 : index
        %swap3A_297 = tpu.vector_load %arg11[%swap3A_295, %swap3A_296] {strides = array<i32>} : memref<200x128xf32, #tpu.memory_space<vmem>>, vector<1x16xf32>,
        %swap3A_298 = vector.shape_cast %swap3A_297 : vector<1x16xf32> to vector<16xf32>
        %swap3A_299 = vector.shape_cast %add3A_294 : vector<16xf32> to vector<1x16xf32>
        tpu.vector_store %arg11[%swap3A_295, %swap3A_296], %swap3A_299 {strides = array<i32>} : memref<200x128xf32, #tpu.memory_space<vmem>>, vector<1x16xf32>,
      }
      %scan3A_111 = arith.constant 200 : i32
      %add3A_112 = arith.addi %mul3A_2, %add3A_90 : i32
      %dma_start3A_113 = arith.constant 0 : i32
      %dma_start3A_114 = arith.constant 0 : i32
      %dma_start3A_115 = tpu.memref_slice %arg5[%add3A_112, %dma_start3A_113, %dma_start3A_114] : memref<4096x200x128xf32, #tpu.memory_space<hbm>> -> memref<1x200x128xf32, #tpu.memory_space<hbm>>
      %dma_start3A_116 = tpu.memref_squeeze %dma_start3A_115 : memref<1x200x128xf32, #tpu.memory_space<hbm>> -> memref<200x128xf32, #tpu.memory_space<hbm>>
      %dma_start3A_117 = arith.constant 0 : i32
      %dma_start3A_118 = arith.constant 0 : i32
      %dma_start3A_119 = tpu.memref_slice %arg5[%add3A_112, %dma_start3A_117, %dma_start3A_118] : memref<4096x200x128xf32, #tpu.memory_space<hbm>> -> memref<1x200x128xf32, #tpu.memory_space<hbm>>
      %dma_start3A_120 = tpu.memref_squeeze %dma_start3A_119 : memref<1x200x128xf32, #tpu.memory_space<hbm>> -> memref<200x128xf32, #tpu.memory_space<hbm>>
      tpu.enqueue_dma source(%arg11 : memref<200x128xf32, #tpu.memory_space<vmem>>) target(%dma_start3A_120 : memref<200x128xf32, #tpu.memory_space<hbm>>) target_semaphore(%arg20 : memref<!tpu.dma_semaphore, #tpu.memory_space<semaphore_mem>>)
      %mul3A_121 = arith.constant 4 : i32
      %mul3A_122 = arith.muli %scan3A_56, %mul3A_121 : i32
      %add3A_123 = arith.constant 2 : i32
      %add3A_124 = arith.addi %mul3A_122, %add3A_123 : i32
      %ge3A_125 = arith.constant 3 : i32
      %ge3A_126 = arith.cmpi sge, %add3A_124, %ge3A_125 : i32
      %convert_element_type3A_127 = arith.extui %ge3A_126 : i1 to i32
      %cond3A_128 = arith.constant 0 : i32
      %cond3A_129 = arith.cmpi ne, %convert_element_type3A_127, %cond3A_128 : i32
      scf.if %cond3A_129 {
        %sub3A = arith.constant 3 : i32
        %sub3A_189 = arith.subi %add3A_124, %sub3A : i32
        %add3A_190 = arith.addi %mul3A_2, %sub3A_189 : i32
        %dma_wait3A_191 = arith.constant 0 : i32
        %dma_wait3A_192 = arith.constant 0 : i32
        %dma_wait3A_193 = tpu.memref_slice %arg5[%add3A_190, %dma_wait3A_191, %dma_wait3A_192] : memref<4096x200x128xf32, #tpu.memory_space<hbm>> -> memref<1x200x128xf32, #tpu.memory_space<hbm>>
        %dma_wait3A_194 = tpu.memref_squeeze %dma_wait3A_193 : memref<1x200x128xf32, #tpu.memory_space<hbm>> -> memref<200x128xf32, #tpu.memory_space<hbm>>
        %dma_wait3A_195 = arith.constant 0 : i32
        %dma_wait3A_196 = arith.constant 0 : i32
        %dma_wait3A_197 = tpu.memref_slice %arg5[%add3A_190, %dma_wait3A_195, %dma_wait3A_196] : memref<4096x200x128xf32, #tpu.memory_space<hbm>> -> memref<1x200x128xf32, #tpu.memory_space<hbm>>
        %dma_wait3A_198 = tpu.memref_squeeze %dma_wait3A_197 : memref<1x200x128xf32, #tpu.memory_space<hbm>> -> memref<200x128xf32, #tpu.memory_space<hbm>>
        tpu.wait_dma2 semaphore(%arg22 : memref<!tpu.dma_semaphore, #tpu.memory_space<semaphore_mem>>) src(%arg13 : memref<200x128xf32, #tpu.memory_space<vmem>>) dst(%dma_wait3A_198 : memref<200x128xf32, #tpu.memory_space<hbm>>)
      } else {
      }
      %add3A_130 = arith.constant 1 : i32
      %add3A_131 = arith.addi %add3A_124, %add3A_130 : i32
      %lt3A_132 = arith.constant 128 : i32
      %lt3A_133 = arith.cmpi slt, %add3A_131, %lt3A_132 : i32
      %convert_element_type3A_134 = arith.extui %lt3A_133 : i1 to i32
      %cond3A_135 = arith.constant 0 : i32
      %cond3A_136 = arith.cmpi ne, %convert_element_type3A_134, %cond3A_135 : i32
      scf.if %cond3A_136 {
        %add3A_189 = arith.constant 1 : i32
        %add3A_190 = arith.addi %add3A_124, %add3A_189 : i32
        %add3A_191 = arith.addi %mul3A_2, %add3A_190 : i32
        %mul3A_192 = arith.constant 200 : i32
        %mul3A_193 = arith.muli %add3A_191, %mul3A_192 : i32
        "tpu.region"() ({
          %run_scoped3A = tpu.sem_alloc : memref<!tpu.dma_semaphore, #tpu.memory_space<semaphore_mem>>
          %dma_start3A_210 = tpu.memref_slice %arg2[%mul3A_193] : memref<819200xi32, #tpu.memory_space<hbm>> -> memref<200xi32, #tpu.memory_space<hbm>>
          %dma_start3A_211 = tpu.memref_slice %arg2[%mul3A_193] : memref<819200xi32, #tpu.memory_space<hbm>> -> memref<200xi32, #tpu.memory_space<hbm>>
          tpu.enqueue_dma source(%dma_start3A_211 : memref<200xi32, #tpu.memory_space<hbm>>) target(%arg9 : memref<200xi32, #tpu.memory_space<vmem>>) target_semaphore(%run_scoped3A : memref<!tpu.dma_semaphore, #tpu.memory_space<semaphore_mem>>)
          %dma_wait3A_212 = tpu.memref_slice %arg2[%mul3A_193] : memref<819200xi32, #tpu.memory_space<hbm>> -> memref<200xi32, #tpu.memory_space<hbm>>
          %dma_wait3A_213 = tpu.memref_slice %arg2[%mul3A_193] : memref<819200xi32, #tpu.memory_space<hbm>> -> memref<200xi32, #tpu.memory_space<hbm>>
          tpu.wait_dma2 semaphore(%run_scoped3A : memref<!tpu.dma_semaphore, #tpu.memory_space<semaphore_mem>>) src(%dma_wait3A_213 : memref<200xi32, #tpu.memory_space<hbm>>) dst(%arg9 : memref<200xi32, #tpu.memory_space<vmem>>)
          tpu.yield
        }) : () -> ()
        %dma_start3A_194 = arith.constant 0 : i32
        %dma_start3A_195 = arith.constant 0 : i32
        %dma_start3A_196 = tpu.memref_slice %arg13[%dma_start3A_194, %dma_start3A_195] : memref<200x128xf32, #tpu.memory_space<vmem>> -> memref<104x128xf32, #tpu.memory_space<vmem>>
        %dma_start3A_197 = arith.constant 0 : i32
        %dma_start3A_198 = tpu.memref_slice %arg9[%dma_start3A_197] : memref<200xi32, #tpu.memory_space<vmem>> -> memref<104xi32, #tpu.memory_space<vmem>>
        %dma_start3A_199 = arith.constant 0 : i32
        %dma_start3A_200 = arith.constant 0 : i32
        %dma_start3A_201 = tpu.memref_slice %arg3[%dma_start3A_199, %dma_start3A_200] : memref<1000000x128xf32, #tpu.memory_space<hbm>> -> memref<1000000x128xf32, #tpu.memory_space<hbm>>
        tpu.enqueue_indirect_dma source(%dma_start3A_201 : memref<1000000x128xf32, #tpu.memory_space<hbm>>) target(%dma_start3A_196 : memref<104x128xf32, #tpu.memory_space<vmem>>) offsets(%dma_start3A_198 : memref<104xi32, #tpu.memory_space<vmem>>) semaphore(%arg18 : memref<!tpu.dma_semaphore, #tpu.memory_space<semaphore_mem>>)
        %dma_start3A_202 = arith.constant 104 : i32
        %dma_start3A_203 = arith.constant 0 : i32
        %dma_start3A_204 = tpu.memref_slice %arg13[%dma_start3A_202, %dma_start3A_203] : memref<200x128xf32, #tpu.memory_space<vmem>> -> memref<96x128xf32, #tpu.memory_space<vmem>>
        %dma_start3A_205 = arith.constant 104 : i32
        %dma_start3A_206 = tpu.memref_slice %arg9[%dma_start3A_205] : memref<200xi32, #tpu.memory_space<vmem>> -> memref<96xi32, #tpu.memory_space<vmem>>
        %dma_start3A_207 = arith.constant 0 : i32
        %dma_start3A_208 = arith.constant 0 : i32
        %dma_start3A_209 = tpu.memref_slice %arg3[%dma_start3A_207, %dma_start3A_208] : memref<1000000x128xf32, #tpu.memory_space<hbm>> -> memref<1000000x128xf32, #tpu.memory_space<hbm>>
        tpu.enqueue_indirect_dma source(%dma_start3A_209 : memref<1000000x128xf32, #tpu.memory_space<hbm>>) target(%dma_start3A_204 : memref<96x128xf32, #tpu.memory_space<vmem>>) offsets(%dma_start3A_206 : memref<96xi32, #tpu.memory_space<vmem>>) semaphore(%arg18 : memref<!tpu.dma_semaphore, #tpu.memory_space<semaphore_mem>>)
      } else {
      }
      %dma_wait3A_137 = arith.constant 0 : i32
      %dma_wait3A_138 = arith.constant 0 : i32
      %dma_wait3A_139 = tpu.memref_slice %arg3[%dma_wait3A_137, %dma_wait3A_138] : memref<1000000x128xf32, #tpu.memory_space<hbm>> -> memref<1000000x128xf32, #tpu.memory_space<hbm>>
      tpu.wait_indirect_dma semaphore(%arg17 : memref<!tpu.dma_semaphore, #tpu.memory_space<semaphore_mem>>) src(%dma_wait3A_139 : memref<1000000x128xf32, #tpu.memory_space<hbm>>) dst(%arg12 : memref<200x128xf32, #tpu.memory_space<vmem>>)
      %scan3A_140 = arith.constant 0 : i32
      %scan3A_141 = arith.constant 0 : i32
      %scan3A_142 = arith.constant 200 : i32
      %scan3A_143 = arith.addi %scan3A_141, %scan3A_142 : i32
      %scan3A_144 = arith.constant 1 : i32
      scf.for %scan3A_189 = %scan3A_141 to %scan3A_143 step %scan3A_144  : i32 {
        %get3A = arith.index_cast %scan3A_189 : i32 to index
        %get3A_190 = arith.constant 0 : index
        %get3A_191 = tpu.vector_load %arg12[%get3A, %get3A_190] {strides = array<i32>} : memref<200x128xf32, #tpu.memory_space<vmem>>, vector<1x16xf32>,
        %get3A_192 = vector.shape_cast %get3A_191 : vector<1x16xf32> to vector<16xf32>
        %get3A_193 = arith.index_cast %scan3A_189 : i32 to index
        %get3A_194 = arith.constant 0 : index
        %get3A_195 = tpu.vector_load %arg14[%get3A_193, %get3A_194] {strides = array<i32>} : memref<200x128xf32, #tpu.memory_space<vmem>>, vector<1x16xf32>,
        %get3A_196 = vector.shape_cast %get3A_195 : vector<1x16xf32> to vector<16xf32>
        %add3A_197 = arith.addf %get3A_192, %get3A_196 : vector<16xf32>
        %swap3A = arith.index_cast %scan3A_189 : i32 to index
        %swap3A_198 = arith.constant 0 : index
        %swap3A_199 = tpu.vector_load %arg12[%swap3A, %swap3A_198] {strides = array<i32>} : memref<200x128xf32, #tpu.memory_space<vmem>>, vector<1x16xf32>,
        %swap3A_200 = vector.shape_cast %swap3A_199 : vector<1x16xf32> to vector<16xf32>
        %swap3A_201 = vector.shape_cast %add3A_197 : vector<16xf32> to vector<1x16xf32>
        tpu.vector_store %arg12[%swap3A, %swap3A_198], %swap3A_201 {strides = array<i32>} : memref<200x128xf32, #tpu.memory_space<vmem>>, vector<1x16xf32>,
        %get3A_202 = arith.index_cast %scan3A_189 : i32 to index
        %get3A_203 = arith.constant 16 : index
        %get3A_204 = tpu.vector_load %arg12[%get3A_202, %get3A_203] {strides = array<i32>} : memref<200x128xf32, #tpu.memory_space<vmem>>, vector<1x16xf32>,
        %get3A_205 = vector.shape_cast %get3A_204 : vector<1x16xf32> to vector<16xf32>
        %get3A_206 = arith.index_cast %scan3A_189 : i32 to index
        %get3A_207 = arith.constant 16 : index
        %get3A_208 = tpu.vector_load %arg14[%get3A_206, %get3A_207] {strides = array<i32>} : memref<200x128xf32, #tpu.memory_space<vmem>>, vector<1x16xf32>,
        %get3A_209 = vector.shape_cast %get3A_208 : vector<1x16xf32> to vector<16xf32>
        %add3A_210 = arith.addf %get3A_205, %get3A_209 : vector<16xf32>
        %swap3A_211 = arith.index_cast %scan3A_189 : i32 to index
        %swap3A_212 = arith.constant 16 : index
        %swap3A_213 = tpu.vector_load %arg12[%swap3A_211, %swap3A_212] {strides = array<i32>} : memref<200x128xf32, #tpu.memory_space<vmem>>, vector<1x16xf32>,
        %swap3A_214 = vector.shape_cast %swap3A_213 : vector<1x16xf32> to vector<16xf32>
        %swap3A_215 = vector.shape_cast %add3A_210 : vector<16xf32> to vector<1x16xf32>
        tpu.vector_store %arg12[%swap3A_211, %swap3A_212], %swap3A_215 {strides = array<i32>} : memref<200x128xf32, #tpu.memory_space<vmem>>, vector<1x16xf32>,
        %get3A_216 = arith.index_cast %scan3A_189 : i32 to index
        %get3A_217 = arith.constant 32 : index
        %get3A_218 = tpu.vector_load %arg12[%get3A_216, %get3A_217] {strides = array<i32>} : memref<200x128xf32, #tpu.memory_space<vmem>>, vector<1x16xf32>,
        %get3A_219 = vector.shape_cast %get3A_218 : vector<1x16xf32> to vector<16xf32>
        %get3A_220 = arith.index_cast %scan3A_189 : i32 to index
        %get3A_221 = arith.constant 32 : index
        %get3A_222 = tpu.vector_load %arg14[%get3A_220, %get3A_221] {strides = array<i32>} : memref<200x128xf32, #tpu.memory_space<vmem>>, vector<1x16xf32>,
        %get3A_223 = vector.shape_cast %get3A_222 : vector<1x16xf32> to vector<16xf32>
        %add3A_224 = arith.addf %get3A_219, %get3A_223 : vector<16xf32>
        %swap3A_225 = arith.index_cast %scan3A_189 : i32 to index
        %swap3A_226 = arith.constant 32 : index
        %swap3A_227 = tpu.vector_load %arg12[%swap3A_225, %swap3A_226] {strides = array<i32>} : memref<200x128xf32, #tpu.memory_space<vmem>>, vector<1x16xf32>,
        %swap3A_228 = vector.shape_cast %swap3A_227 : vector<1x16xf32> to vector<16xf32>
        %swap3A_229 = vector.shape_cast %add3A_224 : vector<16xf32> to vector<1x16xf32>
        tpu.vector_store %arg12[%swap3A_225, %swap3A_226], %swap3A_229 {strides = array<i32>} : memref<200x128xf32, #tpu.memory_space<vmem>>, vector<1x16xf32>,
        %get3A_230 = arith.index_cast %scan3A_189 : i32 to index
        %get3A_231 = arith.constant 48 : index
        %get3A_232 = tpu.vector_load %arg12[%get3A_230, %get3A_231] {strides = array<i32>} : memref<200x128xf32, #tpu.memory_space<vmem>>, vector<1x16xf32>,
        %get3A_233 = vector.shape_cast %get3A_232 : vector<1x16xf32> to vector<16xf32>
        %get3A_234 = arith.index_cast %scan3A_189 : i32 to index
        %get3A_235 = arith.constant 48 : index
        %get3A_236 = tpu.vector_load %arg14[%get3A_234, %get3A_235] {strides = array<i32>} : memref<200x128xf32, #tpu.memory_space<vmem>>, vector<1x16xf32>,
        %get3A_237 = vector.shape_cast %get3A_236 : vector<1x16xf32> to vector<16xf32>
        %add3A_238 = arith.addf %get3A_233, %get3A_237 : vector<16xf32>
        %swap3A_239 = arith.index_cast %scan3A_189 : i32 to index
        %swap3A_240 = arith.constant 48 : index
        %swap3A_241 = tpu.vector_load %arg12[%swap3A_239, %swap3A_240] {strides = array<i32>} : memref<200x128xf32, #tpu.memory_space<vmem>>, vector<1x16xf32>,
        %swap3A_242 = vector.shape_cast %swap3A_241 : vector<1x16xf32> to vector<16xf32>
        %swap3A_243 = vector.shape_cast %add3A_238 : vector<16xf32> to vector<1x16xf32>
        tpu.vector_store %arg12[%swap3A_239, %swap3A_240], %swap3A_243 {strides = array<i32>} : memref<200x128xf32, #tpu.memory_space<vmem>>, vector<1x16xf32>,
        %get3A_244 = arith.index_cast %scan3A_189 : i32 to index
        %get3A_245 = arith.constant 64 : index
        %get3A_246 = tpu.vector_load %arg12[%get3A_244, %get3A_245] {strides = array<i32>} : memref<200x128xf32, #tpu.memory_space<vmem>>, vector<1x16xf32>,
        %get3A_247 = vector.shape_cast %get3A_246 : vector<1x16xf32> to vector<16xf32>
        %get3A_248 = arith.index_cast %scan3A_189 : i32 to index
        %get3A_249 = arith.constant 64 : index
        %get3A_250 = tpu.vector_load %arg14[%get3A_248, %get3A_249] {strides = array<i32>} : memref<200x128xf32, #tpu.memory_space<vmem>>, vector<1x16xf32>,
        %get3A_251 = vector.shape_cast %get3A_250 : vector<1x16xf32> to vector<16xf32>
        %add3A_252 = arith.addf %get3A_247, %get3A_251 : vector<16xf32>
        %swap3A_253 = arith.index_cast %scan3A_189 : i32 to index
        %swap3A_254 = arith.constant 64 : index
        %swap3A_255 = tpu.vector_load %arg12[%swap3A_253, %swap3A_254] {strides = array<i32>} : memref<200x128xf32, #tpu.memory_space<vmem>>, vector<1x16xf32>,
        %swap3A_256 = vector.shape_cast %swap3A_255 : vector<1x16xf32> to vector<16xf32>
        %swap3A_257 = vector.shape_cast %add3A_252 : vector<16xf32> to vector<1x16xf32>
        tpu.vector_store %arg12[%swap3A_253, %swap3A_254], %swap3A_257 {strides = array<i32>} : memref<200x128xf32, #tpu.memory_space<vmem>>, vector<1x16xf32>,
        %get3A_258 = arith.index_cast %scan3A_189 : i32 to index
        %get3A_259 = arith.constant 80 : index
        %get3A_260 = tpu.vector_load %arg12[%get3A_258, %get3A_259] {strides = array<i32>} : memref<200x128xf32, #tpu.memory_space<vmem>>, vector<1x16xf32>,
        %get3A_261 = vector.shape_cast %get3A_260 : vector<1x16xf32> to vector<16xf32>
        %get3A_262 = arith.index_cast %scan3A_189 : i32 to index
        %get3A_263 = arith.constant 80 : index
        %get3A_264 = tpu.vector_load %arg14[%get3A_262, %get3A_263] {strides = array<i32>} : memref<200x128xf32, #tpu.memory_space<vmem>>, vector<1x16xf32>,
        %get3A_265 = vector.shape_cast %get3A_264 : vector<1x16xf32> to vector<16xf32>
        %add3A_266 = arith.addf %get3A_261, %get3A_265 : vector<16xf32>
        %swap3A_267 = arith.index_cast %scan3A_189 : i32 to index
        %swap3A_268 = arith.constant 80 : index
        %swap3A_269 = tpu.vector_load %arg12[%swap3A_267, %swap3A_268] {strides = array<i32>} : memref<200x128xf32, #tpu.memory_space<vmem>>, vector<1x16xf32>,
        %swap3A_270 = vector.shape_cast %swap3A_269 : vector<1x16xf32> to vector<16xf32>
        %swap3A_271 = vector.shape_cast %add3A_266 : vector<16xf32> to vector<1x16xf32>
        tpu.vector_store %arg12[%swap3A_267, %swap3A_268], %swap3A_271 {strides = array<i32>} : memref<200x128xf32, #tpu.memory_space<vmem>>, vector<1x16xf32>,
        %get3A_272 = arith.index_cast %scan3A_189 : i32 to index
        %get3A_273 = arith.constant 96 : index
        %get3A_274 = tpu.vector_load %arg12[%get3A_272, %get3A_273] {strides = array<i32>} : memref<200x128xf32, #tpu.memory_space<vmem>>, vector<1x16xf32>,
        %get3A_275 = vector.shape_cast %get3A_274 : vector<1x16xf32> to vector<16xf32>
        %get3A_276 = arith.index_cast %scan3A_189 : i32 to index
        %get3A_277 = arith.constant 96 : index
        %get3A_278 = tpu.vector_load %arg14[%get3A_276, %get3A_277] {strides = array<i32>} : memref<200x128xf32, #tpu.memory_space<vmem>>, vector<1x16xf32>,
        %get3A_279 = vector.shape_cast %get3A_278 : vector<1x16xf32> to vector<16xf32>
        %add3A_280 = arith.addf %get3A_275, %get3A_279 : vector<16xf32>
        %swap3A_281 = arith.index_cast %scan3A_189 : i32 to index
        %swap3A_282 = arith.constant 96 : index
        %swap3A_283 = tpu.vector_load %arg12[%swap3A_281, %swap3A_282] {strides = array<i32>} : memref<200x128xf32, #tpu.memory_space<vmem>>, vector<1x16xf32>,
        %swap3A_284 = vector.shape_cast %swap3A_283 : vector<1x16xf32> to vector<16xf32>
        %swap3A_285 = vector.shape_cast %add3A_280 : vector<16xf32> to vector<1x16xf32>
        tpu.vector_store %arg12[%swap3A_281, %swap3A_282], %swap3A_285 {strides = array<i32>} : memref<200x128xf32, #tpu.memory_space<vmem>>, vector<1x16xf32>,
        %get3A_286 = arith.index_cast %scan3A_189 : i32 to index
        %get3A_287 = arith.constant 112 : index
        %get3A_288 = tpu.vector_load %arg12[%get3A_286, %get3A_287] {strides = array<i32>} : memref<200x128xf32, #tpu.memory_space<vmem>>, vector<1x16xf32>,
        %get3A_289 = vector.shape_cast %get3A_288 : vector<1x16xf32> to vector<16xf32>
        %get3A_290 = arith.index_cast %scan3A_189 : i32 to index
        %get3A_291 = arith.constant 112 : index
        %get3A_292 = tpu.vector_load %arg14[%get3A_290, %get3A_291] {strides = array<i32>} : memref<200x128xf32, #tpu.memory_space<vmem>>, vector<1x16xf32>,
        %get3A_293 = vector.shape_cast %get3A_292 : vector<1x16xf32> to vector<16xf32>
        %add3A_294 = arith.addf %get3A_289, %get3A_293 : vector<16xf32>
        %swap3A_295 = arith.index_cast %scan3A_189 : i32 to index
        %swap3A_296 = arith.constant 112 : index
        %swap3A_297 = tpu.vector_load %arg12[%swap3A_295, %swap3A_296] {strides = array<i32>} : memref<200x128xf32, #tpu.memory_space<vmem>>, vector<1x16xf32>,
        %swap3A_298 = vector.shape_cast %swap3A_297 : vector<1x16xf32> to vector<16xf32>
        %swap3A_299 = vector.shape_cast %add3A_294 : vector<16xf32> to vector<1x16xf32>
        tpu.vector_store %arg12[%swap3A_295, %swap3A_296], %swap3A_299 {strides = array<i32>} : memref<200x128xf32, #tpu.memory_space<vmem>>, vector<1x16xf32>,
      }
      %scan3A_145 = arith.constant 200 : i32
      %add3A_146 = arith.addi %mul3A_2, %add3A_124 : i32
      %dma_start3A_147 = arith.constant 0 : i32
      %dma_start3A_148 = arith.constant 0 : i32
      %dma_start3A_149 = tpu.memref_slice %arg5[%add3A_146, %dma_start3A_147, %dma_start3A_148] : memref<4096x200x128xf32, #tpu.memory_space<hbm>> -> memref<1x200x128xf32, #tpu.memory_space<hbm>>
      %dma_start3A_150 = tpu.memref_squeeze %dma_start3A_149 : memref<1x200x128xf32, #tpu.memory_space<hbm>> -> memref<200x128xf32, #tpu.memory_space<hbm>>
      %dma_start3A_151 = arith.constant 0 : i32
      %dma_start3A_152 = arith.constant 0 : i32
      %dma_start3A_153 = tpu.memref_slice %arg5[%add3A_146, %dma_start3A_151, %dma_start3A_152] : memref<4096x200x128xf32, #tpu.memory_space<hbm>> -> memref<1x200x128xf32, #tpu.memory_space<hbm>>
      %dma_start3A_154 = tpu.memref_squeeze %dma_start3A_153 : memref<1x200x128xf32, #tpu.memory_space<hbm>> -> memref<200x128xf32, #tpu.memory_space<hbm>>
      tpu.enqueue_dma source(%arg12 : memref<200x128xf32, #tpu.memory_space<vmem>>) target(%dma_start3A_154 : memref<200x128xf32, #tpu.memory_space<hbm>>) target_semaphore(%arg21 : memref<!tpu.dma_semaphore, #tpu.memory_space<semaphore_mem>>)
      %mul3A_155 = arith.constant 4 : i32
      %mul3A_156 = arith.muli %scan3A_56, %mul3A_155 : i32
      %add3A_157 = arith.constant 3 : i32
      %add3A_158 = arith.addi %mul3A_156, %add3A_157 : i32
      %ge3A_159 = arith.constant 3 : i32
      %ge3A_160 = arith.cmpi sge, %add3A_158, %ge3A_159 : i32
      %convert_element_type3A_161 = arith.extui %ge3A_160 : i1 to i32
      %cond3A_162 = arith.constant 0 : i32
      %cond3A_163 = arith.cmpi ne, %convert_element_type3A_161, %cond3A_162 : i32
      scf.if %cond3A_163 {
        %sub3A = arith.constant 3 : i32
        %sub3A_189 = arith.subi %add3A_158, %sub3A : i32
        %add3A_190 = arith.addi %mul3A_2, %sub3A_189 : i32
        %dma_wait3A_191 = arith.constant 0 : i32
        %dma_wait3A_192 = arith.constant 0 : i32
        %dma_wait3A_193 = tpu.memref_slice %arg5[%add3A_190, %dma_wait3A_191, %dma_wait3A_192] : memref<4096x200x128xf32, #tpu.memory_space<hbm>> -> memref<1x200x128xf32, #tpu.memory_space<hbm>>
        %dma_wait3A_194 = tpu.memref_squeeze %dma_wait3A_193 : memref<1x200x128xf32, #tpu.memory_space<hbm>> -> memref<200x128xf32, #tpu.memory_space<hbm>>
        %dma_wait3A_195 = arith.constant 0 : i32
        %dma_wait3A_196 = arith.constant 0 : i32
        %dma_wait3A_197 = tpu.memref_slice %arg5[%add3A_190, %dma_wait3A_195, %dma_wait3A_196] : memref<4096x200x128xf32, #tpu.memory_space<hbm>> -> memref<1x200x128xf32, #tpu.memory_space<hbm>>
        %dma_wait3A_198 = tpu.memref_squeeze %dma_wait3A_197 : memref<1x200x128xf32, #tpu.memory_space<hbm>> -> memref<200x128xf32, #tpu.memory_space<hbm>>
        tpu.wait_dma2 semaphore(%arg19 : memref<!tpu.dma_semaphore, #tpu.memory_space<semaphore_mem>>) src(%arg10 : memref<200x128xf32, #tpu.memory_space<vmem>>) dst(%dma_wait3A_198 : memref<200x128xf32, #tpu.memory_space<hbm>>)
      } else {
      }
      %add3A_164 = arith.constant 1 : i32
      %add3A_165 = arith.addi %add3A_158, %add3A_164 : i32
      %lt3A_166 = arith.constant 128 : i32
      %lt3A_167 = arith.cmpi slt, %add3A_165, %lt3A_166 : i32
      %convert_element_type3A_168 = arith.extui %lt3A_167 : i1 to i32
      %cond3A_169 = arith.constant 0 : i32
      %cond3A_170 = arith.cmpi ne, %convert_element_type3A_168, %cond3A_169 : i32
      scf.if %cond3A_170 {
        %add3A_189 = arith.constant 1 : i32
        %add3A_190 = arith.addi %add3A_158, %add3A_189 : i32
        %add3A_191 = arith.addi %mul3A_2, %add3A_190 : i32
        %mul3A_192 = arith.constant 200 : i32
        %mul3A_193 = arith.muli %add3A_191, %mul3A_192 : i32
        "tpu.region"() ({
          %run_scoped3A = tpu.sem_alloc : memref<!tpu.dma_semaphore, #tpu.memory_space<semaphore_mem>>
          %dma_start3A_210 = tpu.memref_slice %arg2[%mul3A_193] : memref<819200xi32, #tpu.memory_space<hbm>> -> memref<200xi32, #tpu.memory_space<hbm>>
          %dma_start3A_211 = tpu.memref_slice %arg2[%mul3A_193] : memref<819200xi32, #tpu.memory_space<hbm>> -> memref<200xi32, #tpu.memory_space<hbm>>
          tpu.enqueue_dma source(%dma_start3A_211 : memref<200xi32, #tpu.memory_space<hbm>>) target(%arg6 : memref<200xi32, #tpu.memory_space<vmem>>) target_semaphore(%run_scoped3A : memref<!tpu.dma_semaphore, #tpu.memory_space<semaphore_mem>>)
          %dma_wait3A_212 = tpu.memref_slice %arg2[%mul3A_193] : memref<819200xi32, #tpu.memory_space<hbm>> -> memref<200xi32, #tpu.memory_space<hbm>>
          %dma_wait3A_213 = tpu.memref_slice %arg2[%mul3A_193] : memref<819200xi32, #tpu.memory_space<hbm>> -> memref<200xi32, #tpu.memory_space<hbm>>
          tpu.wait_dma2 semaphore(%run_scoped3A : memref<!tpu.dma_semaphore, #tpu.memory_space<semaphore_mem>>) src(%dma_wait3A_213 : memref<200xi32, #tpu.memory_space<hbm>>) dst(%arg6 : memref<200xi32, #tpu.memory_space<vmem>>)
          tpu.yield
        }) : () -> ()
        %dma_start3A_194 = arith.constant 0 : i32
        %dma_start3A_195 = arith.constant 0 : i32
        %dma_start3A_196 = tpu.memref_slice %arg10[%dma_start3A_194, %dma_start3A_195] : memref<200x128xf32, #tpu.memory_space<vmem>> -> memref<104x128xf32, #tpu.memory_space<vmem>>
        %dma_start3A_197 = arith.constant 0 : i32
        %dma_start3A_198 = tpu.memref_slice %arg6[%dma_start3A_197] : memref<200xi32, #tpu.memory_space<vmem>> -> memref<104xi32, #tpu.memory_space<vmem>>
        %dma_start3A_199 = arith.constant 0 : i32
        %dma_start3A_200 = arith.constant 0 : i32
        %dma_start3A_201 = tpu.memref_slice %arg3[%dma_start3A_199, %dma_start3A_200] : memref<1000000x128xf32, #tpu.memory_space<hbm>> -> memref<1000000x128xf32, #tpu.memory_space<hbm>>
        tpu.enqueue_indirect_dma source(%dma_start3A_201 : memref<1000000x128xf32, #tpu.memory_space<hbm>>) target(%dma_start3A_196 : memref<104x128xf32, #tpu.memory_space<vmem>>) offsets(%dma_start3A_198 : memref<104xi32, #tpu.memory_space<vmem>>) semaphore(%arg15 : memref<!tpu.dma_semaphore, #tpu.memory_space<semaphore_mem>>)
        %dma_start3A_202 = arith.constant 104 : i32
        %dma_start3A_203 = arith.constant 0 : i32
        %dma_start3A_204 = tpu.memref_slice %arg10[%dma_start3A_202, %dma_start3A_203] : memref<200x128xf32, #tpu.memory_space<vmem>> -> memref<96x128xf32, #tpu.memory_space<vmem>>
        %dma_start3A_205 = arith.constant 104 : i32
        %dma_start3A_206 = tpu.memref_slice %arg6[%dma_start3A_205] : memref<200xi32, #tpu.memory_space<vmem>> -> memref<96xi32, #tpu.memory_space<vmem>>
        %dma_start3A_207 = arith.constant 0 : i32
        %dma_start3A_208 = arith.constant 0 : i32
        %dma_start3A_209 = tpu.memref_slice %arg3[%dma_start3A_207, %dma_start3A_208] : memref<1000000x128xf32, #tpu.memory_space<hbm>> -> memref<1000000x128xf32, #tpu.memory_space<hbm>>
        tpu.enqueue_indirect_dma source(%dma_start3A_209 : memref<1000000x128xf32, #tpu.memory_space<hbm>>) target(%dma_start3A_204 : memref<96x128xf32, #tpu.memory_space<vmem>>) offsets(%dma_start3A_206 : memref<96xi32, #tpu.memory_space<vmem>>) semaphore(%arg15 : memref<!tpu.dma_semaphore, #tpu.memory_space<semaphore_mem>>)
      } else {
      }
      %dma_wait3A_171 = arith.constant 0 : i32
      %dma_wait3A_172 = arith.constant 0 : i32
      %dma_wait3A_173 = tpu.memref_slice %arg3[%dma_wait3A_171, %dma_wait3A_172] : memref<1000000x128xf32, #tpu.memory_space<hbm>> -> memref<1000000x128xf32, #tpu.memory_space<hbm>>
      tpu.wait_indirect_dma semaphore(%arg18 : memref<!tpu.dma_semaphore, #tpu.memory_space<semaphore_mem>>) src(%dma_wait3A_173 : memref<1000000x128xf32, #tpu.memory_space<hbm>>) dst(%arg13 : memref<200x128xf32, #tpu.memory_space<vmem>>)
      %scan3A_174 = arith.constant 0 : i32
      %scan3A_175 = arith.constant 0 : i32
      %scan3A_176 = arith.constant 200 : i32
      %scan3A_177 = arith.addi %scan3A_175, %scan3A_176 : i32
      %scan3A_178 = arith.constant 1 : i32
      scf.for %scan3A_189 = %scan3A_175 to %scan3A_177 step %scan3A_178  : i32 {
        %get3A = arith.index_cast %scan3A_189 : i32 to index
        %get3A_190 = arith.constant 0 : index
        %get3A_191 = tpu.vector_load %arg13[%get3A, %get3A_190] {strides = array<i32>} : memref<200x128xf32, #tpu.memory_space<vmem>>, vector<1x16xf32>,
        %get3A_192 = vector.shape_cast %get3A_191 : vector<1x16xf32> to vector<16xf32>
        %get3A_193 = arith.index_cast %scan3A_189 : i32 to index
        %get3A_194 = arith.constant 0 : index
        %get3A_195 = tpu.vector_load %arg14[%get3A_193, %get3A_194] {strides = array<i32>} : memref<200x128xf32, #tpu.memory_space<vmem>>, vector<1x16xf32>,
        %get3A_196 = vector.shape_cast %get3A_195 : vector<1x16xf32> to vector<16xf32>
        %add3A_197 = arith.addf %get3A_192, %get3A_196 : vector<16xf32>
        %swap3A = arith.index_cast %scan3A_189 : i32 to index
        %swap3A_198 = arith.constant 0 : index
        %swap3A_199 = tpu.vector_load %arg13[%swap3A, %swap3A_198] {strides = array<i32>} : memref<200x128xf32, #tpu.memory_space<vmem>>, vector<1x16xf32>,
        %swap3A_200 = vector.shape_cast %swap3A_199 : vector<1x16xf32> to vector<16xf32>
        %swap3A_201 = vector.shape_cast %add3A_197 : vector<16xf32> to vector<1x16xf32>
        tpu.vector_store %arg13[%swap3A, %swap3A_198], %swap3A_201 {strides = array<i32>} : memref<200x128xf32, #tpu.memory_space<vmem>>, vector<1x16xf32>,
        %get3A_202 = arith.index_cast %scan3A_189 : i32 to index
        %get3A_203 = arith.constant 16 : index
        %get3A_204 = tpu.vector_load %arg13[%get3A_202, %get3A_203] {strides = array<i32>} : memref<200x128xf32, #tpu.memory_space<vmem>>, vector<1x16xf32>,
        %get3A_205 = vector.shape_cast %get3A_204 : vector<1x16xf32> to vector<16xf32>
        %get3A_206 = arith.index_cast %scan3A_189 : i32 to index
        %get3A_207 = arith.constant 16 : index
        %get3A_208 = tpu.vector_load %arg14[%get3A_206, %get3A_207] {strides = array<i32>} : memref<200x128xf32, #tpu.memory_space<vmem>>, vector<1x16xf32>,
        %get3A_209 = vector.shape_cast %get3A_208 : vector<1x16xf32> to vector<16xf32>
        %add3A_210 = arith.addf %get3A_205, %get3A_209 : vector<16xf32>
        %swap3A_211 = arith.index_cast %scan3A_189 : i32 to index
        %swap3A_212 = arith.constant 16 : index
        %swap3A_213 = tpu.vector_load %arg13[%swap3A_211, %swap3A_212] {strides = array<i32>} : memref<200x128xf32, #tpu.memory_space<vmem>>, vector<1x16xf32>,
        %swap3A_214 = vector.shape_cast %swap3A_213 : vector<1x16xf32> to vector<16xf32>
        %swap3A_215 = vector.shape_cast %add3A_210 : vector<16xf32> to vector<1x16xf32>
        tpu.vector_store %arg13[%swap3A_211, %swap3A_212], %swap3A_215 {strides = array<i32>} : memref<200x128xf32, #tpu.memory_space<vmem>>, vector<1x16xf32>,
        %get3A_216 = arith.index_cast %scan3A_189 : i32 to index
        %get3A_217 = arith.constant 32 : index
        %get3A_218 = tpu.vector_load %arg13[%get3A_216, %get3A_217] {strides = array<i32>} : memref<200x128xf32, #tpu.memory_space<vmem>>, vector<1x16xf32>,
        %get3A_219 = vector.shape_cast %get3A_218 : vector<1x16xf32> to vector<16xf32>
        %get3A_220 = arith.index_cast %scan3A_189 : i32 to index
        %get3A_221 = arith.constant 32 : index
        %get3A_222 = tpu.vector_load %arg14[%get3A_220, %get3A_221] {strides = array<i32>} : memref<200x128xf32, #tpu.memory_space<vmem>>, vector<1x16xf32>,
        %get3A_223 = vector.shape_cast %get3A_222 : vector<1x16xf32> to vector<16xf32>
        %add3A_224 = arith.addf %get3A_219, %get3A_223 : vector<16xf32>
        %swap3A_225 = arith.index_cast %scan3A_189 : i32 to index
        %swap3A_226 = arith.constant 32 : index
        %swap3A_227 = tpu.vector_load %arg13[%swap3A_225, %swap3A_226] {strides = array<i32>} : memref<200x128xf32, #tpu.memory_space<vmem>>, vector<1x16xf32>,
        %swap3A_228 = vector.shape_cast %swap3A_227 : vector<1x16xf32> to vector<16xf32>
        %swap3A_229 = vector.shape_cast %add3A_224 : vector<16xf32> to vector<1x16xf32>
        tpu.vector_store %arg13[%swap3A_225, %swap3A_226], %swap3A_229 {strides = array<i32>} : memref<200x128xf32, #tpu.memory_space<vmem>>, vector<1x16xf32>,
        %get3A_230 = arith.index_cast %scan3A_189 : i32 to index
        %get3A_231 = arith.constant 48 : index
        %get3A_232 = tpu.vector_load %arg13[%get3A_230, %get3A_231] {strides = array<i32>} : memref<200x128xf32, #tpu.memory_space<vmem>>, vector<1x16xf32>,
        %get3A_233 = vector.shape_cast %get3A_232 : vector<1x16xf32> to vector<16xf32>
        %get3A_234 = arith.index_cast %scan3A_189 : i32 to index
        %get3A_235 = arith.constant 48 : index
        %get3A_236 = tpu.vector_load %arg14[%get3A_234, %get3A_235] {strides = array<i32>} : memref<200x128xf32, #tpu.memory_space<vmem>>, vector<1x16xf32>,
        %get3A_237 = vector.shape_cast %get3A_236 : vector<1x16xf32> to vector<16xf32>
        %add3A_238 = arith.addf %get3A_233, %get3A_237 : vector<16xf32>
        %swap3A_239 = arith.index_cast %scan3A_189 : i32 to index
        %swap3A_240 = arith.constant 48 : index
        %swap3A_241 = tpu.vector_load %arg13[%swap3A_239, %swap3A_240] {strides = array<i32>} : memref<200x128xf32, #tpu.memory_space<vmem>>, vector<1x16xf32>,
        %swap3A_242 = vector.shape_cast %swap3A_241 : vector<1x16xf32> to vector<16xf32>
        %swap3A_243 = vector.shape_cast %add3A_238 : vector<16xf32> to vector<1x16xf32>
        tpu.vector_store %arg13[%swap3A_239, %swap3A_240], %swap3A_243 {strides = array<i32>} : memref<200x128xf32, #tpu.memory_space<vmem>>, vector<1x16xf32>,
        %get3A_244 = arith.index_cast %scan3A_189 : i32 to index
        %get3A_245 = arith.constant 64 : index
        %get3A_246 = tpu.vector_load %arg13[%get3A_244, %get3A_245] {strides = array<i32>} : memref<200x128xf32, #tpu.memory_space<vmem>>, vector<1x16xf32>,
        %get3A_247 = vector.shape_cast %get3A_246 : vector<1x16xf32> to vector<16xf32>
        %get3A_248 = arith.index_cast %scan3A_189 : i32 to index
        %get3A_249 = arith.constant 64 : index
        %get3A_250 = tpu.vector_load %arg14[%get3A_248, %get3A_249] {strides = array<i32>} : memref<200x128xf32, #tpu.memory_space<vmem>>, vector<1x16xf32>,
        %get3A_251 = vector.shape_cast %get3A_250 : vector<1x16xf32> to vector<16xf32>
        %add3A_252 = arith.addf %get3A_247, %get3A_251 : vector<16xf32>
        %swap3A_253 = arith.index_cast %scan3A_189 : i32 to index
        %swap3A_254 = arith.constant 64 : index
        %swap3A_255 = tpu.vector_load %arg13[%swap3A_253, %swap3A_254] {strides = array<i32>} : memref<200x128xf32, #tpu.memory_space<vmem>>, vector<1x16xf32>,
        %swap3A_256 = vector.shape_cast %swap3A_255 : vector<1x16xf32> to vector<16xf32>
        %swap3A_257 = vector.shape_cast %add3A_252 : vector<16xf32> to vector<1x16xf32>
        tpu.vector_store %arg13[%swap3A_253, %swap3A_254], %swap3A_257 {strides = array<i32>} : memref<200x128xf32, #tpu.memory_space<vmem>>, vector<1x16xf32>,
        %get3A_258 = arith.index_cast %scan3A_189 : i32 to index
        %get3A_259 = arith.constant 80 : index
        %get3A_260 = tpu.vector_load %arg13[%get3A_258, %get3A_259] {strides = array<i32>} : memref<200x128xf32, #tpu.memory_space<vmem>>, vector<1x16xf32>,
        %get3A_261 = vector.shape_cast %get3A_260 : vector<1x16xf32> to vector<16xf32>
        %get3A_262 = arith.index_cast %scan3A_189 : i32 to index
        %get3A_263 = arith.constant 80 : index
        %get3A_264 = tpu.vector_load %arg14[%get3A_262, %get3A_263] {strides = array<i32>} : memref<200x128xf32, #tpu.memory_space<vmem>>, vector<1x16xf32>,
        %get3A_265 = vector.shape_cast %get3A_264 : vector<1x16xf32> to vector<16xf32>
        %add3A_266 = arith.addf %get3A_261, %get3A_265 : vector<16xf32>
        %swap3A_267 = arith.index_cast %scan3A_189 : i32 to index
        %swap3A_268 = arith.constant 80 : index
        %swap3A_269 = tpu.vector_load %arg13[%swap3A_267, %swap3A_268] {strides = array<i32>} : memref<200x128xf32, #tpu.memory_space<vmem>>, vector<1x16xf32>,
        %swap3A_270 = vector.shape_cast %swap3A_269 : vector<1x16xf32> to vector<16xf32>
        %swap3A_271 = vector.shape_cast %add3A_266 : vector<16xf32> to vector<1x16xf32>
        tpu.vector_store %arg13[%swap3A_267, %swap3A_268], %swap3A_271 {strides = array<i32>} : memref<200x128xf32, #tpu.memory_space<vmem>>, vector<1x16xf32>,
        %get3A_272 = arith.index_cast %scan3A_189 : i32 to index
        %get3A_273 = arith.constant 96 : index
        %get3A_274 = tpu.vector_load %arg13[%get3A_272, %get3A_273] {strides = array<i32>} : memref<200x128xf32, #tpu.memory_space<vmem>>, vector<1x16xf32>,
        %get3A_275 = vector.shape_cast %get3A_274 : vector<1x16xf32> to vector<16xf32>
        %get3A_276 = arith.index_cast %scan3A_189 : i32 to index
        %get3A_277 = arith.constant 96 : index
        %get3A_278 = tpu.vector_load %arg14[%get3A_276, %get3A_277] {strides = array<i32>} : memref<200x128xf32, #tpu.memory_space<vmem>>, vector<1x16xf32>,
        %get3A_279 = vector.shape_cast %get3A_278 : vector<1x16xf32> to vector<16xf32>
        %add3A_280 = arith.addf %get3A_275, %get3A_279 : vector<16xf32>
        %swap3A_281 = arith.index_cast %scan3A_189 : i32 to index
        %swap3A_282 = arith.constant 96 : index
        %swap3A_283 = tpu.vector_load %arg13[%swap3A_281, %swap3A_282] {strides = array<i32>} : memref<200x128xf32, #tpu.memory_space<vmem>>, vector<1x16xf32>,
        %swap3A_284 = vector.shape_cast %swap3A_283 : vector<1x16xf32> to vector<16xf32>
        %swap3A_285 = vector.shape_cast %add3A_280 : vector<16xf32> to vector<1x16xf32>
        tpu.vector_store %arg13[%swap3A_281, %swap3A_282], %swap3A_285 {strides = array<i32>} : memref<200x128xf32, #tpu.memory_space<vmem>>, vector<1x16xf32>,
        %get3A_286 = arith.index_cast %scan3A_189 : i32 to index
        %get3A_287 = arith.constant 112 : index
        %get3A_288 = tpu.vector_load %arg13[%get3A_286, %get3A_287] {strides = array<i32>} : memref<200x128xf32, #tpu.memory_space<vmem>>, vector<1x16xf32>,
        %get3A_289 = vector.shape_cast %get3A_288 : vector<1x16xf32> to vector<16xf32>
        %get3A_290 = arith.index_cast %scan3A_189 : i32 to index
        %get3A_291 = arith.constant 112 : index
        %get3A_292 = tpu.vector_load %arg14[%get3A_290, %get3A_291] {strides = array<i32>} : memref<200x128xf32, #tpu.memory_space<vmem>>, vector<1x16xf32>,
        %get3A_293 = vector.shape_cast %get3A_292 : vector<1x16xf32> to vector<16xf32>
        %add3A_294 = arith.addf %get3A_289, %get3A_293 : vector<16xf32>
        %swap3A_295 = arith.index_cast %scan3A_189 : i32 to index
        %swap3A_296 = arith.constant 112 : index
        %swap3A_297 = tpu.vector_load %arg13[%swap3A_295, %swap3A_296] {strides = array<i32>} : memref<200x128xf32, #tpu.memory_space<vmem>>, vector<1x16xf32>,
        %swap3A_298 = vector.shape_cast %swap3A_297 : vector<1x16xf32> to vector<16xf32>
        %swap3A_299 = vector.shape_cast %add3A_294 : vector<16xf32> to vector<1x16xf32>
        tpu.vector_store %arg13[%swap3A_295, %swap3A_296], %swap3A_299 {strides = array<i32>} : memref<200x128xf32, #tpu.memory_space<vmem>>, vector<1x16xf32>,
      }
      %scan3A_179 = arith.constant 200 : i32
      %add3A_180 = arith.addi %mul3A_2, %add3A_158 : i32
      %dma_start3A_181 = arith.constant 0 : i32
      %dma_start3A_182 = arith.constant 0 : i32
      %dma_start3A_183 = tpu.memref_slice %arg5[%add3A_180, %dma_start3A_181, %dma_start3A_182] : memref<4096x200x128xf32, #tpu.memory_space<hbm>> -> memref<1x200x128xf32, #tpu.memory_space<hbm>>
      %dma_start3A_184 = tpu.memref_squeeze %dma_start3A_183 : memref<1x200x128xf32, #tpu.memory_space<hbm>> -> memref<200x128xf32, #tpu.memory_space<hbm>>
      %dma_start3A_185 = arith.constant 0 : i32
      %dma_start3A_186 = arith.constant 0 : i32
      %dma_start3A_187 = tpu.memref_slice %arg5[%add3A_180, %dma_start3A_185, %dma_start3A_186] : memref<4096x200x128xf32, #tpu.memory_space<hbm>> -> memref<1x200x128xf32, #tpu.memory_space<hbm>>
      %dma_start3A_188 = tpu.memref_squeeze %dma_start3A_187 : memref<1x200x128xf32, #tpu.memory_space<hbm>> -> memref<200x128xf32, #tpu.memory_space<hbm>>
      tpu.enqueue_dma source(%arg13 : memref<200x128xf32, #tpu.memory_space<vmem>>) target(%dma_start3A_188 : memref<200x128xf32, #tpu.memory_space<hbm>>) target_semaphore(%arg22 : memref<!tpu.dma_semaphore, #tpu.memory_space<semaphore_mem>>)
    }
    %scan3A_26 = arith.constant 32 : i32
    %add3A_27 = arith.constant 125 : i32
    %add3A_28 = arith.addi %mul3A_2, %add3A_27 : i32
    %dma_wait3A = arith.constant 0 : i32
    %dma_wait3A_29 = arith.constant 0 : i32
    %dma_wait3A_30 = tpu.memref_slice %arg5[%add3A_28, %dma_wait3A, %dma_wait3A_29] : memref<4096x200x128xf32, #tpu.memory_space<hbm>> -> memref<1x200x128xf32, #tpu.memory_space<hbm>>
    %dma_wait3A_31 = tpu.memref_squeeze %dma_wait3A_30 : memref<1x200x128xf32, #tpu.memory_space<hbm>> -> memref<200x128xf32, #tpu.memory_space<hbm>>
    %dma_wait3A_32 = arith.constant 0 : i32
    %dma_wait3A_33 = arith.constant 0 : i32
    %dma_wait3A_34 = tpu.memref_slice %arg5[%add3A_28, %dma_wait3A_32, %dma_wait3A_33] : memref<4096x200x128xf32, #tpu.memory_space<hbm>> -> memref<1x200x128xf32, #tpu.memory_space<hbm>>
    %dma_wait3A_35 = tpu.memref_squeeze %dma_wait3A_34 : memref<1x200x128xf32, #tpu.memory_space<hbm>> -> memref<200x128xf32, #tpu.memory_space<hbm>>
    tpu.wait_dma2 semaphore(%arg20 : memref<!tpu.dma_semaphore, #tpu.memory_space<semaphore_mem>>) src(%arg11 : memref<200x128xf32, #tpu.memory_space<vmem>>) dst(%dma_wait3A_35 : memref<200x128xf32, #tpu.memory_space<hbm>>)
    %add3A_36 = arith.constant 126 : i32
    %add3A_37 = arith.addi %mul3A_2, %add3A_36 : i32
    %dma_wait3A_38 = arith.constant 0 : i32
    %dma_wait3A_39 = arith.constant 0 : i32
    %dma_wait3A_40 = tpu.memref_slice %arg5[%add3A_37, %dma_wait3A_38, %dma_wait3A_39] : memref<4096x200x128xf32, #tpu.memory_space<hbm>> -> memref<1x200x128xf32, #tpu.memory_space<hbm>>
    %dma_wait3A_41 = tpu.memref_squeeze %dma_wait3A_40 : memref<1x200x128xf32, #tpu.memory_space<hbm>> -> memref<200x128xf32, #tpu.memory_space<hbm>>
    %dma_wait3A_42 = arith.constant 0 : i32
    %dma_wait3A_43 = arith.constant 0 : i32
    %dma_wait3A_44 = tpu.memref_slice %arg5[%add3A_37, %dma_wait3A_42, %dma_wait3A_43] : memref<4096x200x128xf32, #tpu.memory_space<hbm>> -> memref<1x200x128xf32, #tpu.memory_space<hbm>>
    %dma_wait3A_45 = tpu.memref_squeeze %dma_wait3A_44 : memref<1x200x128xf32, #tpu.memory_space<hbm>> -> memref<200x128xf32, #tpu.memory_space<hbm>>
    tpu.wait_dma2 semaphore(%arg21 : memref<!tpu.dma_semaphore, #tpu.memory_space<semaphore_mem>>) src(%arg12 : memref<200x128xf32, #tpu.memory_space<vmem>>) dst(%dma_wait3A_45 : memref<200x128xf32, #tpu.memory_space<hbm>>)
    %add3A_46 = arith.constant 127 : i32
    %add3A_47 = arith.addi %mul3A_2, %add3A_46 : i32
    %dma_wait3A_48 = arith.constant 0 : i32
    %dma_wait3A_49 = arith.constant 0 : i32
    %dma_wait3A_50 = tpu.memref_slice %arg5[%add3A_47, %dma_wait3A_48, %dma_wait3A_49] : memref<4096x200x128xf32, #tpu.memory_space<hbm>> -> memref<1x200x128xf32, #tpu.memory_space<hbm>>
    %dma_wait3A_51 = tpu.memref_squeeze %dma_wait3A_50 : memref<1x200x128xf32, #tpu.memory_space<hbm>> -> memref<200x128xf32, #tpu.memory_space<hbm>>
    %dma_wait3A_52 = arith.constant 0 : i32
    %dma_wait3A_53 = arith.constant 0 : i32
    %dma_wait3A_54 = tpu.memref_slice %arg5[%add3A_47, %dma_wait3A_52, %dma_wait3A_53] : memref<4096x200x128xf32, #tpu.memory_space<hbm>> -> memref<1x200x128xf32, #tpu.memory_space<hbm>>
    %dma_wait3A_55 = tpu.memref_squeeze %dma_wait3A_54 : memref<1x200x128xf32, #tpu.memory_space<hbm>> -> memref<200x128xf32, #tpu.memory_space<hbm>>
    tpu.wait_dma2 semaphore(%arg22 : memref<!tpu.dma_semaphore, #tpu.memory_space<semaphore_mem>>) src(%arg13 : memref<200x128xf32, #tpu.memory_space<vmem>>) dst(%dma_wait3A_55 : memref<200x128xf32, #tpu.memory_space<hbm>>)
    return
  }
}

#map = affine_map<(d0, d1) -> (0)>
#map1 = affine_map<(d0, d1) -> (0, 0)>
#map2 = affine_map<(d0, d1) -> (0, 0, 0)>
module attributes {stable_mosaic.version = 14 : i64} {
  func.func @_nonseq_body(%arg0: i32, %arg1: i32, %arg2: memref<106496xi32, #tpu.memory_space<hbm>>, %arg3: memref<2600000x32xf32, #tpu.memory_space<hbm>>, %arg4: memref<26x4096x32xf32, #tpu.memory_space<hbm>>, %arg5: memref<128xi32, #tpu.memory_space<vmem>>, %arg6: memref<128x32xf32, #tpu.memory_space<vmem>>, %arg7: memref<!tpu.dma_semaphore, #tpu.memory_space<semaphore_mem>>) attributes {dimension_semantics = [#tpu.dimension_semantics<core_parallel>, #tpu.dimension_semantics<subcore_parallel>], iteration_bounds = array<i64: 2, 16>, scalar_prefetch = 0 : i64, scratch_operands = 3 : i64, tpu.core_type = #tpu.core_type<sc_vector_subcore>, window_params = [{transform_indices = #map}, {transform_indices = #map1}, {transform_indices = #map2}]} {
    %mul3A = arith.constant 2 : i32
    %mul3A_0 = arith.muli %arg1, %mul3A : i32
    %add3A = arith.addi %mul3A_0, %arg0 : i32
    %mul3A_1 = arith.constant 128 : i32
    %mul3A_2 = arith.muli %add3A, %mul3A_1 : i32
    %add3A_3 = arith.constant 0 : i32
    %add3A_4 = arith.addi %add3A_3, %mul3A_2 : i32
    "tpu.region"() ({
      %run_scoped3A_2312 = tpu.sem_alloc : memref<!tpu.dma_semaphore, #tpu.memory_space<semaphore_mem>>
      %dma_start3A_2313 = tpu.memref_slice %arg2[%add3A_4] : memref<106496xi32, #tpu.memory_space<hbm>> -> memref<128xi32, #tpu.memory_space<hbm>>
      %dma_start3A_2314 = tpu.memref_slice %arg2[%add3A_4] : memref<106496xi32, #tpu.memory_space<hbm>> -> memref<128xi32, #tpu.memory_space<hbm>>
      tpu.enqueue_dma source(%dma_start3A_2314 : memref<128xi32, #tpu.memory_space<hbm>>) target(%arg5 : memref<128xi32, #tpu.memory_space<vmem>>) target_semaphore(%run_scoped3A_2312 : memref<!tpu.dma_semaphore, #tpu.memory_space<semaphore_mem>>)
      %dma_wait3A_2315 = tpu.memref_slice %arg2[%add3A_4] : memref<106496xi32, #tpu.memory_space<hbm>> -> memref<128xi32, #tpu.memory_space<hbm>>
      %dma_wait3A_2316 = tpu.memref_slice %arg2[%add3A_4] : memref<106496xi32, #tpu.memory_space<hbm>> -> memref<128xi32, #tpu.memory_space<hbm>>
      tpu.wait_dma2 semaphore(%run_scoped3A_2312 : memref<!tpu.dma_semaphore, #tpu.memory_space<semaphore_mem>>) src(%dma_wait3A_2316 : memref<128xi32, #tpu.memory_space<hbm>>) dst(%arg5 : memref<128xi32, #tpu.memory_space<vmem>>)
      tpu.yield
    }) : () -> ()
    %get3A = arith.constant 0 : index
    %get3A_5 = tpu.vector_load %arg5[%get3A] {strides = array<i32>} : memref<128xi32, #tpu.memory_space<vmem>>, vector<16xi32>,
    %get3A_6 = vector.shape_cast %get3A_5 : vector<16xi32> to vector<16xi32>
    %add3A_7 = arith.constant 0 : i32
    %add3A_8 = vector.broadcast %add3A_7 : i32 to vector<16xi32>
    %add3A_9 = arith.addi %get3A_6, %add3A_8 : vector<16xi32>
    %swap3A = arith.constant 0 : index
    %swap3A_10 = tpu.vector_load %arg5[%swap3A] {strides = array<i32>} : memref<128xi32, #tpu.memory_space<vmem>>, vector<16xi32>,
    %swap3A_11 = vector.shape_cast %swap3A_10 : vector<16xi32> to vector<16xi32>
    %swap3A_12 = vector.shape_cast %add3A_9 : vector<16xi32> to vector<16xi32>
    tpu.vector_store %arg5[%swap3A], %swap3A_12 {strides = array<i32>} : memref<128xi32, #tpu.memory_space<vmem>>, vector<16xi32>,
    %get3A_13 = arith.constant 16 : index
    %get3A_14 = tpu.vector_load %arg5[%get3A_13] {strides = array<i32>} : memref<128xi32, #tpu.memory_space<vmem>>, vector<16xi32>,
    %get3A_15 = vector.shape_cast %get3A_14 : vector<16xi32> to vector<16xi32>
    %add3A_16 = arith.constant 0 : i32
    %add3A_17 = vector.broadcast %add3A_16 : i32 to vector<16xi32>
    %add3A_18 = arith.addi %get3A_15, %add3A_17 : vector<16xi32>
    %swap3A_19 = arith.constant 16 : index
    %swap3A_20 = tpu.vector_load %arg5[%swap3A_19] {strides = array<i32>} : memref<128xi32, #tpu.memory_space<vmem>>, vector<16xi32>,
    %swap3A_21 = vector.shape_cast %swap3A_20 : vector<16xi32> to vector<16xi32>
    %swap3A_22 = vector.shape_cast %add3A_18 : vector<16xi32> to vector<16xi32>
    tpu.vector_store %arg5[%swap3A_19], %swap3A_22 {strides = array<i32>} : memref<128xi32, #tpu.memory_space<vmem>>, vector<16xi32>,
    %get3A_23 = arith.constant 32 : index
    %get3A_24 = tpu.vector_load %arg5[%get3A_23] {strides = array<i32>} : memref<128xi32, #tpu.memory_space<vmem>>, vector<16xi32>,
    %get3A_25 = vector.shape_cast %get3A_24 : vector<16xi32> to vector<16xi32>
    %add3A_26 = arith.constant 0 : i32
    %add3A_27 = vector.broadcast %add3A_26 : i32 to vector<16xi32>
    %add3A_28 = arith.addi %get3A_25, %add3A_27 : vector<16xi32>
    %swap3A_29 = arith.constant 32 : index
    %swap3A_30 = tpu.vector_load %arg5[%swap3A_29] {strides = array<i32>} : memref<128xi32, #tpu.memory_space<vmem>>, vector<16xi32>,
    %swap3A_31 = vector.shape_cast %swap3A_30 : vector<16xi32> to vector<16xi32>
    %swap3A_32 = vector.shape_cast %add3A_28 : vector<16xi32> to vector<16xi32>
    tpu.vector_store %arg5[%swap3A_29], %swap3A_32 {strides = array<i32>} : memref<128xi32, #tpu.memory_space<vmem>>, vector<16xi32>,
    %get3A_33 = arith.constant 48 : index
    %get3A_34 = tpu.vector_load %arg5[%get3A_33] {strides = array<i32>} : memref<128xi32, #tpu.memory_space<vmem>>, vector<16xi32>,
    %get3A_35 = vector.shape_cast %get3A_34 : vector<16xi32> to vector<16xi32>
    %add3A_36 = arith.constant 0 : i32
    %add3A_37 = vector.broadcast %add3A_36 : i32 to vector<16xi32>
    %add3A_38 = arith.addi %get3A_35, %add3A_37 : vector<16xi32>
    %swap3A_39 = arith.constant 48 : index
    %swap3A_40 = tpu.vector_load %arg5[%swap3A_39] {strides = array<i32>} : memref<128xi32, #tpu.memory_space<vmem>>, vector<16xi32>,
    %swap3A_41 = vector.shape_cast %swap3A_40 : vector<16xi32> to vector<16xi32>
    %swap3A_42 = vector.shape_cast %add3A_38 : vector<16xi32> to vector<16xi32>
    tpu.vector_store %arg5[%swap3A_39], %swap3A_42 {strides = array<i32>} : memref<128xi32, #tpu.memory_space<vmem>>, vector<16xi32>,
    %get3A_43 = arith.constant 64 : index
    %get3A_44 = tpu.vector_load %arg5[%get3A_43] {strides = array<i32>} : memref<128xi32, #tpu.memory_space<vmem>>, vector<16xi32>,
    %get3A_45 = vector.shape_cast %get3A_44 : vector<16xi32> to vector<16xi32>
    %add3A_46 = arith.constant 0 : i32
    %add3A_47 = vector.broadcast %add3A_46 : i32 to vector<16xi32>
    %add3A_48 = arith.addi %get3A_45, %add3A_47 : vector<16xi32>
    %swap3A_49 = arith.constant 64 : index
    %swap3A_50 = tpu.vector_load %arg5[%swap3A_49] {strides = array<i32>} : memref<128xi32, #tpu.memory_space<vmem>>, vector<16xi32>,
    %swap3A_51 = vector.shape_cast %swap3A_50 : vector<16xi32> to vector<16xi32>
    %swap3A_52 = vector.shape_cast %add3A_48 : vector<16xi32> to vector<16xi32>
    tpu.vector_store %arg5[%swap3A_49], %swap3A_52 {strides = array<i32>} : memref<128xi32, #tpu.memory_space<vmem>>, vector<16xi32>,
    %get3A_53 = arith.constant 80 : index
    %get3A_54 = tpu.vector_load %arg5[%get3A_53] {strides = array<i32>} : memref<128xi32, #tpu.memory_space<vmem>>, vector<16xi32>,
    %get3A_55 = vector.shape_cast %get3A_54 : vector<16xi32> to vector<16xi32>
    %add3A_56 = arith.constant 0 : i32
    %add3A_57 = vector.broadcast %add3A_56 : i32 to vector<16xi32>
    %add3A_58 = arith.addi %get3A_55, %add3A_57 : vector<16xi32>
    %swap3A_59 = arith.constant 80 : index
    %swap3A_60 = tpu.vector_load %arg5[%swap3A_59] {strides = array<i32>} : memref<128xi32, #tpu.memory_space<vmem>>, vector<16xi32>,
    %swap3A_61 = vector.shape_cast %swap3A_60 : vector<16xi32> to vector<16xi32>
    %swap3A_62 = vector.shape_cast %add3A_58 : vector<16xi32> to vector<16xi32>
    tpu.vector_store %arg5[%swap3A_59], %swap3A_62 {strides = array<i32>} : memref<128xi32, #tpu.memory_space<vmem>>, vector<16xi32>,
    %get3A_63 = arith.constant 96 : index
    %get3A_64 = tpu.vector_load %arg5[%get3A_63] {strides = array<i32>} : memref<128xi32, #tpu.memory_space<vmem>>, vector<16xi32>,
    %get3A_65 = vector.shape_cast %get3A_64 : vector<16xi32> to vector<16xi32>
    %add3A_66 = arith.constant 0 : i32
    %add3A_67 = vector.broadcast %add3A_66 : i32 to vector<16xi32>
    %add3A_68 = arith.addi %get3A_65, %add3A_67 : vector<16xi32>
    %swap3A_69 = arith.constant 96 : index
    %swap3A_70 = tpu.vector_load %arg5[%swap3A_69] {strides = array<i32>} : memref<128xi32, #tpu.memory_space<vmem>>, vector<16xi32>,
    %swap3A_71 = vector.shape_cast %swap3A_70 : vector<16xi32> to vector<16xi32>
    %swap3A_72 = vector.shape_cast %add3A_68 : vector<16xi32> to vector<16xi32>
    tpu.vector_store %arg5[%swap3A_69], %swap3A_72 {strides = array<i32>} : memref<128xi32, #tpu.memory_space<vmem>>, vector<16xi32>,
    %get3A_73 = arith.constant 112 : index
    %get3A_74 = tpu.vector_load %arg5[%get3A_73] {strides = array<i32>} : memref<128xi32, #tpu.memory_space<vmem>>, vector<16xi32>,
    %get3A_75 = vector.shape_cast %get3A_74 : vector<16xi32> to vector<16xi32>
    %add3A_76 = arith.constant 0 : i32
    %add3A_77 = vector.broadcast %add3A_76 : i32 to vector<16xi32>
    %add3A_78 = arith.addi %get3A_75, %add3A_77 : vector<16xi32>
    %swap3A_79 = arith.constant 112 : index
    %swap3A_80 = tpu.vector_load %arg5[%swap3A_79] {strides = array<i32>} : memref<128xi32, #tpu.memory_space<vmem>>, vector<16xi32>,
    %swap3A_81 = vector.shape_cast %swap3A_80 : vector<16xi32> to vector<16xi32>
    %swap3A_82 = vector.shape_cast %add3A_78 : vector<16xi32> to vector<16xi32>
    tpu.vector_store %arg5[%swap3A_79], %swap3A_82 {strides = array<i32>} : memref<128xi32, #tpu.memory_space<vmem>>, vector<16xi32>,
    %dma_start3A = arith.constant 0 : i32
    %dma_start3A_83 = arith.constant 0 : i32
    %dma_start3A_84 = tpu.memref_slice %arg3[%dma_start3A, %dma_start3A_83] : memref<2600000x32xf32, #tpu.memory_space<hbm>> -> memref<2600000x32xf32, #tpu.memory_space<hbm>>
    tpu.enqueue_indirect_dma source(%dma_start3A_84 : memref<2600000x32xf32, #tpu.memory_space<hbm>>) target(%arg6 : memref<128x32xf32, #tpu.memory_space<vmem>>) offsets(%arg5 : memref<128xi32, #tpu.memory_space<vmem>>) semaphore(%arg7 : memref<!tpu.dma_semaphore, #tpu.memory_space<semaphore_mem>>)
    %dma_wait3A = arith.constant 0 : i32
    %dma_wait3A_85 = arith.constant 0 : i32
    %dma_wait3A_86 = tpu.memref_slice %arg3[%dma_wait3A, %dma_wait3A_85] : memref<2600000x32xf32, #tpu.memory_space<hbm>> -> memref<2600000x32xf32, #tpu.memory_space<hbm>>
    tpu.wait_indirect_dma semaphore(%arg7 : memref<!tpu.dma_semaphore, #tpu.memory_space<semaphore_mem>>) src(%dma_wait3A_86 : memref<2600000x32xf32, #tpu.memory_space<hbm>>) dst(%arg6 : memref<128x32xf32, #tpu.memory_space<vmem>>)
    %run_scoped3A = arith.constant 0 : i32
    "tpu.region"() ({
      %run_scoped3A_2312 = tpu.sem_alloc : memref<!tpu.dma_semaphore, #tpu.memory_space<semaphore_mem>>
      %dma_start3A_2313 = arith.constant 0 : i32
      %dma_start3A_2314 = tpu.memref_slice %arg4[%run_scoped3A, %mul3A_2, %dma_start3A_2313] : memref<26x4096x32xf32, #tpu.memory_space<hbm>> -> memref<1x128x32xf32, #tpu.memory_space<hbm>>
      %dma_start3A_2315 = tpu.memref_squeeze %dma_start3A_2314 : memref<1x128x32xf32, #tpu.memory_space<hbm>> -> memref<128x32xf32, #tpu.memory_space<hbm>>
      %dma_start3A_2316 = arith.constant 0 : i32
      %dma_start3A_2317 = tpu.memref_slice %arg4[%run_scoped3A, %mul3A_2, %dma_start3A_2316] : memref<26x4096x32xf32, #tpu.memory_space<hbm>> -> memref<1x128x32xf32, #tpu.memory_space<hbm>>
      %dma_start3A_2318 = tpu.memref_squeeze %dma_start3A_2317 : memref<1x128x32xf32, #tpu.memory_space<hbm>> -> memref<128x32xf32, #tpu.memory_space<hbm>>
      tpu.enqueue_dma source(%arg6 : memref<128x32xf32, #tpu.memory_space<vmem>>) target(%dma_start3A_2318 : memref<128x32xf32, #tpu.memory_space<hbm>>) target_semaphore(%run_scoped3A_2312 : memref<!tpu.dma_semaphore, #tpu.memory_space<semaphore_mem>>)
      %dma_wait3A_2319 = arith.constant 0 : i32
      %dma_wait3A_2320 = tpu.memref_slice %arg4[%run_scoped3A, %mul3A_2, %dma_wait3A_2319] : memref<26x4096x32xf32, #tpu.memory_space<hbm>> -> memref<1x128x32xf32, #tpu.memory_space<hbm>>
      %dma_wait3A_2321 = tpu.memref_squeeze %dma_wait3A_2320 : memref<1x128x32xf32, #tpu.memory_space<hbm>> -> memref<128x32xf32, #tpu.memory_space<hbm>>
      %dma_wait3A_2322 = arith.constant 0 : i32
      %dma_wait3A_2323 = tpu.memref_slice %arg4[%run_scoped3A, %mul3A_2, %dma_wait3A_2322] : memref<26x4096x32xf32, #tpu.memory_space<hbm>> -> memref<1x128x32xf32, #tpu.memory_space<hbm>>
      %dma_wait3A_2324 = tpu.memref_squeeze %dma_wait3A_2323 : memref<1x128x32xf32, #tpu.memory_space<hbm>> -> memref<128x32xf32, #tpu.memory_space<hbm>>
      tpu.wait_dma2 semaphore(%run_scoped3A_2312 : memref<!tpu.dma_semaphore, #tpu.memory_space<semaphore_mem>>) src(%arg6 : memref<128x32xf32, #tpu.memory_space<vmem>>) dst(%dma_wait3A_2324 : memref<128x32xf32, #tpu.memory_space<hbm>>)
      tpu.yield
    }) : () -> ()
    %add3A_87 = arith.constant 4096 : i32
    %add3A_88 = arith.addi %add3A_87, %mul3A_2 : i32
    "tpu.region"() ({
      %run_scoped3A_2312 = tpu.sem_alloc : memref<!tpu.dma_semaphore, #tpu.memory_space<semaphore_mem>>
      %dma_start3A_2313 = tpu.memref_slice %arg2[%add3A_88] : memref<106496xi32, #tpu.memory_space<hbm>> -> memref<128xi32, #tpu.memory_space<hbm>>
      %dma_start3A_2314 = tpu.memref_slice %arg2[%add3A_88] : memref<106496xi32, #tpu.memory_space<hbm>> -> memref<128xi32, #tpu.memory_space<hbm>>
      tpu.enqueue_dma source(%dma_start3A_2314 : memref<128xi32, #tpu.memory_space<hbm>>) target(%arg5 : memref<128xi32, #tpu.memory_space<vmem>>) target_semaphore(%run_scoped3A_2312 : memref<!tpu.dma_semaphore, #tpu.memory_space<semaphore_mem>>)
      %dma_wait3A_2315 = tpu.memref_slice %arg2[%add3A_88] : memref<106496xi32, #tpu.memory_space<hbm>> -> memref<128xi32, #tpu.memory_space<hbm>>
      %dma_wait3A_2316 = tpu.memref_slice %arg2[%add3A_88] : memref<106496xi32, #tpu.memory_space<hbm>> -> memref<128xi32, #tpu.memory_space<hbm>>
      tpu.wait_dma2 semaphore(%run_scoped3A_2312 : memref<!tpu.dma_semaphore, #tpu.memory_space<semaphore_mem>>) src(%dma_wait3A_2316 : memref<128xi32, #tpu.memory_space<hbm>>) dst(%arg5 : memref<128xi32, #tpu.memory_space<vmem>>)
      tpu.yield
    }) : () -> ()
    %get3A_89 = arith.constant 0 : index
    %get3A_90 = tpu.vector_load %arg5[%get3A_89] {strides = array<i32>} : memref<128xi32, #tpu.memory_space<vmem>>, vector<16xi32>,
    %get3A_91 = vector.shape_cast %get3A_90 : vector<16xi32> to vector<16xi32>
    %add3A_92 = arith.constant 100000 : i32
    %add3A_93 = vector.broadcast %add3A_92 : i32 to vector<16xi32>
    %add3A_94 = arith.addi %get3A_91, %add3A_93 : vector<16xi32>
    %swap3A_95 = arith.constant 0 : index
    %swap3A_96 = tpu.vector_load %arg5[%swap3A_95] {strides = array<i32>} : memref<128xi32, #tpu.memory_space<vmem>>, vector<16xi32>,
    %swap3A_97 = vector.shape_cast %swap3A_96 : vector<16xi32> to vector<16xi32>
    %swap3A_98 = vector.shape_cast %add3A_94 : vector<16xi32> to vector<16xi32>
    tpu.vector_store %arg5[%swap3A_95], %swap3A_98 {strides = array<i32>} : memref<128xi32, #tpu.memory_space<vmem>>, vector<16xi32>,
    %get3A_99 = arith.constant 16 : index
    %get3A_100 = tpu.vector_load %arg5[%get3A_99] {strides = array<i32>} : memref<128xi32, #tpu.memory_space<vmem>>, vector<16xi32>,
    %get3A_101 = vector.shape_cast %get3A_100 : vector<16xi32> to vector<16xi32>
    %add3A_102 = arith.constant 100000 : i32
    %add3A_103 = vector.broadcast %add3A_102 : i32 to vector<16xi32>
    %add3A_104 = arith.addi %get3A_101, %add3A_103 : vector<16xi32>
    %swap3A_105 = arith.constant 16 : index
    %swap3A_106 = tpu.vector_load %arg5[%swap3A_105] {strides = array<i32>} : memref<128xi32, #tpu.memory_space<vmem>>, vector<16xi32>,
    %swap3A_107 = vector.shape_cast %swap3A_106 : vector<16xi32> to vector<16xi32>
    %swap3A_108 = vector.shape_cast %add3A_104 : vector<16xi32> to vector<16xi32>
    tpu.vector_store %arg5[%swap3A_105], %swap3A_108 {strides = array<i32>} : memref<128xi32, #tpu.memory_space<vmem>>, vector<16xi32>,
    %get3A_109 = arith.constant 32 : index
    %get3A_110 = tpu.vector_load %arg5[%get3A_109] {strides = array<i32>} : memref<128xi32, #tpu.memory_space<vmem>>, vector<16xi32>,
    %get3A_111 = vector.shape_cast %get3A_110 : vector<16xi32> to vector<16xi32>
    %add3A_112 = arith.constant 100000 : i32
    %add3A_113 = vector.broadcast %add3A_112 : i32 to vector<16xi32>
    %add3A_114 = arith.addi %get3A_111, %add3A_113 : vector<16xi32>
    %swap3A_115 = arith.constant 32 : index
    %swap3A_116 = tpu.vector_load %arg5[%swap3A_115] {strides = array<i32>} : memref<128xi32, #tpu.memory_space<vmem>>, vector<16xi32>,
    %swap3A_117 = vector.shape_cast %swap3A_116 : vector<16xi32> to vector<16xi32>
    %swap3A_118 = vector.shape_cast %add3A_114 : vector<16xi32> to vector<16xi32>
    tpu.vector_store %arg5[%swap3A_115], %swap3A_118 {strides = array<i32>} : memref<128xi32, #tpu.memory_space<vmem>>, vector<16xi32>,
    %get3A_119 = arith.constant 48 : index
    %get3A_120 = tpu.vector_load %arg5[%get3A_119] {strides = array<i32>} : memref<128xi32, #tpu.memory_space<vmem>>, vector<16xi32>,
    %get3A_121 = vector.shape_cast %get3A_120 : vector<16xi32> to vector<16xi32>
    %add3A_122 = arith.constant 100000 : i32
    %add3A_123 = vector.broadcast %add3A_122 : i32 to vector<16xi32>
    %add3A_124 = arith.addi %get3A_121, %add3A_123 : vector<16xi32>
    %swap3A_125 = arith.constant 48 : index
    %swap3A_126 = tpu.vector_load %arg5[%swap3A_125] {strides = array<i32>} : memref<128xi32, #tpu.memory_space<vmem>>, vector<16xi32>,
    %swap3A_127 = vector.shape_cast %swap3A_126 : vector<16xi32> to vector<16xi32>
    %swap3A_128 = vector.shape_cast %add3A_124 : vector<16xi32> to vector<16xi32>
    tpu.vector_store %arg5[%swap3A_125], %swap3A_128 {strides = array<i32>} : memref<128xi32, #tpu.memory_space<vmem>>, vector<16xi32>,
    %get3A_129 = arith.constant 64 : index
    %get3A_130 = tpu.vector_load %arg5[%get3A_129] {strides = array<i32>} : memref<128xi32, #tpu.memory_space<vmem>>, vector<16xi32>,
    %get3A_131 = vector.shape_cast %get3A_130 : vector<16xi32> to vector<16xi32>
    %add3A_132 = arith.constant 100000 : i32
    %add3A_133 = vector.broadcast %add3A_132 : i32 to vector<16xi32>
    %add3A_134 = arith.addi %get3A_131, %add3A_133 : vector<16xi32>
    %swap3A_135 = arith.constant 64 : index
    %swap3A_136 = tpu.vector_load %arg5[%swap3A_135] {strides = array<i32>} : memref<128xi32, #tpu.memory_space<vmem>>, vector<16xi32>,
    %swap3A_137 = vector.shape_cast %swap3A_136 : vector<16xi32> to vector<16xi32>
    %swap3A_138 = vector.shape_cast %add3A_134 : vector<16xi32> to vector<16xi32>
    tpu.vector_store %arg5[%swap3A_135], %swap3A_138 {strides = array<i32>} : memref<128xi32, #tpu.memory_space<vmem>>, vector<16xi32>,
    %get3A_139 = arith.constant 80 : index
    %get3A_140 = tpu.vector_load %arg5[%get3A_139] {strides = array<i32>} : memref<128xi32, #tpu.memory_space<vmem>>, vector<16xi32>,
    %get3A_141 = vector.shape_cast %get3A_140 : vector<16xi32> to vector<16xi32>
    %add3A_142 = arith.constant 100000 : i32
    %add3A_143 = vector.broadcast %add3A_142 : i32 to vector<16xi32>
    %add3A_144 = arith.addi %get3A_141, %add3A_143 : vector<16xi32>
    %swap3A_145 = arith.constant 80 : index
    %swap3A_146 = tpu.vector_load %arg5[%swap3A_145] {strides = array<i32>} : memref<128xi32, #tpu.memory_space<vmem>>, vector<16xi32>,
    %swap3A_147 = vector.shape_cast %swap3A_146 : vector<16xi32> to vector<16xi32>
    %swap3A_148 = vector.shape_cast %add3A_144 : vector<16xi32> to vector<16xi32>
    tpu.vector_store %arg5[%swap3A_145], %swap3A_148 {strides = array<i32>} : memref<128xi32, #tpu.memory_space<vmem>>, vector<16xi32>,
    %get3A_149 = arith.constant 96 : index
    %get3A_150 = tpu.vector_load %arg5[%get3A_149] {strides = array<i32>} : memref<128xi32, #tpu.memory_space<vmem>>, vector<16xi32>,
    %get3A_151 = vector.shape_cast %get3A_150 : vector<16xi32> to vector<16xi32>
    %add3A_152 = arith.constant 100000 : i32
    %add3A_153 = vector.broadcast %add3A_152 : i32 to vector<16xi32>
    %add3A_154 = arith.addi %get3A_151, %add3A_153 : vector<16xi32>
    %swap3A_155 = arith.constant 96 : index
    %swap3A_156 = tpu.vector_load %arg5[%swap3A_155] {strides = array<i32>} : memref<128xi32, #tpu.memory_space<vmem>>, vector<16xi32>,
    %swap3A_157 = vector.shape_cast %swap3A_156 : vector<16xi32> to vector<16xi32>
    %swap3A_158 = vector.shape_cast %add3A_154 : vector<16xi32> to vector<16xi32>
    tpu.vector_store %arg5[%swap3A_155], %swap3A_158 {strides = array<i32>} : memref<128xi32, #tpu.memory_space<vmem>>, vector<16xi32>,
    %get3A_159 = arith.constant 112 : index
    %get3A_160 = tpu.vector_load %arg5[%get3A_159] {strides = array<i32>} : memref<128xi32, #tpu.memory_space<vmem>>, vector<16xi32>,
    %get3A_161 = vector.shape_cast %get3A_160 : vector<16xi32> to vector<16xi32>
    %add3A_162 = arith.constant 100000 : i32
    %add3A_163 = vector.broadcast %add3A_162 : i32 to vector<16xi32>
    %add3A_164 = arith.addi %get3A_161, %add3A_163 : vector<16xi32>
    %swap3A_165 = arith.constant 112 : index
    %swap3A_166 = tpu.vector_load %arg5[%swap3A_165] {strides = array<i32>} : memref<128xi32, #tpu.memory_space<vmem>>, vector<16xi32>,
    %swap3A_167 = vector.shape_cast %swap3A_166 : vector<16xi32> to vector<16xi32>
    %swap3A_168 = vector.shape_cast %add3A_164 : vector<16xi32> to vector<16xi32>
    tpu.vector_store %arg5[%swap3A_165], %swap3A_168 {strides = array<i32>} : memref<128xi32, #tpu.memory_space<vmem>>, vector<16xi32>,
    %dma_start3A_169 = arith.constant 0 : i32
    %dma_start3A_170 = arith.constant 0 : i32
    %dma_start3A_171 = tpu.memref_slice %arg3[%dma_start3A_169, %dma_start3A_170] : memref<2600000x32xf32, #tpu.memory_space<hbm>> -> memref<2600000x32xf32, #tpu.memory_space<hbm>>
    tpu.enqueue_indirect_dma source(%dma_start3A_171 : memref<2600000x32xf32, #tpu.memory_space<hbm>>) target(%arg6 : memref<128x32xf32, #tpu.memory_space<vmem>>) offsets(%arg5 : memref<128xi32, #tpu.memory_space<vmem>>) semaphore(%arg7 : memref<!tpu.dma_semaphore, #tpu.memory_space<semaphore_mem>>)
    %dma_wait3A_172 = arith.constant 0 : i32
    %dma_wait3A_173 = arith.constant 0 : i32
    %dma_wait3A_174 = tpu.memref_slice %arg3[%dma_wait3A_172, %dma_wait3A_173] : memref<2600000x32xf32, #tpu.memory_space<hbm>> -> memref<2600000x32xf32, #tpu.memory_space<hbm>>
    tpu.wait_indirect_dma semaphore(%arg7 : memref<!tpu.dma_semaphore, #tpu.memory_space<semaphore_mem>>) src(%dma_wait3A_174 : memref<2600000x32xf32, #tpu.memory_space<hbm>>) dst(%arg6 : memref<128x32xf32, #tpu.memory_space<vmem>>)
    %run_scoped3A_175 = arith.constant 1 : i32
    "tpu.region"() ({
      %run_scoped3A_2312 = tpu.sem_alloc : memref<!tpu.dma_semaphore, #tpu.memory_space<semaphore_mem>>
      %dma_start3A_2313 = arith.constant 0 : i32
      %dma_start3A_2314 = tpu.memref_slice %arg4[%run_scoped3A_175, %mul3A_2, %dma_start3A_2313] : memref<26x4096x32xf32, #tpu.memory_space<hbm>> -> memref<1x128x32xf32, #tpu.memory_space<hbm>>
      %dma_start3A_2315 = tpu.memref_squeeze %dma_start3A_2314 : memref<1x128x32xf32, #tpu.memory_space<hbm>> -> memref<128x32xf32, #tpu.memory_space<hbm>>
      %dma_start3A_2316 = arith.constant 0 : i32
      %dma_start3A_2317 = tpu.memref_slice %arg4[%run_scoped3A_175, %mul3A_2, %dma_start3A_2316] : memref<26x4096x32xf32, #tpu.memory_space<hbm>> -> memref<1x128x32xf32, #tpu.memory_space<hbm>>
      %dma_start3A_2318 = tpu.memref_squeeze %dma_start3A_2317 : memref<1x128x32xf32, #tpu.memory_space<hbm>> -> memref<128x32xf32, #tpu.memory_space<hbm>>
      tpu.enqueue_dma source(%arg6 : memref<128x32xf32, #tpu.memory_space<vmem>>) target(%dma_start3A_2318 : memref<128x32xf32, #tpu.memory_space<hbm>>) target_semaphore(%run_scoped3A_2312 : memref<!tpu.dma_semaphore, #tpu.memory_space<semaphore_mem>>)
      %dma_wait3A_2319 = arith.constant 0 : i32
      %dma_wait3A_2320 = tpu.memref_slice %arg4[%run_scoped3A_175, %mul3A_2, %dma_wait3A_2319] : memref<26x4096x32xf32, #tpu.memory_space<hbm>> -> memref<1x128x32xf32, #tpu.memory_space<hbm>>
      %dma_wait3A_2321 = tpu.memref_squeeze %dma_wait3A_2320 : memref<1x128x32xf32, #tpu.memory_space<hbm>> -> memref<128x32xf32, #tpu.memory_space<hbm>>
      %dma_wait3A_2322 = arith.constant 0 : i32
      %dma_wait3A_2323 = tpu.memref_slice %arg4[%run_scoped3A_175, %mul3A_2, %dma_wait3A_2322] : memref<26x4096x32xf32, #tpu.memory_space<hbm>> -> memref<1x128x32xf32, #tpu.memory_space<hbm>>
      %dma_wait3A_2324 = tpu.memref_squeeze %dma_wait3A_2323 : memref<1x128x32xf32, #tpu.memory_space<hbm>> -> memref<128x32xf32, #tpu.memory_space<hbm>>
      tpu.wait_dma2 semaphore(%run_scoped3A_2312 : memref<!tpu.dma_semaphore, #tpu.memory_space<semaphore_mem>>) src(%arg6 : memref<128x32xf32, #tpu.memory_space<vmem>>) dst(%dma_wait3A_2324 : memref<128x32xf32, #tpu.memory_space<hbm>>)
      tpu.yield
    }) : () -> ()
    %add3A_176 = arith.constant 8192 : i32
    %add3A_177 = arith.addi %add3A_176, %mul3A_2 : i32
    "tpu.region"() ({
      %run_scoped3A_2312 = tpu.sem_alloc : memref<!tpu.dma_semaphore, #tpu.memory_space<semaphore_mem>>
      %dma_start3A_2313 = tpu.memref_slice %arg2[%add3A_177] : memref<106496xi32, #tpu.memory_space<hbm>> -> memref<128xi32, #tpu.memory_space<hbm>>
      %dma_start3A_2314 = tpu.memref_slice %arg2[%add3A_177] : memref<106496xi32, #tpu.memory_space<hbm>> -> memref<128xi32, #tpu.memory_space<hbm>>
      tpu.enqueue_dma source(%dma_start3A_2314 : memref<128xi32, #tpu.memory_space<hbm>>) target(%arg5 : memref<128xi32, #tpu.memory_space<vmem>>) target_semaphore(%run_scoped3A_2312 : memref<!tpu.dma_semaphore, #tpu.memory_space<semaphore_mem>>)
      %dma_wait3A_2315 = tpu.memref_slice %arg2[%add3A_177] : memref<106496xi32, #tpu.memory_space<hbm>> -> memref<128xi32, #tpu.memory_space<hbm>>
      %dma_wait3A_2316 = tpu.memref_slice %arg2[%add3A_177] : memref<106496xi32, #tpu.memory_space<hbm>> -> memref<128xi32, #tpu.memory_space<hbm>>
      tpu.wait_dma2 semaphore(%run_scoped3A_2312 : memref<!tpu.dma_semaphore, #tpu.memory_space<semaphore_mem>>) src(%dma_wait3A_2316 : memref<128xi32, #tpu.memory_space<hbm>>) dst(%arg5 : memref<128xi32, #tpu.memory_space<vmem>>)
      tpu.yield
    }) : () -> ()
    %get3A_178 = arith.constant 0 : index
    %get3A_179 = tpu.vector_load %arg5[%get3A_178] {strides = array<i32>} : memref<128xi32, #tpu.memory_space<vmem>>, vector<16xi32>,
    %get3A_180 = vector.shape_cast %get3A_179 : vector<16xi32> to vector<16xi32>
    %add3A_181 = arith.constant 200000 : i32
    %add3A_182 = vector.broadcast %add3A_181 : i32 to vector<16xi32>
    %add3A_183 = arith.addi %get3A_180, %add3A_182 : vector<16xi32>
    %swap3A_184 = arith.constant 0 : index
    %swap3A_185 = tpu.vector_load %arg5[%swap3A_184] {strides = array<i32>} : memref<128xi32, #tpu.memory_space<vmem>>, vector<16xi32>,
    %swap3A_186 = vector.shape_cast %swap3A_185 : vector<16xi32> to vector<16xi32>
    %swap3A_187 = vector.shape_cast %add3A_183 : vector<16xi32> to vector<16xi32>
    tpu.vector_store %arg5[%swap3A_184], %swap3A_187 {strides = array<i32>} : memref<128xi32, #tpu.memory_space<vmem>>, vector<16xi32>,
    %get3A_188 = arith.constant 16 : index
    %get3A_189 = tpu.vector_load %arg5[%get3A_188] {strides = array<i32>} : memref<128xi32, #tpu.memory_space<vmem>>, vector<16xi32>,
    %get3A_190 = vector.shape_cast %get3A_189 : vector<16xi32> to vector<16xi32>
    %add3A_191 = arith.constant 200000 : i32
    %add3A_192 = vector.broadcast %add3A_191 : i32 to vector<16xi32>
    %add3A_193 = arith.addi %get3A_190, %add3A_192 : vector<16xi32>
    %swap3A_194 = arith.constant 16 : index
    %swap3A_195 = tpu.vector_load %arg5[%swap3A_194] {strides = array<i32>} : memref<128xi32, #tpu.memory_space<vmem>>, vector<16xi32>,
    %swap3A_196 = vector.shape_cast %swap3A_195 : vector<16xi32> to vector<16xi32>
    %swap3A_197 = vector.shape_cast %add3A_193 : vector<16xi32> to vector<16xi32>
    tpu.vector_store %arg5[%swap3A_194], %swap3A_197 {strides = array<i32>} : memref<128xi32, #tpu.memory_space<vmem>>, vector<16xi32>,
    %get3A_198 = arith.constant 32 : index
    %get3A_199 = tpu.vector_load %arg5[%get3A_198] {strides = array<i32>} : memref<128xi32, #tpu.memory_space<vmem>>, vector<16xi32>,
    %get3A_200 = vector.shape_cast %get3A_199 : vector<16xi32> to vector<16xi32>
    %add3A_201 = arith.constant 200000 : i32
    %add3A_202 = vector.broadcast %add3A_201 : i32 to vector<16xi32>
    %add3A_203 = arith.addi %get3A_200, %add3A_202 : vector<16xi32>
    %swap3A_204 = arith.constant 32 : index
    %swap3A_205 = tpu.vector_load %arg5[%swap3A_204] {strides = array<i32>} : memref<128xi32, #tpu.memory_space<vmem>>, vector<16xi32>,
    %swap3A_206 = vector.shape_cast %swap3A_205 : vector<16xi32> to vector<16xi32>
    %swap3A_207 = vector.shape_cast %add3A_203 : vector<16xi32> to vector<16xi32>
    tpu.vector_store %arg5[%swap3A_204], %swap3A_207 {strides = array<i32>} : memref<128xi32, #tpu.memory_space<vmem>>, vector<16xi32>,
    %get3A_208 = arith.constant 48 : index
    %get3A_209 = tpu.vector_load %arg5[%get3A_208] {strides = array<i32>} : memref<128xi32, #tpu.memory_space<vmem>>, vector<16xi32>,
    %get3A_210 = vector.shape_cast %get3A_209 : vector<16xi32> to vector<16xi32>
    %add3A_211 = arith.constant 200000 : i32
    %add3A_212 = vector.broadcast %add3A_211 : i32 to vector<16xi32>
    %add3A_213 = arith.addi %get3A_210, %add3A_212 : vector<16xi32>
    %swap3A_214 = arith.constant 48 : index
    %swap3A_215 = tpu.vector_load %arg5[%swap3A_214] {strides = array<i32>} : memref<128xi32, #tpu.memory_space<vmem>>, vector<16xi32>,
    %swap3A_216 = vector.shape_cast %swap3A_215 : vector<16xi32> to vector<16xi32>
    %swap3A_217 = vector.shape_cast %add3A_213 : vector<16xi32> to vector<16xi32>
    tpu.vector_store %arg5[%swap3A_214], %swap3A_217 {strides = array<i32>} : memref<128xi32, #tpu.memory_space<vmem>>, vector<16xi32>,
    %get3A_218 = arith.constant 64 : index
    %get3A_219 = tpu.vector_load %arg5[%get3A_218] {strides = array<i32>} : memref<128xi32, #tpu.memory_space<vmem>>, vector<16xi32>,
    %get3A_220 = vector.shape_cast %get3A_219 : vector<16xi32> to vector<16xi32>
    %add3A_221 = arith.constant 200000 : i32
    %add3A_222 = vector.broadcast %add3A_221 : i32 to vector<16xi32>
    %add3A_223 = arith.addi %get3A_220, %add3A_222 : vector<16xi32>
    %swap3A_224 = arith.constant 64 : index
    %swap3A_225 = tpu.vector_load %arg5[%swap3A_224] {strides = array<i32>} : memref<128xi32, #tpu.memory_space<vmem>>, vector<16xi32>,
    %swap3A_226 = vector.shape_cast %swap3A_225 : vector<16xi32> to vector<16xi32>
    %swap3A_227 = vector.shape_cast %add3A_223 : vector<16xi32> to vector<16xi32>
    tpu.vector_store %arg5[%swap3A_224], %swap3A_227 {strides = array<i32>} : memref<128xi32, #tpu.memory_space<vmem>>, vector<16xi32>,
    %get3A_228 = arith.constant 80 : index
    %get3A_229 = tpu.vector_load %arg5[%get3A_228] {strides = array<i32>} : memref<128xi32, #tpu.memory_space<vmem>>, vector<16xi32>,
    %get3A_230 = vector.shape_cast %get3A_229 : vector<16xi32> to vector<16xi32>
    %add3A_231 = arith.constant 200000 : i32
    %add3A_232 = vector.broadcast %add3A_231 : i32 to vector<16xi32>
    %add3A_233 = arith.addi %get3A_230, %add3A_232 : vector<16xi32>
    %swap3A_234 = arith.constant 80 : index
    %swap3A_235 = tpu.vector_load %arg5[%swap3A_234] {strides = array<i32>} : memref<128xi32, #tpu.memory_space<vmem>>, vector<16xi32>,
    %swap3A_236 = vector.shape_cast %swap3A_235 : vector<16xi32> to vector<16xi32>
    %swap3A_237 = vector.shape_cast %add3A_233 : vector<16xi32> to vector<16xi32>
    tpu.vector_store %arg5[%swap3A_234], %swap3A_237 {strides = array<i32>} : memref<128xi32, #tpu.memory_space<vmem>>, vector<16xi32>,
    %get3A_238 = arith.constant 96 : index
    %get3A_239 = tpu.vector_load %arg5[%get3A_238] {strides = array<i32>} : memref<128xi32, #tpu.memory_space<vmem>>, vector<16xi32>,
    %get3A_240 = vector.shape_cast %get3A_239 : vector<16xi32> to vector<16xi32>
    %add3A_241 = arith.constant 200000 : i32
    %add3A_242 = vector.broadcast %add3A_241 : i32 to vector<16xi32>
    %add3A_243 = arith.addi %get3A_240, %add3A_242 : vector<16xi32>
    %swap3A_244 = arith.constant 96 : index
    %swap3A_245 = tpu.vector_load %arg5[%swap3A_244] {strides = array<i32>} : memref<128xi32, #tpu.memory_space<vmem>>, vector<16xi32>,
    %swap3A_246 = vector.shape_cast %swap3A_245 : vector<16xi32> to vector<16xi32>
    %swap3A_247 = vector.shape_cast %add3A_243 : vector<16xi32> to vector<16xi32>
    tpu.vector_store %arg5[%swap3A_244], %swap3A_247 {strides = array<i32>} : memref<128xi32, #tpu.memory_space<vmem>>, vector<16xi32>,
    %get3A_248 = arith.constant 112 : index
    %get3A_249 = tpu.vector_load %arg5[%get3A_248] {strides = array<i32>} : memref<128xi32, #tpu.memory_space<vmem>>, vector<16xi32>,
    %get3A_250 = vector.shape_cast %get3A_249 : vector<16xi32> to vector<16xi32>
    %add3A_251 = arith.constant 200000 : i32
    %add3A_252 = vector.broadcast %add3A_251 : i32 to vector<16xi32>
    %add3A_253 = arith.addi %get3A_250, %add3A_252 : vector<16xi32>
    %swap3A_254 = arith.constant 112 : index
    %swap3A_255 = tpu.vector_load %arg5[%swap3A_254] {strides = array<i32>} : memref<128xi32, #tpu.memory_space<vmem>>, vector<16xi32>,
    %swap3A_256 = vector.shape_cast %swap3A_255 : vector<16xi32> to vector<16xi32>
    %swap3A_257 = vector.shape_cast %add3A_253 : vector<16xi32> to vector<16xi32>
    tpu.vector_store %arg5[%swap3A_254], %swap3A_257 {strides = array<i32>} : memref<128xi32, #tpu.memory_space<vmem>>, vector<16xi32>,
    %dma_start3A_258 = arith.constant 0 : i32
    %dma_start3A_259 = arith.constant 0 : i32
    %dma_start3A_260 = tpu.memref_slice %arg3[%dma_start3A_258, %dma_start3A_259] : memref<2600000x32xf32, #tpu.memory_space<hbm>> -> memref<2600000x32xf32, #tpu.memory_space<hbm>>
    tpu.enqueue_indirect_dma source(%dma_start3A_260 : memref<2600000x32xf32, #tpu.memory_space<hbm>>) target(%arg6 : memref<128x32xf32, #tpu.memory_space<vmem>>) offsets(%arg5 : memref<128xi32, #tpu.memory_space<vmem>>) semaphore(%arg7 : memref<!tpu.dma_semaphore, #tpu.memory_space<semaphore_mem>>)
    %dma_wait3A_261 = arith.constant 0 : i32
    %dma_wait3A_262 = arith.constant 0 : i32
    %dma_wait3A_263 = tpu.memref_slice %arg3[%dma_wait3A_261, %dma_wait3A_262] : memref<2600000x32xf32, #tpu.memory_space<hbm>> -> memref<2600000x32xf32, #tpu.memory_space<hbm>>
    tpu.wait_indirect_dma semaphore(%arg7 : memref<!tpu.dma_semaphore, #tpu.memory_space<semaphore_mem>>) src(%dma_wait3A_263 : memref<2600000x32xf32, #tpu.memory_space<hbm>>) dst(%arg6 : memref<128x32xf32, #tpu.memory_space<vmem>>)
    %run_scoped3A_264 = arith.constant 2 : i32
    "tpu.region"() ({
      %run_scoped3A_2312 = tpu.sem_alloc : memref<!tpu.dma_semaphore, #tpu.memory_space<semaphore_mem>>
      %dma_start3A_2313 = arith.constant 0 : i32
      %dma_start3A_2314 = tpu.memref_slice %arg4[%run_scoped3A_264, %mul3A_2, %dma_start3A_2313] : memref<26x4096x32xf32, #tpu.memory_space<hbm>> -> memref<1x128x32xf32, #tpu.memory_space<hbm>>
      %dma_start3A_2315 = tpu.memref_squeeze %dma_start3A_2314 : memref<1x128x32xf32, #tpu.memory_space<hbm>> -> memref<128x32xf32, #tpu.memory_space<hbm>>
      %dma_start3A_2316 = arith.constant 0 : i32
      %dma_start3A_2317 = tpu.memref_slice %arg4[%run_scoped3A_264, %mul3A_2, %dma_start3A_2316] : memref<26x4096x32xf32, #tpu.memory_space<hbm>> -> memref<1x128x32xf32, #tpu.memory_space<hbm>>
      %dma_start3A_2318 = tpu.memref_squeeze %dma_start3A_2317 : memref<1x128x32xf32, #tpu.memory_space<hbm>> -> memref<128x32xf32, #tpu.memory_space<hbm>>
      tpu.enqueue_dma source(%arg6 : memref<128x32xf32, #tpu.memory_space<vmem>>) target(%dma_start3A_2318 : memref<128x32xf32, #tpu.memory_space<hbm>>) target_semaphore(%run_scoped3A_2312 : memref<!tpu.dma_semaphore, #tpu.memory_space<semaphore_mem>>)
      %dma_wait3A_2319 = arith.constant 0 : i32
      %dma_wait3A_2320 = tpu.memref_slice %arg4[%run_scoped3A_264, %mul3A_2, %dma_wait3A_2319] : memref<26x4096x32xf32, #tpu.memory_space<hbm>> -> memref<1x128x32xf32, #tpu.memory_space<hbm>>
      %dma_wait3A_2321 = tpu.memref_squeeze %dma_wait3A_2320 : memref<1x128x32xf32, #tpu.memory_space<hbm>> -> memref<128x32xf32, #tpu.memory_space<hbm>>
      %dma_wait3A_2322 = arith.constant 0 : i32
      %dma_wait3A_2323 = tpu.memref_slice %arg4[%run_scoped3A_264, %mul3A_2, %dma_wait3A_2322] : memref<26x4096x32xf32, #tpu.memory_space<hbm>> -> memref<1x128x32xf32, #tpu.memory_space<hbm>>
      %dma_wait3A_2324 = tpu.memref_squeeze %dma_wait3A_2323 : memref<1x128x32xf32, #tpu.memory_space<hbm>> -> memref<128x32xf32, #tpu.memory_space<hbm>>
      tpu.wait_dma2 semaphore(%run_scoped3A_2312 : memref<!tpu.dma_semaphore, #tpu.memory_space<semaphore_mem>>) src(%arg6 : memref<128x32xf32, #tpu.memory_space<vmem>>) dst(%dma_wait3A_2324 : memref<128x32xf32, #tpu.memory_space<hbm>>)
      tpu.yield
    }) : () -> ()
    %add3A_265 = arith.constant 12288 : i32
    %add3A_266 = arith.addi %add3A_265, %mul3A_2 : i32
    "tpu.region"() ({
      %run_scoped3A_2312 = tpu.sem_alloc : memref<!tpu.dma_semaphore, #tpu.memory_space<semaphore_mem>>
      %dma_start3A_2313 = tpu.memref_slice %arg2[%add3A_266] : memref<106496xi32, #tpu.memory_space<hbm>> -> memref<128xi32, #tpu.memory_space<hbm>>
      %dma_start3A_2314 = tpu.memref_slice %arg2[%add3A_266] : memref<106496xi32, #tpu.memory_space<hbm>> -> memref<128xi32, #tpu.memory_space<hbm>>
      tpu.enqueue_dma source(%dma_start3A_2314 : memref<128xi32, #tpu.memory_space<hbm>>) target(%arg5 : memref<128xi32, #tpu.memory_space<vmem>>) target_semaphore(%run_scoped3A_2312 : memref<!tpu.dma_semaphore, #tpu.memory_space<semaphore_mem>>)
      %dma_wait3A_2315 = tpu.memref_slice %arg2[%add3A_266] : memref<106496xi32, #tpu.memory_space<hbm>> -> memref<128xi32, #tpu.memory_space<hbm>>
      %dma_wait3A_2316 = tpu.memref_slice %arg2[%add3A_266] : memref<106496xi32, #tpu.memory_space<hbm>> -> memref<128xi32, #tpu.memory_space<hbm>>
      tpu.wait_dma2 semaphore(%run_scoped3A_2312 : memref<!tpu.dma_semaphore, #tpu.memory_space<semaphore_mem>>) src(%dma_wait3A_2316 : memref<128xi32, #tpu.memory_space<hbm>>) dst(%arg5 : memref<128xi32, #tpu.memory_space<vmem>>)
      tpu.yield
    }) : () -> ()
    %get3A_267 = arith.constant 0 : index
    %get3A_268 = tpu.vector_load %arg5[%get3A_267] {strides = array<i32>} : memref<128xi32, #tpu.memory_space<vmem>>, vector<16xi32>,
    %get3A_269 = vector.shape_cast %get3A_268 : vector<16xi32> to vector<16xi32>
    %add3A_270 = arith.constant 300000 : i32
    %add3A_271 = vector.broadcast %add3A_270 : i32 to vector<16xi32>
    %add3A_272 = arith.addi %get3A_269, %add3A_271 : vector<16xi32>
    %swap3A_273 = arith.constant 0 : index
    %swap3A_274 = tpu.vector_load %arg5[%swap3A_273] {strides = array<i32>} : memref<128xi32, #tpu.memory_space<vmem>>, vector<16xi32>,
    %swap3A_275 = vector.shape_cast %swap3A_274 : vector<16xi32> to vector<16xi32>
    %swap3A_276 = vector.shape_cast %add3A_272 : vector<16xi32> to vector<16xi32>
    tpu.vector_store %arg5[%swap3A_273], %swap3A_276 {strides = array<i32>} : memref<128xi32, #tpu.memory_space<vmem>>, vector<16xi32>,
    %get3A_277 = arith.constant 16 : index
    %get3A_278 = tpu.vector_load %arg5[%get3A_277] {strides = array<i32>} : memref<128xi32, #tpu.memory_space<vmem>>, vector<16xi32>,
    %get3A_279 = vector.shape_cast %get3A_278 : vector<16xi32> to vector<16xi32>
    %add3A_280 = arith.constant 300000 : i32
    %add3A_281 = vector.broadcast %add3A_280 : i32 to vector<16xi32>
    %add3A_282 = arith.addi %get3A_279, %add3A_281 : vector<16xi32>
    %swap3A_283 = arith.constant 16 : index
    %swap3A_284 = tpu.vector_load %arg5[%swap3A_283] {strides = array<i32>} : memref<128xi32, #tpu.memory_space<vmem>>, vector<16xi32>,
    %swap3A_285 = vector.shape_cast %swap3A_284 : vector<16xi32> to vector<16xi32>
    %swap3A_286 = vector.shape_cast %add3A_282 : vector<16xi32> to vector<16xi32>
    tpu.vector_store %arg5[%swap3A_283], %swap3A_286 {strides = array<i32>} : memref<128xi32, #tpu.memory_space<vmem>>, vector<16xi32>,
    %get3A_287 = arith.constant 32 : index
    %get3A_288 = tpu.vector_load %arg5[%get3A_287] {strides = array<i32>} : memref<128xi32, #tpu.memory_space<vmem>>, vector<16xi32>,
    %get3A_289 = vector.shape_cast %get3A_288 : vector<16xi32> to vector<16xi32>
    %add3A_290 = arith.constant 300000 : i32
    %add3A_291 = vector.broadcast %add3A_290 : i32 to vector<16xi32>
    %add3A_292 = arith.addi %get3A_289, %add3A_291 : vector<16xi32>
    %swap3A_293 = arith.constant 32 : index
    %swap3A_294 = tpu.vector_load %arg5[%swap3A_293] {strides = array<i32>} : memref<128xi32, #tpu.memory_space<vmem>>, vector<16xi32>,
    %swap3A_295 = vector.shape_cast %swap3A_294 : vector<16xi32> to vector<16xi32>
    %swap3A_296 = vector.shape_cast %add3A_292 : vector<16xi32> to vector<16xi32>
    tpu.vector_store %arg5[%swap3A_293], %swap3A_296 {strides = array<i32>} : memref<128xi32, #tpu.memory_space<vmem>>, vector<16xi32>,
    %get3A_297 = arith.constant 48 : index
    %get3A_298 = tpu.vector_load %arg5[%get3A_297] {strides = array<i32>} : memref<128xi32, #tpu.memory_space<vmem>>, vector<16xi32>,
    %get3A_299 = vector.shape_cast %get3A_298 : vector<16xi32> to vector<16xi32>
    %add3A_300 = arith.constant 300000 : i32
    %add3A_301 = vector.broadcast %add3A_300 : i32 to vector<16xi32>
    %add3A_302 = arith.addi %get3A_299, %add3A_301 : vector<16xi32>
    %swap3A_303 = arith.constant 48 : index
    %swap3A_304 = tpu.vector_load %arg5[%swap3A_303] {strides = array<i32>} : memref<128xi32, #tpu.memory_space<vmem>>, vector<16xi32>,
    %swap3A_305 = vector.shape_cast %swap3A_304 : vector<16xi32> to vector<16xi32>
    %swap3A_306 = vector.shape_cast %add3A_302 : vector<16xi32> to vector<16xi32>
    tpu.vector_store %arg5[%swap3A_303], %swap3A_306 {strides = array<i32>} : memref<128xi32, #tpu.memory_space<vmem>>, vector<16xi32>,
    %get3A_307 = arith.constant 64 : index
    %get3A_308 = tpu.vector_load %arg5[%get3A_307] {strides = array<i32>} : memref<128xi32, #tpu.memory_space<vmem>>, vector<16xi32>,
    %get3A_309 = vector.shape_cast %get3A_308 : vector<16xi32> to vector<16xi32>
    %add3A_310 = arith.constant 300000 : i32
    %add3A_311 = vector.broadcast %add3A_310 : i32 to vector<16xi32>
    %add3A_312 = arith.addi %get3A_309, %add3A_311 : vector<16xi32>
    %swap3A_313 = arith.constant 64 : index
    %swap3A_314 = tpu.vector_load %arg5[%swap3A_313] {strides = array<i32>} : memref<128xi32, #tpu.memory_space<vmem>>, vector<16xi32>,
    %swap3A_315 = vector.shape_cast %swap3A_314 : vector<16xi32> to vector<16xi32>
    %swap3A_316 = vector.shape_cast %add3A_312 : vector<16xi32> to vector<16xi32>
    tpu.vector_store %arg5[%swap3A_313], %swap3A_316 {strides = array<i32>} : memref<128xi32, #tpu.memory_space<vmem>>, vector<16xi32>,
    %get3A_317 = arith.constant 80 : index
    %get3A_318 = tpu.vector_load %arg5[%get3A_317] {strides = array<i32>} : memref<128xi32, #tpu.memory_space<vmem>>, vector<16xi32>,
    %get3A_319 = vector.shape_cast %get3A_318 : vector<16xi32> to vector<16xi32>
    %add3A_320 = arith.constant 300000 : i32
    %add3A_321 = vector.broadcast %add3A_320 : i32 to vector<16xi32>
    %add3A_322 = arith.addi %get3A_319, %add3A_321 : vector<16xi32>
    %swap3A_323 = arith.constant 80 : index
    %swap3A_324 = tpu.vector_load %arg5[%swap3A_323] {strides = array<i32>} : memref<128xi32, #tpu.memory_space<vmem>>, vector<16xi32>,
    %swap3A_325 = vector.shape_cast %swap3A_324 : vector<16xi32> to vector<16xi32>
    %swap3A_326 = vector.shape_cast %add3A_322 : vector<16xi32> to vector<16xi32>
    tpu.vector_store %arg5[%swap3A_323], %swap3A_326 {strides = array<i32>} : memref<128xi32, #tpu.memory_space<vmem>>, vector<16xi32>,
    %get3A_327 = arith.constant 96 : index
    %get3A_328 = tpu.vector_load %arg5[%get3A_327] {strides = array<i32>} : memref<128xi32, #tpu.memory_space<vmem>>, vector<16xi32>,
    %get3A_329 = vector.shape_cast %get3A_328 : vector<16xi32> to vector<16xi32>
    %add3A_330 = arith.constant 300000 : i32
    %add3A_331 = vector.broadcast %add3A_330 : i32 to vector<16xi32>
    %add3A_332 = arith.addi %get3A_329, %add3A_331 : vector<16xi32>
    %swap3A_333 = arith.constant 96 : index
    %swap3A_334 = tpu.vector_load %arg5[%swap3A_333] {strides = array<i32>} : memref<128xi32, #tpu.memory_space<vmem>>, vector<16xi32>,
    %swap3A_335 = vector.shape_cast %swap3A_334 : vector<16xi32> to vector<16xi32>
    %swap3A_336 = vector.shape_cast %add3A_332 : vector<16xi32> to vector<16xi32>
    tpu.vector_store %arg5[%swap3A_333], %swap3A_336 {strides = array<i32>} : memref<128xi32, #tpu.memory_space<vmem>>, vector<16xi32>,
    %get3A_337 = arith.constant 112 : index
    %get3A_338 = tpu.vector_load %arg5[%get3A_337] {strides = array<i32>} : memref<128xi32, #tpu.memory_space<vmem>>, vector<16xi32>,
    %get3A_339 = vector.shape_cast %get3A_338 : vector<16xi32> to vector<16xi32>
    %add3A_340 = arith.constant 300000 : i32
    %add3A_341 = vector.broadcast %add3A_340 : i32 to vector<16xi32>
    %add3A_342 = arith.addi %get3A_339, %add3A_341 : vector<16xi32>
    %swap3A_343 = arith.constant 112 : index
    %swap3A_344 = tpu.vector_load %arg5[%swap3A_343] {strides = array<i32>} : memref<128xi32, #tpu.memory_space<vmem>>, vector<16xi32>,
    %swap3A_345 = vector.shape_cast %swap3A_344 : vector<16xi32> to vector<16xi32>
    %swap3A_346 = vector.shape_cast %add3A_342 : vector<16xi32> to vector<16xi32>
    tpu.vector_store %arg5[%swap3A_343], %swap3A_346 {strides = array<i32>} : memref<128xi32, #tpu.memory_space<vmem>>, vector<16xi32>,
    %dma_start3A_347 = arith.constant 0 : i32
    %dma_start3A_348 = arith.constant 0 : i32
    %dma_start3A_349 = tpu.memref_slice %arg3[%dma_start3A_347, %dma_start3A_348] : memref<2600000x32xf32, #tpu.memory_space<hbm>> -> memref<2600000x32xf32, #tpu.memory_space<hbm>>
    tpu.enqueue_indirect_dma source(%dma_start3A_349 : memref<2600000x32xf32, #tpu.memory_space<hbm>>) target(%arg6 : memref<128x32xf32, #tpu.memory_space<vmem>>) offsets(%arg5 : memref<128xi32, #tpu.memory_space<vmem>>) semaphore(%arg7 : memref<!tpu.dma_semaphore, #tpu.memory_space<semaphore_mem>>)
    %dma_wait3A_350 = arith.constant 0 : i32
    %dma_wait3A_351 = arith.constant 0 : i32
    %dma_wait3A_352 = tpu.memref_slice %arg3[%dma_wait3A_350, %dma_wait3A_351] : memref<2600000x32xf32, #tpu.memory_space<hbm>> -> memref<2600000x32xf32, #tpu.memory_space<hbm>>
    tpu.wait_indirect_dma semaphore(%arg7 : memref<!tpu.dma_semaphore, #tpu.memory_space<semaphore_mem>>) src(%dma_wait3A_352 : memref<2600000x32xf32, #tpu.memory_space<hbm>>) dst(%arg6 : memref<128x32xf32, #tpu.memory_space<vmem>>)
    %run_scoped3A_353 = arith.constant 3 : i32
    "tpu.region"() ({
      %run_scoped3A_2312 = tpu.sem_alloc : memref<!tpu.dma_semaphore, #tpu.memory_space<semaphore_mem>>
      %dma_start3A_2313 = arith.constant 0 : i32
      %dma_start3A_2314 = tpu.memref_slice %arg4[%run_scoped3A_353, %mul3A_2, %dma_start3A_2313] : memref<26x4096x32xf32, #tpu.memory_space<hbm>> -> memref<1x128x32xf32, #tpu.memory_space<hbm>>
      %dma_start3A_2315 = tpu.memref_squeeze %dma_start3A_2314 : memref<1x128x32xf32, #tpu.memory_space<hbm>> -> memref<128x32xf32, #tpu.memory_space<hbm>>
      %dma_start3A_2316 = arith.constant 0 : i32
      %dma_start3A_2317 = tpu.memref_slice %arg4[%run_scoped3A_353, %mul3A_2, %dma_start3A_2316] : memref<26x4096x32xf32, #tpu.memory_space<hbm>> -> memref<1x128x32xf32, #tpu.memory_space<hbm>>
      %dma_start3A_2318 = tpu.memref_squeeze %dma_start3A_2317 : memref<1x128x32xf32, #tpu.memory_space<hbm>> -> memref<128x32xf32, #tpu.memory_space<hbm>>
      tpu.enqueue_dma source(%arg6 : memref<128x32xf32, #tpu.memory_space<vmem>>) target(%dma_start3A_2318 : memref<128x32xf32, #tpu.memory_space<hbm>>) target_semaphore(%run_scoped3A_2312 : memref<!tpu.dma_semaphore, #tpu.memory_space<semaphore_mem>>)
      %dma_wait3A_2319 = arith.constant 0 : i32
      %dma_wait3A_2320 = tpu.memref_slice %arg4[%run_scoped3A_353, %mul3A_2, %dma_wait3A_2319] : memref<26x4096x32xf32, #tpu.memory_space<hbm>> -> memref<1x128x32xf32, #tpu.memory_space<hbm>>
      %dma_wait3A_2321 = tpu.memref_squeeze %dma_wait3A_2320 : memref<1x128x32xf32, #tpu.memory_space<hbm>> -> memref<128x32xf32, #tpu.memory_space<hbm>>
      %dma_wait3A_2322 = arith.constant 0 : i32
      %dma_wait3A_2323 = tpu.memref_slice %arg4[%run_scoped3A_353, %mul3A_2, %dma_wait3A_2322] : memref<26x4096x32xf32, #tpu.memory_space<hbm>> -> memref<1x128x32xf32, #tpu.memory_space<hbm>>
      %dma_wait3A_2324 = tpu.memref_squeeze %dma_wait3A_2323 : memref<1x128x32xf32, #tpu.memory_space<hbm>> -> memref<128x32xf32, #tpu.memory_space<hbm>>
      tpu.wait_dma2 semaphore(%run_scoped3A_2312 : memref<!tpu.dma_semaphore, #tpu.memory_space<semaphore_mem>>) src(%arg6 : memref<128x32xf32, #tpu.memory_space<vmem>>) dst(%dma_wait3A_2324 : memref<128x32xf32, #tpu.memory_space<hbm>>)
      tpu.yield
    }) : () -> ()
    %add3A_354 = arith.constant 16384 : i32
    %add3A_355 = arith.addi %add3A_354, %mul3A_2 : i32
    "tpu.region"() ({
      %run_scoped3A_2312 = tpu.sem_alloc : memref<!tpu.dma_semaphore, #tpu.memory_space<semaphore_mem>>
      %dma_start3A_2313 = tpu.memref_slice %arg2[%add3A_355] : memref<106496xi32, #tpu.memory_space<hbm>> -> memref<128xi32, #tpu.memory_space<hbm>>
      %dma_start3A_2314 = tpu.memref_slice %arg2[%add3A_355] : memref<106496xi32, #tpu.memory_space<hbm>> -> memref<128xi32, #tpu.memory_space<hbm>>
      tpu.enqueue_dma source(%dma_start3A_2314 : memref<128xi32, #tpu.memory_space<hbm>>) target(%arg5 : memref<128xi32, #tpu.memory_space<vmem>>) target_semaphore(%run_scoped3A_2312 : memref<!tpu.dma_semaphore, #tpu.memory_space<semaphore_mem>>)
      %dma_wait3A_2315 = tpu.memref_slice %arg2[%add3A_355] : memref<106496xi32, #tpu.memory_space<hbm>> -> memref<128xi32, #tpu.memory_space<hbm>>
      %dma_wait3A_2316 = tpu.memref_slice %arg2[%add3A_355] : memref<106496xi32, #tpu.memory_space<hbm>> -> memref<128xi32, #tpu.memory_space<hbm>>
      tpu.wait_dma2 semaphore(%run_scoped3A_2312 : memref<!tpu.dma_semaphore, #tpu.memory_space<semaphore_mem>>) src(%dma_wait3A_2316 : memref<128xi32, #tpu.memory_space<hbm>>) dst(%arg5 : memref<128xi32, #tpu.memory_space<vmem>>)
      tpu.yield
    }) : () -> ()
    %get3A_356 = arith.constant 0 : index
    %get3A_357 = tpu.vector_load %arg5[%get3A_356] {strides = array<i32>} : memref<128xi32, #tpu.memory_space<vmem>>, vector<16xi32>,
    %get3A_358 = vector.shape_cast %get3A_357 : vector<16xi32> to vector<16xi32>
    %add3A_359 = arith.constant 400000 : i32
    %add3A_360 = vector.broadcast %add3A_359 : i32 to vector<16xi32>
    %add3A_361 = arith.addi %get3A_358, %add3A_360 : vector<16xi32>
    %swap3A_362 = arith.constant 0 : index
    %swap3A_363 = tpu.vector_load %arg5[%swap3A_362] {strides = array<i32>} : memref<128xi32, #tpu.memory_space<vmem>>, vector<16xi32>,
    %swap3A_364 = vector.shape_cast %swap3A_363 : vector<16xi32> to vector<16xi32>
    %swap3A_365 = vector.shape_cast %add3A_361 : vector<16xi32> to vector<16xi32>
    tpu.vector_store %arg5[%swap3A_362], %swap3A_365 {strides = array<i32>} : memref<128xi32, #tpu.memory_space<vmem>>, vector<16xi32>,
    %get3A_366 = arith.constant 16 : index
    %get3A_367 = tpu.vector_load %arg5[%get3A_366] {strides = array<i32>} : memref<128xi32, #tpu.memory_space<vmem>>, vector<16xi32>,
    %get3A_368 = vector.shape_cast %get3A_367 : vector<16xi32> to vector<16xi32>
    %add3A_369 = arith.constant 400000 : i32
    %add3A_370 = vector.broadcast %add3A_369 : i32 to vector<16xi32>
    %add3A_371 = arith.addi %get3A_368, %add3A_370 : vector<16xi32>
    %swap3A_372 = arith.constant 16 : index
    %swap3A_373 = tpu.vector_load %arg5[%swap3A_372] {strides = array<i32>} : memref<128xi32, #tpu.memory_space<vmem>>, vector<16xi32>,
    %swap3A_374 = vector.shape_cast %swap3A_373 : vector<16xi32> to vector<16xi32>
    %swap3A_375 = vector.shape_cast %add3A_371 : vector<16xi32> to vector<16xi32>
    tpu.vector_store %arg5[%swap3A_372], %swap3A_375 {strides = array<i32>} : memref<128xi32, #tpu.memory_space<vmem>>, vector<16xi32>,
    %get3A_376 = arith.constant 32 : index
    %get3A_377 = tpu.vector_load %arg5[%get3A_376] {strides = array<i32>} : memref<128xi32, #tpu.memory_space<vmem>>, vector<16xi32>,
    %get3A_378 = vector.shape_cast %get3A_377 : vector<16xi32> to vector<16xi32>
    %add3A_379 = arith.constant 400000 : i32
    %add3A_380 = vector.broadcast %add3A_379 : i32 to vector<16xi32>
    %add3A_381 = arith.addi %get3A_378, %add3A_380 : vector<16xi32>
    %swap3A_382 = arith.constant 32 : index
    %swap3A_383 = tpu.vector_load %arg5[%swap3A_382] {strides = array<i32>} : memref<128xi32, #tpu.memory_space<vmem>>, vector<16xi32>,
    %swap3A_384 = vector.shape_cast %swap3A_383 : vector<16xi32> to vector<16xi32>
    %swap3A_385 = vector.shape_cast %add3A_381 : vector<16xi32> to vector<16xi32>
    tpu.vector_store %arg5[%swap3A_382], %swap3A_385 {strides = array<i32>} : memref<128xi32, #tpu.memory_space<vmem>>, vector<16xi32>,
    %get3A_386 = arith.constant 48 : index
    %get3A_387 = tpu.vector_load %arg5[%get3A_386] {strides = array<i32>} : memref<128xi32, #tpu.memory_space<vmem>>, vector<16xi32>,
    %get3A_388 = vector.shape_cast %get3A_387 : vector<16xi32> to vector<16xi32>
    %add3A_389 = arith.constant 400000 : i32
    %add3A_390 = vector.broadcast %add3A_389 : i32 to vector<16xi32>
    %add3A_391 = arith.addi %get3A_388, %add3A_390 : vector<16xi32>
    %swap3A_392 = arith.constant 48 : index
    %swap3A_393 = tpu.vector_load %arg5[%swap3A_392] {strides = array<i32>} : memref<128xi32, #tpu.memory_space<vmem>>, vector<16xi32>,
    %swap3A_394 = vector.shape_cast %swap3A_393 : vector<16xi32> to vector<16xi32>
    %swap3A_395 = vector.shape_cast %add3A_391 : vector<16xi32> to vector<16xi32>
    tpu.vector_store %arg5[%swap3A_392], %swap3A_395 {strides = array<i32>} : memref<128xi32, #tpu.memory_space<vmem>>, vector<16xi32>,
    %get3A_396 = arith.constant 64 : index
    %get3A_397 = tpu.vector_load %arg5[%get3A_396] {strides = array<i32>} : memref<128xi32, #tpu.memory_space<vmem>>, vector<16xi32>,
    %get3A_398 = vector.shape_cast %get3A_397 : vector<16xi32> to vector<16xi32>
    %add3A_399 = arith.constant 400000 : i32
    %add3A_400 = vector.broadcast %add3A_399 : i32 to vector<16xi32>
    %add3A_401 = arith.addi %get3A_398, %add3A_400 : vector<16xi32>
    %swap3A_402 = arith.constant 64 : index
    %swap3A_403 = tpu.vector_load %arg5[%swap3A_402] {strides = array<i32>} : memref<128xi32, #tpu.memory_space<vmem>>, vector<16xi32>,
    %swap3A_404 = vector.shape_cast %swap3A_403 : vector<16xi32> to vector<16xi32>
    %swap3A_405 = vector.shape_cast %add3A_401 : vector<16xi32> to vector<16xi32>
    tpu.vector_store %arg5[%swap3A_402], %swap3A_405 {strides = array<i32>} : memref<128xi32, #tpu.memory_space<vmem>>, vector<16xi32>,
    %get3A_406 = arith.constant 80 : index
    %get3A_407 = tpu.vector_load %arg5[%get3A_406] {strides = array<i32>} : memref<128xi32, #tpu.memory_space<vmem>>, vector<16xi32>,
    %get3A_408 = vector.shape_cast %get3A_407 : vector<16xi32> to vector<16xi32>
    %add3A_409 = arith.constant 400000 : i32
    %add3A_410 = vector.broadcast %add3A_409 : i32 to vector<16xi32>
    %add3A_411 = arith.addi %get3A_408, %add3A_410 : vector<16xi32>
    %swap3A_412 = arith.constant 80 : index
    %swap3A_413 = tpu.vector_load %arg5[%swap3A_412] {strides = array<i32>} : memref<128xi32, #tpu.memory_space<vmem>>, vector<16xi32>,
    %swap3A_414 = vector.shape_cast %swap3A_413 : vector<16xi32> to vector<16xi32>
    %swap3A_415 = vector.shape_cast %add3A_411 : vector<16xi32> to vector<16xi32>
    tpu.vector_store %arg5[%swap3A_412], %swap3A_415 {strides = array<i32>} : memref<128xi32, #tpu.memory_space<vmem>>, vector<16xi32>,
    %get3A_416 = arith.constant 96 : index
    %get3A_417 = tpu.vector_load %arg5[%get3A_416] {strides = array<i32>} : memref<128xi32, #tpu.memory_space<vmem>>, vector<16xi32>,
    %get3A_418 = vector.shape_cast %get3A_417 : vector<16xi32> to vector<16xi32>
    %add3A_419 = arith.constant 400000 : i32
    %add3A_420 = vector.broadcast %add3A_419 : i32 to vector<16xi32>
    %add3A_421 = arith.addi %get3A_418, %add3A_420 : vector<16xi32>
    %swap3A_422 = arith.constant 96 : index
    %swap3A_423 = tpu.vector_load %arg5[%swap3A_422] {strides = array<i32>} : memref<128xi32, #tpu.memory_space<vmem>>, vector<16xi32>,
    %swap3A_424 = vector.shape_cast %swap3A_423 : vector<16xi32> to vector<16xi32>
    %swap3A_425 = vector.shape_cast %add3A_421 : vector<16xi32> to vector<16xi32>
    tpu.vector_store %arg5[%swap3A_422], %swap3A_425 {strides = array<i32>} : memref<128xi32, #tpu.memory_space<vmem>>, vector<16xi32>,
    %get3A_426 = arith.constant 112 : index
    %get3A_427 = tpu.vector_load %arg5[%get3A_426] {strides = array<i32>} : memref<128xi32, #tpu.memory_space<vmem>>, vector<16xi32>,
    %get3A_428 = vector.shape_cast %get3A_427 : vector<16xi32> to vector<16xi32>
    %add3A_429 = arith.constant 400000 : i32
    %add3A_430 = vector.broadcast %add3A_429 : i32 to vector<16xi32>
    %add3A_431 = arith.addi %get3A_428, %add3A_430 : vector<16xi32>
    %swap3A_432 = arith.constant 112 : index
    %swap3A_433 = tpu.vector_load %arg5[%swap3A_432] {strides = array<i32>} : memref<128xi32, #tpu.memory_space<vmem>>, vector<16xi32>,
    %swap3A_434 = vector.shape_cast %swap3A_433 : vector<16xi32> to vector<16xi32>
    %swap3A_435 = vector.shape_cast %add3A_431 : vector<16xi32> to vector<16xi32>
    tpu.vector_store %arg5[%swap3A_432], %swap3A_435 {strides = array<i32>} : memref<128xi32, #tpu.memory_space<vmem>>, vector<16xi32>,
    %dma_start3A_436 = arith.constant 0 : i32
    %dma_start3A_437 = arith.constant 0 : i32
    %dma_start3A_438 = tpu.memref_slice %arg3[%dma_start3A_436, %dma_start3A_437] : memref<2600000x32xf32, #tpu.memory_space<hbm>> -> memref<2600000x32xf32, #tpu.memory_space<hbm>>
    tpu.enqueue_indirect_dma source(%dma_start3A_438 : memref<2600000x32xf32, #tpu.memory_space<hbm>>) target(%arg6 : memref<128x32xf32, #tpu.memory_space<vmem>>) offsets(%arg5 : memref<128xi32, #tpu.memory_space<vmem>>) semaphore(%arg7 : memref<!tpu.dma_semaphore, #tpu.memory_space<semaphore_mem>>)
    %dma_wait3A_439 = arith.constant 0 : i32
    %dma_wait3A_440 = arith.constant 0 : i32
    %dma_wait3A_441 = tpu.memref_slice %arg3[%dma_wait3A_439, %dma_wait3A_440] : memref<2600000x32xf32, #tpu.memory_space<hbm>> -> memref<2600000x32xf32, #tpu.memory_space<hbm>>
    tpu.wait_indirect_dma semaphore(%arg7 : memref<!tpu.dma_semaphore, #tpu.memory_space<semaphore_mem>>) src(%dma_wait3A_441 : memref<2600000x32xf32, #tpu.memory_space<hbm>>) dst(%arg6 : memref<128x32xf32, #tpu.memory_space<vmem>>)
    %run_scoped3A_442 = arith.constant 4 : i32
    "tpu.region"() ({
      %run_scoped3A_2312 = tpu.sem_alloc : memref<!tpu.dma_semaphore, #tpu.memory_space<semaphore_mem>>
      %dma_start3A_2313 = arith.constant 0 : i32
      %dma_start3A_2314 = tpu.memref_slice %arg4[%run_scoped3A_442, %mul3A_2, %dma_start3A_2313] : memref<26x4096x32xf32, #tpu.memory_space<hbm>> -> memref<1x128x32xf32, #tpu.memory_space<hbm>>
      %dma_start3A_2315 = tpu.memref_squeeze %dma_start3A_2314 : memref<1x128x32xf32, #tpu.memory_space<hbm>> -> memref<128x32xf32, #tpu.memory_space<hbm>>
      %dma_start3A_2316 = arith.constant 0 : i32
      %dma_start3A_2317 = tpu.memref_slice %arg4[%run_scoped3A_442, %mul3A_2, %dma_start3A_2316] : memref<26x4096x32xf32, #tpu.memory_space<hbm>> -> memref<1x128x32xf32, #tpu.memory_space<hbm>>
      %dma_start3A_2318 = tpu.memref_squeeze %dma_start3A_2317 : memref<1x128x32xf32, #tpu.memory_space<hbm>> -> memref<128x32xf32, #tpu.memory_space<hbm>>
      tpu.enqueue_dma source(%arg6 : memref<128x32xf32, #tpu.memory_space<vmem>>) target(%dma_start3A_2318 : memref<128x32xf32, #tpu.memory_space<hbm>>) target_semaphore(%run_scoped3A_2312 : memref<!tpu.dma_semaphore, #tpu.memory_space<semaphore_mem>>)
      %dma_wait3A_2319 = arith.constant 0 : i32
      %dma_wait3A_2320 = tpu.memref_slice %arg4[%run_scoped3A_442, %mul3A_2, %dma_wait3A_2319] : memref<26x4096x32xf32, #tpu.memory_space<hbm>> -> memref<1x128x32xf32, #tpu.memory_space<hbm>>
      %dma_wait3A_2321 = tpu.memref_squeeze %dma_wait3A_2320 : memref<1x128x32xf32, #tpu.memory_space<hbm>> -> memref<128x32xf32, #tpu.memory_space<hbm>>
      %dma_wait3A_2322 = arith.constant 0 : i32
      %dma_wait3A_2323 = tpu.memref_slice %arg4[%run_scoped3A_442, %mul3A_2, %dma_wait3A_2322] : memref<26x4096x32xf32, #tpu.memory_space<hbm>> -> memref<1x128x32xf32, #tpu.memory_space<hbm>>
      %dma_wait3A_2324 = tpu.memref_squeeze %dma_wait3A_2323 : memref<1x128x32xf32, #tpu.memory_space<hbm>> -> memref<128x32xf32, #tpu.memory_space<hbm>>
      tpu.wait_dma2 semaphore(%run_scoped3A_2312 : memref<!tpu.dma_semaphore, #tpu.memory_space<semaphore_mem>>) src(%arg6 : memref<128x32xf32, #tpu.memory_space<vmem>>) dst(%dma_wait3A_2324 : memref<128x32xf32, #tpu.memory_space<hbm>>)
      tpu.yield
    }) : () -> ()
    %add3A_443 = arith.constant 20480 : i32
    %add3A_444 = arith.addi %add3A_443, %mul3A_2 : i32
    "tpu.region"() ({
      %run_scoped3A_2312 = tpu.sem_alloc : memref<!tpu.dma_semaphore, #tpu.memory_space<semaphore_mem>>
      %dma_start3A_2313 = tpu.memref_slice %arg2[%add3A_444] : memref<106496xi32, #tpu.memory_space<hbm>> -> memref<128xi32, #tpu.memory_space<hbm>>
      %dma_start3A_2314 = tpu.memref_slice %arg2[%add3A_444] : memref<106496xi32, #tpu.memory_space<hbm>> -> memref<128xi32, #tpu.memory_space<hbm>>
      tpu.enqueue_dma source(%dma_start3A_2314 : memref<128xi32, #tpu.memory_space<hbm>>) target(%arg5 : memref<128xi32, #tpu.memory_space<vmem>>) target_semaphore(%run_scoped3A_2312 : memref<!tpu.dma_semaphore, #tpu.memory_space<semaphore_mem>>)
      %dma_wait3A_2315 = tpu.memref_slice %arg2[%add3A_444] : memref<106496xi32, #tpu.memory_space<hbm>> -> memref<128xi32, #tpu.memory_space<hbm>>
      %dma_wait3A_2316 = tpu.memref_slice %arg2[%add3A_444] : memref<106496xi32, #tpu.memory_space<hbm>> -> memref<128xi32, #tpu.memory_space<hbm>>
      tpu.wait_dma2 semaphore(%run_scoped3A_2312 : memref<!tpu.dma_semaphore, #tpu.memory_space<semaphore_mem>>) src(%dma_wait3A_2316 : memref<128xi32, #tpu.memory_space<hbm>>) dst(%arg5 : memref<128xi32, #tpu.memory_space<vmem>>)
      tpu.yield
    }) : () -> ()
    %get3A_445 = arith.constant 0 : index
    %get3A_446 = tpu.vector_load %arg5[%get3A_445] {strides = array<i32>} : memref<128xi32, #tpu.memory_space<vmem>>, vector<16xi32>,
    %get3A_447 = vector.shape_cast %get3A_446 : vector<16xi32> to vector<16xi32>
    %add3A_448 = arith.constant 500000 : i32
    %add3A_449 = vector.broadcast %add3A_448 : i32 to vector<16xi32>
    %add3A_450 = arith.addi %get3A_447, %add3A_449 : vector<16xi32>
    %swap3A_451 = arith.constant 0 : index
    %swap3A_452 = tpu.vector_load %arg5[%swap3A_451] {strides = array<i32>} : memref<128xi32, #tpu.memory_space<vmem>>, vector<16xi32>,
    %swap3A_453 = vector.shape_cast %swap3A_452 : vector<16xi32> to vector<16xi32>
    %swap3A_454 = vector.shape_cast %add3A_450 : vector<16xi32> to vector<16xi32>
    tpu.vector_store %arg5[%swap3A_451], %swap3A_454 {strides = array<i32>} : memref<128xi32, #tpu.memory_space<vmem>>, vector<16xi32>,
    %get3A_455 = arith.constant 16 : index
    %get3A_456 = tpu.vector_load %arg5[%get3A_455] {strides = array<i32>} : memref<128xi32, #tpu.memory_space<vmem>>, vector<16xi32>,
    %get3A_457 = vector.shape_cast %get3A_456 : vector<16xi32> to vector<16xi32>
    %add3A_458 = arith.constant 500000 : i32
    %add3A_459 = vector.broadcast %add3A_458 : i32 to vector<16xi32>
    %add3A_460 = arith.addi %get3A_457, %add3A_459 : vector<16xi32>
    %swap3A_461 = arith.constant 16 : index
    %swap3A_462 = tpu.vector_load %arg5[%swap3A_461] {strides = array<i32>} : memref<128xi32, #tpu.memory_space<vmem>>, vector<16xi32>,
    %swap3A_463 = vector.shape_cast %swap3A_462 : vector<16xi32> to vector<16xi32>
    %swap3A_464 = vector.shape_cast %add3A_460 : vector<16xi32> to vector<16xi32>
    tpu.vector_store %arg5[%swap3A_461], %swap3A_464 {strides = array<i32>} : memref<128xi32, #tpu.memory_space<vmem>>, vector<16xi32>,
    %get3A_465 = arith.constant 32 : index
    %get3A_466 = tpu.vector_load %arg5[%get3A_465] {strides = array<i32>} : memref<128xi32, #tpu.memory_space<vmem>>, vector<16xi32>,
    %get3A_467 = vector.shape_cast %get3A_466 : vector<16xi32> to vector<16xi32>
    %add3A_468 = arith.constant 500000 : i32
    %add3A_469 = vector.broadcast %add3A_468 : i32 to vector<16xi32>
    %add3A_470 = arith.addi %get3A_467, %add3A_469 : vector<16xi32>
    %swap3A_471 = arith.constant 32 : index
    %swap3A_472 = tpu.vector_load %arg5[%swap3A_471] {strides = array<i32>} : memref<128xi32, #tpu.memory_space<vmem>>, vector<16xi32>,
    %swap3A_473 = vector.shape_cast %swap3A_472 : vector<16xi32> to vector<16xi32>
    %swap3A_474 = vector.shape_cast %add3A_470 : vector<16xi32> to vector<16xi32>
    tpu.vector_store %arg5[%swap3A_471], %swap3A_474 {strides = array<i32>} : memref<128xi32, #tpu.memory_space<vmem>>, vector<16xi32>,
    %get3A_475 = arith.constant 48 : index
    %get3A_476 = tpu.vector_load %arg5[%get3A_475] {strides = array<i32>} : memref<128xi32, #tpu.memory_space<vmem>>, vector<16xi32>,
    %get3A_477 = vector.shape_cast %get3A_476 : vector<16xi32> to vector<16xi32>
    %add3A_478 = arith.constant 500000 : i32
    %add3A_479 = vector.broadcast %add3A_478 : i32 to vector<16xi32>
    %add3A_480 = arith.addi %get3A_477, %add3A_479 : vector<16xi32>
    %swap3A_481 = arith.constant 48 : index
    %swap3A_482 = tpu.vector_load %arg5[%swap3A_481] {strides = array<i32>} : memref<128xi32, #tpu.memory_space<vmem>>, vector<16xi32>,
    %swap3A_483 = vector.shape_cast %swap3A_482 : vector<16xi32> to vector<16xi32>
    %swap3A_484 = vector.shape_cast %add3A_480 : vector<16xi32> to vector<16xi32>
    tpu.vector_store %arg5[%swap3A_481], %swap3A_484 {strides = array<i32>} : memref<128xi32, #tpu.memory_space<vmem>>, vector<16xi32>,
    %get3A_485 = arith.constant 64 : index
    %get3A_486 = tpu.vector_load %arg5[%get3A_485] {strides = array<i32>} : memref<128xi32, #tpu.memory_space<vmem>>, vector<16xi32>,
    %get3A_487 = vector.shape_cast %get3A_486 : vector<16xi32> to vector<16xi32>
    %add3A_488 = arith.constant 500000 : i32
    %add3A_489 = vector.broadcast %add3A_488 : i32 to vector<16xi32>
    %add3A_490 = arith.addi %get3A_487, %add3A_489 : vector<16xi32>
    %swap3A_491 = arith.constant 64 : index
    %swap3A_492 = tpu.vector_load %arg5[%swap3A_491] {strides = array<i32>} : memref<128xi32, #tpu.memory_space<vmem>>, vector<16xi32>,
    %swap3A_493 = vector.shape_cast %swap3A_492 : vector<16xi32> to vector<16xi32>
    %swap3A_494 = vector.shape_cast %add3A_490 : vector<16xi32> to vector<16xi32>
    tpu.vector_store %arg5[%swap3A_491], %swap3A_494 {strides = array<i32>} : memref<128xi32, #tpu.memory_space<vmem>>, vector<16xi32>,
    %get3A_495 = arith.constant 80 : index
    %get3A_496 = tpu.vector_load %arg5[%get3A_495] {strides = array<i32>} : memref<128xi32, #tpu.memory_space<vmem>>, vector<16xi32>,
    %get3A_497 = vector.shape_cast %get3A_496 : vector<16xi32> to vector<16xi32>
    %add3A_498 = arith.constant 500000 : i32
    %add3A_499 = vector.broadcast %add3A_498 : i32 to vector<16xi32>
    %add3A_500 = arith.addi %get3A_497, %add3A_499 : vector<16xi32>
    %swap3A_501 = arith.constant 80 : index
    %swap3A_502 = tpu.vector_load %arg5[%swap3A_501] {strides = array<i32>} : memref<128xi32, #tpu.memory_space<vmem>>, vector<16xi32>,
    %swap3A_503 = vector.shape_cast %swap3A_502 : vector<16xi32> to vector<16xi32>
    %swap3A_504 = vector.shape_cast %add3A_500 : vector<16xi32> to vector<16xi32>
    tpu.vector_store %arg5[%swap3A_501], %swap3A_504 {strides = array<i32>} : memref<128xi32, #tpu.memory_space<vmem>>, vector<16xi32>,
    %get3A_505 = arith.constant 96 : index
    %get3A_506 = tpu.vector_load %arg5[%get3A_505] {strides = array<i32>} : memref<128xi32, #tpu.memory_space<vmem>>, vector<16xi32>,
    %get3A_507 = vector.shape_cast %get3A_506 : vector<16xi32> to vector<16xi32>
    %add3A_508 = arith.constant 500000 : i32
    %add3A_509 = vector.broadcast %add3A_508 : i32 to vector<16xi32>
    %add3A_510 = arith.addi %get3A_507, %add3A_509 : vector<16xi32>
    %swap3A_511 = arith.constant 96 : index
    %swap3A_512 = tpu.vector_load %arg5[%swap3A_511] {strides = array<i32>} : memref<128xi32, #tpu.memory_space<vmem>>, vector<16xi32>,
    %swap3A_513 = vector.shape_cast %swap3A_512 : vector<16xi32> to vector<16xi32>
    %swap3A_514 = vector.shape_cast %add3A_510 : vector<16xi32> to vector<16xi32>
    tpu.vector_store %arg5[%swap3A_511], %swap3A_514 {strides = array<i32>} : memref<128xi32, #tpu.memory_space<vmem>>, vector<16xi32>,
    %get3A_515 = arith.constant 112 : index
    %get3A_516 = tpu.vector_load %arg5[%get3A_515] {strides = array<i32>} : memref<128xi32, #tpu.memory_space<vmem>>, vector<16xi32>,
    %get3A_517 = vector.shape_cast %get3A_516 : vector<16xi32> to vector<16xi32>
    %add3A_518 = arith.constant 500000 : i32
    %add3A_519 = vector.broadcast %add3A_518 : i32 to vector<16xi32>
    %add3A_520 = arith.addi %get3A_517, %add3A_519 : vector<16xi32>
    %swap3A_521 = arith.constant 112 : index
    %swap3A_522 = tpu.vector_load %arg5[%swap3A_521] {strides = array<i32>} : memref<128xi32, #tpu.memory_space<vmem>>, vector<16xi32>,
    %swap3A_523 = vector.shape_cast %swap3A_522 : vector<16xi32> to vector<16xi32>
    %swap3A_524 = vector.shape_cast %add3A_520 : vector<16xi32> to vector<16xi32>
    tpu.vector_store %arg5[%swap3A_521], %swap3A_524 {strides = array<i32>} : memref<128xi32, #tpu.memory_space<vmem>>, vector<16xi32>,
    %dma_start3A_525 = arith.constant 0 : i32
    %dma_start3A_526 = arith.constant 0 : i32
    %dma_start3A_527 = tpu.memref_slice %arg3[%dma_start3A_525, %dma_start3A_526] : memref<2600000x32xf32, #tpu.memory_space<hbm>> -> memref<2600000x32xf32, #tpu.memory_space<hbm>>
    tpu.enqueue_indirect_dma source(%dma_start3A_527 : memref<2600000x32xf32, #tpu.memory_space<hbm>>) target(%arg6 : memref<128x32xf32, #tpu.memory_space<vmem>>) offsets(%arg5 : memref<128xi32, #tpu.memory_space<vmem>>) semaphore(%arg7 : memref<!tpu.dma_semaphore, #tpu.memory_space<semaphore_mem>>)
    %dma_wait3A_528 = arith.constant 0 : i32
    %dma_wait3A_529 = arith.constant 0 : i32
    %dma_wait3A_530 = tpu.memref_slice %arg3[%dma_wait3A_528, %dma_wait3A_529] : memref<2600000x32xf32, #tpu.memory_space<hbm>> -> memref<2600000x32xf32, #tpu.memory_space<hbm>>
    tpu.wait_indirect_dma semaphore(%arg7 : memref<!tpu.dma_semaphore, #tpu.memory_space<semaphore_mem>>) src(%dma_wait3A_530 : memref<2600000x32xf32, #tpu.memory_space<hbm>>) dst(%arg6 : memref<128x32xf32, #tpu.memory_space<vmem>>)
    %run_scoped3A_531 = arith.constant 5 : i32
    "tpu.region"() ({
      %run_scoped3A_2312 = tpu.sem_alloc : memref<!tpu.dma_semaphore, #tpu.memory_space<semaphore_mem>>
      %dma_start3A_2313 = arith.constant 0 : i32
      %dma_start3A_2314 = tpu.memref_slice %arg4[%run_scoped3A_531, %mul3A_2, %dma_start3A_2313] : memref<26x4096x32xf32, #tpu.memory_space<hbm>> -> memref<1x128x32xf32, #tpu.memory_space<hbm>>
      %dma_start3A_2315 = tpu.memref_squeeze %dma_start3A_2314 : memref<1x128x32xf32, #tpu.memory_space<hbm>> -> memref<128x32xf32, #tpu.memory_space<hbm>>
      %dma_start3A_2316 = arith.constant 0 : i32
      %dma_start3A_2317 = tpu.memref_slice %arg4[%run_scoped3A_531, %mul3A_2, %dma_start3A_2316] : memref<26x4096x32xf32, #tpu.memory_space<hbm>> -> memref<1x128x32xf32, #tpu.memory_space<hbm>>
      %dma_start3A_2318 = tpu.memref_squeeze %dma_start3A_2317 : memref<1x128x32xf32, #tpu.memory_space<hbm>> -> memref<128x32xf32, #tpu.memory_space<hbm>>
      tpu.enqueue_dma source(%arg6 : memref<128x32xf32, #tpu.memory_space<vmem>>) target(%dma_start3A_2318 : memref<128x32xf32, #tpu.memory_space<hbm>>) target_semaphore(%run_scoped3A_2312 : memref<!tpu.dma_semaphore, #tpu.memory_space<semaphore_mem>>)
      %dma_wait3A_2319 = arith.constant 0 : i32
      %dma_wait3A_2320 = tpu.memref_slice %arg4[%run_scoped3A_531, %mul3A_2, %dma_wait3A_2319] : memref<26x4096x32xf32, #tpu.memory_space<hbm>> -> memref<1x128x32xf32, #tpu.memory_space<hbm>>
      %dma_wait3A_2321 = tpu.memref_squeeze %dma_wait3A_2320 : memref<1x128x32xf32, #tpu.memory_space<hbm>> -> memref<128x32xf32, #tpu.memory_space<hbm>>
      %dma_wait3A_2322 = arith.constant 0 : i32
      %dma_wait3A_2323 = tpu.memref_slice %arg4[%run_scoped3A_531, %mul3A_2, %dma_wait3A_2322] : memref<26x4096x32xf32, #tpu.memory_space<hbm>> -> memref<1x128x32xf32, #tpu.memory_space<hbm>>
      %dma_wait3A_2324 = tpu.memref_squeeze %dma_wait3A_2323 : memref<1x128x32xf32, #tpu.memory_space<hbm>> -> memref<128x32xf32, #tpu.memory_space<hbm>>
      tpu.wait_dma2 semaphore(%run_scoped3A_2312 : memref<!tpu.dma_semaphore, #tpu.memory_space<semaphore_mem>>) src(%arg6 : memref<128x32xf32, #tpu.memory_space<vmem>>) dst(%dma_wait3A_2324 : memref<128x32xf32, #tpu.memory_space<hbm>>)
      tpu.yield
    }) : () -> ()
    %add3A_532 = arith.constant 24576 : i32
    %add3A_533 = arith.addi %add3A_532, %mul3A_2 : i32
    "tpu.region"() ({
      %run_scoped3A_2312 = tpu.sem_alloc : memref<!tpu.dma_semaphore, #tpu.memory_space<semaphore_mem>>
      %dma_start3A_2313 = tpu.memref_slice %arg2[%add3A_533] : memref<106496xi32, #tpu.memory_space<hbm>> -> memref<128xi32, #tpu.memory_space<hbm>>
      %dma_start3A_2314 = tpu.memref_slice %arg2[%add3A_533] : memref<106496xi32, #tpu.memory_space<hbm>> -> memref<128xi32, #tpu.memory_space<hbm>>
      tpu.enqueue_dma source(%dma_start3A_2314 : memref<128xi32, #tpu.memory_space<hbm>>) target(%arg5 : memref<128xi32, #tpu.memory_space<vmem>>) target_semaphore(%run_scoped3A_2312 : memref<!tpu.dma_semaphore, #tpu.memory_space<semaphore_mem>>)
      %dma_wait3A_2315 = tpu.memref_slice %arg2[%add3A_533] : memref<106496xi32, #tpu.memory_space<hbm>> -> memref<128xi32, #tpu.memory_space<hbm>>
      %dma_wait3A_2316 = tpu.memref_slice %arg2[%add3A_533] : memref<106496xi32, #tpu.memory_space<hbm>> -> memref<128xi32, #tpu.memory_space<hbm>>
      tpu.wait_dma2 semaphore(%run_scoped3A_2312 : memref<!tpu.dma_semaphore, #tpu.memory_space<semaphore_mem>>) src(%dma_wait3A_2316 : memref<128xi32, #tpu.memory_space<hbm>>) dst(%arg5 : memref<128xi32, #tpu.memory_space<vmem>>)
      tpu.yield
    }) : () -> ()
    %get3A_534 = arith.constant 0 : index
    %get3A_535 = tpu.vector_load %arg5[%get3A_534] {strides = array<i32>} : memref<128xi32, #tpu.memory_space<vmem>>, vector<16xi32>,
    %get3A_536 = vector.shape_cast %get3A_535 : vector<16xi32> to vector<16xi32>
    %add3A_537 = arith.constant 600000 : i32
    %add3A_538 = vector.broadcast %add3A_537 : i32 to vector<16xi32>
    %add3A_539 = arith.addi %get3A_536, %add3A_538 : vector<16xi32>
    %swap3A_540 = arith.constant 0 : index
    %swap3A_541 = tpu.vector_load %arg5[%swap3A_540] {strides = array<i32>} : memref<128xi32, #tpu.memory_space<vmem>>, vector<16xi32>,
    %swap3A_542 = vector.shape_cast %swap3A_541 : vector<16xi32> to vector<16xi32>
    %swap3A_543 = vector.shape_cast %add3A_539 : vector<16xi32> to vector<16xi32>
    tpu.vector_store %arg5[%swap3A_540], %swap3A_543 {strides = array<i32>} : memref<128xi32, #tpu.memory_space<vmem>>, vector<16xi32>,
    %get3A_544 = arith.constant 16 : index
    %get3A_545 = tpu.vector_load %arg5[%get3A_544] {strides = array<i32>} : memref<128xi32, #tpu.memory_space<vmem>>, vector<16xi32>,
    %get3A_546 = vector.shape_cast %get3A_545 : vector<16xi32> to vector<16xi32>
    %add3A_547 = arith.constant 600000 : i32
    %add3A_548 = vector.broadcast %add3A_547 : i32 to vector<16xi32>
    %add3A_549 = arith.addi %get3A_546, %add3A_548 : vector<16xi32>
    %swap3A_550 = arith.constant 16 : index
    %swap3A_551 = tpu.vector_load %arg5[%swap3A_550] {strides = array<i32>} : memref<128xi32, #tpu.memory_space<vmem>>, vector<16xi32>,
    %swap3A_552 = vector.shape_cast %swap3A_551 : vector<16xi32> to vector<16xi32>
    %swap3A_553 = vector.shape_cast %add3A_549 : vector<16xi32> to vector<16xi32>
    tpu.vector_store %arg5[%swap3A_550], %swap3A_553 {strides = array<i32>} : memref<128xi32, #tpu.memory_space<vmem>>, vector<16xi32>,
    %get3A_554 = arith.constant 32 : index
    %get3A_555 = tpu.vector_load %arg5[%get3A_554] {strides = array<i32>} : memref<128xi32, #tpu.memory_space<vmem>>, vector<16xi32>,
    %get3A_556 = vector.shape_cast %get3A_555 : vector<16xi32> to vector<16xi32>
    %add3A_557 = arith.constant 600000 : i32
    %add3A_558 = vector.broadcast %add3A_557 : i32 to vector<16xi32>
    %add3A_559 = arith.addi %get3A_556, %add3A_558 : vector<16xi32>
    %swap3A_560 = arith.constant 32 : index
    %swap3A_561 = tpu.vector_load %arg5[%swap3A_560] {strides = array<i32>} : memref<128xi32, #tpu.memory_space<vmem>>, vector<16xi32>,
    %swap3A_562 = vector.shape_cast %swap3A_561 : vector<16xi32> to vector<16xi32>
    %swap3A_563 = vector.shape_cast %add3A_559 : vector<16xi32> to vector<16xi32>
    tpu.vector_store %arg5[%swap3A_560], %swap3A_563 {strides = array<i32>} : memref<128xi32, #tpu.memory_space<vmem>>, vector<16xi32>,
    %get3A_564 = arith.constant 48 : index
    %get3A_565 = tpu.vector_load %arg5[%get3A_564] {strides = array<i32>} : memref<128xi32, #tpu.memory_space<vmem>>, vector<16xi32>,
    %get3A_566 = vector.shape_cast %get3A_565 : vector<16xi32> to vector<16xi32>
    %add3A_567 = arith.constant 600000 : i32
    %add3A_568 = vector.broadcast %add3A_567 : i32 to vector<16xi32>
    %add3A_569 = arith.addi %get3A_566, %add3A_568 : vector<16xi32>
    %swap3A_570 = arith.constant 48 : index
    %swap3A_571 = tpu.vector_load %arg5[%swap3A_570] {strides = array<i32>} : memref<128xi32, #tpu.memory_space<vmem>>, vector<16xi32>,
    %swap3A_572 = vector.shape_cast %swap3A_571 : vector<16xi32> to vector<16xi32>
    %swap3A_573 = vector.shape_cast %add3A_569 : vector<16xi32> to vector<16xi32>
    tpu.vector_store %arg5[%swap3A_570], %swap3A_573 {strides = array<i32>} : memref<128xi32, #tpu.memory_space<vmem>>, vector<16xi32>,
    %get3A_574 = arith.constant 64 : index
    %get3A_575 = tpu.vector_load %arg5[%get3A_574] {strides = array<i32>} : memref<128xi32, #tpu.memory_space<vmem>>, vector<16xi32>,
    %get3A_576 = vector.shape_cast %get3A_575 : vector<16xi32> to vector<16xi32>
    %add3A_577 = arith.constant 600000 : i32
    %add3A_578 = vector.broadcast %add3A_577 : i32 to vector<16xi32>
    %add3A_579 = arith.addi %get3A_576, %add3A_578 : vector<16xi32>
    %swap3A_580 = arith.constant 64 : index
    %swap3A_581 = tpu.vector_load %arg5[%swap3A_580] {strides = array<i32>} : memref<128xi32, #tpu.memory_space<vmem>>, vector<16xi32>,
    %swap3A_582 = vector.shape_cast %swap3A_581 : vector<16xi32> to vector<16xi32>
    %swap3A_583 = vector.shape_cast %add3A_579 : vector<16xi32> to vector<16xi32>
    tpu.vector_store %arg5[%swap3A_580], %swap3A_583 {strides = array<i32>} : memref<128xi32, #tpu.memory_space<vmem>>, vector<16xi32>,
    %get3A_584 = arith.constant 80 : index
    %get3A_585 = tpu.vector_load %arg5[%get3A_584] {strides = array<i32>} : memref<128xi32, #tpu.memory_space<vmem>>, vector<16xi32>,
    %get3A_586 = vector.shape_cast %get3A_585 : vector<16xi32> to vector<16xi32>
    %add3A_587 = arith.constant 600000 : i32
    %add3A_588 = vector.broadcast %add3A_587 : i32 to vector<16xi32>
    %add3A_589 = arith.addi %get3A_586, %add3A_588 : vector<16xi32>
    %swap3A_590 = arith.constant 80 : index
    %swap3A_591 = tpu.vector_load %arg5[%swap3A_590] {strides = array<i32>} : memref<128xi32, #tpu.memory_space<vmem>>, vector<16xi32>,
    %swap3A_592 = vector.shape_cast %swap3A_591 : vector<16xi32> to vector<16xi32>
    %swap3A_593 = vector.shape_cast %add3A_589 : vector<16xi32> to vector<16xi32>
    tpu.vector_store %arg5[%swap3A_590], %swap3A_593 {strides = array<i32>} : memref<128xi32, #tpu.memory_space<vmem>>, vector<16xi32>,
    %get3A_594 = arith.constant 96 : index
    %get3A_595 = tpu.vector_load %arg5[%get3A_594] {strides = array<i32>} : memref<128xi32, #tpu.memory_space<vmem>>, vector<16xi32>,
    %get3A_596 = vector.shape_cast %get3A_595 : vector<16xi32> to vector<16xi32>
    %add3A_597 = arith.constant 600000 : i32
    %add3A_598 = vector.broadcast %add3A_597 : i32 to vector<16xi32>
    %add3A_599 = arith.addi %get3A_596, %add3A_598 : vector<16xi32>
    %swap3A_600 = arith.constant 96 : index
    %swap3A_601 = tpu.vector_load %arg5[%swap3A_600] {strides = array<i32>} : memref<128xi32, #tpu.memory_space<vmem>>, vector<16xi32>,
    %swap3A_602 = vector.shape_cast %swap3A_601 : vector<16xi32> to vector<16xi32>
    %swap3A_603 = vector.shape_cast %add3A_599 : vector<16xi32> to vector<16xi32>
    tpu.vector_store %arg5[%swap3A_600], %swap3A_603 {strides = array<i32>} : memref<128xi32, #tpu.memory_space<vmem>>, vector<16xi32>,
    %get3A_604 = arith.constant 112 : index
    %get3A_605 = tpu.vector_load %arg5[%get3A_604] {strides = array<i32>} : memref<128xi32, #tpu.memory_space<vmem>>, vector<16xi32>,
    %get3A_606 = vector.shape_cast %get3A_605 : vector<16xi32> to vector<16xi32>
    %add3A_607 = arith.constant 600000 : i32
    %add3A_608 = vector.broadcast %add3A_607 : i32 to vector<16xi32>
    %add3A_609 = arith.addi %get3A_606, %add3A_608 : vector<16xi32>
    %swap3A_610 = arith.constant 112 : index
    %swap3A_611 = tpu.vector_load %arg5[%swap3A_610] {strides = array<i32>} : memref<128xi32, #tpu.memory_space<vmem>>, vector<16xi32>,
    %swap3A_612 = vector.shape_cast %swap3A_611 : vector<16xi32> to vector<16xi32>
    %swap3A_613 = vector.shape_cast %add3A_609 : vector<16xi32> to vector<16xi32>
    tpu.vector_store %arg5[%swap3A_610], %swap3A_613 {strides = array<i32>} : memref<128xi32, #tpu.memory_space<vmem>>, vector<16xi32>,
    %dma_start3A_614 = arith.constant 0 : i32
    %dma_start3A_615 = arith.constant 0 : i32
    %dma_start3A_616 = tpu.memref_slice %arg3[%dma_start3A_614, %dma_start3A_615] : memref<2600000x32xf32, #tpu.memory_space<hbm>> -> memref<2600000x32xf32, #tpu.memory_space<hbm>>
    tpu.enqueue_indirect_dma source(%dma_start3A_616 : memref<2600000x32xf32, #tpu.memory_space<hbm>>) target(%arg6 : memref<128x32xf32, #tpu.memory_space<vmem>>) offsets(%arg5 : memref<128xi32, #tpu.memory_space<vmem>>) semaphore(%arg7 : memref<!tpu.dma_semaphore, #tpu.memory_space<semaphore_mem>>)
    %dma_wait3A_617 = arith.constant 0 : i32
    %dma_wait3A_618 = arith.constant 0 : i32
    %dma_wait3A_619 = tpu.memref_slice %arg3[%dma_wait3A_617, %dma_wait3A_618] : memref<2600000x32xf32, #tpu.memory_space<hbm>> -> memref<2600000x32xf32, #tpu.memory_space<hbm>>
    tpu.wait_indirect_dma semaphore(%arg7 : memref<!tpu.dma_semaphore, #tpu.memory_space<semaphore_mem>>) src(%dma_wait3A_619 : memref<2600000x32xf32, #tpu.memory_space<hbm>>) dst(%arg6 : memref<128x32xf32, #tpu.memory_space<vmem>>)
    %run_scoped3A_620 = arith.constant 6 : i32
    "tpu.region"() ({
      %run_scoped3A_2312 = tpu.sem_alloc : memref<!tpu.dma_semaphore, #tpu.memory_space<semaphore_mem>>
      %dma_start3A_2313 = arith.constant 0 : i32
      %dma_start3A_2314 = tpu.memref_slice %arg4[%run_scoped3A_620, %mul3A_2, %dma_start3A_2313] : memref<26x4096x32xf32, #tpu.memory_space<hbm>> -> memref<1x128x32xf32, #tpu.memory_space<hbm>>
      %dma_start3A_2315 = tpu.memref_squeeze %dma_start3A_2314 : memref<1x128x32xf32, #tpu.memory_space<hbm>> -> memref<128x32xf32, #tpu.memory_space<hbm>>
      %dma_start3A_2316 = arith.constant 0 : i32
      %dma_start3A_2317 = tpu.memref_slice %arg4[%run_scoped3A_620, %mul3A_2, %dma_start3A_2316] : memref<26x4096x32xf32, #tpu.memory_space<hbm>> -> memref<1x128x32xf32, #tpu.memory_space<hbm>>
      %dma_start3A_2318 = tpu.memref_squeeze %dma_start3A_2317 : memref<1x128x32xf32, #tpu.memory_space<hbm>> -> memref<128x32xf32, #tpu.memory_space<hbm>>
      tpu.enqueue_dma source(%arg6 : memref<128x32xf32, #tpu.memory_space<vmem>>) target(%dma_start3A_2318 : memref<128x32xf32, #tpu.memory_space<hbm>>) target_semaphore(%run_scoped3A_2312 : memref<!tpu.dma_semaphore, #tpu.memory_space<semaphore_mem>>)
      %dma_wait3A_2319 = arith.constant 0 : i32
      %dma_wait3A_2320 = tpu.memref_slice %arg4[%run_scoped3A_620, %mul3A_2, %dma_wait3A_2319] : memref<26x4096x32xf32, #tpu.memory_space<hbm>> -> memref<1x128x32xf32, #tpu.memory_space<hbm>>
      %dma_wait3A_2321 = tpu.memref_squeeze %dma_wait3A_2320 : memref<1x128x32xf32, #tpu.memory_space<hbm>> -> memref<128x32xf32, #tpu.memory_space<hbm>>
      %dma_wait3A_2322 = arith.constant 0 : i32
      %dma_wait3A_2323 = tpu.memref_slice %arg4[%run_scoped3A_620, %mul3A_2, %dma_wait3A_2322] : memref<26x4096x32xf32, #tpu.memory_space<hbm>> -> memref<1x128x32xf32, #tpu.memory_space<hbm>>
      %dma_wait3A_2324 = tpu.memref_squeeze %dma_wait3A_2323 : memref<1x128x32xf32, #tpu.memory_space<hbm>> -> memref<128x32xf32, #tpu.memory_space<hbm>>
      tpu.wait_dma2 semaphore(%run_scoped3A_2312 : memref<!tpu.dma_semaphore, #tpu.memory_space<semaphore_mem>>) src(%arg6 : memref<128x32xf32, #tpu.memory_space<vmem>>) dst(%dma_wait3A_2324 : memref<128x32xf32, #tpu.memory_space<hbm>>)
      tpu.yield
    }) : () -> ()
    %add3A_621 = arith.constant 28672 : i32
    %add3A_622 = arith.addi %add3A_621, %mul3A_2 : i32
    "tpu.region"() ({
      %run_scoped3A_2312 = tpu.sem_alloc : memref<!tpu.dma_semaphore, #tpu.memory_space<semaphore_mem>>
      %dma_start3A_2313 = tpu.memref_slice %arg2[%add3A_622] : memref<106496xi32, #tpu.memory_space<hbm>> -> memref<128xi32, #tpu.memory_space<hbm>>
      %dma_start3A_2314 = tpu.memref_slice %arg2[%add3A_622] : memref<106496xi32, #tpu.memory_space<hbm>> -> memref<128xi32, #tpu.memory_space<hbm>>
      tpu.enqueue_dma source(%dma_start3A_2314 : memref<128xi32, #tpu.memory_space<hbm>>) target(%arg5 : memref<128xi32, #tpu.memory_space<vmem>>) target_semaphore(%run_scoped3A_2312 : memref<!tpu.dma_semaphore, #tpu.memory_space<semaphore_mem>>)
      %dma_wait3A_2315 = tpu.memref_slice %arg2[%add3A_622] : memref<106496xi32, #tpu.memory_space<hbm>> -> memref<128xi32, #tpu.memory_space<hbm>>
      %dma_wait3A_2316 = tpu.memref_slice %arg2[%add3A_622] : memref<106496xi32, #tpu.memory_space<hbm>> -> memref<128xi32, #tpu.memory_space<hbm>>
      tpu.wait_dma2 semaphore(%run_scoped3A_2312 : memref<!tpu.dma_semaphore, #tpu.memory_space<semaphore_mem>>) src(%dma_wait3A_2316 : memref<128xi32, #tpu.memory_space<hbm>>) dst(%arg5 : memref<128xi32, #tpu.memory_space<vmem>>)
      tpu.yield
    }) : () -> ()
    %get3A_623 = arith.constant 0 : index
    %get3A_624 = tpu.vector_load %arg5[%get3A_623] {strides = array<i32>} : memref<128xi32, #tpu.memory_space<vmem>>, vector<16xi32>,
    %get3A_625 = vector.shape_cast %get3A_624 : vector<16xi32> to vector<16xi32>
    %add3A_626 = arith.constant 700000 : i32
    %add3A_627 = vector.broadcast %add3A_626 : i32 to vector<16xi32>
    %add3A_628 = arith.addi %get3A_625, %add3A_627 : vector<16xi32>
    %swap3A_629 = arith.constant 0 : index
    %swap3A_630 = tpu.vector_load %arg5[%swap3A_629] {strides = array<i32>} : memref<128xi32, #tpu.memory_space<vmem>>, vector<16xi32>,
    %swap3A_631 = vector.shape_cast %swap3A_630 : vector<16xi32> to vector<16xi32>
    %swap3A_632 = vector.shape_cast %add3A_628 : vector<16xi32> to vector<16xi32>
    tpu.vector_store %arg5[%swap3A_629], %swap3A_632 {strides = array<i32>} : memref<128xi32, #tpu.memory_space<vmem>>, vector<16xi32>,
    %get3A_633 = arith.constant 16 : index
    %get3A_634 = tpu.vector_load %arg5[%get3A_633] {strides = array<i32>} : memref<128xi32, #tpu.memory_space<vmem>>, vector<16xi32>,
    %get3A_635 = vector.shape_cast %get3A_634 : vector<16xi32> to vector<16xi32>
    %add3A_636 = arith.constant 700000 : i32
    %add3A_637 = vector.broadcast %add3A_636 : i32 to vector<16xi32>
    %add3A_638 = arith.addi %get3A_635, %add3A_637 : vector<16xi32>
    %swap3A_639 = arith.constant 16 : index
    %swap3A_640 = tpu.vector_load %arg5[%swap3A_639] {strides = array<i32>} : memref<128xi32, #tpu.memory_space<vmem>>, vector<16xi32>,
    %swap3A_641 = vector.shape_cast %swap3A_640 : vector<16xi32> to vector<16xi32>
    %swap3A_642 = vector.shape_cast %add3A_638 : vector<16xi32> to vector<16xi32>
    tpu.vector_store %arg5[%swap3A_639], %swap3A_642 {strides = array<i32>} : memref<128xi32, #tpu.memory_space<vmem>>, vector<16xi32>,
    %get3A_643 = arith.constant 32 : index
    %get3A_644 = tpu.vector_load %arg5[%get3A_643] {strides = array<i32>} : memref<128xi32, #tpu.memory_space<vmem>>, vector<16xi32>,
    %get3A_645 = vector.shape_cast %get3A_644 : vector<16xi32> to vector<16xi32>
    %add3A_646 = arith.constant 700000 : i32
    %add3A_647 = vector.broadcast %add3A_646 : i32 to vector<16xi32>
    %add3A_648 = arith.addi %get3A_645, %add3A_647 : vector<16xi32>
    %swap3A_649 = arith.constant 32 : index
    %swap3A_650 = tpu.vector_load %arg5[%swap3A_649] {strides = array<i32>} : memref<128xi32, #tpu.memory_space<vmem>>, vector<16xi32>,
    %swap3A_651 = vector.shape_cast %swap3A_650 : vector<16xi32> to vector<16xi32>
    %swap3A_652 = vector.shape_cast %add3A_648 : vector<16xi32> to vector<16xi32>
    tpu.vector_store %arg5[%swap3A_649], %swap3A_652 {strides = array<i32>} : memref<128xi32, #tpu.memory_space<vmem>>, vector<16xi32>,
    %get3A_653 = arith.constant 48 : index
    %get3A_654 = tpu.vector_load %arg5[%get3A_653] {strides = array<i32>} : memref<128xi32, #tpu.memory_space<vmem>>, vector<16xi32>,
    %get3A_655 = vector.shape_cast %get3A_654 : vector<16xi32> to vector<16xi32>
    %add3A_656 = arith.constant 700000 : i32
    %add3A_657 = vector.broadcast %add3A_656 : i32 to vector<16xi32>
    %add3A_658 = arith.addi %get3A_655, %add3A_657 : vector<16xi32>
    %swap3A_659 = arith.constant 48 : index
    %swap3A_660 = tpu.vector_load %arg5[%swap3A_659] {strides = array<i32>} : memref<128xi32, #tpu.memory_space<vmem>>, vector<16xi32>,
    %swap3A_661 = vector.shape_cast %swap3A_660 : vector<16xi32> to vector<16xi32>
    %swap3A_662 = vector.shape_cast %add3A_658 : vector<16xi32> to vector<16xi32>
    tpu.vector_store %arg5[%swap3A_659], %swap3A_662 {strides = array<i32>} : memref<128xi32, #tpu.memory_space<vmem>>, vector<16xi32>,
    %get3A_663 = arith.constant 64 : index
    %get3A_664 = tpu.vector_load %arg5[%get3A_663] {strides = array<i32>} : memref<128xi32, #tpu.memory_space<vmem>>, vector<16xi32>,
    %get3A_665 = vector.shape_cast %get3A_664 : vector<16xi32> to vector<16xi32>
    %add3A_666 = arith.constant 700000 : i32
    %add3A_667 = vector.broadcast %add3A_666 : i32 to vector<16xi32>
    %add3A_668 = arith.addi %get3A_665, %add3A_667 : vector<16xi32>
    %swap3A_669 = arith.constant 64 : index
    %swap3A_670 = tpu.vector_load %arg5[%swap3A_669] {strides = array<i32>} : memref<128xi32, #tpu.memory_space<vmem>>, vector<16xi32>,
    %swap3A_671 = vector.shape_cast %swap3A_670 : vector<16xi32> to vector<16xi32>
    %swap3A_672 = vector.shape_cast %add3A_668 : vector<16xi32> to vector<16xi32>
    tpu.vector_store %arg5[%swap3A_669], %swap3A_672 {strides = array<i32>} : memref<128xi32, #tpu.memory_space<vmem>>, vector<16xi32>,
    %get3A_673 = arith.constant 80 : index
    %get3A_674 = tpu.vector_load %arg5[%get3A_673] {strides = array<i32>} : memref<128xi32, #tpu.memory_space<vmem>>, vector<16xi32>,
    %get3A_675 = vector.shape_cast %get3A_674 : vector<16xi32> to vector<16xi32>
    %add3A_676 = arith.constant 700000 : i32
    %add3A_677 = vector.broadcast %add3A_676 : i32 to vector<16xi32>
    %add3A_678 = arith.addi %get3A_675, %add3A_677 : vector<16xi32>
    %swap3A_679 = arith.constant 80 : index
    %swap3A_680 = tpu.vector_load %arg5[%swap3A_679] {strides = array<i32>} : memref<128xi32, #tpu.memory_space<vmem>>, vector<16xi32>,
    %swap3A_681 = vector.shape_cast %swap3A_680 : vector<16xi32> to vector<16xi32>
    %swap3A_682 = vector.shape_cast %add3A_678 : vector<16xi32> to vector<16xi32>
    tpu.vector_store %arg5[%swap3A_679], %swap3A_682 {strides = array<i32>} : memref<128xi32, #tpu.memory_space<vmem>>, vector<16xi32>,
    %get3A_683 = arith.constant 96 : index
    %get3A_684 = tpu.vector_load %arg5[%get3A_683] {strides = array<i32>} : memref<128xi32, #tpu.memory_space<vmem>>, vector<16xi32>,
    %get3A_685 = vector.shape_cast %get3A_684 : vector<16xi32> to vector<16xi32>
    %add3A_686 = arith.constant 700000 : i32
    %add3A_687 = vector.broadcast %add3A_686 : i32 to vector<16xi32>
    %add3A_688 = arith.addi %get3A_685, %add3A_687 : vector<16xi32>
    %swap3A_689 = arith.constant 96 : index
    %swap3A_690 = tpu.vector_load %arg5[%swap3A_689] {strides = array<i32>} : memref<128xi32, #tpu.memory_space<vmem>>, vector<16xi32>,
    %swap3A_691 = vector.shape_cast %swap3A_690 : vector<16xi32> to vector<16xi32>
    %swap3A_692 = vector.shape_cast %add3A_688 : vector<16xi32> to vector<16xi32>
    tpu.vector_store %arg5[%swap3A_689], %swap3A_692 {strides = array<i32>} : memref<128xi32, #tpu.memory_space<vmem>>, vector<16xi32>,
    %get3A_693 = arith.constant 112 : index
    %get3A_694 = tpu.vector_load %arg5[%get3A_693] {strides = array<i32>} : memref<128xi32, #tpu.memory_space<vmem>>, vector<16xi32>,
    %get3A_695 = vector.shape_cast %get3A_694 : vector<16xi32> to vector<16xi32>
    %add3A_696 = arith.constant 700000 : i32
    %add3A_697 = vector.broadcast %add3A_696 : i32 to vector<16xi32>
    %add3A_698 = arith.addi %get3A_695, %add3A_697 : vector<16xi32>
    %swap3A_699 = arith.constant 112 : index
    %swap3A_700 = tpu.vector_load %arg5[%swap3A_699] {strides = array<i32>} : memref<128xi32, #tpu.memory_space<vmem>>, vector<16xi32>,
    %swap3A_701 = vector.shape_cast %swap3A_700 : vector<16xi32> to vector<16xi32>
    %swap3A_702 = vector.shape_cast %add3A_698 : vector<16xi32> to vector<16xi32>
    tpu.vector_store %arg5[%swap3A_699], %swap3A_702 {strides = array<i32>} : memref<128xi32, #tpu.memory_space<vmem>>, vector<16xi32>,
    %dma_start3A_703 = arith.constant 0 : i32
    %dma_start3A_704 = arith.constant 0 : i32
    %dma_start3A_705 = tpu.memref_slice %arg3[%dma_start3A_703, %dma_start3A_704] : memref<2600000x32xf32, #tpu.memory_space<hbm>> -> memref<2600000x32xf32, #tpu.memory_space<hbm>>
    tpu.enqueue_indirect_dma source(%dma_start3A_705 : memref<2600000x32xf32, #tpu.memory_space<hbm>>) target(%arg6 : memref<128x32xf32, #tpu.memory_space<vmem>>) offsets(%arg5 : memref<128xi32, #tpu.memory_space<vmem>>) semaphore(%arg7 : memref<!tpu.dma_semaphore, #tpu.memory_space<semaphore_mem>>)
    %dma_wait3A_706 = arith.constant 0 : i32
    %dma_wait3A_707 = arith.constant 0 : i32
    %dma_wait3A_708 = tpu.memref_slice %arg3[%dma_wait3A_706, %dma_wait3A_707] : memref<2600000x32xf32, #tpu.memory_space<hbm>> -> memref<2600000x32xf32, #tpu.memory_space<hbm>>
    tpu.wait_indirect_dma semaphore(%arg7 : memref<!tpu.dma_semaphore, #tpu.memory_space<semaphore_mem>>) src(%dma_wait3A_708 : memref<2600000x32xf32, #tpu.memory_space<hbm>>) dst(%arg6 : memref<128x32xf32, #tpu.memory_space<vmem>>)
    %run_scoped3A_709 = arith.constant 7 : i32
    "tpu.region"() ({
      %run_scoped3A_2312 = tpu.sem_alloc : memref<!tpu.dma_semaphore, #tpu.memory_space<semaphore_mem>>
      %dma_start3A_2313 = arith.constant 0 : i32
      %dma_start3A_2314 = tpu.memref_slice %arg4[%run_scoped3A_709, %mul3A_2, %dma_start3A_2313] : memref<26x4096x32xf32, #tpu.memory_space<hbm>> -> memref<1x128x32xf32, #tpu.memory_space<hbm>>
      %dma_start3A_2315 = tpu.memref_squeeze %dma_start3A_2314 : memref<1x128x32xf32, #tpu.memory_space<hbm>> -> memref<128x32xf32, #tpu.memory_space<hbm>>
      %dma_start3A_2316 = arith.constant 0 : i32
      %dma_start3A_2317 = tpu.memref_slice %arg4[%run_scoped3A_709, %mul3A_2, %dma_start3A_2316] : memref<26x4096x32xf32, #tpu.memory_space<hbm>> -> memref<1x128x32xf32, #tpu.memory_space<hbm>>
      %dma_start3A_2318 = tpu.memref_squeeze %dma_start3A_2317 : memref<1x128x32xf32, #tpu.memory_space<hbm>> -> memref<128x32xf32, #tpu.memory_space<hbm>>
      tpu.enqueue_dma source(%arg6 : memref<128x32xf32, #tpu.memory_space<vmem>>) target(%dma_start3A_2318 : memref<128x32xf32, #tpu.memory_space<hbm>>) target_semaphore(%run_scoped3A_2312 : memref<!tpu.dma_semaphore, #tpu.memory_space<semaphore_mem>>)
      %dma_wait3A_2319 = arith.constant 0 : i32
      %dma_wait3A_2320 = tpu.memref_slice %arg4[%run_scoped3A_709, %mul3A_2, %dma_wait3A_2319] : memref<26x4096x32xf32, #tpu.memory_space<hbm>> -> memref<1x128x32xf32, #tpu.memory_space<hbm>>
      %dma_wait3A_2321 = tpu.memref_squeeze %dma_wait3A_2320 : memref<1x128x32xf32, #tpu.memory_space<hbm>> -> memref<128x32xf32, #tpu.memory_space<hbm>>
      %dma_wait3A_2322 = arith.constant 0 : i32
      %dma_wait3A_2323 = tpu.memref_slice %arg4[%run_scoped3A_709, %mul3A_2, %dma_wait3A_2322] : memref<26x4096x32xf32, #tpu.memory_space<hbm>> -> memref<1x128x32xf32, #tpu.memory_space<hbm>>
      %dma_wait3A_2324 = tpu.memref_squeeze %dma_wait3A_2323 : memref<1x128x32xf32, #tpu.memory_space<hbm>> -> memref<128x32xf32, #tpu.memory_space<hbm>>
      tpu.wait_dma2 semaphore(%run_scoped3A_2312 : memref<!tpu.dma_semaphore, #tpu.memory_space<semaphore_mem>>) src(%arg6 : memref<128x32xf32, #tpu.memory_space<vmem>>) dst(%dma_wait3A_2324 : memref<128x32xf32, #tpu.memory_space<hbm>>)
      tpu.yield
    }) : () -> ()
    %add3A_710 = arith.constant 32768 : i32
    %add3A_711 = arith.addi %add3A_710, %mul3A_2 : i32
    "tpu.region"() ({
      %run_scoped3A_2312 = tpu.sem_alloc : memref<!tpu.dma_semaphore, #tpu.memory_space<semaphore_mem>>
      %dma_start3A_2313 = tpu.memref_slice %arg2[%add3A_711] : memref<106496xi32, #tpu.memory_space<hbm>> -> memref<128xi32, #tpu.memory_space<hbm>>
      %dma_start3A_2314 = tpu.memref_slice %arg2[%add3A_711] : memref<106496xi32, #tpu.memory_space<hbm>> -> memref<128xi32, #tpu.memory_space<hbm>>
      tpu.enqueue_dma source(%dma_start3A_2314 : memref<128xi32, #tpu.memory_space<hbm>>) target(%arg5 : memref<128xi32, #tpu.memory_space<vmem>>) target_semaphore(%run_scoped3A_2312 : memref<!tpu.dma_semaphore, #tpu.memory_space<semaphore_mem>>)
      %dma_wait3A_2315 = tpu.memref_slice %arg2[%add3A_711] : memref<106496xi32, #tpu.memory_space<hbm>> -> memref<128xi32, #tpu.memory_space<hbm>>
      %dma_wait3A_2316 = tpu.memref_slice %arg2[%add3A_711] : memref<106496xi32, #tpu.memory_space<hbm>> -> memref<128xi32, #tpu.memory_space<hbm>>
      tpu.wait_dma2 semaphore(%run_scoped3A_2312 : memref<!tpu.dma_semaphore, #tpu.memory_space<semaphore_mem>>) src(%dma_wait3A_2316 : memref<128xi32, #tpu.memory_space<hbm>>) dst(%arg5 : memref<128xi32, #tpu.memory_space<vmem>>)
      tpu.yield
    }) : () -> ()
    %get3A_712 = arith.constant 0 : index
    %get3A_713 = tpu.vector_load %arg5[%get3A_712] {strides = array<i32>} : memref<128xi32, #tpu.memory_space<vmem>>, vector<16xi32>,
    %get3A_714 = vector.shape_cast %get3A_713 : vector<16xi32> to vector<16xi32>
    %add3A_715 = arith.constant 800000 : i32
    %add3A_716 = vector.broadcast %add3A_715 : i32 to vector<16xi32>
    %add3A_717 = arith.addi %get3A_714, %add3A_716 : vector<16xi32>
    %swap3A_718 = arith.constant 0 : index
    %swap3A_719 = tpu.vector_load %arg5[%swap3A_718] {strides = array<i32>} : memref<128xi32, #tpu.memory_space<vmem>>, vector<16xi32>,
    %swap3A_720 = vector.shape_cast %swap3A_719 : vector<16xi32> to vector<16xi32>
    %swap3A_721 = vector.shape_cast %add3A_717 : vector<16xi32> to vector<16xi32>
    tpu.vector_store %arg5[%swap3A_718], %swap3A_721 {strides = array<i32>} : memref<128xi32, #tpu.memory_space<vmem>>, vector<16xi32>,
    %get3A_722 = arith.constant 16 : index
    %get3A_723 = tpu.vector_load %arg5[%get3A_722] {strides = array<i32>} : memref<128xi32, #tpu.memory_space<vmem>>, vector<16xi32>,
    %get3A_724 = vector.shape_cast %get3A_723 : vector<16xi32> to vector<16xi32>
    %add3A_725 = arith.constant 800000 : i32
    %add3A_726 = vector.broadcast %add3A_725 : i32 to vector<16xi32>
    %add3A_727 = arith.addi %get3A_724, %add3A_726 : vector<16xi32>
    %swap3A_728 = arith.constant 16 : index
    %swap3A_729 = tpu.vector_load %arg5[%swap3A_728] {strides = array<i32>} : memref<128xi32, #tpu.memory_space<vmem>>, vector<16xi32>,
    %swap3A_730 = vector.shape_cast %swap3A_729 : vector<16xi32> to vector<16xi32>
    %swap3A_731 = vector.shape_cast %add3A_727 : vector<16xi32> to vector<16xi32>
    tpu.vector_store %arg5[%swap3A_728], %swap3A_731 {strides = array<i32>} : memref<128xi32, #tpu.memory_space<vmem>>, vector<16xi32>,
    %get3A_732 = arith.constant 32 : index
    %get3A_733 = tpu.vector_load %arg5[%get3A_732] {strides = array<i32>} : memref<128xi32, #tpu.memory_space<vmem>>, vector<16xi32>,
    %get3A_734 = vector.shape_cast %get3A_733 : vector<16xi32> to vector<16xi32>
    %add3A_735 = arith.constant 800000 : i32
    %add3A_736 = vector.broadcast %add3A_735 : i32 to vector<16xi32>
    %add3A_737 = arith.addi %get3A_734, %add3A_736 : vector<16xi32>
    %swap3A_738 = arith.constant 32 : index
    %swap3A_739 = tpu.vector_load %arg5[%swap3A_738] {strides = array<i32>} : memref<128xi32, #tpu.memory_space<vmem>>, vector<16xi32>,
    %swap3A_740 = vector.shape_cast %swap3A_739 : vector<16xi32> to vector<16xi32>
    %swap3A_741 = vector.shape_cast %add3A_737 : vector<16xi32> to vector<16xi32>
    tpu.vector_store %arg5[%swap3A_738], %swap3A_741 {strides = array<i32>} : memref<128xi32, #tpu.memory_space<vmem>>, vector<16xi32>,
    %get3A_742 = arith.constant 48 : index
    %get3A_743 = tpu.vector_load %arg5[%get3A_742] {strides = array<i32>} : memref<128xi32, #tpu.memory_space<vmem>>, vector<16xi32>,
    %get3A_744 = vector.shape_cast %get3A_743 : vector<16xi32> to vector<16xi32>
    %add3A_745 = arith.constant 800000 : i32
    %add3A_746 = vector.broadcast %add3A_745 : i32 to vector<16xi32>
    %add3A_747 = arith.addi %get3A_744, %add3A_746 : vector<16xi32>
    %swap3A_748 = arith.constant 48 : index
    %swap3A_749 = tpu.vector_load %arg5[%swap3A_748] {strides = array<i32>} : memref<128xi32, #tpu.memory_space<vmem>>, vector<16xi32>,
    %swap3A_750 = vector.shape_cast %swap3A_749 : vector<16xi32> to vector<16xi32>
    %swap3A_751 = vector.shape_cast %add3A_747 : vector<16xi32> to vector<16xi32>
    tpu.vector_store %arg5[%swap3A_748], %swap3A_751 {strides = array<i32>} : memref<128xi32, #tpu.memory_space<vmem>>, vector<16xi32>,
    %get3A_752 = arith.constant 64 : index
    %get3A_753 = tpu.vector_load %arg5[%get3A_752] {strides = array<i32>} : memref<128xi32, #tpu.memory_space<vmem>>, vector<16xi32>,
    %get3A_754 = vector.shape_cast %get3A_753 : vector<16xi32> to vector<16xi32>
    %add3A_755 = arith.constant 800000 : i32
    %add3A_756 = vector.broadcast %add3A_755 : i32 to vector<16xi32>
    %add3A_757 = arith.addi %get3A_754, %add3A_756 : vector<16xi32>
    %swap3A_758 = arith.constant 64 : index
    %swap3A_759 = tpu.vector_load %arg5[%swap3A_758] {strides = array<i32>} : memref<128xi32, #tpu.memory_space<vmem>>, vector<16xi32>,
    %swap3A_760 = vector.shape_cast %swap3A_759 : vector<16xi32> to vector<16xi32>
    %swap3A_761 = vector.shape_cast %add3A_757 : vector<16xi32> to vector<16xi32>
    tpu.vector_store %arg5[%swap3A_758], %swap3A_761 {strides = array<i32>} : memref<128xi32, #tpu.memory_space<vmem>>, vector<16xi32>,
    %get3A_762 = arith.constant 80 : index
    %get3A_763 = tpu.vector_load %arg5[%get3A_762] {strides = array<i32>} : memref<128xi32, #tpu.memory_space<vmem>>, vector<16xi32>,
    %get3A_764 = vector.shape_cast %get3A_763 : vector<16xi32> to vector<16xi32>
    %add3A_765 = arith.constant 800000 : i32
    %add3A_766 = vector.broadcast %add3A_765 : i32 to vector<16xi32>
    %add3A_767 = arith.addi %get3A_764, %add3A_766 : vector<16xi32>
    %swap3A_768 = arith.constant 80 : index
    %swap3A_769 = tpu.vector_load %arg5[%swap3A_768] {strides = array<i32>} : memref<128xi32, #tpu.memory_space<vmem>>, vector<16xi32>,
    %swap3A_770 = vector.shape_cast %swap3A_769 : vector<16xi32> to vector<16xi32>
    %swap3A_771 = vector.shape_cast %add3A_767 : vector<16xi32> to vector<16xi32>
    tpu.vector_store %arg5[%swap3A_768], %swap3A_771 {strides = array<i32>} : memref<128xi32, #tpu.memory_space<vmem>>, vector<16xi32>,
    %get3A_772 = arith.constant 96 : index
    %get3A_773 = tpu.vector_load %arg5[%get3A_772] {strides = array<i32>} : memref<128xi32, #tpu.memory_space<vmem>>, vector<16xi32>,
    %get3A_774 = vector.shape_cast %get3A_773 : vector<16xi32> to vector<16xi32>
    %add3A_775 = arith.constant 800000 : i32
    %add3A_776 = vector.broadcast %add3A_775 : i32 to vector<16xi32>
    %add3A_777 = arith.addi %get3A_774, %add3A_776 : vector<16xi32>
    %swap3A_778 = arith.constant 96 : index
    %swap3A_779 = tpu.vector_load %arg5[%swap3A_778] {strides = array<i32>} : memref<128xi32, #tpu.memory_space<vmem>>, vector<16xi32>,
    %swap3A_780 = vector.shape_cast %swap3A_779 : vector<16xi32> to vector<16xi32>
    %swap3A_781 = vector.shape_cast %add3A_777 : vector<16xi32> to vector<16xi32>
    tpu.vector_store %arg5[%swap3A_778], %swap3A_781 {strides = array<i32>} : memref<128xi32, #tpu.memory_space<vmem>>, vector<16xi32>,
    %get3A_782 = arith.constant 112 : index
    %get3A_783 = tpu.vector_load %arg5[%get3A_782] {strides = array<i32>} : memref<128xi32, #tpu.memory_space<vmem>>, vector<16xi32>,
    %get3A_784 = vector.shape_cast %get3A_783 : vector<16xi32> to vector<16xi32>
    %add3A_785 = arith.constant 800000 : i32
    %add3A_786 = vector.broadcast %add3A_785 : i32 to vector<16xi32>
    %add3A_787 = arith.addi %get3A_784, %add3A_786 : vector<16xi32>
    %swap3A_788 = arith.constant 112 : index
    %swap3A_789 = tpu.vector_load %arg5[%swap3A_788] {strides = array<i32>} : memref<128xi32, #tpu.memory_space<vmem>>, vector<16xi32>,
    %swap3A_790 = vector.shape_cast %swap3A_789 : vector<16xi32> to vector<16xi32>
    %swap3A_791 = vector.shape_cast %add3A_787 : vector<16xi32> to vector<16xi32>
    tpu.vector_store %arg5[%swap3A_788], %swap3A_791 {strides = array<i32>} : memref<128xi32, #tpu.memory_space<vmem>>, vector<16xi32>,
    %dma_start3A_792 = arith.constant 0 : i32
    %dma_start3A_793 = arith.constant 0 : i32
    %dma_start3A_794 = tpu.memref_slice %arg3[%dma_start3A_792, %dma_start3A_793] : memref<2600000x32xf32, #tpu.memory_space<hbm>> -> memref<2600000x32xf32, #tpu.memory_space<hbm>>
    tpu.enqueue_indirect_dma source(%dma_start3A_794 : memref<2600000x32xf32, #tpu.memory_space<hbm>>) target(%arg6 : memref<128x32xf32, #tpu.memory_space<vmem>>) offsets(%arg5 : memref<128xi32, #tpu.memory_space<vmem>>) semaphore(%arg7 : memref<!tpu.dma_semaphore, #tpu.memory_space<semaphore_mem>>)
    %dma_wait3A_795 = arith.constant 0 : i32
    %dma_wait3A_796 = arith.constant 0 : i32
    %dma_wait3A_797 = tpu.memref_slice %arg3[%dma_wait3A_795, %dma_wait3A_796] : memref<2600000x32xf32, #tpu.memory_space<hbm>> -> memref<2600000x32xf32, #tpu.memory_space<hbm>>
    tpu.wait_indirect_dma semaphore(%arg7 : memref<!tpu.dma_semaphore, #tpu.memory_space<semaphore_mem>>) src(%dma_wait3A_797 : memref<2600000x32xf32, #tpu.memory_space<hbm>>) dst(%arg6 : memref<128x32xf32, #tpu.memory_space<vmem>>)
    %run_scoped3A_798 = arith.constant 8 : i32
    "tpu.region"() ({
      %run_scoped3A_2312 = tpu.sem_alloc : memref<!tpu.dma_semaphore, #tpu.memory_space<semaphore_mem>>
      %dma_start3A_2313 = arith.constant 0 : i32
      %dma_start3A_2314 = tpu.memref_slice %arg4[%run_scoped3A_798, %mul3A_2, %dma_start3A_2313] : memref<26x4096x32xf32, #tpu.memory_space<hbm>> -> memref<1x128x32xf32, #tpu.memory_space<hbm>>
      %dma_start3A_2315 = tpu.memref_squeeze %dma_start3A_2314 : memref<1x128x32xf32, #tpu.memory_space<hbm>> -> memref<128x32xf32, #tpu.memory_space<hbm>>
      %dma_start3A_2316 = arith.constant 0 : i32
      %dma_start3A_2317 = tpu.memref_slice %arg4[%run_scoped3A_798, %mul3A_2, %dma_start3A_2316] : memref<26x4096x32xf32, #tpu.memory_space<hbm>> -> memref<1x128x32xf32, #tpu.memory_space<hbm>>
      %dma_start3A_2318 = tpu.memref_squeeze %dma_start3A_2317 : memref<1x128x32xf32, #tpu.memory_space<hbm>> -> memref<128x32xf32, #tpu.memory_space<hbm>>
      tpu.enqueue_dma source(%arg6 : memref<128x32xf32, #tpu.memory_space<vmem>>) target(%dma_start3A_2318 : memref<128x32xf32, #tpu.memory_space<hbm>>) target_semaphore(%run_scoped3A_2312 : memref<!tpu.dma_semaphore, #tpu.memory_space<semaphore_mem>>)
      %dma_wait3A_2319 = arith.constant 0 : i32
      %dma_wait3A_2320 = tpu.memref_slice %arg4[%run_scoped3A_798, %mul3A_2, %dma_wait3A_2319] : memref<26x4096x32xf32, #tpu.memory_space<hbm>> -> memref<1x128x32xf32, #tpu.memory_space<hbm>>
      %dma_wait3A_2321 = tpu.memref_squeeze %dma_wait3A_2320 : memref<1x128x32xf32, #tpu.memory_space<hbm>> -> memref<128x32xf32, #tpu.memory_space<hbm>>
      %dma_wait3A_2322 = arith.constant 0 : i32
      %dma_wait3A_2323 = tpu.memref_slice %arg4[%run_scoped3A_798, %mul3A_2, %dma_wait3A_2322] : memref<26x4096x32xf32, #tpu.memory_space<hbm>> -> memref<1x128x32xf32, #tpu.memory_space<hbm>>
      %dma_wait3A_2324 = tpu.memref_squeeze %dma_wait3A_2323 : memref<1x128x32xf32, #tpu.memory_space<hbm>> -> memref<128x32xf32, #tpu.memory_space<hbm>>
      tpu.wait_dma2 semaphore(%run_scoped3A_2312 : memref<!tpu.dma_semaphore, #tpu.memory_space<semaphore_mem>>) src(%arg6 : memref<128x32xf32, #tpu.memory_space<vmem>>) dst(%dma_wait3A_2324 : memref<128x32xf32, #tpu.memory_space<hbm>>)
      tpu.yield
    }) : () -> ()
    %add3A_799 = arith.constant 36864 : i32
    %add3A_800 = arith.addi %add3A_799, %mul3A_2 : i32
    "tpu.region"() ({
      %run_scoped3A_2312 = tpu.sem_alloc : memref<!tpu.dma_semaphore, #tpu.memory_space<semaphore_mem>>
      %dma_start3A_2313 = tpu.memref_slice %arg2[%add3A_800] : memref<106496xi32, #tpu.memory_space<hbm>> -> memref<128xi32, #tpu.memory_space<hbm>>
      %dma_start3A_2314 = tpu.memref_slice %arg2[%add3A_800] : memref<106496xi32, #tpu.memory_space<hbm>> -> memref<128xi32, #tpu.memory_space<hbm>>
      tpu.enqueue_dma source(%dma_start3A_2314 : memref<128xi32, #tpu.memory_space<hbm>>) target(%arg5 : memref<128xi32, #tpu.memory_space<vmem>>) target_semaphore(%run_scoped3A_2312 : memref<!tpu.dma_semaphore, #tpu.memory_space<semaphore_mem>>)
      %dma_wait3A_2315 = tpu.memref_slice %arg2[%add3A_800] : memref<106496xi32, #tpu.memory_space<hbm>> -> memref<128xi32, #tpu.memory_space<hbm>>
      %dma_wait3A_2316 = tpu.memref_slice %arg2[%add3A_800] : memref<106496xi32, #tpu.memory_space<hbm>> -> memref<128xi32, #tpu.memory_space<hbm>>
      tpu.wait_dma2 semaphore(%run_scoped3A_2312 : memref<!tpu.dma_semaphore, #tpu.memory_space<semaphore_mem>>) src(%dma_wait3A_2316 : memref<128xi32, #tpu.memory_space<hbm>>) dst(%arg5 : memref<128xi32, #tpu.memory_space<vmem>>)
      tpu.yield
    }) : () -> ()
    %get3A_801 = arith.constant 0 : index
    %get3A_802 = tpu.vector_load %arg5[%get3A_801] {strides = array<i32>} : memref<128xi32, #tpu.memory_space<vmem>>, vector<16xi32>,
    %get3A_803 = vector.shape_cast %get3A_802 : vector<16xi32> to vector<16xi32>
    %add3A_804 = arith.constant 900000 : i32
    %add3A_805 = vector.broadcast %add3A_804 : i32 to vector<16xi32>
    %add3A_806 = arith.addi %get3A_803, %add3A_805 : vector<16xi32>
    %swap3A_807 = arith.constant 0 : index
    %swap3A_808 = tpu.vector_load %arg5[%swap3A_807] {strides = array<i32>} : memref<128xi32, #tpu.memory_space<vmem>>, vector<16xi32>,
    %swap3A_809 = vector.shape_cast %swap3A_808 : vector<16xi32> to vector<16xi32>
    %swap3A_810 = vector.shape_cast %add3A_806 : vector<16xi32> to vector<16xi32>
    tpu.vector_store %arg5[%swap3A_807], %swap3A_810 {strides = array<i32>} : memref<128xi32, #tpu.memory_space<vmem>>, vector<16xi32>,
    %get3A_811 = arith.constant 16 : index
    %get3A_812 = tpu.vector_load %arg5[%get3A_811] {strides = array<i32>} : memref<128xi32, #tpu.memory_space<vmem>>, vector<16xi32>,
    %get3A_813 = vector.shape_cast %get3A_812 : vector<16xi32> to vector<16xi32>
    %add3A_814 = arith.constant 900000 : i32
    %add3A_815 = vector.broadcast %add3A_814 : i32 to vector<16xi32>
    %add3A_816 = arith.addi %get3A_813, %add3A_815 : vector<16xi32>
    %swap3A_817 = arith.constant 16 : index
    %swap3A_818 = tpu.vector_load %arg5[%swap3A_817] {strides = array<i32>} : memref<128xi32, #tpu.memory_space<vmem>>, vector<16xi32>,
    %swap3A_819 = vector.shape_cast %swap3A_818 : vector<16xi32> to vector<16xi32>
    %swap3A_820 = vector.shape_cast %add3A_816 : vector<16xi32> to vector<16xi32>
    tpu.vector_store %arg5[%swap3A_817], %swap3A_820 {strides = array<i32>} : memref<128xi32, #tpu.memory_space<vmem>>, vector<16xi32>,
    %get3A_821 = arith.constant 32 : index
    %get3A_822 = tpu.vector_load %arg5[%get3A_821] {strides = array<i32>} : memref<128xi32, #tpu.memory_space<vmem>>, vector<16xi32>,
    %get3A_823 = vector.shape_cast %get3A_822 : vector<16xi32> to vector<16xi32>
    %add3A_824 = arith.constant 900000 : i32
    %add3A_825 = vector.broadcast %add3A_824 : i32 to vector<16xi32>
    %add3A_826 = arith.addi %get3A_823, %add3A_825 : vector<16xi32>
    %swap3A_827 = arith.constant 32 : index
    %swap3A_828 = tpu.vector_load %arg5[%swap3A_827] {strides = array<i32>} : memref<128xi32, #tpu.memory_space<vmem>>, vector<16xi32>,
    %swap3A_829 = vector.shape_cast %swap3A_828 : vector<16xi32> to vector<16xi32>
    %swap3A_830 = vector.shape_cast %add3A_826 : vector<16xi32> to vector<16xi32>
    tpu.vector_store %arg5[%swap3A_827], %swap3A_830 {strides = array<i32>} : memref<128xi32, #tpu.memory_space<vmem>>, vector<16xi32>,
    %get3A_831 = arith.constant 48 : index
    %get3A_832 = tpu.vector_load %arg5[%get3A_831] {strides = array<i32>} : memref<128xi32, #tpu.memory_space<vmem>>, vector<16xi32>,
    %get3A_833 = vector.shape_cast %get3A_832 : vector<16xi32> to vector<16xi32>
    %add3A_834 = arith.constant 900000 : i32
    %add3A_835 = vector.broadcast %add3A_834 : i32 to vector<16xi32>
    %add3A_836 = arith.addi %get3A_833, %add3A_835 : vector<16xi32>
    %swap3A_837 = arith.constant 48 : index
    %swap3A_838 = tpu.vector_load %arg5[%swap3A_837] {strides = array<i32>} : memref<128xi32, #tpu.memory_space<vmem>>, vector<16xi32>,
    %swap3A_839 = vector.shape_cast %swap3A_838 : vector<16xi32> to vector<16xi32>
    %swap3A_840 = vector.shape_cast %add3A_836 : vector<16xi32> to vector<16xi32>
    tpu.vector_store %arg5[%swap3A_837], %swap3A_840 {strides = array<i32>} : memref<128xi32, #tpu.memory_space<vmem>>, vector<16xi32>,
    %get3A_841 = arith.constant 64 : index
    %get3A_842 = tpu.vector_load %arg5[%get3A_841] {strides = array<i32>} : memref<128xi32, #tpu.memory_space<vmem>>, vector<16xi32>,
    %get3A_843 = vector.shape_cast %get3A_842 : vector<16xi32> to vector<16xi32>
    %add3A_844 = arith.constant 900000 : i32
    %add3A_845 = vector.broadcast %add3A_844 : i32 to vector<16xi32>
    %add3A_846 = arith.addi %get3A_843, %add3A_845 : vector<16xi32>
    %swap3A_847 = arith.constant 64 : index
    %swap3A_848 = tpu.vector_load %arg5[%swap3A_847] {strides = array<i32>} : memref<128xi32, #tpu.memory_space<vmem>>, vector<16xi32>,
    %swap3A_849 = vector.shape_cast %swap3A_848 : vector<16xi32> to vector<16xi32>
    %swap3A_850 = vector.shape_cast %add3A_846 : vector<16xi32> to vector<16xi32>
    tpu.vector_store %arg5[%swap3A_847], %swap3A_850 {strides = array<i32>} : memref<128xi32, #tpu.memory_space<vmem>>, vector<16xi32>,
    %get3A_851 = arith.constant 80 : index
    %get3A_852 = tpu.vector_load %arg5[%get3A_851] {strides = array<i32>} : memref<128xi32, #tpu.memory_space<vmem>>, vector<16xi32>,
    %get3A_853 = vector.shape_cast %get3A_852 : vector<16xi32> to vector<16xi32>
    %add3A_854 = arith.constant 900000 : i32
    %add3A_855 = vector.broadcast %add3A_854 : i32 to vector<16xi32>
    %add3A_856 = arith.addi %get3A_853, %add3A_855 : vector<16xi32>
    %swap3A_857 = arith.constant 80 : index
    %swap3A_858 = tpu.vector_load %arg5[%swap3A_857] {strides = array<i32>} : memref<128xi32, #tpu.memory_space<vmem>>, vector<16xi32>,
    %swap3A_859 = vector.shape_cast %swap3A_858 : vector<16xi32> to vector<16xi32>
    %swap3A_860 = vector.shape_cast %add3A_856 : vector<16xi32> to vector<16xi32>
    tpu.vector_store %arg5[%swap3A_857], %swap3A_860 {strides = array<i32>} : memref<128xi32, #tpu.memory_space<vmem>>, vector<16xi32>,
    %get3A_861 = arith.constant 96 : index
    %get3A_862 = tpu.vector_load %arg5[%get3A_861] {strides = array<i32>} : memref<128xi32, #tpu.memory_space<vmem>>, vector<16xi32>,
    %get3A_863 = vector.shape_cast %get3A_862 : vector<16xi32> to vector<16xi32>
    %add3A_864 = arith.constant 900000 : i32
    %add3A_865 = vector.broadcast %add3A_864 : i32 to vector<16xi32>
    %add3A_866 = arith.addi %get3A_863, %add3A_865 : vector<16xi32>
    %swap3A_867 = arith.constant 96 : index
    %swap3A_868 = tpu.vector_load %arg5[%swap3A_867] {strides = array<i32>} : memref<128xi32, #tpu.memory_space<vmem>>, vector<16xi32>,
    %swap3A_869 = vector.shape_cast %swap3A_868 : vector<16xi32> to vector<16xi32>
    %swap3A_870 = vector.shape_cast %add3A_866 : vector<16xi32> to vector<16xi32>
    tpu.vector_store %arg5[%swap3A_867], %swap3A_870 {strides = array<i32>} : memref<128xi32, #tpu.memory_space<vmem>>, vector<16xi32>,
    %get3A_871 = arith.constant 112 : index
    %get3A_872 = tpu.vector_load %arg5[%get3A_871] {strides = array<i32>} : memref<128xi32, #tpu.memory_space<vmem>>, vector<16xi32>,
    %get3A_873 = vector.shape_cast %get3A_872 : vector<16xi32> to vector<16xi32>
    %add3A_874 = arith.constant 900000 : i32
    %add3A_875 = vector.broadcast %add3A_874 : i32 to vector<16xi32>
    %add3A_876 = arith.addi %get3A_873, %add3A_875 : vector<16xi32>
    %swap3A_877 = arith.constant 112 : index
    %swap3A_878 = tpu.vector_load %arg5[%swap3A_877] {strides = array<i32>} : memref<128xi32, #tpu.memory_space<vmem>>, vector<16xi32>,
    %swap3A_879 = vector.shape_cast %swap3A_878 : vector<16xi32> to vector<16xi32>
    %swap3A_880 = vector.shape_cast %add3A_876 : vector<16xi32> to vector<16xi32>
    tpu.vector_store %arg5[%swap3A_877], %swap3A_880 {strides = array<i32>} : memref<128xi32, #tpu.memory_space<vmem>>, vector<16xi32>,
    %dma_start3A_881 = arith.constant 0 : i32
    %dma_start3A_882 = arith.constant 0 : i32
    %dma_start3A_883 = tpu.memref_slice %arg3[%dma_start3A_881, %dma_start3A_882] : memref<2600000x32xf32, #tpu.memory_space<hbm>> -> memref<2600000x32xf32, #tpu.memory_space<hbm>>
    tpu.enqueue_indirect_dma source(%dma_start3A_883 : memref<2600000x32xf32, #tpu.memory_space<hbm>>) target(%arg6 : memref<128x32xf32, #tpu.memory_space<vmem>>) offsets(%arg5 : memref<128xi32, #tpu.memory_space<vmem>>) semaphore(%arg7 : memref<!tpu.dma_semaphore, #tpu.memory_space<semaphore_mem>>)
    %dma_wait3A_884 = arith.constant 0 : i32
    %dma_wait3A_885 = arith.constant 0 : i32
    %dma_wait3A_886 = tpu.memref_slice %arg3[%dma_wait3A_884, %dma_wait3A_885] : memref<2600000x32xf32, #tpu.memory_space<hbm>> -> memref<2600000x32xf32, #tpu.memory_space<hbm>>
    tpu.wait_indirect_dma semaphore(%arg7 : memref<!tpu.dma_semaphore, #tpu.memory_space<semaphore_mem>>) src(%dma_wait3A_886 : memref<2600000x32xf32, #tpu.memory_space<hbm>>) dst(%arg6 : memref<128x32xf32, #tpu.memory_space<vmem>>)
    %run_scoped3A_887 = arith.constant 9 : i32
    "tpu.region"() ({
      %run_scoped3A_2312 = tpu.sem_alloc : memref<!tpu.dma_semaphore, #tpu.memory_space<semaphore_mem>>
      %dma_start3A_2313 = arith.constant 0 : i32
      %dma_start3A_2314 = tpu.memref_slice %arg4[%run_scoped3A_887, %mul3A_2, %dma_start3A_2313] : memref<26x4096x32xf32, #tpu.memory_space<hbm>> -> memref<1x128x32xf32, #tpu.memory_space<hbm>>
      %dma_start3A_2315 = tpu.memref_squeeze %dma_start3A_2314 : memref<1x128x32xf32, #tpu.memory_space<hbm>> -> memref<128x32xf32, #tpu.memory_space<hbm>>
      %dma_start3A_2316 = arith.constant 0 : i32
      %dma_start3A_2317 = tpu.memref_slice %arg4[%run_scoped3A_887, %mul3A_2, %dma_start3A_2316] : memref<26x4096x32xf32, #tpu.memory_space<hbm>> -> memref<1x128x32xf32, #tpu.memory_space<hbm>>
      %dma_start3A_2318 = tpu.memref_squeeze %dma_start3A_2317 : memref<1x128x32xf32, #tpu.memory_space<hbm>> -> memref<128x32xf32, #tpu.memory_space<hbm>>
      tpu.enqueue_dma source(%arg6 : memref<128x32xf32, #tpu.memory_space<vmem>>) target(%dma_start3A_2318 : memref<128x32xf32, #tpu.memory_space<hbm>>) target_semaphore(%run_scoped3A_2312 : memref<!tpu.dma_semaphore, #tpu.memory_space<semaphore_mem>>)
      %dma_wait3A_2319 = arith.constant 0 : i32
      %dma_wait3A_2320 = tpu.memref_slice %arg4[%run_scoped3A_887, %mul3A_2, %dma_wait3A_2319] : memref<26x4096x32xf32, #tpu.memory_space<hbm>> -> memref<1x128x32xf32, #tpu.memory_space<hbm>>
      %dma_wait3A_2321 = tpu.memref_squeeze %dma_wait3A_2320 : memref<1x128x32xf32, #tpu.memory_space<hbm>> -> memref<128x32xf32, #tpu.memory_space<hbm>>
      %dma_wait3A_2322 = arith.constant 0 : i32
      %dma_wait3A_2323 = tpu.memref_slice %arg4[%run_scoped3A_887, %mul3A_2, %dma_wait3A_2322] : memref<26x4096x32xf32, #tpu.memory_space<hbm>> -> memref<1x128x32xf32, #tpu.memory_space<hbm>>
      %dma_wait3A_2324 = tpu.memref_squeeze %dma_wait3A_2323 : memref<1x128x32xf32, #tpu.memory_space<hbm>> -> memref<128x32xf32, #tpu.memory_space<hbm>>
      tpu.wait_dma2 semaphore(%run_scoped3A_2312 : memref<!tpu.dma_semaphore, #tpu.memory_space<semaphore_mem>>) src(%arg6 : memref<128x32xf32, #tpu.memory_space<vmem>>) dst(%dma_wait3A_2324 : memref<128x32xf32, #tpu.memory_space<hbm>>)
      tpu.yield
    }) : () -> ()
    %add3A_888 = arith.constant 40960 : i32
    %add3A_889 = arith.addi %add3A_888, %mul3A_2 : i32
    "tpu.region"() ({
      %run_scoped3A_2312 = tpu.sem_alloc : memref<!tpu.dma_semaphore, #tpu.memory_space<semaphore_mem>>
      %dma_start3A_2313 = tpu.memref_slice %arg2[%add3A_889] : memref<106496xi32, #tpu.memory_space<hbm>> -> memref<128xi32, #tpu.memory_space<hbm>>
      %dma_start3A_2314 = tpu.memref_slice %arg2[%add3A_889] : memref<106496xi32, #tpu.memory_space<hbm>> -> memref<128xi32, #tpu.memory_space<hbm>>
      tpu.enqueue_dma source(%dma_start3A_2314 : memref<128xi32, #tpu.memory_space<hbm>>) target(%arg5 : memref<128xi32, #tpu.memory_space<vmem>>) target_semaphore(%run_scoped3A_2312 : memref<!tpu.dma_semaphore, #tpu.memory_space<semaphore_mem>>)
      %dma_wait3A_2315 = tpu.memref_slice %arg2[%add3A_889] : memref<106496xi32, #tpu.memory_space<hbm>> -> memref<128xi32, #tpu.memory_space<hbm>>
      %dma_wait3A_2316 = tpu.memref_slice %arg2[%add3A_889] : memref<106496xi32, #tpu.memory_space<hbm>> -> memref<128xi32, #tpu.memory_space<hbm>>
      tpu.wait_dma2 semaphore(%run_scoped3A_2312 : memref<!tpu.dma_semaphore, #tpu.memory_space<semaphore_mem>>) src(%dma_wait3A_2316 : memref<128xi32, #tpu.memory_space<hbm>>) dst(%arg5 : memref<128xi32, #tpu.memory_space<vmem>>)
      tpu.yield
    }) : () -> ()
    %get3A_890 = arith.constant 0 : index
    %get3A_891 = tpu.vector_load %arg5[%get3A_890] {strides = array<i32>} : memref<128xi32, #tpu.memory_space<vmem>>, vector<16xi32>,
    %get3A_892 = vector.shape_cast %get3A_891 : vector<16xi32> to vector<16xi32>
    %add3A_893 = arith.constant 1000000 : i32
    %add3A_894 = vector.broadcast %add3A_893 : i32 to vector<16xi32>
    %add3A_895 = arith.addi %get3A_892, %add3A_894 : vector<16xi32>
    %swap3A_896 = arith.constant 0 : index
    %swap3A_897 = tpu.vector_load %arg5[%swap3A_896] {strides = array<i32>} : memref<128xi32, #tpu.memory_space<vmem>>, vector<16xi32>,
    %swap3A_898 = vector.shape_cast %swap3A_897 : vector<16xi32> to vector<16xi32>
    %swap3A_899 = vector.shape_cast %add3A_895 : vector<16xi32> to vector<16xi32>
    tpu.vector_store %arg5[%swap3A_896], %swap3A_899 {strides = array<i32>} : memref<128xi32, #tpu.memory_space<vmem>>, vector<16xi32>,
    %get3A_900 = arith.constant 16 : index
    %get3A_901 = tpu.vector_load %arg5[%get3A_900] {strides = array<i32>} : memref<128xi32, #tpu.memory_space<vmem>>, vector<16xi32>,
    %get3A_902 = vector.shape_cast %get3A_901 : vector<16xi32> to vector<16xi32>
    %add3A_903 = arith.constant 1000000 : i32
    %add3A_904 = vector.broadcast %add3A_903 : i32 to vector<16xi32>
    %add3A_905 = arith.addi %get3A_902, %add3A_904 : vector<16xi32>
    %swap3A_906 = arith.constant 16 : index
    %swap3A_907 = tpu.vector_load %arg5[%swap3A_906] {strides = array<i32>} : memref<128xi32, #tpu.memory_space<vmem>>, vector<16xi32>,
    %swap3A_908 = vector.shape_cast %swap3A_907 : vector<16xi32> to vector<16xi32>
    %swap3A_909 = vector.shape_cast %add3A_905 : vector<16xi32> to vector<16xi32>
    tpu.vector_store %arg5[%swap3A_906], %swap3A_909 {strides = array<i32>} : memref<128xi32, #tpu.memory_space<vmem>>, vector<16xi32>,
    %get3A_910 = arith.constant 32 : index
    %get3A_911 = tpu.vector_load %arg5[%get3A_910] {strides = array<i32>} : memref<128xi32, #tpu.memory_space<vmem>>, vector<16xi32>,
    %get3A_912 = vector.shape_cast %get3A_911 : vector<16xi32> to vector<16xi32>
    %add3A_913 = arith.constant 1000000 : i32
    %add3A_914 = vector.broadcast %add3A_913 : i32 to vector<16xi32>
    %add3A_915 = arith.addi %get3A_912, %add3A_914 : vector<16xi32>
    %swap3A_916 = arith.constant 32 : index
    %swap3A_917 = tpu.vector_load %arg5[%swap3A_916] {strides = array<i32>} : memref<128xi32, #tpu.memory_space<vmem>>, vector<16xi32>,
    %swap3A_918 = vector.shape_cast %swap3A_917 : vector<16xi32> to vector<16xi32>
    %swap3A_919 = vector.shape_cast %add3A_915 : vector<16xi32> to vector<16xi32>
    tpu.vector_store %arg5[%swap3A_916], %swap3A_919 {strides = array<i32>} : memref<128xi32, #tpu.memory_space<vmem>>, vector<16xi32>,
    %get3A_920 = arith.constant 48 : index
    %get3A_921 = tpu.vector_load %arg5[%get3A_920] {strides = array<i32>} : memref<128xi32, #tpu.memory_space<vmem>>, vector<16xi32>,
    %get3A_922 = vector.shape_cast %get3A_921 : vector<16xi32> to vector<16xi32>
    %add3A_923 = arith.constant 1000000 : i32
    %add3A_924 = vector.broadcast %add3A_923 : i32 to vector<16xi32>
    %add3A_925 = arith.addi %get3A_922, %add3A_924 : vector<16xi32>
    %swap3A_926 = arith.constant 48 : index
    %swap3A_927 = tpu.vector_load %arg5[%swap3A_926] {strides = array<i32>} : memref<128xi32, #tpu.memory_space<vmem>>, vector<16xi32>,
    %swap3A_928 = vector.shape_cast %swap3A_927 : vector<16xi32> to vector<16xi32>
    %swap3A_929 = vector.shape_cast %add3A_925 : vector<16xi32> to vector<16xi32>
    tpu.vector_store %arg5[%swap3A_926], %swap3A_929 {strides = array<i32>} : memref<128xi32, #tpu.memory_space<vmem>>, vector<16xi32>,
    %get3A_930 = arith.constant 64 : index
    %get3A_931 = tpu.vector_load %arg5[%get3A_930] {strides = array<i32>} : memref<128xi32, #tpu.memory_space<vmem>>, vector<16xi32>,
    %get3A_932 = vector.shape_cast %get3A_931 : vector<16xi32> to vector<16xi32>
    %add3A_933 = arith.constant 1000000 : i32
    %add3A_934 = vector.broadcast %add3A_933 : i32 to vector<16xi32>
    %add3A_935 = arith.addi %get3A_932, %add3A_934 : vector<16xi32>
    %swap3A_936 = arith.constant 64 : index
    %swap3A_937 = tpu.vector_load %arg5[%swap3A_936] {strides = array<i32>} : memref<128xi32, #tpu.memory_space<vmem>>, vector<16xi32>,
    %swap3A_938 = vector.shape_cast %swap3A_937 : vector<16xi32> to vector<16xi32>
    %swap3A_939 = vector.shape_cast %add3A_935 : vector<16xi32> to vector<16xi32>
    tpu.vector_store %arg5[%swap3A_936], %swap3A_939 {strides = array<i32>} : memref<128xi32, #tpu.memory_space<vmem>>, vector<16xi32>,
    %get3A_940 = arith.constant 80 : index
    %get3A_941 = tpu.vector_load %arg5[%get3A_940] {strides = array<i32>} : memref<128xi32, #tpu.memory_space<vmem>>, vector<16xi32>,
    %get3A_942 = vector.shape_cast %get3A_941 : vector<16xi32> to vector<16xi32>
    %add3A_943 = arith.constant 1000000 : i32
    %add3A_944 = vector.broadcast %add3A_943 : i32 to vector<16xi32>
    %add3A_945 = arith.addi %get3A_942, %add3A_944 : vector<16xi32>
    %swap3A_946 = arith.constant 80 : index
    %swap3A_947 = tpu.vector_load %arg5[%swap3A_946] {strides = array<i32>} : memref<128xi32, #tpu.memory_space<vmem>>, vector<16xi32>,
    %swap3A_948 = vector.shape_cast %swap3A_947 : vector<16xi32> to vector<16xi32>
    %swap3A_949 = vector.shape_cast %add3A_945 : vector<16xi32> to vector<16xi32>
    tpu.vector_store %arg5[%swap3A_946], %swap3A_949 {strides = array<i32>} : memref<128xi32, #tpu.memory_space<vmem>>, vector<16xi32>,
    %get3A_950 = arith.constant 96 : index
    %get3A_951 = tpu.vector_load %arg5[%get3A_950] {strides = array<i32>} : memref<128xi32, #tpu.memory_space<vmem>>, vector<16xi32>,
    %get3A_952 = vector.shape_cast %get3A_951 : vector<16xi32> to vector<16xi32>
    %add3A_953 = arith.constant 1000000 : i32
    %add3A_954 = vector.broadcast %add3A_953 : i32 to vector<16xi32>
    %add3A_955 = arith.addi %get3A_952, %add3A_954 : vector<16xi32>
    %swap3A_956 = arith.constant 96 : index
    %swap3A_957 = tpu.vector_load %arg5[%swap3A_956] {strides = array<i32>} : memref<128xi32, #tpu.memory_space<vmem>>, vector<16xi32>,
    %swap3A_958 = vector.shape_cast %swap3A_957 : vector<16xi32> to vector<16xi32>
    %swap3A_959 = vector.shape_cast %add3A_955 : vector<16xi32> to vector<16xi32>
    tpu.vector_store %arg5[%swap3A_956], %swap3A_959 {strides = array<i32>} : memref<128xi32, #tpu.memory_space<vmem>>, vector<16xi32>,
    %get3A_960 = arith.constant 112 : index
    %get3A_961 = tpu.vector_load %arg5[%get3A_960] {strides = array<i32>} : memref<128xi32, #tpu.memory_space<vmem>>, vector<16xi32>,
    %get3A_962 = vector.shape_cast %get3A_961 : vector<16xi32> to vector<16xi32>
    %add3A_963 = arith.constant 1000000 : i32
    %add3A_964 = vector.broadcast %add3A_963 : i32 to vector<16xi32>
    %add3A_965 = arith.addi %get3A_962, %add3A_964 : vector<16xi32>
    %swap3A_966 = arith.constant 112 : index
    %swap3A_967 = tpu.vector_load %arg5[%swap3A_966] {strides = array<i32>} : memref<128xi32, #tpu.memory_space<vmem>>, vector<16xi32>,
    %swap3A_968 = vector.shape_cast %swap3A_967 : vector<16xi32> to vector<16xi32>
    %swap3A_969 = vector.shape_cast %add3A_965 : vector<16xi32> to vector<16xi32>
    tpu.vector_store %arg5[%swap3A_966], %swap3A_969 {strides = array<i32>} : memref<128xi32, #tpu.memory_space<vmem>>, vector<16xi32>,
    %dma_start3A_970 = arith.constant 0 : i32
    %dma_start3A_971 = arith.constant 0 : i32
    %dma_start3A_972 = tpu.memref_slice %arg3[%dma_start3A_970, %dma_start3A_971] : memref<2600000x32xf32, #tpu.memory_space<hbm>> -> memref<2600000x32xf32, #tpu.memory_space<hbm>>
    tpu.enqueue_indirect_dma source(%dma_start3A_972 : memref<2600000x32xf32, #tpu.memory_space<hbm>>) target(%arg6 : memref<128x32xf32, #tpu.memory_space<vmem>>) offsets(%arg5 : memref<128xi32, #tpu.memory_space<vmem>>) semaphore(%arg7 : memref<!tpu.dma_semaphore, #tpu.memory_space<semaphore_mem>>)
    %dma_wait3A_973 = arith.constant 0 : i32
    %dma_wait3A_974 = arith.constant 0 : i32
    %dma_wait3A_975 = tpu.memref_slice %arg3[%dma_wait3A_973, %dma_wait3A_974] : memref<2600000x32xf32, #tpu.memory_space<hbm>> -> memref<2600000x32xf32, #tpu.memory_space<hbm>>
    tpu.wait_indirect_dma semaphore(%arg7 : memref<!tpu.dma_semaphore, #tpu.memory_space<semaphore_mem>>) src(%dma_wait3A_975 : memref<2600000x32xf32, #tpu.memory_space<hbm>>) dst(%arg6 : memref<128x32xf32, #tpu.memory_space<vmem>>)
    %run_scoped3A_976 = arith.constant 10 : i32
    "tpu.region"() ({
      %run_scoped3A_2312 = tpu.sem_alloc : memref<!tpu.dma_semaphore, #tpu.memory_space<semaphore_mem>>
      %dma_start3A_2313 = arith.constant 0 : i32
      %dma_start3A_2314 = tpu.memref_slice %arg4[%run_scoped3A_976, %mul3A_2, %dma_start3A_2313] : memref<26x4096x32xf32, #tpu.memory_space<hbm>> -> memref<1x128x32xf32, #tpu.memory_space<hbm>>
      %dma_start3A_2315 = tpu.memref_squeeze %dma_start3A_2314 : memref<1x128x32xf32, #tpu.memory_space<hbm>> -> memref<128x32xf32, #tpu.memory_space<hbm>>
      %dma_start3A_2316 = arith.constant 0 : i32
      %dma_start3A_2317 = tpu.memref_slice %arg4[%run_scoped3A_976, %mul3A_2, %dma_start3A_2316] : memref<26x4096x32xf32, #tpu.memory_space<hbm>> -> memref<1x128x32xf32, #tpu.memory_space<hbm>>
      %dma_start3A_2318 = tpu.memref_squeeze %dma_start3A_2317 : memref<1x128x32xf32, #tpu.memory_space<hbm>> -> memref<128x32xf32, #tpu.memory_space<hbm>>
      tpu.enqueue_dma source(%arg6 : memref<128x32xf32, #tpu.memory_space<vmem>>) target(%dma_start3A_2318 : memref<128x32xf32, #tpu.memory_space<hbm>>) target_semaphore(%run_scoped3A_2312 : memref<!tpu.dma_semaphore, #tpu.memory_space<semaphore_mem>>)
      %dma_wait3A_2319 = arith.constant 0 : i32
      %dma_wait3A_2320 = tpu.memref_slice %arg4[%run_scoped3A_976, %mul3A_2, %dma_wait3A_2319] : memref<26x4096x32xf32, #tpu.memory_space<hbm>> -> memref<1x128x32xf32, #tpu.memory_space<hbm>>
      %dma_wait3A_2321 = tpu.memref_squeeze %dma_wait3A_2320 : memref<1x128x32xf32, #tpu.memory_space<hbm>> -> memref<128x32xf32, #tpu.memory_space<hbm>>
      %dma_wait3A_2322 = arith.constant 0 : i32
      %dma_wait3A_2323 = tpu.memref_slice %arg4[%run_scoped3A_976, %mul3A_2, %dma_wait3A_2322] : memref<26x4096x32xf32, #tpu.memory_space<hbm>> -> memref<1x128x32xf32, #tpu.memory_space<hbm>>
      %dma_wait3A_2324 = tpu.memref_squeeze %dma_wait3A_2323 : memref<1x128x32xf32, #tpu.memory_space<hbm>> -> memref<128x32xf32, #tpu.memory_space<hbm>>
      tpu.wait_dma2 semaphore(%run_scoped3A_2312 : memref<!tpu.dma_semaphore, #tpu.memory_space<semaphore_mem>>) src(%arg6 : memref<128x32xf32, #tpu.memory_space<vmem>>) dst(%dma_wait3A_2324 : memref<128x32xf32, #tpu.memory_space<hbm>>)
      tpu.yield
    }) : () -> ()
    %add3A_977 = arith.constant 45056 : i32
    %add3A_978 = arith.addi %add3A_977, %mul3A_2 : i32
    "tpu.region"() ({
      %run_scoped3A_2312 = tpu.sem_alloc : memref<!tpu.dma_semaphore, #tpu.memory_space<semaphore_mem>>
      %dma_start3A_2313 = tpu.memref_slice %arg2[%add3A_978] : memref<106496xi32, #tpu.memory_space<hbm>> -> memref<128xi32, #tpu.memory_space<hbm>>
      %dma_start3A_2314 = tpu.memref_slice %arg2[%add3A_978] : memref<106496xi32, #tpu.memory_space<hbm>> -> memref<128xi32, #tpu.memory_space<hbm>>
      tpu.enqueue_dma source(%dma_start3A_2314 : memref<128xi32, #tpu.memory_space<hbm>>) target(%arg5 : memref<128xi32, #tpu.memory_space<vmem>>) target_semaphore(%run_scoped3A_2312 : memref<!tpu.dma_semaphore, #tpu.memory_space<semaphore_mem>>)
      %dma_wait3A_2315 = tpu.memref_slice %arg2[%add3A_978] : memref<106496xi32, #tpu.memory_space<hbm>> -> memref<128xi32, #tpu.memory_space<hbm>>
      %dma_wait3A_2316 = tpu.memref_slice %arg2[%add3A_978] : memref<106496xi32, #tpu.memory_space<hbm>> -> memref<128xi32, #tpu.memory_space<hbm>>
      tpu.wait_dma2 semaphore(%run_scoped3A_2312 : memref<!tpu.dma_semaphore, #tpu.memory_space<semaphore_mem>>) src(%dma_wait3A_2316 : memref<128xi32, #tpu.memory_space<hbm>>) dst(%arg5 : memref<128xi32, #tpu.memory_space<vmem>>)
      tpu.yield
    }) : () -> ()
    %get3A_979 = arith.constant 0 : index
    %get3A_980 = tpu.vector_load %arg5[%get3A_979] {strides = array<i32>} : memref<128xi32, #tpu.memory_space<vmem>>, vector<16xi32>,
    %get3A_981 = vector.shape_cast %get3A_980 : vector<16xi32> to vector<16xi32>
    %add3A_982 = arith.constant 1100000 : i32
    %add3A_983 = vector.broadcast %add3A_982 : i32 to vector<16xi32>
    %add3A_984 = arith.addi %get3A_981, %add3A_983 : vector<16xi32>
    %swap3A_985 = arith.constant 0 : index
    %swap3A_986 = tpu.vector_load %arg5[%swap3A_985] {strides = array<i32>} : memref<128xi32, #tpu.memory_space<vmem>>, vector<16xi32>,
    %swap3A_987 = vector.shape_cast %swap3A_986 : vector<16xi32> to vector<16xi32>
    %swap3A_988 = vector.shape_cast %add3A_984 : vector<16xi32> to vector<16xi32>
    tpu.vector_store %arg5[%swap3A_985], %swap3A_988 {strides = array<i32>} : memref<128xi32, #tpu.memory_space<vmem>>, vector<16xi32>,
    %get3A_989 = arith.constant 16 : index
    %get3A_990 = tpu.vector_load %arg5[%get3A_989] {strides = array<i32>} : memref<128xi32, #tpu.memory_space<vmem>>, vector<16xi32>,
    %get3A_991 = vector.shape_cast %get3A_990 : vector<16xi32> to vector<16xi32>
    %add3A_992 = arith.constant 1100000 : i32
    %add3A_993 = vector.broadcast %add3A_992 : i32 to vector<16xi32>
    %add3A_994 = arith.addi %get3A_991, %add3A_993 : vector<16xi32>
    %swap3A_995 = arith.constant 16 : index
    %swap3A_996 = tpu.vector_load %arg5[%swap3A_995] {strides = array<i32>} : memref<128xi32, #tpu.memory_space<vmem>>, vector<16xi32>,
    %swap3A_997 = vector.shape_cast %swap3A_996 : vector<16xi32> to vector<16xi32>
    %swap3A_998 = vector.shape_cast %add3A_994 : vector<16xi32> to vector<16xi32>
    tpu.vector_store %arg5[%swap3A_995], %swap3A_998 {strides = array<i32>} : memref<128xi32, #tpu.memory_space<vmem>>, vector<16xi32>,
    %get3A_999 = arith.constant 32 : index
    %get3A_1000 = tpu.vector_load %arg5[%get3A_999] {strides = array<i32>} : memref<128xi32, #tpu.memory_space<vmem>>, vector<16xi32>,
    %get3A_1001 = vector.shape_cast %get3A_1000 : vector<16xi32> to vector<16xi32>
    %add3A_1002 = arith.constant 1100000 : i32
    %add3A_1003 = vector.broadcast %add3A_1002 : i32 to vector<16xi32>
    %add3A_1004 = arith.addi %get3A_1001, %add3A_1003 : vector<16xi32>
    %swap3A_1005 = arith.constant 32 : index
    %swap3A_1006 = tpu.vector_load %arg5[%swap3A_1005] {strides = array<i32>} : memref<128xi32, #tpu.memory_space<vmem>>, vector<16xi32>,
    %swap3A_1007 = vector.shape_cast %swap3A_1006 : vector<16xi32> to vector<16xi32>
    %swap3A_1008 = vector.shape_cast %add3A_1004 : vector<16xi32> to vector<16xi32>
    tpu.vector_store %arg5[%swap3A_1005], %swap3A_1008 {strides = array<i32>} : memref<128xi32, #tpu.memory_space<vmem>>, vector<16xi32>,
    %get3A_1009 = arith.constant 48 : index
    %get3A_1010 = tpu.vector_load %arg5[%get3A_1009] {strides = array<i32>} : memref<128xi32, #tpu.memory_space<vmem>>, vector<16xi32>,
    %get3A_1011 = vector.shape_cast %get3A_1010 : vector<16xi32> to vector<16xi32>
    %add3A_1012 = arith.constant 1100000 : i32
    %add3A_1013 = vector.broadcast %add3A_1012 : i32 to vector<16xi32>
    %add3A_1014 = arith.addi %get3A_1011, %add3A_1013 : vector<16xi32>
    %swap3A_1015 = arith.constant 48 : index
    %swap3A_1016 = tpu.vector_load %arg5[%swap3A_1015] {strides = array<i32>} : memref<128xi32, #tpu.memory_space<vmem>>, vector<16xi32>,
    %swap3A_1017 = vector.shape_cast %swap3A_1016 : vector<16xi32> to vector<16xi32>
    %swap3A_1018 = vector.shape_cast %add3A_1014 : vector<16xi32> to vector<16xi32>
    tpu.vector_store %arg5[%swap3A_1015], %swap3A_1018 {strides = array<i32>} : memref<128xi32, #tpu.memory_space<vmem>>, vector<16xi32>,
    %get3A_1019 = arith.constant 64 : index
    %get3A_1020 = tpu.vector_load %arg5[%get3A_1019] {strides = array<i32>} : memref<128xi32, #tpu.memory_space<vmem>>, vector<16xi32>,
    %get3A_1021 = vector.shape_cast %get3A_1020 : vector<16xi32> to vector<16xi32>
    %add3A_1022 = arith.constant 1100000 : i32
    %add3A_1023 = vector.broadcast %add3A_1022 : i32 to vector<16xi32>
    %add3A_1024 = arith.addi %get3A_1021, %add3A_1023 : vector<16xi32>
    %swap3A_1025 = arith.constant 64 : index
    %swap3A_1026 = tpu.vector_load %arg5[%swap3A_1025] {strides = array<i32>} : memref<128xi32, #tpu.memory_space<vmem>>, vector<16xi32>,
    %swap3A_1027 = vector.shape_cast %swap3A_1026 : vector<16xi32> to vector<16xi32>
    %swap3A_1028 = vector.shape_cast %add3A_1024 : vector<16xi32> to vector<16xi32>
    tpu.vector_store %arg5[%swap3A_1025], %swap3A_1028 {strides = array<i32>} : memref<128xi32, #tpu.memory_space<vmem>>, vector<16xi32>,
    %get3A_1029 = arith.constant 80 : index
    %get3A_1030 = tpu.vector_load %arg5[%get3A_1029] {strides = array<i32>} : memref<128xi32, #tpu.memory_space<vmem>>, vector<16xi32>,
    %get3A_1031 = vector.shape_cast %get3A_1030 : vector<16xi32> to vector<16xi32>
    %add3A_1032 = arith.constant 1100000 : i32
    %add3A_1033 = vector.broadcast %add3A_1032 : i32 to vector<16xi32>
    %add3A_1034 = arith.addi %get3A_1031, %add3A_1033 : vector<16xi32>
    %swap3A_1035 = arith.constant 80 : index
    %swap3A_1036 = tpu.vector_load %arg5[%swap3A_1035] {strides = array<i32>} : memref<128xi32, #tpu.memory_space<vmem>>, vector<16xi32>,
    %swap3A_1037 = vector.shape_cast %swap3A_1036 : vector<16xi32> to vector<16xi32>
    %swap3A_1038 = vector.shape_cast %add3A_1034 : vector<16xi32> to vector<16xi32>
    tpu.vector_store %arg5[%swap3A_1035], %swap3A_1038 {strides = array<i32>} : memref<128xi32, #tpu.memory_space<vmem>>, vector<16xi32>,
    %get3A_1039 = arith.constant 96 : index
    %get3A_1040 = tpu.vector_load %arg5[%get3A_1039] {strides = array<i32>} : memref<128xi32, #tpu.memory_space<vmem>>, vector<16xi32>,
    %get3A_1041 = vector.shape_cast %get3A_1040 : vector<16xi32> to vector<16xi32>
    %add3A_1042 = arith.constant 1100000 : i32
    %add3A_1043 = vector.broadcast %add3A_1042 : i32 to vector<16xi32>
    %add3A_1044 = arith.addi %get3A_1041, %add3A_1043 : vector<16xi32>
    %swap3A_1045 = arith.constant 96 : index
    %swap3A_1046 = tpu.vector_load %arg5[%swap3A_1045] {strides = array<i32>} : memref<128xi32, #tpu.memory_space<vmem>>, vector<16xi32>,
    %swap3A_1047 = vector.shape_cast %swap3A_1046 : vector<16xi32> to vector<16xi32>
    %swap3A_1048 = vector.shape_cast %add3A_1044 : vector<16xi32> to vector<16xi32>
    tpu.vector_store %arg5[%swap3A_1045], %swap3A_1048 {strides = array<i32>} : memref<128xi32, #tpu.memory_space<vmem>>, vector<16xi32>,
    %get3A_1049 = arith.constant 112 : index
    %get3A_1050 = tpu.vector_load %arg5[%get3A_1049] {strides = array<i32>} : memref<128xi32, #tpu.memory_space<vmem>>, vector<16xi32>,
    %get3A_1051 = vector.shape_cast %get3A_1050 : vector<16xi32> to vector<16xi32>
    %add3A_1052 = arith.constant 1100000 : i32
    %add3A_1053 = vector.broadcast %add3A_1052 : i32 to vector<16xi32>
    %add3A_1054 = arith.addi %get3A_1051, %add3A_1053 : vector<16xi32>
    %swap3A_1055 = arith.constant 112 : index
    %swap3A_1056 = tpu.vector_load %arg5[%swap3A_1055] {strides = array<i32>} : memref<128xi32, #tpu.memory_space<vmem>>, vector<16xi32>,
    %swap3A_1057 = vector.shape_cast %swap3A_1056 : vector<16xi32> to vector<16xi32>
    %swap3A_1058 = vector.shape_cast %add3A_1054 : vector<16xi32> to vector<16xi32>
    tpu.vector_store %arg5[%swap3A_1055], %swap3A_1058 {strides = array<i32>} : memref<128xi32, #tpu.memory_space<vmem>>, vector<16xi32>,
    %dma_start3A_1059 = arith.constant 0 : i32
    %dma_start3A_1060 = arith.constant 0 : i32
    %dma_start3A_1061 = tpu.memref_slice %arg3[%dma_start3A_1059, %dma_start3A_1060] : memref<2600000x32xf32, #tpu.memory_space<hbm>> -> memref<2600000x32xf32, #tpu.memory_space<hbm>>
    tpu.enqueue_indirect_dma source(%dma_start3A_1061 : memref<2600000x32xf32, #tpu.memory_space<hbm>>) target(%arg6 : memref<128x32xf32, #tpu.memory_space<vmem>>) offsets(%arg5 : memref<128xi32, #tpu.memory_space<vmem>>) semaphore(%arg7 : memref<!tpu.dma_semaphore, #tpu.memory_space<semaphore_mem>>)
    %dma_wait3A_1062 = arith.constant 0 : i32
    %dma_wait3A_1063 = arith.constant 0 : i32
    %dma_wait3A_1064 = tpu.memref_slice %arg3[%dma_wait3A_1062, %dma_wait3A_1063] : memref<2600000x32xf32, #tpu.memory_space<hbm>> -> memref<2600000x32xf32, #tpu.memory_space<hbm>>
    tpu.wait_indirect_dma semaphore(%arg7 : memref<!tpu.dma_semaphore, #tpu.memory_space<semaphore_mem>>) src(%dma_wait3A_1064 : memref<2600000x32xf32, #tpu.memory_space<hbm>>) dst(%arg6 : memref<128x32xf32, #tpu.memory_space<vmem>>)
    %run_scoped3A_1065 = arith.constant 11 : i32
    "tpu.region"() ({
      %run_scoped3A_2312 = tpu.sem_alloc : memref<!tpu.dma_semaphore, #tpu.memory_space<semaphore_mem>>
      %dma_start3A_2313 = arith.constant 0 : i32
      %dma_start3A_2314 = tpu.memref_slice %arg4[%run_scoped3A_1065, %mul3A_2, %dma_start3A_2313] : memref<26x4096x32xf32, #tpu.memory_space<hbm>> -> memref<1x128x32xf32, #tpu.memory_space<hbm>>
      %dma_start3A_2315 = tpu.memref_squeeze %dma_start3A_2314 : memref<1x128x32xf32, #tpu.memory_space<hbm>> -> memref<128x32xf32, #tpu.memory_space<hbm>>
      %dma_start3A_2316 = arith.constant 0 : i32
      %dma_start3A_2317 = tpu.memref_slice %arg4[%run_scoped3A_1065, %mul3A_2, %dma_start3A_2316] : memref<26x4096x32xf32, #tpu.memory_space<hbm>> -> memref<1x128x32xf32, #tpu.memory_space<hbm>>
      %dma_start3A_2318 = tpu.memref_squeeze %dma_start3A_2317 : memref<1x128x32xf32, #tpu.memory_space<hbm>> -> memref<128x32xf32, #tpu.memory_space<hbm>>
      tpu.enqueue_dma source(%arg6 : memref<128x32xf32, #tpu.memory_space<vmem>>) target(%dma_start3A_2318 : memref<128x32xf32, #tpu.memory_space<hbm>>) target_semaphore(%run_scoped3A_2312 : memref<!tpu.dma_semaphore, #tpu.memory_space<semaphore_mem>>)
      %dma_wait3A_2319 = arith.constant 0 : i32
      %dma_wait3A_2320 = tpu.memref_slice %arg4[%run_scoped3A_1065, %mul3A_2, %dma_wait3A_2319] : memref<26x4096x32xf32, #tpu.memory_space<hbm>> -> memref<1x128x32xf32, #tpu.memory_space<hbm>>
      %dma_wait3A_2321 = tpu.memref_squeeze %dma_wait3A_2320 : memref<1x128x32xf32, #tpu.memory_space<hbm>> -> memref<128x32xf32, #tpu.memory_space<hbm>>
      %dma_wait3A_2322 = arith.constant 0 : i32
      %dma_wait3A_2323 = tpu.memref_slice %arg4[%run_scoped3A_1065, %mul3A_2, %dma_wait3A_2322] : memref<26x4096x32xf32, #tpu.memory_space<hbm>> -> memref<1x128x32xf32, #tpu.memory_space<hbm>>
      %dma_wait3A_2324 = tpu.memref_squeeze %dma_wait3A_2323 : memref<1x128x32xf32, #tpu.memory_space<hbm>> -> memref<128x32xf32, #tpu.memory_space<hbm>>
      tpu.wait_dma2 semaphore(%run_scoped3A_2312 : memref<!tpu.dma_semaphore, #tpu.memory_space<semaphore_mem>>) src(%arg6 : memref<128x32xf32, #tpu.memory_space<vmem>>) dst(%dma_wait3A_2324 : memref<128x32xf32, #tpu.memory_space<hbm>>)
      tpu.yield
    }) : () -> ()
    %add3A_1066 = arith.constant 49152 : i32
    %add3A_1067 = arith.addi %add3A_1066, %mul3A_2 : i32
    "tpu.region"() ({
      %run_scoped3A_2312 = tpu.sem_alloc : memref<!tpu.dma_semaphore, #tpu.memory_space<semaphore_mem>>
      %dma_start3A_2313 = tpu.memref_slice %arg2[%add3A_1067] : memref<106496xi32, #tpu.memory_space<hbm>> -> memref<128xi32, #tpu.memory_space<hbm>>
      %dma_start3A_2314 = tpu.memref_slice %arg2[%add3A_1067] : memref<106496xi32, #tpu.memory_space<hbm>> -> memref<128xi32, #tpu.memory_space<hbm>>
      tpu.enqueue_dma source(%dma_start3A_2314 : memref<128xi32, #tpu.memory_space<hbm>>) target(%arg5 : memref<128xi32, #tpu.memory_space<vmem>>) target_semaphore(%run_scoped3A_2312 : memref<!tpu.dma_semaphore, #tpu.memory_space<semaphore_mem>>)
      %dma_wait3A_2315 = tpu.memref_slice %arg2[%add3A_1067] : memref<106496xi32, #tpu.memory_space<hbm>> -> memref<128xi32, #tpu.memory_space<hbm>>
      %dma_wait3A_2316 = tpu.memref_slice %arg2[%add3A_1067] : memref<106496xi32, #tpu.memory_space<hbm>> -> memref<128xi32, #tpu.memory_space<hbm>>
      tpu.wait_dma2 semaphore(%run_scoped3A_2312 : memref<!tpu.dma_semaphore, #tpu.memory_space<semaphore_mem>>) src(%dma_wait3A_2316 : memref<128xi32, #tpu.memory_space<hbm>>) dst(%arg5 : memref<128xi32, #tpu.memory_space<vmem>>)
      tpu.yield
    }) : () -> ()
    %get3A_1068 = arith.constant 0 : index
    %get3A_1069 = tpu.vector_load %arg5[%get3A_1068] {strides = array<i32>} : memref<128xi32, #tpu.memory_space<vmem>>, vector<16xi32>,
    %get3A_1070 = vector.shape_cast %get3A_1069 : vector<16xi32> to vector<16xi32>
    %add3A_1071 = arith.constant 1200000 : i32
    %add3A_1072 = vector.broadcast %add3A_1071 : i32 to vector<16xi32>
    %add3A_1073 = arith.addi %get3A_1070, %add3A_1072 : vector<16xi32>
    %swap3A_1074 = arith.constant 0 : index
    %swap3A_1075 = tpu.vector_load %arg5[%swap3A_1074] {strides = array<i32>} : memref<128xi32, #tpu.memory_space<vmem>>, vector<16xi32>,
    %swap3A_1076 = vector.shape_cast %swap3A_1075 : vector<16xi32> to vector<16xi32>
    %swap3A_1077 = vector.shape_cast %add3A_1073 : vector<16xi32> to vector<16xi32>
    tpu.vector_store %arg5[%swap3A_1074], %swap3A_1077 {strides = array<i32>} : memref<128xi32, #tpu.memory_space<vmem>>, vector<16xi32>,
    %get3A_1078 = arith.constant 16 : index
    %get3A_1079 = tpu.vector_load %arg5[%get3A_1078] {strides = array<i32>} : memref<128xi32, #tpu.memory_space<vmem>>, vector<16xi32>,
    %get3A_1080 = vector.shape_cast %get3A_1079 : vector<16xi32> to vector<16xi32>
    %add3A_1081 = arith.constant 1200000 : i32
    %add3A_1082 = vector.broadcast %add3A_1081 : i32 to vector<16xi32>
    %add3A_1083 = arith.addi %get3A_1080, %add3A_1082 : vector<16xi32>
    %swap3A_1084 = arith.constant 16 : index
    %swap3A_1085 = tpu.vector_load %arg5[%swap3A_1084] {strides = array<i32>} : memref<128xi32, #tpu.memory_space<vmem>>, vector<16xi32>,
    %swap3A_1086 = vector.shape_cast %swap3A_1085 : vector<16xi32> to vector<16xi32>
    %swap3A_1087 = vector.shape_cast %add3A_1083 : vector<16xi32> to vector<16xi32>
    tpu.vector_store %arg5[%swap3A_1084], %swap3A_1087 {strides = array<i32>} : memref<128xi32, #tpu.memory_space<vmem>>, vector<16xi32>,
    %get3A_1088 = arith.constant 32 : index
    %get3A_1089 = tpu.vector_load %arg5[%get3A_1088] {strides = array<i32>} : memref<128xi32, #tpu.memory_space<vmem>>, vector<16xi32>,
    %get3A_1090 = vector.shape_cast %get3A_1089 : vector<16xi32> to vector<16xi32>
    %add3A_1091 = arith.constant 1200000 : i32
    %add3A_1092 = vector.broadcast %add3A_1091 : i32 to vector<16xi32>
    %add3A_1093 = arith.addi %get3A_1090, %add3A_1092 : vector<16xi32>
    %swap3A_1094 = arith.constant 32 : index
    %swap3A_1095 = tpu.vector_load %arg5[%swap3A_1094] {strides = array<i32>} : memref<128xi32, #tpu.memory_space<vmem>>, vector<16xi32>,
    %swap3A_1096 = vector.shape_cast %swap3A_1095 : vector<16xi32> to vector<16xi32>
    %swap3A_1097 = vector.shape_cast %add3A_1093 : vector<16xi32> to vector<16xi32>
    tpu.vector_store %arg5[%swap3A_1094], %swap3A_1097 {strides = array<i32>} : memref<128xi32, #tpu.memory_space<vmem>>, vector<16xi32>,
    %get3A_1098 = arith.constant 48 : index
    %get3A_1099 = tpu.vector_load %arg5[%get3A_1098] {strides = array<i32>} : memref<128xi32, #tpu.memory_space<vmem>>, vector<16xi32>,
    %get3A_1100 = vector.shape_cast %get3A_1099 : vector<16xi32> to vector<16xi32>
    %add3A_1101 = arith.constant 1200000 : i32
    %add3A_1102 = vector.broadcast %add3A_1101 : i32 to vector<16xi32>
    %add3A_1103 = arith.addi %get3A_1100, %add3A_1102 : vector<16xi32>
    %swap3A_1104 = arith.constant 48 : index
    %swap3A_1105 = tpu.vector_load %arg5[%swap3A_1104] {strides = array<i32>} : memref<128xi32, #tpu.memory_space<vmem>>, vector<16xi32>,
    %swap3A_1106 = vector.shape_cast %swap3A_1105 : vector<16xi32> to vector<16xi32>
    %swap3A_1107 = vector.shape_cast %add3A_1103 : vector<16xi32> to vector<16xi32>
    tpu.vector_store %arg5[%swap3A_1104], %swap3A_1107 {strides = array<i32>} : memref<128xi32, #tpu.memory_space<vmem>>, vector<16xi32>,
    %get3A_1108 = arith.constant 64 : index
    %get3A_1109 = tpu.vector_load %arg5[%get3A_1108] {strides = array<i32>} : memref<128xi32, #tpu.memory_space<vmem>>, vector<16xi32>,
    %get3A_1110 = vector.shape_cast %get3A_1109 : vector<16xi32> to vector<16xi32>
    %add3A_1111 = arith.constant 1200000 : i32
    %add3A_1112 = vector.broadcast %add3A_1111 : i32 to vector<16xi32>
    %add3A_1113 = arith.addi %get3A_1110, %add3A_1112 : vector<16xi32>
    %swap3A_1114 = arith.constant 64 : index
    %swap3A_1115 = tpu.vector_load %arg5[%swap3A_1114] {strides = array<i32>} : memref<128xi32, #tpu.memory_space<vmem>>, vector<16xi32>,
    %swap3A_1116 = vector.shape_cast %swap3A_1115 : vector<16xi32> to vector<16xi32>
    %swap3A_1117 = vector.shape_cast %add3A_1113 : vector<16xi32> to vector<16xi32>
    tpu.vector_store %arg5[%swap3A_1114], %swap3A_1117 {strides = array<i32>} : memref<128xi32, #tpu.memory_space<vmem>>, vector<16xi32>,
    %get3A_1118 = arith.constant 80 : index
    %get3A_1119 = tpu.vector_load %arg5[%get3A_1118] {strides = array<i32>} : memref<128xi32, #tpu.memory_space<vmem>>, vector<16xi32>,
    %get3A_1120 = vector.shape_cast %get3A_1119 : vector<16xi32> to vector<16xi32>
    %add3A_1121 = arith.constant 1200000 : i32
    %add3A_1122 = vector.broadcast %add3A_1121 : i32 to vector<16xi32>
    %add3A_1123 = arith.addi %get3A_1120, %add3A_1122 : vector<16xi32>
    %swap3A_1124 = arith.constant 80 : index
    %swap3A_1125 = tpu.vector_load %arg5[%swap3A_1124] {strides = array<i32>} : memref<128xi32, #tpu.memory_space<vmem>>, vector<16xi32>,
    %swap3A_1126 = vector.shape_cast %swap3A_1125 : vector<16xi32> to vector<16xi32>
    %swap3A_1127 = vector.shape_cast %add3A_1123 : vector<16xi32> to vector<16xi32>
    tpu.vector_store %arg5[%swap3A_1124], %swap3A_1127 {strides = array<i32>} : memref<128xi32, #tpu.memory_space<vmem>>, vector<16xi32>,
    %get3A_1128 = arith.constant 96 : index
    %get3A_1129 = tpu.vector_load %arg5[%get3A_1128] {strides = array<i32>} : memref<128xi32, #tpu.memory_space<vmem>>, vector<16xi32>,
    %get3A_1130 = vector.shape_cast %get3A_1129 : vector<16xi32> to vector<16xi32>
    %add3A_1131 = arith.constant 1200000 : i32
    %add3A_1132 = vector.broadcast %add3A_1131 : i32 to vector<16xi32>
    %add3A_1133 = arith.addi %get3A_1130, %add3A_1132 : vector<16xi32>
    %swap3A_1134 = arith.constant 96 : index
    %swap3A_1135 = tpu.vector_load %arg5[%swap3A_1134] {strides = array<i32>} : memref<128xi32, #tpu.memory_space<vmem>>, vector<16xi32>,
    %swap3A_1136 = vector.shape_cast %swap3A_1135 : vector<16xi32> to vector<16xi32>
    %swap3A_1137 = vector.shape_cast %add3A_1133 : vector<16xi32> to vector<16xi32>
    tpu.vector_store %arg5[%swap3A_1134], %swap3A_1137 {strides = array<i32>} : memref<128xi32, #tpu.memory_space<vmem>>, vector<16xi32>,
    %get3A_1138 = arith.constant 112 : index
    %get3A_1139 = tpu.vector_load %arg5[%get3A_1138] {strides = array<i32>} : memref<128xi32, #tpu.memory_space<vmem>>, vector<16xi32>,
    %get3A_1140 = vector.shape_cast %get3A_1139 : vector<16xi32> to vector<16xi32>
    %add3A_1141 = arith.constant 1200000 : i32
    %add3A_1142 = vector.broadcast %add3A_1141 : i32 to vector<16xi32>
    %add3A_1143 = arith.addi %get3A_1140, %add3A_1142 : vector<16xi32>
    %swap3A_1144 = arith.constant 112 : index
    %swap3A_1145 = tpu.vector_load %arg5[%swap3A_1144] {strides = array<i32>} : memref<128xi32, #tpu.memory_space<vmem>>, vector<16xi32>,
    %swap3A_1146 = vector.shape_cast %swap3A_1145 : vector<16xi32> to vector<16xi32>
    %swap3A_1147 = vector.shape_cast %add3A_1143 : vector<16xi32> to vector<16xi32>
    tpu.vector_store %arg5[%swap3A_1144], %swap3A_1147 {strides = array<i32>} : memref<128xi32, #tpu.memory_space<vmem>>, vector<16xi32>,
    %dma_start3A_1148 = arith.constant 0 : i32
    %dma_start3A_1149 = arith.constant 0 : i32
    %dma_start3A_1150 = tpu.memref_slice %arg3[%dma_start3A_1148, %dma_start3A_1149] : memref<2600000x32xf32, #tpu.memory_space<hbm>> -> memref<2600000x32xf32, #tpu.memory_space<hbm>>
    tpu.enqueue_indirect_dma source(%dma_start3A_1150 : memref<2600000x32xf32, #tpu.memory_space<hbm>>) target(%arg6 : memref<128x32xf32, #tpu.memory_space<vmem>>) offsets(%arg5 : memref<128xi32, #tpu.memory_space<vmem>>) semaphore(%arg7 : memref<!tpu.dma_semaphore, #tpu.memory_space<semaphore_mem>>)
    %dma_wait3A_1151 = arith.constant 0 : i32
    %dma_wait3A_1152 = arith.constant 0 : i32
    %dma_wait3A_1153 = tpu.memref_slice %arg3[%dma_wait3A_1151, %dma_wait3A_1152] : memref<2600000x32xf32, #tpu.memory_space<hbm>> -> memref<2600000x32xf32, #tpu.memory_space<hbm>>
    tpu.wait_indirect_dma semaphore(%arg7 : memref<!tpu.dma_semaphore, #tpu.memory_space<semaphore_mem>>) src(%dma_wait3A_1153 : memref<2600000x32xf32, #tpu.memory_space<hbm>>) dst(%arg6 : memref<128x32xf32, #tpu.memory_space<vmem>>)
    %run_scoped3A_1154 = arith.constant 12 : i32
    "tpu.region"() ({
      %run_scoped3A_2312 = tpu.sem_alloc : memref<!tpu.dma_semaphore, #tpu.memory_space<semaphore_mem>>
      %dma_start3A_2313 = arith.constant 0 : i32
      %dma_start3A_2314 = tpu.memref_slice %arg4[%run_scoped3A_1154, %mul3A_2, %dma_start3A_2313] : memref<26x4096x32xf32, #tpu.memory_space<hbm>> -> memref<1x128x32xf32, #tpu.memory_space<hbm>>
      %dma_start3A_2315 = tpu.memref_squeeze %dma_start3A_2314 : memref<1x128x32xf32, #tpu.memory_space<hbm>> -> memref<128x32xf32, #tpu.memory_space<hbm>>
      %dma_start3A_2316 = arith.constant 0 : i32
      %dma_start3A_2317 = tpu.memref_slice %arg4[%run_scoped3A_1154, %mul3A_2, %dma_start3A_2316] : memref<26x4096x32xf32, #tpu.memory_space<hbm>> -> memref<1x128x32xf32, #tpu.memory_space<hbm>>
      %dma_start3A_2318 = tpu.memref_squeeze %dma_start3A_2317 : memref<1x128x32xf32, #tpu.memory_space<hbm>> -> memref<128x32xf32, #tpu.memory_space<hbm>>
      tpu.enqueue_dma source(%arg6 : memref<128x32xf32, #tpu.memory_space<vmem>>) target(%dma_start3A_2318 : memref<128x32xf32, #tpu.memory_space<hbm>>) target_semaphore(%run_scoped3A_2312 : memref<!tpu.dma_semaphore, #tpu.memory_space<semaphore_mem>>)
      %dma_wait3A_2319 = arith.constant 0 : i32
      %dma_wait3A_2320 = tpu.memref_slice %arg4[%run_scoped3A_1154, %mul3A_2, %dma_wait3A_2319] : memref<26x4096x32xf32, #tpu.memory_space<hbm>> -> memref<1x128x32xf32, #tpu.memory_space<hbm>>
      %dma_wait3A_2321 = tpu.memref_squeeze %dma_wait3A_2320 : memref<1x128x32xf32, #tpu.memory_space<hbm>> -> memref<128x32xf32, #tpu.memory_space<hbm>>
      %dma_wait3A_2322 = arith.constant 0 : i32
      %dma_wait3A_2323 = tpu.memref_slice %arg4[%run_scoped3A_1154, %mul3A_2, %dma_wait3A_2322] : memref<26x4096x32xf32, #tpu.memory_space<hbm>> -> memref<1x128x32xf32, #tpu.memory_space<hbm>>
      %dma_wait3A_2324 = tpu.memref_squeeze %dma_wait3A_2323 : memref<1x128x32xf32, #tpu.memory_space<hbm>> -> memref<128x32xf32, #tpu.memory_space<hbm>>
      tpu.wait_dma2 semaphore(%run_scoped3A_2312 : memref<!tpu.dma_semaphore, #tpu.memory_space<semaphore_mem>>) src(%arg6 : memref<128x32xf32, #tpu.memory_space<vmem>>) dst(%dma_wait3A_2324 : memref<128x32xf32, #tpu.memory_space<hbm>>)
      tpu.yield
    }) : () -> ()
    %add3A_1155 = arith.constant 53248 : i32
    %add3A_1156 = arith.addi %add3A_1155, %mul3A_2 : i32
    "tpu.region"() ({
      %run_scoped3A_2312 = tpu.sem_alloc : memref<!tpu.dma_semaphore, #tpu.memory_space<semaphore_mem>>
      %dma_start3A_2313 = tpu.memref_slice %arg2[%add3A_1156] : memref<106496xi32, #tpu.memory_space<hbm>> -> memref<128xi32, #tpu.memory_space<hbm>>
      %dma_start3A_2314 = tpu.memref_slice %arg2[%add3A_1156] : memref<106496xi32, #tpu.memory_space<hbm>> -> memref<128xi32, #tpu.memory_space<hbm>>
      tpu.enqueue_dma source(%dma_start3A_2314 : memref<128xi32, #tpu.memory_space<hbm>>) target(%arg5 : memref<128xi32, #tpu.memory_space<vmem>>) target_semaphore(%run_scoped3A_2312 : memref<!tpu.dma_semaphore, #tpu.memory_space<semaphore_mem>>)
      %dma_wait3A_2315 = tpu.memref_slice %arg2[%add3A_1156] : memref<106496xi32, #tpu.memory_space<hbm>> -> memref<128xi32, #tpu.memory_space<hbm>>
      %dma_wait3A_2316 = tpu.memref_slice %arg2[%add3A_1156] : memref<106496xi32, #tpu.memory_space<hbm>> -> memref<128xi32, #tpu.memory_space<hbm>>
      tpu.wait_dma2 semaphore(%run_scoped3A_2312 : memref<!tpu.dma_semaphore, #tpu.memory_space<semaphore_mem>>) src(%dma_wait3A_2316 : memref<128xi32, #tpu.memory_space<hbm>>) dst(%arg5 : memref<128xi32, #tpu.memory_space<vmem>>)
      tpu.yield
    }) : () -> ()
    %get3A_1157 = arith.constant 0 : index
    %get3A_1158 = tpu.vector_load %arg5[%get3A_1157] {strides = array<i32>} : memref<128xi32, #tpu.memory_space<vmem>>, vector<16xi32>,
    %get3A_1159 = vector.shape_cast %get3A_1158 : vector<16xi32> to vector<16xi32>
    %add3A_1160 = arith.constant 1300000 : i32
    %add3A_1161 = vector.broadcast %add3A_1160 : i32 to vector<16xi32>
    %add3A_1162 = arith.addi %get3A_1159, %add3A_1161 : vector<16xi32>
    %swap3A_1163 = arith.constant 0 : index
    %swap3A_1164 = tpu.vector_load %arg5[%swap3A_1163] {strides = array<i32>} : memref<128xi32, #tpu.memory_space<vmem>>, vector<16xi32>,
    %swap3A_1165 = vector.shape_cast %swap3A_1164 : vector<16xi32> to vector<16xi32>
    %swap3A_1166 = vector.shape_cast %add3A_1162 : vector<16xi32> to vector<16xi32>
    tpu.vector_store %arg5[%swap3A_1163], %swap3A_1166 {strides = array<i32>} : memref<128xi32, #tpu.memory_space<vmem>>, vector<16xi32>,
    %get3A_1167 = arith.constant 16 : index
    %get3A_1168 = tpu.vector_load %arg5[%get3A_1167] {strides = array<i32>} : memref<128xi32, #tpu.memory_space<vmem>>, vector<16xi32>,
    %get3A_1169 = vector.shape_cast %get3A_1168 : vector<16xi32> to vector<16xi32>
    %add3A_1170 = arith.constant 1300000 : i32
    %add3A_1171 = vector.broadcast %add3A_1170 : i32 to vector<16xi32>
    %add3A_1172 = arith.addi %get3A_1169, %add3A_1171 : vector<16xi32>
    %swap3A_1173 = arith.constant 16 : index
    %swap3A_1174 = tpu.vector_load %arg5[%swap3A_1173] {strides = array<i32>} : memref<128xi32, #tpu.memory_space<vmem>>, vector<16xi32>,
    %swap3A_1175 = vector.shape_cast %swap3A_1174 : vector<16xi32> to vector<16xi32>
    %swap3A_1176 = vector.shape_cast %add3A_1172 : vector<16xi32> to vector<16xi32>
    tpu.vector_store %arg5[%swap3A_1173], %swap3A_1176 {strides = array<i32>} : memref<128xi32, #tpu.memory_space<vmem>>, vector<16xi32>,
    %get3A_1177 = arith.constant 32 : index
    %get3A_1178 = tpu.vector_load %arg5[%get3A_1177] {strides = array<i32>} : memref<128xi32, #tpu.memory_space<vmem>>, vector<16xi32>,
    %get3A_1179 = vector.shape_cast %get3A_1178 : vector<16xi32> to vector<16xi32>
    %add3A_1180 = arith.constant 1300000 : i32
    %add3A_1181 = vector.broadcast %add3A_1180 : i32 to vector<16xi32>
    %add3A_1182 = arith.addi %get3A_1179, %add3A_1181 : vector<16xi32>
    %swap3A_1183 = arith.constant 32 : index
    %swap3A_1184 = tpu.vector_load %arg5[%swap3A_1183] {strides = array<i32>} : memref<128xi32, #tpu.memory_space<vmem>>, vector<16xi32>,
    %swap3A_1185 = vector.shape_cast %swap3A_1184 : vector<16xi32> to vector<16xi32>
    %swap3A_1186 = vector.shape_cast %add3A_1182 : vector<16xi32> to vector<16xi32>
    tpu.vector_store %arg5[%swap3A_1183], %swap3A_1186 {strides = array<i32>} : memref<128xi32, #tpu.memory_space<vmem>>, vector<16xi32>,
    %get3A_1187 = arith.constant 48 : index
    %get3A_1188 = tpu.vector_load %arg5[%get3A_1187] {strides = array<i32>} : memref<128xi32, #tpu.memory_space<vmem>>, vector<16xi32>,
    %get3A_1189 = vector.shape_cast %get3A_1188 : vector<16xi32> to vector<16xi32>
    %add3A_1190 = arith.constant 1300000 : i32
    %add3A_1191 = vector.broadcast %add3A_1190 : i32 to vector<16xi32>
    %add3A_1192 = arith.addi %get3A_1189, %add3A_1191 : vector<16xi32>
    %swap3A_1193 = arith.constant 48 : index
    %swap3A_1194 = tpu.vector_load %arg5[%swap3A_1193] {strides = array<i32>} : memref<128xi32, #tpu.memory_space<vmem>>, vector<16xi32>,
    %swap3A_1195 = vector.shape_cast %swap3A_1194 : vector<16xi32> to vector<16xi32>
    %swap3A_1196 = vector.shape_cast %add3A_1192 : vector<16xi32> to vector<16xi32>
    tpu.vector_store %arg5[%swap3A_1193], %swap3A_1196 {strides = array<i32>} : memref<128xi32, #tpu.memory_space<vmem>>, vector<16xi32>,
    %get3A_1197 = arith.constant 64 : index
    %get3A_1198 = tpu.vector_load %arg5[%get3A_1197] {strides = array<i32>} : memref<128xi32, #tpu.memory_space<vmem>>, vector<16xi32>,
    %get3A_1199 = vector.shape_cast %get3A_1198 : vector<16xi32> to vector<16xi32>
    %add3A_1200 = arith.constant 1300000 : i32
    %add3A_1201 = vector.broadcast %add3A_1200 : i32 to vector<16xi32>
    %add3A_1202 = arith.addi %get3A_1199, %add3A_1201 : vector<16xi32>
    %swap3A_1203 = arith.constant 64 : index
    %swap3A_1204 = tpu.vector_load %arg5[%swap3A_1203] {strides = array<i32>} : memref<128xi32, #tpu.memory_space<vmem>>, vector<16xi32>,
    %swap3A_1205 = vector.shape_cast %swap3A_1204 : vector<16xi32> to vector<16xi32>
    %swap3A_1206 = vector.shape_cast %add3A_1202 : vector<16xi32> to vector<16xi32>
    tpu.vector_store %arg5[%swap3A_1203], %swap3A_1206 {strides = array<i32>} : memref<128xi32, #tpu.memory_space<vmem>>, vector<16xi32>,
    %get3A_1207 = arith.constant 80 : index
    %get3A_1208 = tpu.vector_load %arg5[%get3A_1207] {strides = array<i32>} : memref<128xi32, #tpu.memory_space<vmem>>, vector<16xi32>,
    %get3A_1209 = vector.shape_cast %get3A_1208 : vector<16xi32> to vector<16xi32>
    %add3A_1210 = arith.constant 1300000 : i32
    %add3A_1211 = vector.broadcast %add3A_1210 : i32 to vector<16xi32>
    %add3A_1212 = arith.addi %get3A_1209, %add3A_1211 : vector<16xi32>
    %swap3A_1213 = arith.constant 80 : index
    %swap3A_1214 = tpu.vector_load %arg5[%swap3A_1213] {strides = array<i32>} : memref<128xi32, #tpu.memory_space<vmem>>, vector<16xi32>,
    %swap3A_1215 = vector.shape_cast %swap3A_1214 : vector<16xi32> to vector<16xi32>
    %swap3A_1216 = vector.shape_cast %add3A_1212 : vector<16xi32> to vector<16xi32>
    tpu.vector_store %arg5[%swap3A_1213], %swap3A_1216 {strides = array<i32>} : memref<128xi32, #tpu.memory_space<vmem>>, vector<16xi32>,
    %get3A_1217 = arith.constant 96 : index
    %get3A_1218 = tpu.vector_load %arg5[%get3A_1217] {strides = array<i32>} : memref<128xi32, #tpu.memory_space<vmem>>, vector<16xi32>,
    %get3A_1219 = vector.shape_cast %get3A_1218 : vector<16xi32> to vector<16xi32>
    %add3A_1220 = arith.constant 1300000 : i32
    %add3A_1221 = vector.broadcast %add3A_1220 : i32 to vector<16xi32>
    %add3A_1222 = arith.addi %get3A_1219, %add3A_1221 : vector<16xi32>
    %swap3A_1223 = arith.constant 96 : index
    %swap3A_1224 = tpu.vector_load %arg5[%swap3A_1223] {strides = array<i32>} : memref<128xi32, #tpu.memory_space<vmem>>, vector<16xi32>,
    %swap3A_1225 = vector.shape_cast %swap3A_1224 : vector<16xi32> to vector<16xi32>
    %swap3A_1226 = vector.shape_cast %add3A_1222 : vector<16xi32> to vector<16xi32>
    tpu.vector_store %arg5[%swap3A_1223], %swap3A_1226 {strides = array<i32>} : memref<128xi32, #tpu.memory_space<vmem>>, vector<16xi32>,
    %get3A_1227 = arith.constant 112 : index
    %get3A_1228 = tpu.vector_load %arg5[%get3A_1227] {strides = array<i32>} : memref<128xi32, #tpu.memory_space<vmem>>, vector<16xi32>,
    %get3A_1229 = vector.shape_cast %get3A_1228 : vector<16xi32> to vector<16xi32>
    %add3A_1230 = arith.constant 1300000 : i32
    %add3A_1231 = vector.broadcast %add3A_1230 : i32 to vector<16xi32>
    %add3A_1232 = arith.addi %get3A_1229, %add3A_1231 : vector<16xi32>
    %swap3A_1233 = arith.constant 112 : index
    %swap3A_1234 = tpu.vector_load %arg5[%swap3A_1233] {strides = array<i32>} : memref<128xi32, #tpu.memory_space<vmem>>, vector<16xi32>,
    %swap3A_1235 = vector.shape_cast %swap3A_1234 : vector<16xi32> to vector<16xi32>
    %swap3A_1236 = vector.shape_cast %add3A_1232 : vector<16xi32> to vector<16xi32>
    tpu.vector_store %arg5[%swap3A_1233], %swap3A_1236 {strides = array<i32>} : memref<128xi32, #tpu.memory_space<vmem>>, vector<16xi32>,
    %dma_start3A_1237 = arith.constant 0 : i32
    %dma_start3A_1238 = arith.constant 0 : i32
    %dma_start3A_1239 = tpu.memref_slice %arg3[%dma_start3A_1237, %dma_start3A_1238] : memref<2600000x32xf32, #tpu.memory_space<hbm>> -> memref<2600000x32xf32, #tpu.memory_space<hbm>>
    tpu.enqueue_indirect_dma source(%dma_start3A_1239 : memref<2600000x32xf32, #tpu.memory_space<hbm>>) target(%arg6 : memref<128x32xf32, #tpu.memory_space<vmem>>) offsets(%arg5 : memref<128xi32, #tpu.memory_space<vmem>>) semaphore(%arg7 : memref<!tpu.dma_semaphore, #tpu.memory_space<semaphore_mem>>)
    %dma_wait3A_1240 = arith.constant 0 : i32
    %dma_wait3A_1241 = arith.constant 0 : i32
    %dma_wait3A_1242 = tpu.memref_slice %arg3[%dma_wait3A_1240, %dma_wait3A_1241] : memref<2600000x32xf32, #tpu.memory_space<hbm>> -> memref<2600000x32xf32, #tpu.memory_space<hbm>>
    tpu.wait_indirect_dma semaphore(%arg7 : memref<!tpu.dma_semaphore, #tpu.memory_space<semaphore_mem>>) src(%dma_wait3A_1242 : memref<2600000x32xf32, #tpu.memory_space<hbm>>) dst(%arg6 : memref<128x32xf32, #tpu.memory_space<vmem>>)
    %run_scoped3A_1243 = arith.constant 13 : i32
    "tpu.region"() ({
      %run_scoped3A_2312 = tpu.sem_alloc : memref<!tpu.dma_semaphore, #tpu.memory_space<semaphore_mem>>
      %dma_start3A_2313 = arith.constant 0 : i32
      %dma_start3A_2314 = tpu.memref_slice %arg4[%run_scoped3A_1243, %mul3A_2, %dma_start3A_2313] : memref<26x4096x32xf32, #tpu.memory_space<hbm>> -> memref<1x128x32xf32, #tpu.memory_space<hbm>>
      %dma_start3A_2315 = tpu.memref_squeeze %dma_start3A_2314 : memref<1x128x32xf32, #tpu.memory_space<hbm>> -> memref<128x32xf32, #tpu.memory_space<hbm>>
      %dma_start3A_2316 = arith.constant 0 : i32
      %dma_start3A_2317 = tpu.memref_slice %arg4[%run_scoped3A_1243, %mul3A_2, %dma_start3A_2316] : memref<26x4096x32xf32, #tpu.memory_space<hbm>> -> memref<1x128x32xf32, #tpu.memory_space<hbm>>
      %dma_start3A_2318 = tpu.memref_squeeze %dma_start3A_2317 : memref<1x128x32xf32, #tpu.memory_space<hbm>> -> memref<128x32xf32, #tpu.memory_space<hbm>>
      tpu.enqueue_dma source(%arg6 : memref<128x32xf32, #tpu.memory_space<vmem>>) target(%dma_start3A_2318 : memref<128x32xf32, #tpu.memory_space<hbm>>) target_semaphore(%run_scoped3A_2312 : memref<!tpu.dma_semaphore, #tpu.memory_space<semaphore_mem>>)
      %dma_wait3A_2319 = arith.constant 0 : i32
      %dma_wait3A_2320 = tpu.memref_slice %arg4[%run_scoped3A_1243, %mul3A_2, %dma_wait3A_2319] : memref<26x4096x32xf32, #tpu.memory_space<hbm>> -> memref<1x128x32xf32, #tpu.memory_space<hbm>>
      %dma_wait3A_2321 = tpu.memref_squeeze %dma_wait3A_2320 : memref<1x128x32xf32, #tpu.memory_space<hbm>> -> memref<128x32xf32, #tpu.memory_space<hbm>>
      %dma_wait3A_2322 = arith.constant 0 : i32
      %dma_wait3A_2323 = tpu.memref_slice %arg4[%run_scoped3A_1243, %mul3A_2, %dma_wait3A_2322] : memref<26x4096x32xf32, #tpu.memory_space<hbm>> -> memref<1x128x32xf32, #tpu.memory_space<hbm>>
      %dma_wait3A_2324 = tpu.memref_squeeze %dma_wait3A_2323 : memref<1x128x32xf32, #tpu.memory_space<hbm>> -> memref<128x32xf32, #tpu.memory_space<hbm>>
      tpu.wait_dma2 semaphore(%run_scoped3A_2312 : memref<!tpu.dma_semaphore, #tpu.memory_space<semaphore_mem>>) src(%arg6 : memref<128x32xf32, #tpu.memory_space<vmem>>) dst(%dma_wait3A_2324 : memref<128x32xf32, #tpu.memory_space<hbm>>)
      tpu.yield
    }) : () -> ()
    %add3A_1244 = arith.constant 57344 : i32
    %add3A_1245 = arith.addi %add3A_1244, %mul3A_2 : i32
    "tpu.region"() ({
      %run_scoped3A_2312 = tpu.sem_alloc : memref<!tpu.dma_semaphore, #tpu.memory_space<semaphore_mem>>
      %dma_start3A_2313 = tpu.memref_slice %arg2[%add3A_1245] : memref<106496xi32, #tpu.memory_space<hbm>> -> memref<128xi32, #tpu.memory_space<hbm>>
      %dma_start3A_2314 = tpu.memref_slice %arg2[%add3A_1245] : memref<106496xi32, #tpu.memory_space<hbm>> -> memref<128xi32, #tpu.memory_space<hbm>>
      tpu.enqueue_dma source(%dma_start3A_2314 : memref<128xi32, #tpu.memory_space<hbm>>) target(%arg5 : memref<128xi32, #tpu.memory_space<vmem>>) target_semaphore(%run_scoped3A_2312 : memref<!tpu.dma_semaphore, #tpu.memory_space<semaphore_mem>>)
      %dma_wait3A_2315 = tpu.memref_slice %arg2[%add3A_1245] : memref<106496xi32, #tpu.memory_space<hbm>> -> memref<128xi32, #tpu.memory_space<hbm>>
      %dma_wait3A_2316 = tpu.memref_slice %arg2[%add3A_1245] : memref<106496xi32, #tpu.memory_space<hbm>> -> memref<128xi32, #tpu.memory_space<hbm>>
      tpu.wait_dma2 semaphore(%run_scoped3A_2312 : memref<!tpu.dma_semaphore, #tpu.memory_space<semaphore_mem>>) src(%dma_wait3A_2316 : memref<128xi32, #tpu.memory_space<hbm>>) dst(%arg5 : memref<128xi32, #tpu.memory_space<vmem>>)
      tpu.yield
    }) : () -> ()
    %get3A_1246 = arith.constant 0 : index
    %get3A_1247 = tpu.vector_load %arg5[%get3A_1246] {strides = array<i32>} : memref<128xi32, #tpu.memory_space<vmem>>, vector<16xi32>,
    %get3A_1248 = vector.shape_cast %get3A_1247 : vector<16xi32> to vector<16xi32>
    %add3A_1249 = arith.constant 1400000 : i32
    %add3A_1250 = vector.broadcast %add3A_1249 : i32 to vector<16xi32>
    %add3A_1251 = arith.addi %get3A_1248, %add3A_1250 : vector<16xi32>
    %swap3A_1252 = arith.constant 0 : index
    %swap3A_1253 = tpu.vector_load %arg5[%swap3A_1252] {strides = array<i32>} : memref<128xi32, #tpu.memory_space<vmem>>, vector<16xi32>,
    %swap3A_1254 = vector.shape_cast %swap3A_1253 : vector<16xi32> to vector<16xi32>
    %swap3A_1255 = vector.shape_cast %add3A_1251 : vector<16xi32> to vector<16xi32>
    tpu.vector_store %arg5[%swap3A_1252], %swap3A_1255 {strides = array<i32>} : memref<128xi32, #tpu.memory_space<vmem>>, vector<16xi32>,
    %get3A_1256 = arith.constant 16 : index
    %get3A_1257 = tpu.vector_load %arg5[%get3A_1256] {strides = array<i32>} : memref<128xi32, #tpu.memory_space<vmem>>, vector<16xi32>,
    %get3A_1258 = vector.shape_cast %get3A_1257 : vector<16xi32> to vector<16xi32>
    %add3A_1259 = arith.constant 1400000 : i32
    %add3A_1260 = vector.broadcast %add3A_1259 : i32 to vector<16xi32>
    %add3A_1261 = arith.addi %get3A_1258, %add3A_1260 : vector<16xi32>
    %swap3A_1262 = arith.constant 16 : index
    %swap3A_1263 = tpu.vector_load %arg5[%swap3A_1262] {strides = array<i32>} : memref<128xi32, #tpu.memory_space<vmem>>, vector<16xi32>,
    %swap3A_1264 = vector.shape_cast %swap3A_1263 : vector<16xi32> to vector<16xi32>
    %swap3A_1265 = vector.shape_cast %add3A_1261 : vector<16xi32> to vector<16xi32>
    tpu.vector_store %arg5[%swap3A_1262], %swap3A_1265 {strides = array<i32>} : memref<128xi32, #tpu.memory_space<vmem>>, vector<16xi32>,
    %get3A_1266 = arith.constant 32 : index
    %get3A_1267 = tpu.vector_load %arg5[%get3A_1266] {strides = array<i32>} : memref<128xi32, #tpu.memory_space<vmem>>, vector<16xi32>,
    %get3A_1268 = vector.shape_cast %get3A_1267 : vector<16xi32> to vector<16xi32>
    %add3A_1269 = arith.constant 1400000 : i32
    %add3A_1270 = vector.broadcast %add3A_1269 : i32 to vector<16xi32>
    %add3A_1271 = arith.addi %get3A_1268, %add3A_1270 : vector<16xi32>
    %swap3A_1272 = arith.constant 32 : index
    %swap3A_1273 = tpu.vector_load %arg5[%swap3A_1272] {strides = array<i32>} : memref<128xi32, #tpu.memory_space<vmem>>, vector<16xi32>,
    %swap3A_1274 = vector.shape_cast %swap3A_1273 : vector<16xi32> to vector<16xi32>
    %swap3A_1275 = vector.shape_cast %add3A_1271 : vector<16xi32> to vector<16xi32>
    tpu.vector_store %arg5[%swap3A_1272], %swap3A_1275 {strides = array<i32>} : memref<128xi32, #tpu.memory_space<vmem>>, vector<16xi32>,
    %get3A_1276 = arith.constant 48 : index
    %get3A_1277 = tpu.vector_load %arg5[%get3A_1276] {strides = array<i32>} : memref<128xi32, #tpu.memory_space<vmem>>, vector<16xi32>,
    %get3A_1278 = vector.shape_cast %get3A_1277 : vector<16xi32> to vector<16xi32>
    %add3A_1279 = arith.constant 1400000 : i32
    %add3A_1280 = vector.broadcast %add3A_1279 : i32 to vector<16xi32>
    %add3A_1281 = arith.addi %get3A_1278, %add3A_1280 : vector<16xi32>
    %swap3A_1282 = arith.constant 48 : index
    %swap3A_1283 = tpu.vector_load %arg5[%swap3A_1282] {strides = array<i32>} : memref<128xi32, #tpu.memory_space<vmem>>, vector<16xi32>,
    %swap3A_1284 = vector.shape_cast %swap3A_1283 : vector<16xi32> to vector<16xi32>
    %swap3A_1285 = vector.shape_cast %add3A_1281 : vector<16xi32> to vector<16xi32>
    tpu.vector_store %arg5[%swap3A_1282], %swap3A_1285 {strides = array<i32>} : memref<128xi32, #tpu.memory_space<vmem>>, vector<16xi32>,
    %get3A_1286 = arith.constant 64 : index
    %get3A_1287 = tpu.vector_load %arg5[%get3A_1286] {strides = array<i32>} : memref<128xi32, #tpu.memory_space<vmem>>, vector<16xi32>,
    %get3A_1288 = vector.shape_cast %get3A_1287 : vector<16xi32> to vector<16xi32>
    %add3A_1289 = arith.constant 1400000 : i32
    %add3A_1290 = vector.broadcast %add3A_1289 : i32 to vector<16xi32>
    %add3A_1291 = arith.addi %get3A_1288, %add3A_1290 : vector<16xi32>
    %swap3A_1292 = arith.constant 64 : index
    %swap3A_1293 = tpu.vector_load %arg5[%swap3A_1292] {strides = array<i32>} : memref<128xi32, #tpu.memory_space<vmem>>, vector<16xi32>,
    %swap3A_1294 = vector.shape_cast %swap3A_1293 : vector<16xi32> to vector<16xi32>
    %swap3A_1295 = vector.shape_cast %add3A_1291 : vector<16xi32> to vector<16xi32>
    tpu.vector_store %arg5[%swap3A_1292], %swap3A_1295 {strides = array<i32>} : memref<128xi32, #tpu.memory_space<vmem>>, vector<16xi32>,
    %get3A_1296 = arith.constant 80 : index
    %get3A_1297 = tpu.vector_load %arg5[%get3A_1296] {strides = array<i32>} : memref<128xi32, #tpu.memory_space<vmem>>, vector<16xi32>,
    %get3A_1298 = vector.shape_cast %get3A_1297 : vector<16xi32> to vector<16xi32>
    %add3A_1299 = arith.constant 1400000 : i32
    %add3A_1300 = vector.broadcast %add3A_1299 : i32 to vector<16xi32>
    %add3A_1301 = arith.addi %get3A_1298, %add3A_1300 : vector<16xi32>
    %swap3A_1302 = arith.constant 80 : index
    %swap3A_1303 = tpu.vector_load %arg5[%swap3A_1302] {strides = array<i32>} : memref<128xi32, #tpu.memory_space<vmem>>, vector<16xi32>,
    %swap3A_1304 = vector.shape_cast %swap3A_1303 : vector<16xi32> to vector<16xi32>
    %swap3A_1305 = vector.shape_cast %add3A_1301 : vector<16xi32> to vector<16xi32>
    tpu.vector_store %arg5[%swap3A_1302], %swap3A_1305 {strides = array<i32>} : memref<128xi32, #tpu.memory_space<vmem>>, vector<16xi32>,
    %get3A_1306 = arith.constant 96 : index
    %get3A_1307 = tpu.vector_load %arg5[%get3A_1306] {strides = array<i32>} : memref<128xi32, #tpu.memory_space<vmem>>, vector<16xi32>,
    %get3A_1308 = vector.shape_cast %get3A_1307 : vector<16xi32> to vector<16xi32>
    %add3A_1309 = arith.constant 1400000 : i32
    %add3A_1310 = vector.broadcast %add3A_1309 : i32 to vector<16xi32>
    %add3A_1311 = arith.addi %get3A_1308, %add3A_1310 : vector<16xi32>
    %swap3A_1312 = arith.constant 96 : index
    %swap3A_1313 = tpu.vector_load %arg5[%swap3A_1312] {strides = array<i32>} : memref<128xi32, #tpu.memory_space<vmem>>, vector<16xi32>,
    %swap3A_1314 = vector.shape_cast %swap3A_1313 : vector<16xi32> to vector<16xi32>
    %swap3A_1315 = vector.shape_cast %add3A_1311 : vector<16xi32> to vector<16xi32>
    tpu.vector_store %arg5[%swap3A_1312], %swap3A_1315 {strides = array<i32>} : memref<128xi32, #tpu.memory_space<vmem>>, vector<16xi32>,
    %get3A_1316 = arith.constant 112 : index
    %get3A_1317 = tpu.vector_load %arg5[%get3A_1316] {strides = array<i32>} : memref<128xi32, #tpu.memory_space<vmem>>, vector<16xi32>,
    %get3A_1318 = vector.shape_cast %get3A_1317 : vector<16xi32> to vector<16xi32>
    %add3A_1319 = arith.constant 1400000 : i32
    %add3A_1320 = vector.broadcast %add3A_1319 : i32 to vector<16xi32>
    %add3A_1321 = arith.addi %get3A_1318, %add3A_1320 : vector<16xi32>
    %swap3A_1322 = arith.constant 112 : index
    %swap3A_1323 = tpu.vector_load %arg5[%swap3A_1322] {strides = array<i32>} : memref<128xi32, #tpu.memory_space<vmem>>, vector<16xi32>,
    %swap3A_1324 = vector.shape_cast %swap3A_1323 : vector<16xi32> to vector<16xi32>
    %swap3A_1325 = vector.shape_cast %add3A_1321 : vector<16xi32> to vector<16xi32>
    tpu.vector_store %arg5[%swap3A_1322], %swap3A_1325 {strides = array<i32>} : memref<128xi32, #tpu.memory_space<vmem>>, vector<16xi32>,
    %dma_start3A_1326 = arith.constant 0 : i32
    %dma_start3A_1327 = arith.constant 0 : i32
    %dma_start3A_1328 = tpu.memref_slice %arg3[%dma_start3A_1326, %dma_start3A_1327] : memref<2600000x32xf32, #tpu.memory_space<hbm>> -> memref<2600000x32xf32, #tpu.memory_space<hbm>>
    tpu.enqueue_indirect_dma source(%dma_start3A_1328 : memref<2600000x32xf32, #tpu.memory_space<hbm>>) target(%arg6 : memref<128x32xf32, #tpu.memory_space<vmem>>) offsets(%arg5 : memref<128xi32, #tpu.memory_space<vmem>>) semaphore(%arg7 : memref<!tpu.dma_semaphore, #tpu.memory_space<semaphore_mem>>)
    %dma_wait3A_1329 = arith.constant 0 : i32
    %dma_wait3A_1330 = arith.constant 0 : i32
    %dma_wait3A_1331 = tpu.memref_slice %arg3[%dma_wait3A_1329, %dma_wait3A_1330] : memref<2600000x32xf32, #tpu.memory_space<hbm>> -> memref<2600000x32xf32, #tpu.memory_space<hbm>>
    tpu.wait_indirect_dma semaphore(%arg7 : memref<!tpu.dma_semaphore, #tpu.memory_space<semaphore_mem>>) src(%dma_wait3A_1331 : memref<2600000x32xf32, #tpu.memory_space<hbm>>) dst(%arg6 : memref<128x32xf32, #tpu.memory_space<vmem>>)
    %run_scoped3A_1332 = arith.constant 14 : i32
    "tpu.region"() ({
      %run_scoped3A_2312 = tpu.sem_alloc : memref<!tpu.dma_semaphore, #tpu.memory_space<semaphore_mem>>
      %dma_start3A_2313 = arith.constant 0 : i32
      %dma_start3A_2314 = tpu.memref_slice %arg4[%run_scoped3A_1332, %mul3A_2, %dma_start3A_2313] : memref<26x4096x32xf32, #tpu.memory_space<hbm>> -> memref<1x128x32xf32, #tpu.memory_space<hbm>>
      %dma_start3A_2315 = tpu.memref_squeeze %dma_start3A_2314 : memref<1x128x32xf32, #tpu.memory_space<hbm>> -> memref<128x32xf32, #tpu.memory_space<hbm>>
      %dma_start3A_2316 = arith.constant 0 : i32
      %dma_start3A_2317 = tpu.memref_slice %arg4[%run_scoped3A_1332, %mul3A_2, %dma_start3A_2316] : memref<26x4096x32xf32, #tpu.memory_space<hbm>> -> memref<1x128x32xf32, #tpu.memory_space<hbm>>
      %dma_start3A_2318 = tpu.memref_squeeze %dma_start3A_2317 : memref<1x128x32xf32, #tpu.memory_space<hbm>> -> memref<128x32xf32, #tpu.memory_space<hbm>>
      tpu.enqueue_dma source(%arg6 : memref<128x32xf32, #tpu.memory_space<vmem>>) target(%dma_start3A_2318 : memref<128x32xf32, #tpu.memory_space<hbm>>) target_semaphore(%run_scoped3A_2312 : memref<!tpu.dma_semaphore, #tpu.memory_space<semaphore_mem>>)
      %dma_wait3A_2319 = arith.constant 0 : i32
      %dma_wait3A_2320 = tpu.memref_slice %arg4[%run_scoped3A_1332, %mul3A_2, %dma_wait3A_2319] : memref<26x4096x32xf32, #tpu.memory_space<hbm>> -> memref<1x128x32xf32, #tpu.memory_space<hbm>>
      %dma_wait3A_2321 = tpu.memref_squeeze %dma_wait3A_2320 : memref<1x128x32xf32, #tpu.memory_space<hbm>> -> memref<128x32xf32, #tpu.memory_space<hbm>>
      %dma_wait3A_2322 = arith.constant 0 : i32
      %dma_wait3A_2323 = tpu.memref_slice %arg4[%run_scoped3A_1332, %mul3A_2, %dma_wait3A_2322] : memref<26x4096x32xf32, #tpu.memory_space<hbm>> -> memref<1x128x32xf32, #tpu.memory_space<hbm>>
      %dma_wait3A_2324 = tpu.memref_squeeze %dma_wait3A_2323 : memref<1x128x32xf32, #tpu.memory_space<hbm>> -> memref<128x32xf32, #tpu.memory_space<hbm>>
      tpu.wait_dma2 semaphore(%run_scoped3A_2312 : memref<!tpu.dma_semaphore, #tpu.memory_space<semaphore_mem>>) src(%arg6 : memref<128x32xf32, #tpu.memory_space<vmem>>) dst(%dma_wait3A_2324 : memref<128x32xf32, #tpu.memory_space<hbm>>)
      tpu.yield
    }) : () -> ()
    %add3A_1333 = arith.constant 61440 : i32
    %add3A_1334 = arith.addi %add3A_1333, %mul3A_2 : i32
    "tpu.region"() ({
      %run_scoped3A_2312 = tpu.sem_alloc : memref<!tpu.dma_semaphore, #tpu.memory_space<semaphore_mem>>
      %dma_start3A_2313 = tpu.memref_slice %arg2[%add3A_1334] : memref<106496xi32, #tpu.memory_space<hbm>> -> memref<128xi32, #tpu.memory_space<hbm>>
      %dma_start3A_2314 = tpu.memref_slice %arg2[%add3A_1334] : memref<106496xi32, #tpu.memory_space<hbm>> -> memref<128xi32, #tpu.memory_space<hbm>>
      tpu.enqueue_dma source(%dma_start3A_2314 : memref<128xi32, #tpu.memory_space<hbm>>) target(%arg5 : memref<128xi32, #tpu.memory_space<vmem>>) target_semaphore(%run_scoped3A_2312 : memref<!tpu.dma_semaphore, #tpu.memory_space<semaphore_mem>>)
      %dma_wait3A_2315 = tpu.memref_slice %arg2[%add3A_1334] : memref<106496xi32, #tpu.memory_space<hbm>> -> memref<128xi32, #tpu.memory_space<hbm>>
      %dma_wait3A_2316 = tpu.memref_slice %arg2[%add3A_1334] : memref<106496xi32, #tpu.memory_space<hbm>> -> memref<128xi32, #tpu.memory_space<hbm>>
      tpu.wait_dma2 semaphore(%run_scoped3A_2312 : memref<!tpu.dma_semaphore, #tpu.memory_space<semaphore_mem>>) src(%dma_wait3A_2316 : memref<128xi32, #tpu.memory_space<hbm>>) dst(%arg5 : memref<128xi32, #tpu.memory_space<vmem>>)
      tpu.yield
    }) : () -> ()
    %get3A_1335 = arith.constant 0 : index
    %get3A_1336 = tpu.vector_load %arg5[%get3A_1335] {strides = array<i32>} : memref<128xi32, #tpu.memory_space<vmem>>, vector<16xi32>,
    %get3A_1337 = vector.shape_cast %get3A_1336 : vector<16xi32> to vector<16xi32>
    %add3A_1338 = arith.constant 1500000 : i32
    %add3A_1339 = vector.broadcast %add3A_1338 : i32 to vector<16xi32>
    %add3A_1340 = arith.addi %get3A_1337, %add3A_1339 : vector<16xi32>
    %swap3A_1341 = arith.constant 0 : index
    %swap3A_1342 = tpu.vector_load %arg5[%swap3A_1341] {strides = array<i32>} : memref<128xi32, #tpu.memory_space<vmem>>, vector<16xi32>,
    %swap3A_1343 = vector.shape_cast %swap3A_1342 : vector<16xi32> to vector<16xi32>
    %swap3A_1344 = vector.shape_cast %add3A_1340 : vector<16xi32> to vector<16xi32>
    tpu.vector_store %arg5[%swap3A_1341], %swap3A_1344 {strides = array<i32>} : memref<128xi32, #tpu.memory_space<vmem>>, vector<16xi32>,
    %get3A_1345 = arith.constant 16 : index
    %get3A_1346 = tpu.vector_load %arg5[%get3A_1345] {strides = array<i32>} : memref<128xi32, #tpu.memory_space<vmem>>, vector<16xi32>,
    %get3A_1347 = vector.shape_cast %get3A_1346 : vector<16xi32> to vector<16xi32>
    %add3A_1348 = arith.constant 1500000 : i32
    %add3A_1349 = vector.broadcast %add3A_1348 : i32 to vector<16xi32>
    %add3A_1350 = arith.addi %get3A_1347, %add3A_1349 : vector<16xi32>
    %swap3A_1351 = arith.constant 16 : index
    %swap3A_1352 = tpu.vector_load %arg5[%swap3A_1351] {strides = array<i32>} : memref<128xi32, #tpu.memory_space<vmem>>, vector<16xi32>,
    %swap3A_1353 = vector.shape_cast %swap3A_1352 : vector<16xi32> to vector<16xi32>
    %swap3A_1354 = vector.shape_cast %add3A_1350 : vector<16xi32> to vector<16xi32>
    tpu.vector_store %arg5[%swap3A_1351], %swap3A_1354 {strides = array<i32>} : memref<128xi32, #tpu.memory_space<vmem>>, vector<16xi32>,
    %get3A_1355 = arith.constant 32 : index
    %get3A_1356 = tpu.vector_load %arg5[%get3A_1355] {strides = array<i32>} : memref<128xi32, #tpu.memory_space<vmem>>, vector<16xi32>,
    %get3A_1357 = vector.shape_cast %get3A_1356 : vector<16xi32> to vector<16xi32>
    %add3A_1358 = arith.constant 1500000 : i32
    %add3A_1359 = vector.broadcast %add3A_1358 : i32 to vector<16xi32>
    %add3A_1360 = arith.addi %get3A_1357, %add3A_1359 : vector<16xi32>
    %swap3A_1361 = arith.constant 32 : index
    %swap3A_1362 = tpu.vector_load %arg5[%swap3A_1361] {strides = array<i32>} : memref<128xi32, #tpu.memory_space<vmem>>, vector<16xi32>,
    %swap3A_1363 = vector.shape_cast %swap3A_1362 : vector<16xi32> to vector<16xi32>
    %swap3A_1364 = vector.shape_cast %add3A_1360 : vector<16xi32> to vector<16xi32>
    tpu.vector_store %arg5[%swap3A_1361], %swap3A_1364 {strides = array<i32>} : memref<128xi32, #tpu.memory_space<vmem>>, vector<16xi32>,
    %get3A_1365 = arith.constant 48 : index
    %get3A_1366 = tpu.vector_load %arg5[%get3A_1365] {strides = array<i32>} : memref<128xi32, #tpu.memory_space<vmem>>, vector<16xi32>,
    %get3A_1367 = vector.shape_cast %get3A_1366 : vector<16xi32> to vector<16xi32>
    %add3A_1368 = arith.constant 1500000 : i32
    %add3A_1369 = vector.broadcast %add3A_1368 : i32 to vector<16xi32>
    %add3A_1370 = arith.addi %get3A_1367, %add3A_1369 : vector<16xi32>
    %swap3A_1371 = arith.constant 48 : index
    %swap3A_1372 = tpu.vector_load %arg5[%swap3A_1371] {strides = array<i32>} : memref<128xi32, #tpu.memory_space<vmem>>, vector<16xi32>,
    %swap3A_1373 = vector.shape_cast %swap3A_1372 : vector<16xi32> to vector<16xi32>
    %swap3A_1374 = vector.shape_cast %add3A_1370 : vector<16xi32> to vector<16xi32>
    tpu.vector_store %arg5[%swap3A_1371], %swap3A_1374 {strides = array<i32>} : memref<128xi32, #tpu.memory_space<vmem>>, vector<16xi32>,
    %get3A_1375 = arith.constant 64 : index
    %get3A_1376 = tpu.vector_load %arg5[%get3A_1375] {strides = array<i32>} : memref<128xi32, #tpu.memory_space<vmem>>, vector<16xi32>,
    %get3A_1377 = vector.shape_cast %get3A_1376 : vector<16xi32> to vector<16xi32>
    %add3A_1378 = arith.constant 1500000 : i32
    %add3A_1379 = vector.broadcast %add3A_1378 : i32 to vector<16xi32>
    %add3A_1380 = arith.addi %get3A_1377, %add3A_1379 : vector<16xi32>
    %swap3A_1381 = arith.constant 64 : index
    %swap3A_1382 = tpu.vector_load %arg5[%swap3A_1381] {strides = array<i32>} : memref<128xi32, #tpu.memory_space<vmem>>, vector<16xi32>,
    %swap3A_1383 = vector.shape_cast %swap3A_1382 : vector<16xi32> to vector<16xi32>
    %swap3A_1384 = vector.shape_cast %add3A_1380 : vector<16xi32> to vector<16xi32>
    tpu.vector_store %arg5[%swap3A_1381], %swap3A_1384 {strides = array<i32>} : memref<128xi32, #tpu.memory_space<vmem>>, vector<16xi32>,
    %get3A_1385 = arith.constant 80 : index
    %get3A_1386 = tpu.vector_load %arg5[%get3A_1385] {strides = array<i32>} : memref<128xi32, #tpu.memory_space<vmem>>, vector<16xi32>,
    %get3A_1387 = vector.shape_cast %get3A_1386 : vector<16xi32> to vector<16xi32>
    %add3A_1388 = arith.constant 1500000 : i32
    %add3A_1389 = vector.broadcast %add3A_1388 : i32 to vector<16xi32>
    %add3A_1390 = arith.addi %get3A_1387, %add3A_1389 : vector<16xi32>
    %swap3A_1391 = arith.constant 80 : index
    %swap3A_1392 = tpu.vector_load %arg5[%swap3A_1391] {strides = array<i32>} : memref<128xi32, #tpu.memory_space<vmem>>, vector<16xi32>,
    %swap3A_1393 = vector.shape_cast %swap3A_1392 : vector<16xi32> to vector<16xi32>
    %swap3A_1394 = vector.shape_cast %add3A_1390 : vector<16xi32> to vector<16xi32>
    tpu.vector_store %arg5[%swap3A_1391], %swap3A_1394 {strides = array<i32>} : memref<128xi32, #tpu.memory_space<vmem>>, vector<16xi32>,
    %get3A_1395 = arith.constant 96 : index
    %get3A_1396 = tpu.vector_load %arg5[%get3A_1395] {strides = array<i32>} : memref<128xi32, #tpu.memory_space<vmem>>, vector<16xi32>,
    %get3A_1397 = vector.shape_cast %get3A_1396 : vector<16xi32> to vector<16xi32>
    %add3A_1398 = arith.constant 1500000 : i32
    %add3A_1399 = vector.broadcast %add3A_1398 : i32 to vector<16xi32>
    %add3A_1400 = arith.addi %get3A_1397, %add3A_1399 : vector<16xi32>
    %swap3A_1401 = arith.constant 96 : index
    %swap3A_1402 = tpu.vector_load %arg5[%swap3A_1401] {strides = array<i32>} : memref<128xi32, #tpu.memory_space<vmem>>, vector<16xi32>,
    %swap3A_1403 = vector.shape_cast %swap3A_1402 : vector<16xi32> to vector<16xi32>
    %swap3A_1404 = vector.shape_cast %add3A_1400 : vector<16xi32> to vector<16xi32>
    tpu.vector_store %arg5[%swap3A_1401], %swap3A_1404 {strides = array<i32>} : memref<128xi32, #tpu.memory_space<vmem>>, vector<16xi32>,
    %get3A_1405 = arith.constant 112 : index
    %get3A_1406 = tpu.vector_load %arg5[%get3A_1405] {strides = array<i32>} : memref<128xi32, #tpu.memory_space<vmem>>, vector<16xi32>,
    %get3A_1407 = vector.shape_cast %get3A_1406 : vector<16xi32> to vector<16xi32>
    %add3A_1408 = arith.constant 1500000 : i32
    %add3A_1409 = vector.broadcast %add3A_1408 : i32 to vector<16xi32>
    %add3A_1410 = arith.addi %get3A_1407, %add3A_1409 : vector<16xi32>
    %swap3A_1411 = arith.constant 112 : index
    %swap3A_1412 = tpu.vector_load %arg5[%swap3A_1411] {strides = array<i32>} : memref<128xi32, #tpu.memory_space<vmem>>, vector<16xi32>,
    %swap3A_1413 = vector.shape_cast %swap3A_1412 : vector<16xi32> to vector<16xi32>
    %swap3A_1414 = vector.shape_cast %add3A_1410 : vector<16xi32> to vector<16xi32>
    tpu.vector_store %arg5[%swap3A_1411], %swap3A_1414 {strides = array<i32>} : memref<128xi32, #tpu.memory_space<vmem>>, vector<16xi32>,
    %dma_start3A_1415 = arith.constant 0 : i32
    %dma_start3A_1416 = arith.constant 0 : i32
    %dma_start3A_1417 = tpu.memref_slice %arg3[%dma_start3A_1415, %dma_start3A_1416] : memref<2600000x32xf32, #tpu.memory_space<hbm>> -> memref<2600000x32xf32, #tpu.memory_space<hbm>>
    tpu.enqueue_indirect_dma source(%dma_start3A_1417 : memref<2600000x32xf32, #tpu.memory_space<hbm>>) target(%arg6 : memref<128x32xf32, #tpu.memory_space<vmem>>) offsets(%arg5 : memref<128xi32, #tpu.memory_space<vmem>>) semaphore(%arg7 : memref<!tpu.dma_semaphore, #tpu.memory_space<semaphore_mem>>)
    %dma_wait3A_1418 = arith.constant 0 : i32
    %dma_wait3A_1419 = arith.constant 0 : i32
    %dma_wait3A_1420 = tpu.memref_slice %arg3[%dma_wait3A_1418, %dma_wait3A_1419] : memref<2600000x32xf32, #tpu.memory_space<hbm>> -> memref<2600000x32xf32, #tpu.memory_space<hbm>>
    tpu.wait_indirect_dma semaphore(%arg7 : memref<!tpu.dma_semaphore, #tpu.memory_space<semaphore_mem>>) src(%dma_wait3A_1420 : memref<2600000x32xf32, #tpu.memory_space<hbm>>) dst(%arg6 : memref<128x32xf32, #tpu.memory_space<vmem>>)
    %run_scoped3A_1421 = arith.constant 15 : i32
    "tpu.region"() ({
      %run_scoped3A_2312 = tpu.sem_alloc : memref<!tpu.dma_semaphore, #tpu.memory_space<semaphore_mem>>
      %dma_start3A_2313 = arith.constant 0 : i32
      %dma_start3A_2314 = tpu.memref_slice %arg4[%run_scoped3A_1421, %mul3A_2, %dma_start3A_2313] : memref<26x4096x32xf32, #tpu.memory_space<hbm>> -> memref<1x128x32xf32, #tpu.memory_space<hbm>>
      %dma_start3A_2315 = tpu.memref_squeeze %dma_start3A_2314 : memref<1x128x32xf32, #tpu.memory_space<hbm>> -> memref<128x32xf32, #tpu.memory_space<hbm>>
      %dma_start3A_2316 = arith.constant 0 : i32
      %dma_start3A_2317 = tpu.memref_slice %arg4[%run_scoped3A_1421, %mul3A_2, %dma_start3A_2316] : memref<26x4096x32xf32, #tpu.memory_space<hbm>> -> memref<1x128x32xf32, #tpu.memory_space<hbm>>
      %dma_start3A_2318 = tpu.memref_squeeze %dma_start3A_2317 : memref<1x128x32xf32, #tpu.memory_space<hbm>> -> memref<128x32xf32, #tpu.memory_space<hbm>>
      tpu.enqueue_dma source(%arg6 : memref<128x32xf32, #tpu.memory_space<vmem>>) target(%dma_start3A_2318 : memref<128x32xf32, #tpu.memory_space<hbm>>) target_semaphore(%run_scoped3A_2312 : memref<!tpu.dma_semaphore, #tpu.memory_space<semaphore_mem>>)
      %dma_wait3A_2319 = arith.constant 0 : i32
      %dma_wait3A_2320 = tpu.memref_slice %arg4[%run_scoped3A_1421, %mul3A_2, %dma_wait3A_2319] : memref<26x4096x32xf32, #tpu.memory_space<hbm>> -> memref<1x128x32xf32, #tpu.memory_space<hbm>>
      %dma_wait3A_2321 = tpu.memref_squeeze %dma_wait3A_2320 : memref<1x128x32xf32, #tpu.memory_space<hbm>> -> memref<128x32xf32, #tpu.memory_space<hbm>>
      %dma_wait3A_2322 = arith.constant 0 : i32
      %dma_wait3A_2323 = tpu.memref_slice %arg4[%run_scoped3A_1421, %mul3A_2, %dma_wait3A_2322] : memref<26x4096x32xf32, #tpu.memory_space<hbm>> -> memref<1x128x32xf32, #tpu.memory_space<hbm>>
      %dma_wait3A_2324 = tpu.memref_squeeze %dma_wait3A_2323 : memref<1x128x32xf32, #tpu.memory_space<hbm>> -> memref<128x32xf32, #tpu.memory_space<hbm>>
      tpu.wait_dma2 semaphore(%run_scoped3A_2312 : memref<!tpu.dma_semaphore, #tpu.memory_space<semaphore_mem>>) src(%arg6 : memref<128x32xf32, #tpu.memory_space<vmem>>) dst(%dma_wait3A_2324 : memref<128x32xf32, #tpu.memory_space<hbm>>)
      tpu.yield
    }) : () -> ()
    %add3A_1422 = arith.constant 65536 : i32
    %add3A_1423 = arith.addi %add3A_1422, %mul3A_2 : i32
    "tpu.region"() ({
      %run_scoped3A_2312 = tpu.sem_alloc : memref<!tpu.dma_semaphore, #tpu.memory_space<semaphore_mem>>
      %dma_start3A_2313 = tpu.memref_slice %arg2[%add3A_1423] : memref<106496xi32, #tpu.memory_space<hbm>> -> memref<128xi32, #tpu.memory_space<hbm>>
      %dma_start3A_2314 = tpu.memref_slice %arg2[%add3A_1423] : memref<106496xi32, #tpu.memory_space<hbm>> -> memref<128xi32, #tpu.memory_space<hbm>>
      tpu.enqueue_dma source(%dma_start3A_2314 : memref<128xi32, #tpu.memory_space<hbm>>) target(%arg5 : memref<128xi32, #tpu.memory_space<vmem>>) target_semaphore(%run_scoped3A_2312 : memref<!tpu.dma_semaphore, #tpu.memory_space<semaphore_mem>>)
      %dma_wait3A_2315 = tpu.memref_slice %arg2[%add3A_1423] : memref<106496xi32, #tpu.memory_space<hbm>> -> memref<128xi32, #tpu.memory_space<hbm>>
      %dma_wait3A_2316 = tpu.memref_slice %arg2[%add3A_1423] : memref<106496xi32, #tpu.memory_space<hbm>> -> memref<128xi32, #tpu.memory_space<hbm>>
      tpu.wait_dma2 semaphore(%run_scoped3A_2312 : memref<!tpu.dma_semaphore, #tpu.memory_space<semaphore_mem>>) src(%dma_wait3A_2316 : memref<128xi32, #tpu.memory_space<hbm>>) dst(%arg5 : memref<128xi32, #tpu.memory_space<vmem>>)
      tpu.yield
    }) : () -> ()
    %get3A_1424 = arith.constant 0 : index
    %get3A_1425 = tpu.vector_load %arg5[%get3A_1424] {strides = array<i32>} : memref<128xi32, #tpu.memory_space<vmem>>, vector<16xi32>,
    %get3A_1426 = vector.shape_cast %get3A_1425 : vector<16xi32> to vector<16xi32>
    %add3A_1427 = arith.constant 1600000 : i32
    %add3A_1428 = vector.broadcast %add3A_1427 : i32 to vector<16xi32>
    %add3A_1429 = arith.addi %get3A_1426, %add3A_1428 : vector<16xi32>
    %swap3A_1430 = arith.constant 0 : index
    %swap3A_1431 = tpu.vector_load %arg5[%swap3A_1430] {strides = array<i32>} : memref<128xi32, #tpu.memory_space<vmem>>, vector<16xi32>,
    %swap3A_1432 = vector.shape_cast %swap3A_1431 : vector<16xi32> to vector<16xi32>
    %swap3A_1433 = vector.shape_cast %add3A_1429 : vector<16xi32> to vector<16xi32>
    tpu.vector_store %arg5[%swap3A_1430], %swap3A_1433 {strides = array<i32>} : memref<128xi32, #tpu.memory_space<vmem>>, vector<16xi32>,
    %get3A_1434 = arith.constant 16 : index
    %get3A_1435 = tpu.vector_load %arg5[%get3A_1434] {strides = array<i32>} : memref<128xi32, #tpu.memory_space<vmem>>, vector<16xi32>,
    %get3A_1436 = vector.shape_cast %get3A_1435 : vector<16xi32> to vector<16xi32>
    %add3A_1437 = arith.constant 1600000 : i32
    %add3A_1438 = vector.broadcast %add3A_1437 : i32 to vector<16xi32>
    %add3A_1439 = arith.addi %get3A_1436, %add3A_1438 : vector<16xi32>
    %swap3A_1440 = arith.constant 16 : index
    %swap3A_1441 = tpu.vector_load %arg5[%swap3A_1440] {strides = array<i32>} : memref<128xi32, #tpu.memory_space<vmem>>, vector<16xi32>,
    %swap3A_1442 = vector.shape_cast %swap3A_1441 : vector<16xi32> to vector<16xi32>
    %swap3A_1443 = vector.shape_cast %add3A_1439 : vector<16xi32> to vector<16xi32>
    tpu.vector_store %arg5[%swap3A_1440], %swap3A_1443 {strides = array<i32>} : memref<128xi32, #tpu.memory_space<vmem>>, vector<16xi32>,
    %get3A_1444 = arith.constant 32 : index
    %get3A_1445 = tpu.vector_load %arg5[%get3A_1444] {strides = array<i32>} : memref<128xi32, #tpu.memory_space<vmem>>, vector<16xi32>,
    %get3A_1446 = vector.shape_cast %get3A_1445 : vector<16xi32> to vector<16xi32>
    %add3A_1447 = arith.constant 1600000 : i32
    %add3A_1448 = vector.broadcast %add3A_1447 : i32 to vector<16xi32>
    %add3A_1449 = arith.addi %get3A_1446, %add3A_1448 : vector<16xi32>
    %swap3A_1450 = arith.constant 32 : index
    %swap3A_1451 = tpu.vector_load %arg5[%swap3A_1450] {strides = array<i32>} : memref<128xi32, #tpu.memory_space<vmem>>, vector<16xi32>,
    %swap3A_1452 = vector.shape_cast %swap3A_1451 : vector<16xi32> to vector<16xi32>
    %swap3A_1453 = vector.shape_cast %add3A_1449 : vector<16xi32> to vector<16xi32>
    tpu.vector_store %arg5[%swap3A_1450], %swap3A_1453 {strides = array<i32>} : memref<128xi32, #tpu.memory_space<vmem>>, vector<16xi32>,
    %get3A_1454 = arith.constant 48 : index
    %get3A_1455 = tpu.vector_load %arg5[%get3A_1454] {strides = array<i32>} : memref<128xi32, #tpu.memory_space<vmem>>, vector<16xi32>,
    %get3A_1456 = vector.shape_cast %get3A_1455 : vector<16xi32> to vector<16xi32>
    %add3A_1457 = arith.constant 1600000 : i32
    %add3A_1458 = vector.broadcast %add3A_1457 : i32 to vector<16xi32>
    %add3A_1459 = arith.addi %get3A_1456, %add3A_1458 : vector<16xi32>
    %swap3A_1460 = arith.constant 48 : index
    %swap3A_1461 = tpu.vector_load %arg5[%swap3A_1460] {strides = array<i32>} : memref<128xi32, #tpu.memory_space<vmem>>, vector<16xi32>,
    %swap3A_1462 = vector.shape_cast %swap3A_1461 : vector<16xi32> to vector<16xi32>
    %swap3A_1463 = vector.shape_cast %add3A_1459 : vector<16xi32> to vector<16xi32>
    tpu.vector_store %arg5[%swap3A_1460], %swap3A_1463 {strides = array<i32>} : memref<128xi32, #tpu.memory_space<vmem>>, vector<16xi32>,
    %get3A_1464 = arith.constant 64 : index
    %get3A_1465 = tpu.vector_load %arg5[%get3A_1464] {strides = array<i32>} : memref<128xi32, #tpu.memory_space<vmem>>, vector<16xi32>,
    %get3A_1466 = vector.shape_cast %get3A_1465 : vector<16xi32> to vector<16xi32>
    %add3A_1467 = arith.constant 1600000 : i32
    %add3A_1468 = vector.broadcast %add3A_1467 : i32 to vector<16xi32>
    %add3A_1469 = arith.addi %get3A_1466, %add3A_1468 : vector<16xi32>
    %swap3A_1470 = arith.constant 64 : index
    %swap3A_1471 = tpu.vector_load %arg5[%swap3A_1470] {strides = array<i32>} : memref<128xi32, #tpu.memory_space<vmem>>, vector<16xi32>,
    %swap3A_1472 = vector.shape_cast %swap3A_1471 : vector<16xi32> to vector<16xi32>
    %swap3A_1473 = vector.shape_cast %add3A_1469 : vector<16xi32> to vector<16xi32>
    tpu.vector_store %arg5[%swap3A_1470], %swap3A_1473 {strides = array<i32>} : memref<128xi32, #tpu.memory_space<vmem>>, vector<16xi32>,
    %get3A_1474 = arith.constant 80 : index
    %get3A_1475 = tpu.vector_load %arg5[%get3A_1474] {strides = array<i32>} : memref<128xi32, #tpu.memory_space<vmem>>, vector<16xi32>,
    %get3A_1476 = vector.shape_cast %get3A_1475 : vector<16xi32> to vector<16xi32>
    %add3A_1477 = arith.constant 1600000 : i32
    %add3A_1478 = vector.broadcast %add3A_1477 : i32 to vector<16xi32>
    %add3A_1479 = arith.addi %get3A_1476, %add3A_1478 : vector<16xi32>
    %swap3A_1480 = arith.constant 80 : index
    %swap3A_1481 = tpu.vector_load %arg5[%swap3A_1480] {strides = array<i32>} : memref<128xi32, #tpu.memory_space<vmem>>, vector<16xi32>,
    %swap3A_1482 = vector.shape_cast %swap3A_1481 : vector<16xi32> to vector<16xi32>
    %swap3A_1483 = vector.shape_cast %add3A_1479 : vector<16xi32> to vector<16xi32>
    tpu.vector_store %arg5[%swap3A_1480], %swap3A_1483 {strides = array<i32>} : memref<128xi32, #tpu.memory_space<vmem>>, vector<16xi32>,
    %get3A_1484 = arith.constant 96 : index
    %get3A_1485 = tpu.vector_load %arg5[%get3A_1484] {strides = array<i32>} : memref<128xi32, #tpu.memory_space<vmem>>, vector<16xi32>,
    %get3A_1486 = vector.shape_cast %get3A_1485 : vector<16xi32> to vector<16xi32>
    %add3A_1487 = arith.constant 1600000 : i32
    %add3A_1488 = vector.broadcast %add3A_1487 : i32 to vector<16xi32>
    %add3A_1489 = arith.addi %get3A_1486, %add3A_1488 : vector<16xi32>
    %swap3A_1490 = arith.constant 96 : index
    %swap3A_1491 = tpu.vector_load %arg5[%swap3A_1490] {strides = array<i32>} : memref<128xi32, #tpu.memory_space<vmem>>, vector<16xi32>,
    %swap3A_1492 = vector.shape_cast %swap3A_1491 : vector<16xi32> to vector<16xi32>
    %swap3A_1493 = vector.shape_cast %add3A_1489 : vector<16xi32> to vector<16xi32>
    tpu.vector_store %arg5[%swap3A_1490], %swap3A_1493 {strides = array<i32>} : memref<128xi32, #tpu.memory_space<vmem>>, vector<16xi32>,
    %get3A_1494 = arith.constant 112 : index
    %get3A_1495 = tpu.vector_load %arg5[%get3A_1494] {strides = array<i32>} : memref<128xi32, #tpu.memory_space<vmem>>, vector<16xi32>,
    %get3A_1496 = vector.shape_cast %get3A_1495 : vector<16xi32> to vector<16xi32>
    %add3A_1497 = arith.constant 1600000 : i32
    %add3A_1498 = vector.broadcast %add3A_1497 : i32 to vector<16xi32>
    %add3A_1499 = arith.addi %get3A_1496, %add3A_1498 : vector<16xi32>
    %swap3A_1500 = arith.constant 112 : index
    %swap3A_1501 = tpu.vector_load %arg5[%swap3A_1500] {strides = array<i32>} : memref<128xi32, #tpu.memory_space<vmem>>, vector<16xi32>,
    %swap3A_1502 = vector.shape_cast %swap3A_1501 : vector<16xi32> to vector<16xi32>
    %swap3A_1503 = vector.shape_cast %add3A_1499 : vector<16xi32> to vector<16xi32>
    tpu.vector_store %arg5[%swap3A_1500], %swap3A_1503 {strides = array<i32>} : memref<128xi32, #tpu.memory_space<vmem>>, vector<16xi32>,
    %dma_start3A_1504 = arith.constant 0 : i32
    %dma_start3A_1505 = arith.constant 0 : i32
    %dma_start3A_1506 = tpu.memref_slice %arg3[%dma_start3A_1504, %dma_start3A_1505] : memref<2600000x32xf32, #tpu.memory_space<hbm>> -> memref<2600000x32xf32, #tpu.memory_space<hbm>>
    tpu.enqueue_indirect_dma source(%dma_start3A_1506 : memref<2600000x32xf32, #tpu.memory_space<hbm>>) target(%arg6 : memref<128x32xf32, #tpu.memory_space<vmem>>) offsets(%arg5 : memref<128xi32, #tpu.memory_space<vmem>>) semaphore(%arg7 : memref<!tpu.dma_semaphore, #tpu.memory_space<semaphore_mem>>)
    %dma_wait3A_1507 = arith.constant 0 : i32
    %dma_wait3A_1508 = arith.constant 0 : i32
    %dma_wait3A_1509 = tpu.memref_slice %arg3[%dma_wait3A_1507, %dma_wait3A_1508] : memref<2600000x32xf32, #tpu.memory_space<hbm>> -> memref<2600000x32xf32, #tpu.memory_space<hbm>>
    tpu.wait_indirect_dma semaphore(%arg7 : memref<!tpu.dma_semaphore, #tpu.memory_space<semaphore_mem>>) src(%dma_wait3A_1509 : memref<2600000x32xf32, #tpu.memory_space<hbm>>) dst(%arg6 : memref<128x32xf32, #tpu.memory_space<vmem>>)
    %run_scoped3A_1510 = arith.constant 16 : i32
    "tpu.region"() ({
      %run_scoped3A_2312 = tpu.sem_alloc : memref<!tpu.dma_semaphore, #tpu.memory_space<semaphore_mem>>
      %dma_start3A_2313 = arith.constant 0 : i32
      %dma_start3A_2314 = tpu.memref_slice %arg4[%run_scoped3A_1510, %mul3A_2, %dma_start3A_2313] : memref<26x4096x32xf32, #tpu.memory_space<hbm>> -> memref<1x128x32xf32, #tpu.memory_space<hbm>>
      %dma_start3A_2315 = tpu.memref_squeeze %dma_start3A_2314 : memref<1x128x32xf32, #tpu.memory_space<hbm>> -> memref<128x32xf32, #tpu.memory_space<hbm>>
      %dma_start3A_2316 = arith.constant 0 : i32
      %dma_start3A_2317 = tpu.memref_slice %arg4[%run_scoped3A_1510, %mul3A_2, %dma_start3A_2316] : memref<26x4096x32xf32, #tpu.memory_space<hbm>> -> memref<1x128x32xf32, #tpu.memory_space<hbm>>
      %dma_start3A_2318 = tpu.memref_squeeze %dma_start3A_2317 : memref<1x128x32xf32, #tpu.memory_space<hbm>> -> memref<128x32xf32, #tpu.memory_space<hbm>>
      tpu.enqueue_dma source(%arg6 : memref<128x32xf32, #tpu.memory_space<vmem>>) target(%dma_start3A_2318 : memref<128x32xf32, #tpu.memory_space<hbm>>) target_semaphore(%run_scoped3A_2312 : memref<!tpu.dma_semaphore, #tpu.memory_space<semaphore_mem>>)
      %dma_wait3A_2319 = arith.constant 0 : i32
      %dma_wait3A_2320 = tpu.memref_slice %arg4[%run_scoped3A_1510, %mul3A_2, %dma_wait3A_2319] : memref<26x4096x32xf32, #tpu.memory_space<hbm>> -> memref<1x128x32xf32, #tpu.memory_space<hbm>>
      %dma_wait3A_2321 = tpu.memref_squeeze %dma_wait3A_2320 : memref<1x128x32xf32, #tpu.memory_space<hbm>> -> memref<128x32xf32, #tpu.memory_space<hbm>>
      %dma_wait3A_2322 = arith.constant 0 : i32
      %dma_wait3A_2323 = tpu.memref_slice %arg4[%run_scoped3A_1510, %mul3A_2, %dma_wait3A_2322] : memref<26x4096x32xf32, #tpu.memory_space<hbm>> -> memref<1x128x32xf32, #tpu.memory_space<hbm>>
      %dma_wait3A_2324 = tpu.memref_squeeze %dma_wait3A_2323 : memref<1x128x32xf32, #tpu.memory_space<hbm>> -> memref<128x32xf32, #tpu.memory_space<hbm>>
      tpu.wait_dma2 semaphore(%run_scoped3A_2312 : memref<!tpu.dma_semaphore, #tpu.memory_space<semaphore_mem>>) src(%arg6 : memref<128x32xf32, #tpu.memory_space<vmem>>) dst(%dma_wait3A_2324 : memref<128x32xf32, #tpu.memory_space<hbm>>)
      tpu.yield
    }) : () -> ()
    %add3A_1511 = arith.constant 69632 : i32
    %add3A_1512 = arith.addi %add3A_1511, %mul3A_2 : i32
    "tpu.region"() ({
      %run_scoped3A_2312 = tpu.sem_alloc : memref<!tpu.dma_semaphore, #tpu.memory_space<semaphore_mem>>
      %dma_start3A_2313 = tpu.memref_slice %arg2[%add3A_1512] : memref<106496xi32, #tpu.memory_space<hbm>> -> memref<128xi32, #tpu.memory_space<hbm>>
      %dma_start3A_2314 = tpu.memref_slice %arg2[%add3A_1512] : memref<106496xi32, #tpu.memory_space<hbm>> -> memref<128xi32, #tpu.memory_space<hbm>>
      tpu.enqueue_dma source(%dma_start3A_2314 : memref<128xi32, #tpu.memory_space<hbm>>) target(%arg5 : memref<128xi32, #tpu.memory_space<vmem>>) target_semaphore(%run_scoped3A_2312 : memref<!tpu.dma_semaphore, #tpu.memory_space<semaphore_mem>>)
      %dma_wait3A_2315 = tpu.memref_slice %arg2[%add3A_1512] : memref<106496xi32, #tpu.memory_space<hbm>> -> memref<128xi32, #tpu.memory_space<hbm>>
      %dma_wait3A_2316 = tpu.memref_slice %arg2[%add3A_1512] : memref<106496xi32, #tpu.memory_space<hbm>> -> memref<128xi32, #tpu.memory_space<hbm>>
      tpu.wait_dma2 semaphore(%run_scoped3A_2312 : memref<!tpu.dma_semaphore, #tpu.memory_space<semaphore_mem>>) src(%dma_wait3A_2316 : memref<128xi32, #tpu.memory_space<hbm>>) dst(%arg5 : memref<128xi32, #tpu.memory_space<vmem>>)
      tpu.yield
    }) : () -> ()
    %get3A_1513 = arith.constant 0 : index
    %get3A_1514 = tpu.vector_load %arg5[%get3A_1513] {strides = array<i32>} : memref<128xi32, #tpu.memory_space<vmem>>, vector<16xi32>,
    %get3A_1515 = vector.shape_cast %get3A_1514 : vector<16xi32> to vector<16xi32>
    %add3A_1516 = arith.constant 1700000 : i32
    %add3A_1517 = vector.broadcast %add3A_1516 : i32 to vector<16xi32>
    %add3A_1518 = arith.addi %get3A_1515, %add3A_1517 : vector<16xi32>
    %swap3A_1519 = arith.constant 0 : index
    %swap3A_1520 = tpu.vector_load %arg5[%swap3A_1519] {strides = array<i32>} : memref<128xi32, #tpu.memory_space<vmem>>, vector<16xi32>,
    %swap3A_1521 = vector.shape_cast %swap3A_1520 : vector<16xi32> to vector<16xi32>
    %swap3A_1522 = vector.shape_cast %add3A_1518 : vector<16xi32> to vector<16xi32>
    tpu.vector_store %arg5[%swap3A_1519], %swap3A_1522 {strides = array<i32>} : memref<128xi32, #tpu.memory_space<vmem>>, vector<16xi32>,
    %get3A_1523 = arith.constant 16 : index
    %get3A_1524 = tpu.vector_load %arg5[%get3A_1523] {strides = array<i32>} : memref<128xi32, #tpu.memory_space<vmem>>, vector<16xi32>,
    %get3A_1525 = vector.shape_cast %get3A_1524 : vector<16xi32> to vector<16xi32>
    %add3A_1526 = arith.constant 1700000 : i32
    %add3A_1527 = vector.broadcast %add3A_1526 : i32 to vector<16xi32>
    %add3A_1528 = arith.addi %get3A_1525, %add3A_1527 : vector<16xi32>
    %swap3A_1529 = arith.constant 16 : index
    %swap3A_1530 = tpu.vector_load %arg5[%swap3A_1529] {strides = array<i32>} : memref<128xi32, #tpu.memory_space<vmem>>, vector<16xi32>,
    %swap3A_1531 = vector.shape_cast %swap3A_1530 : vector<16xi32> to vector<16xi32>
    %swap3A_1532 = vector.shape_cast %add3A_1528 : vector<16xi32> to vector<16xi32>
    tpu.vector_store %arg5[%swap3A_1529], %swap3A_1532 {strides = array<i32>} : memref<128xi32, #tpu.memory_space<vmem>>, vector<16xi32>,
    %get3A_1533 = arith.constant 32 : index
    %get3A_1534 = tpu.vector_load %arg5[%get3A_1533] {strides = array<i32>} : memref<128xi32, #tpu.memory_space<vmem>>, vector<16xi32>,
    %get3A_1535 = vector.shape_cast %get3A_1534 : vector<16xi32> to vector<16xi32>
    %add3A_1536 = arith.constant 1700000 : i32
    %add3A_1537 = vector.broadcast %add3A_1536 : i32 to vector<16xi32>
    %add3A_1538 = arith.addi %get3A_1535, %add3A_1537 : vector<16xi32>
    %swap3A_1539 = arith.constant 32 : index
    %swap3A_1540 = tpu.vector_load %arg5[%swap3A_1539] {strides = array<i32>} : memref<128xi32, #tpu.memory_space<vmem>>, vector<16xi32>,
    %swap3A_1541 = vector.shape_cast %swap3A_1540 : vector<16xi32> to vector<16xi32>
    %swap3A_1542 = vector.shape_cast %add3A_1538 : vector<16xi32> to vector<16xi32>
    tpu.vector_store %arg5[%swap3A_1539], %swap3A_1542 {strides = array<i32>} : memref<128xi32, #tpu.memory_space<vmem>>, vector<16xi32>,
    %get3A_1543 = arith.constant 48 : index
    %get3A_1544 = tpu.vector_load %arg5[%get3A_1543] {strides = array<i32>} : memref<128xi32, #tpu.memory_space<vmem>>, vector<16xi32>,
    %get3A_1545 = vector.shape_cast %get3A_1544 : vector<16xi32> to vector<16xi32>
    %add3A_1546 = arith.constant 1700000 : i32
    %add3A_1547 = vector.broadcast %add3A_1546 : i32 to vector<16xi32>
    %add3A_1548 = arith.addi %get3A_1545, %add3A_1547 : vector<16xi32>
    %swap3A_1549 = arith.constant 48 : index
    %swap3A_1550 = tpu.vector_load %arg5[%swap3A_1549] {strides = array<i32>} : memref<128xi32, #tpu.memory_space<vmem>>, vector<16xi32>,
    %swap3A_1551 = vector.shape_cast %swap3A_1550 : vector<16xi32> to vector<16xi32>
    %swap3A_1552 = vector.shape_cast %add3A_1548 : vector<16xi32> to vector<16xi32>
    tpu.vector_store %arg5[%swap3A_1549], %swap3A_1552 {strides = array<i32>} : memref<128xi32, #tpu.memory_space<vmem>>, vector<16xi32>,
    %get3A_1553 = arith.constant 64 : index
    %get3A_1554 = tpu.vector_load %arg5[%get3A_1553] {strides = array<i32>} : memref<128xi32, #tpu.memory_space<vmem>>, vector<16xi32>,
    %get3A_1555 = vector.shape_cast %get3A_1554 : vector<16xi32> to vector<16xi32>
    %add3A_1556 = arith.constant 1700000 : i32
    %add3A_1557 = vector.broadcast %add3A_1556 : i32 to vector<16xi32>
    %add3A_1558 = arith.addi %get3A_1555, %add3A_1557 : vector<16xi32>
    %swap3A_1559 = arith.constant 64 : index
    %swap3A_1560 = tpu.vector_load %arg5[%swap3A_1559] {strides = array<i32>} : memref<128xi32, #tpu.memory_space<vmem>>, vector<16xi32>,
    %swap3A_1561 = vector.shape_cast %swap3A_1560 : vector<16xi32> to vector<16xi32>
    %swap3A_1562 = vector.shape_cast %add3A_1558 : vector<16xi32> to vector<16xi32>
    tpu.vector_store %arg5[%swap3A_1559], %swap3A_1562 {strides = array<i32>} : memref<128xi32, #tpu.memory_space<vmem>>, vector<16xi32>,
    %get3A_1563 = arith.constant 80 : index
    %get3A_1564 = tpu.vector_load %arg5[%get3A_1563] {strides = array<i32>} : memref<128xi32, #tpu.memory_space<vmem>>, vector<16xi32>,
    %get3A_1565 = vector.shape_cast %get3A_1564 : vector<16xi32> to vector<16xi32>
    %add3A_1566 = arith.constant 1700000 : i32
    %add3A_1567 = vector.broadcast %add3A_1566 : i32 to vector<16xi32>
    %add3A_1568 = arith.addi %get3A_1565, %add3A_1567 : vector<16xi32>
    %swap3A_1569 = arith.constant 80 : index
    %swap3A_1570 = tpu.vector_load %arg5[%swap3A_1569] {strides = array<i32>} : memref<128xi32, #tpu.memory_space<vmem>>, vector<16xi32>,
    %swap3A_1571 = vector.shape_cast %swap3A_1570 : vector<16xi32> to vector<16xi32>
    %swap3A_1572 = vector.shape_cast %add3A_1568 : vector<16xi32> to vector<16xi32>
    tpu.vector_store %arg5[%swap3A_1569], %swap3A_1572 {strides = array<i32>} : memref<128xi32, #tpu.memory_space<vmem>>, vector<16xi32>,
    %get3A_1573 = arith.constant 96 : index
    %get3A_1574 = tpu.vector_load %arg5[%get3A_1573] {strides = array<i32>} : memref<128xi32, #tpu.memory_space<vmem>>, vector<16xi32>,
    %get3A_1575 = vector.shape_cast %get3A_1574 : vector<16xi32> to vector<16xi32>
    %add3A_1576 = arith.constant 1700000 : i32
    %add3A_1577 = vector.broadcast %add3A_1576 : i32 to vector<16xi32>
    %add3A_1578 = arith.addi %get3A_1575, %add3A_1577 : vector<16xi32>
    %swap3A_1579 = arith.constant 96 : index
    %swap3A_1580 = tpu.vector_load %arg5[%swap3A_1579] {strides = array<i32>} : memref<128xi32, #tpu.memory_space<vmem>>, vector<16xi32>,
    %swap3A_1581 = vector.shape_cast %swap3A_1580 : vector<16xi32> to vector<16xi32>
    %swap3A_1582 = vector.shape_cast %add3A_1578 : vector<16xi32> to vector<16xi32>
    tpu.vector_store %arg5[%swap3A_1579], %swap3A_1582 {strides = array<i32>} : memref<128xi32, #tpu.memory_space<vmem>>, vector<16xi32>,
    %get3A_1583 = arith.constant 112 : index
    %get3A_1584 = tpu.vector_load %arg5[%get3A_1583] {strides = array<i32>} : memref<128xi32, #tpu.memory_space<vmem>>, vector<16xi32>,
    %get3A_1585 = vector.shape_cast %get3A_1584 : vector<16xi32> to vector<16xi32>
    %add3A_1586 = arith.constant 1700000 : i32
    %add3A_1587 = vector.broadcast %add3A_1586 : i32 to vector<16xi32>
    %add3A_1588 = arith.addi %get3A_1585, %add3A_1587 : vector<16xi32>
    %swap3A_1589 = arith.constant 112 : index
    %swap3A_1590 = tpu.vector_load %arg5[%swap3A_1589] {strides = array<i32>} : memref<128xi32, #tpu.memory_space<vmem>>, vector<16xi32>,
    %swap3A_1591 = vector.shape_cast %swap3A_1590 : vector<16xi32> to vector<16xi32>
    %swap3A_1592 = vector.shape_cast %add3A_1588 : vector<16xi32> to vector<16xi32>
    tpu.vector_store %arg5[%swap3A_1589], %swap3A_1592 {strides = array<i32>} : memref<128xi32, #tpu.memory_space<vmem>>, vector<16xi32>,
    %dma_start3A_1593 = arith.constant 0 : i32
    %dma_start3A_1594 = arith.constant 0 : i32
    %dma_start3A_1595 = tpu.memref_slice %arg3[%dma_start3A_1593, %dma_start3A_1594] : memref<2600000x32xf32, #tpu.memory_space<hbm>> -> memref<2600000x32xf32, #tpu.memory_space<hbm>>
    tpu.enqueue_indirect_dma source(%dma_start3A_1595 : memref<2600000x32xf32, #tpu.memory_space<hbm>>) target(%arg6 : memref<128x32xf32, #tpu.memory_space<vmem>>) offsets(%arg5 : memref<128xi32, #tpu.memory_space<vmem>>) semaphore(%arg7 : memref<!tpu.dma_semaphore, #tpu.memory_space<semaphore_mem>>)
    %dma_wait3A_1596 = arith.constant 0 : i32
    %dma_wait3A_1597 = arith.constant 0 : i32
    %dma_wait3A_1598 = tpu.memref_slice %arg3[%dma_wait3A_1596, %dma_wait3A_1597] : memref<2600000x32xf32, #tpu.memory_space<hbm>> -> memref<2600000x32xf32, #tpu.memory_space<hbm>>
    tpu.wait_indirect_dma semaphore(%arg7 : memref<!tpu.dma_semaphore, #tpu.memory_space<semaphore_mem>>) src(%dma_wait3A_1598 : memref<2600000x32xf32, #tpu.memory_space<hbm>>) dst(%arg6 : memref<128x32xf32, #tpu.memory_space<vmem>>)
    %run_scoped3A_1599 = arith.constant 17 : i32
    "tpu.region"() ({
      %run_scoped3A_2312 = tpu.sem_alloc : memref<!tpu.dma_semaphore, #tpu.memory_space<semaphore_mem>>
      %dma_start3A_2313 = arith.constant 0 : i32
      %dma_start3A_2314 = tpu.memref_slice %arg4[%run_scoped3A_1599, %mul3A_2, %dma_start3A_2313] : memref<26x4096x32xf32, #tpu.memory_space<hbm>> -> memref<1x128x32xf32, #tpu.memory_space<hbm>>
      %dma_start3A_2315 = tpu.memref_squeeze %dma_start3A_2314 : memref<1x128x32xf32, #tpu.memory_space<hbm>> -> memref<128x32xf32, #tpu.memory_space<hbm>>
      %dma_start3A_2316 = arith.constant 0 : i32
      %dma_start3A_2317 = tpu.memref_slice %arg4[%run_scoped3A_1599, %mul3A_2, %dma_start3A_2316] : memref<26x4096x32xf32, #tpu.memory_space<hbm>> -> memref<1x128x32xf32, #tpu.memory_space<hbm>>
      %dma_start3A_2318 = tpu.memref_squeeze %dma_start3A_2317 : memref<1x128x32xf32, #tpu.memory_space<hbm>> -> memref<128x32xf32, #tpu.memory_space<hbm>>
      tpu.enqueue_dma source(%arg6 : memref<128x32xf32, #tpu.memory_space<vmem>>) target(%dma_start3A_2318 : memref<128x32xf32, #tpu.memory_space<hbm>>) target_semaphore(%run_scoped3A_2312 : memref<!tpu.dma_semaphore, #tpu.memory_space<semaphore_mem>>)
      %dma_wait3A_2319 = arith.constant 0 : i32
      %dma_wait3A_2320 = tpu.memref_slice %arg4[%run_scoped3A_1599, %mul3A_2, %dma_wait3A_2319] : memref<26x4096x32xf32, #tpu.memory_space<hbm>> -> memref<1x128x32xf32, #tpu.memory_space<hbm>>
      %dma_wait3A_2321 = tpu.memref_squeeze %dma_wait3A_2320 : memref<1x128x32xf32, #tpu.memory_space<hbm>> -> memref<128x32xf32, #tpu.memory_space<hbm>>
      %dma_wait3A_2322 = arith.constant 0 : i32
      %dma_wait3A_2323 = tpu.memref_slice %arg4[%run_scoped3A_1599, %mul3A_2, %dma_wait3A_2322] : memref<26x4096x32xf32, #tpu.memory_space<hbm>> -> memref<1x128x32xf32, #tpu.memory_space<hbm>>
      %dma_wait3A_2324 = tpu.memref_squeeze %dma_wait3A_2323 : memref<1x128x32xf32, #tpu.memory_space<hbm>> -> memref<128x32xf32, #tpu.memory_space<hbm>>
      tpu.wait_dma2 semaphore(%run_scoped3A_2312 : memref<!tpu.dma_semaphore, #tpu.memory_space<semaphore_mem>>) src(%arg6 : memref<128x32xf32, #tpu.memory_space<vmem>>) dst(%dma_wait3A_2324 : memref<128x32xf32, #tpu.memory_space<hbm>>)
      tpu.yield
    }) : () -> ()
    %add3A_1600 = arith.constant 73728 : i32
    %add3A_1601 = arith.addi %add3A_1600, %mul3A_2 : i32
    "tpu.region"() ({
      %run_scoped3A_2312 = tpu.sem_alloc : memref<!tpu.dma_semaphore, #tpu.memory_space<semaphore_mem>>
      %dma_start3A_2313 = tpu.memref_slice %arg2[%add3A_1601] : memref<106496xi32, #tpu.memory_space<hbm>> -> memref<128xi32, #tpu.memory_space<hbm>>
      %dma_start3A_2314 = tpu.memref_slice %arg2[%add3A_1601] : memref<106496xi32, #tpu.memory_space<hbm>> -> memref<128xi32, #tpu.memory_space<hbm>>
      tpu.enqueue_dma source(%dma_start3A_2314 : memref<128xi32, #tpu.memory_space<hbm>>) target(%arg5 : memref<128xi32, #tpu.memory_space<vmem>>) target_semaphore(%run_scoped3A_2312 : memref<!tpu.dma_semaphore, #tpu.memory_space<semaphore_mem>>)
      %dma_wait3A_2315 = tpu.memref_slice %arg2[%add3A_1601] : memref<106496xi32, #tpu.memory_space<hbm>> -> memref<128xi32, #tpu.memory_space<hbm>>
      %dma_wait3A_2316 = tpu.memref_slice %arg2[%add3A_1601] : memref<106496xi32, #tpu.memory_space<hbm>> -> memref<128xi32, #tpu.memory_space<hbm>>
      tpu.wait_dma2 semaphore(%run_scoped3A_2312 : memref<!tpu.dma_semaphore, #tpu.memory_space<semaphore_mem>>) src(%dma_wait3A_2316 : memref<128xi32, #tpu.memory_space<hbm>>) dst(%arg5 : memref<128xi32, #tpu.memory_space<vmem>>)
      tpu.yield
    }) : () -> ()
    %get3A_1602 = arith.constant 0 : index
    %get3A_1603 = tpu.vector_load %arg5[%get3A_1602] {strides = array<i32>} : memref<128xi32, #tpu.memory_space<vmem>>, vector<16xi32>,
    %get3A_1604 = vector.shape_cast %get3A_1603 : vector<16xi32> to vector<16xi32>
    %add3A_1605 = arith.constant 1800000 : i32
    %add3A_1606 = vector.broadcast %add3A_1605 : i32 to vector<16xi32>
    %add3A_1607 = arith.addi %get3A_1604, %add3A_1606 : vector<16xi32>
    %swap3A_1608 = arith.constant 0 : index
    %swap3A_1609 = tpu.vector_load %arg5[%swap3A_1608] {strides = array<i32>} : memref<128xi32, #tpu.memory_space<vmem>>, vector<16xi32>,
    %swap3A_1610 = vector.shape_cast %swap3A_1609 : vector<16xi32> to vector<16xi32>
    %swap3A_1611 = vector.shape_cast %add3A_1607 : vector<16xi32> to vector<16xi32>
    tpu.vector_store %arg5[%swap3A_1608], %swap3A_1611 {strides = array<i32>} : memref<128xi32, #tpu.memory_space<vmem>>, vector<16xi32>,
    %get3A_1612 = arith.constant 16 : index
    %get3A_1613 = tpu.vector_load %arg5[%get3A_1612] {strides = array<i32>} : memref<128xi32, #tpu.memory_space<vmem>>, vector<16xi32>,
    %get3A_1614 = vector.shape_cast %get3A_1613 : vector<16xi32> to vector<16xi32>
    %add3A_1615 = arith.constant 1800000 : i32
    %add3A_1616 = vector.broadcast %add3A_1615 : i32 to vector<16xi32>
    %add3A_1617 = arith.addi %get3A_1614, %add3A_1616 : vector<16xi32>
    %swap3A_1618 = arith.constant 16 : index
    %swap3A_1619 = tpu.vector_load %arg5[%swap3A_1618] {strides = array<i32>} : memref<128xi32, #tpu.memory_space<vmem>>, vector<16xi32>,
    %swap3A_1620 = vector.shape_cast %swap3A_1619 : vector<16xi32> to vector<16xi32>
    %swap3A_1621 = vector.shape_cast %add3A_1617 : vector<16xi32> to vector<16xi32>
    tpu.vector_store %arg5[%swap3A_1618], %swap3A_1621 {strides = array<i32>} : memref<128xi32, #tpu.memory_space<vmem>>, vector<16xi32>,
    %get3A_1622 = arith.constant 32 : index
    %get3A_1623 = tpu.vector_load %arg5[%get3A_1622] {strides = array<i32>} : memref<128xi32, #tpu.memory_space<vmem>>, vector<16xi32>,
    %get3A_1624 = vector.shape_cast %get3A_1623 : vector<16xi32> to vector<16xi32>
    %add3A_1625 = arith.constant 1800000 : i32
    %add3A_1626 = vector.broadcast %add3A_1625 : i32 to vector<16xi32>
    %add3A_1627 = arith.addi %get3A_1624, %add3A_1626 : vector<16xi32>
    %swap3A_1628 = arith.constant 32 : index
    %swap3A_1629 = tpu.vector_load %arg5[%swap3A_1628] {strides = array<i32>} : memref<128xi32, #tpu.memory_space<vmem>>, vector<16xi32>,
    %swap3A_1630 = vector.shape_cast %swap3A_1629 : vector<16xi32> to vector<16xi32>
    %swap3A_1631 = vector.shape_cast %add3A_1627 : vector<16xi32> to vector<16xi32>
    tpu.vector_store %arg5[%swap3A_1628], %swap3A_1631 {strides = array<i32>} : memref<128xi32, #tpu.memory_space<vmem>>, vector<16xi32>,
    %get3A_1632 = arith.constant 48 : index
    %get3A_1633 = tpu.vector_load %arg5[%get3A_1632] {strides = array<i32>} : memref<128xi32, #tpu.memory_space<vmem>>, vector<16xi32>,
    %get3A_1634 = vector.shape_cast %get3A_1633 : vector<16xi32> to vector<16xi32>
    %add3A_1635 = arith.constant 1800000 : i32
    %add3A_1636 = vector.broadcast %add3A_1635 : i32 to vector<16xi32>
    %add3A_1637 = arith.addi %get3A_1634, %add3A_1636 : vector<16xi32>
    %swap3A_1638 = arith.constant 48 : index
    %swap3A_1639 = tpu.vector_load %arg5[%swap3A_1638] {strides = array<i32>} : memref<128xi32, #tpu.memory_space<vmem>>, vector<16xi32>,
    %swap3A_1640 = vector.shape_cast %swap3A_1639 : vector<16xi32> to vector<16xi32>
    %swap3A_1641 = vector.shape_cast %add3A_1637 : vector<16xi32> to vector<16xi32>
    tpu.vector_store %arg5[%swap3A_1638], %swap3A_1641 {strides = array<i32>} : memref<128xi32, #tpu.memory_space<vmem>>, vector<16xi32>,
    %get3A_1642 = arith.constant 64 : index
    %get3A_1643 = tpu.vector_load %arg5[%get3A_1642] {strides = array<i32>} : memref<128xi32, #tpu.memory_space<vmem>>, vector<16xi32>,
    %get3A_1644 = vector.shape_cast %get3A_1643 : vector<16xi32> to vector<16xi32>
    %add3A_1645 = arith.constant 1800000 : i32
    %add3A_1646 = vector.broadcast %add3A_1645 : i32 to vector<16xi32>
    %add3A_1647 = arith.addi %get3A_1644, %add3A_1646 : vector<16xi32>
    %swap3A_1648 = arith.constant 64 : index
    %swap3A_1649 = tpu.vector_load %arg5[%swap3A_1648] {strides = array<i32>} : memref<128xi32, #tpu.memory_space<vmem>>, vector<16xi32>,
    %swap3A_1650 = vector.shape_cast %swap3A_1649 : vector<16xi32> to vector<16xi32>
    %swap3A_1651 = vector.shape_cast %add3A_1647 : vector<16xi32> to vector<16xi32>
    tpu.vector_store %arg5[%swap3A_1648], %swap3A_1651 {strides = array<i32>} : memref<128xi32, #tpu.memory_space<vmem>>, vector<16xi32>,
    %get3A_1652 = arith.constant 80 : index
    %get3A_1653 = tpu.vector_load %arg5[%get3A_1652] {strides = array<i32>} : memref<128xi32, #tpu.memory_space<vmem>>, vector<16xi32>,
    %get3A_1654 = vector.shape_cast %get3A_1653 : vector<16xi32> to vector<16xi32>
    %add3A_1655 = arith.constant 1800000 : i32
    %add3A_1656 = vector.broadcast %add3A_1655 : i32 to vector<16xi32>
    %add3A_1657 = arith.addi %get3A_1654, %add3A_1656 : vector<16xi32>
    %swap3A_1658 = arith.constant 80 : index
    %swap3A_1659 = tpu.vector_load %arg5[%swap3A_1658] {strides = array<i32>} : memref<128xi32, #tpu.memory_space<vmem>>, vector<16xi32>,
    %swap3A_1660 = vector.shape_cast %swap3A_1659 : vector<16xi32> to vector<16xi32>
    %swap3A_1661 = vector.shape_cast %add3A_1657 : vector<16xi32> to vector<16xi32>
    tpu.vector_store %arg5[%swap3A_1658], %swap3A_1661 {strides = array<i32>} : memref<128xi32, #tpu.memory_space<vmem>>, vector<16xi32>,
    %get3A_1662 = arith.constant 96 : index
    %get3A_1663 = tpu.vector_load %arg5[%get3A_1662] {strides = array<i32>} : memref<128xi32, #tpu.memory_space<vmem>>, vector<16xi32>,
    %get3A_1664 = vector.shape_cast %get3A_1663 : vector<16xi32> to vector<16xi32>
    %add3A_1665 = arith.constant 1800000 : i32
    %add3A_1666 = vector.broadcast %add3A_1665 : i32 to vector<16xi32>
    %add3A_1667 = arith.addi %get3A_1664, %add3A_1666 : vector<16xi32>
    %swap3A_1668 = arith.constant 96 : index
    %swap3A_1669 = tpu.vector_load %arg5[%swap3A_1668] {strides = array<i32>} : memref<128xi32, #tpu.memory_space<vmem>>, vector<16xi32>,
    %swap3A_1670 = vector.shape_cast %swap3A_1669 : vector<16xi32> to vector<16xi32>
    %swap3A_1671 = vector.shape_cast %add3A_1667 : vector<16xi32> to vector<16xi32>
    tpu.vector_store %arg5[%swap3A_1668], %swap3A_1671 {strides = array<i32>} : memref<128xi32, #tpu.memory_space<vmem>>, vector<16xi32>,
    %get3A_1672 = arith.constant 112 : index
    %get3A_1673 = tpu.vector_load %arg5[%get3A_1672] {strides = array<i32>} : memref<128xi32, #tpu.memory_space<vmem>>, vector<16xi32>,
    %get3A_1674 = vector.shape_cast %get3A_1673 : vector<16xi32> to vector<16xi32>
    %add3A_1675 = arith.constant 1800000 : i32
    %add3A_1676 = vector.broadcast %add3A_1675 : i32 to vector<16xi32>
    %add3A_1677 = arith.addi %get3A_1674, %add3A_1676 : vector<16xi32>
    %swap3A_1678 = arith.constant 112 : index
    %swap3A_1679 = tpu.vector_load %arg5[%swap3A_1678] {strides = array<i32>} : memref<128xi32, #tpu.memory_space<vmem>>, vector<16xi32>,
    %swap3A_1680 = vector.shape_cast %swap3A_1679 : vector<16xi32> to vector<16xi32>
    %swap3A_1681 = vector.shape_cast %add3A_1677 : vector<16xi32> to vector<16xi32>
    tpu.vector_store %arg5[%swap3A_1678], %swap3A_1681 {strides = array<i32>} : memref<128xi32, #tpu.memory_space<vmem>>, vector<16xi32>,
    %dma_start3A_1682 = arith.constant 0 : i32
    %dma_start3A_1683 = arith.constant 0 : i32
    %dma_start3A_1684 = tpu.memref_slice %arg3[%dma_start3A_1682, %dma_start3A_1683] : memref<2600000x32xf32, #tpu.memory_space<hbm>> -> memref<2600000x32xf32, #tpu.memory_space<hbm>>
    tpu.enqueue_indirect_dma source(%dma_start3A_1684 : memref<2600000x32xf32, #tpu.memory_space<hbm>>) target(%arg6 : memref<128x32xf32, #tpu.memory_space<vmem>>) offsets(%arg5 : memref<128xi32, #tpu.memory_space<vmem>>) semaphore(%arg7 : memref<!tpu.dma_semaphore, #tpu.memory_space<semaphore_mem>>)
    %dma_wait3A_1685 = arith.constant 0 : i32
    %dma_wait3A_1686 = arith.constant 0 : i32
    %dma_wait3A_1687 = tpu.memref_slice %arg3[%dma_wait3A_1685, %dma_wait3A_1686] : memref<2600000x32xf32, #tpu.memory_space<hbm>> -> memref<2600000x32xf32, #tpu.memory_space<hbm>>
    tpu.wait_indirect_dma semaphore(%arg7 : memref<!tpu.dma_semaphore, #tpu.memory_space<semaphore_mem>>) src(%dma_wait3A_1687 : memref<2600000x32xf32, #tpu.memory_space<hbm>>) dst(%arg6 : memref<128x32xf32, #tpu.memory_space<vmem>>)
    %run_scoped3A_1688 = arith.constant 18 : i32
    "tpu.region"() ({
      %run_scoped3A_2312 = tpu.sem_alloc : memref<!tpu.dma_semaphore, #tpu.memory_space<semaphore_mem>>
      %dma_start3A_2313 = arith.constant 0 : i32
      %dma_start3A_2314 = tpu.memref_slice %arg4[%run_scoped3A_1688, %mul3A_2, %dma_start3A_2313] : memref<26x4096x32xf32, #tpu.memory_space<hbm>> -> memref<1x128x32xf32, #tpu.memory_space<hbm>>
      %dma_start3A_2315 = tpu.memref_squeeze %dma_start3A_2314 : memref<1x128x32xf32, #tpu.memory_space<hbm>> -> memref<128x32xf32, #tpu.memory_space<hbm>>
      %dma_start3A_2316 = arith.constant 0 : i32
      %dma_start3A_2317 = tpu.memref_slice %arg4[%run_scoped3A_1688, %mul3A_2, %dma_start3A_2316] : memref<26x4096x32xf32, #tpu.memory_space<hbm>> -> memref<1x128x32xf32, #tpu.memory_space<hbm>>
      %dma_start3A_2318 = tpu.memref_squeeze %dma_start3A_2317 : memref<1x128x32xf32, #tpu.memory_space<hbm>> -> memref<128x32xf32, #tpu.memory_space<hbm>>
      tpu.enqueue_dma source(%arg6 : memref<128x32xf32, #tpu.memory_space<vmem>>) target(%dma_start3A_2318 : memref<128x32xf32, #tpu.memory_space<hbm>>) target_semaphore(%run_scoped3A_2312 : memref<!tpu.dma_semaphore, #tpu.memory_space<semaphore_mem>>)
      %dma_wait3A_2319 = arith.constant 0 : i32
      %dma_wait3A_2320 = tpu.memref_slice %arg4[%run_scoped3A_1688, %mul3A_2, %dma_wait3A_2319] : memref<26x4096x32xf32, #tpu.memory_space<hbm>> -> memref<1x128x32xf32, #tpu.memory_space<hbm>>
      %dma_wait3A_2321 = tpu.memref_squeeze %dma_wait3A_2320 : memref<1x128x32xf32, #tpu.memory_space<hbm>> -> memref<128x32xf32, #tpu.memory_space<hbm>>
      %dma_wait3A_2322 = arith.constant 0 : i32
      %dma_wait3A_2323 = tpu.memref_slice %arg4[%run_scoped3A_1688, %mul3A_2, %dma_wait3A_2322] : memref<26x4096x32xf32, #tpu.memory_space<hbm>> -> memref<1x128x32xf32, #tpu.memory_space<hbm>>
      %dma_wait3A_2324 = tpu.memref_squeeze %dma_wait3A_2323 : memref<1x128x32xf32, #tpu.memory_space<hbm>> -> memref<128x32xf32, #tpu.memory_space<hbm>>
      tpu.wait_dma2 semaphore(%run_scoped3A_2312 : memref<!tpu.dma_semaphore, #tpu.memory_space<semaphore_mem>>) src(%arg6 : memref<128x32xf32, #tpu.memory_space<vmem>>) dst(%dma_wait3A_2324 : memref<128x32xf32, #tpu.memory_space<hbm>>)
      tpu.yield
    }) : () -> ()
    %add3A_1689 = arith.constant 77824 : i32
    %add3A_1690 = arith.addi %add3A_1689, %mul3A_2 : i32
    "tpu.region"() ({
      %run_scoped3A_2312 = tpu.sem_alloc : memref<!tpu.dma_semaphore, #tpu.memory_space<semaphore_mem>>
      %dma_start3A_2313 = tpu.memref_slice %arg2[%add3A_1690] : memref<106496xi32, #tpu.memory_space<hbm>> -> memref<128xi32, #tpu.memory_space<hbm>>
      %dma_start3A_2314 = tpu.memref_slice %arg2[%add3A_1690] : memref<106496xi32, #tpu.memory_space<hbm>> -> memref<128xi32, #tpu.memory_space<hbm>>
      tpu.enqueue_dma source(%dma_start3A_2314 : memref<128xi32, #tpu.memory_space<hbm>>) target(%arg5 : memref<128xi32, #tpu.memory_space<vmem>>) target_semaphore(%run_scoped3A_2312 : memref<!tpu.dma_semaphore, #tpu.memory_space<semaphore_mem>>)
      %dma_wait3A_2315 = tpu.memref_slice %arg2[%add3A_1690] : memref<106496xi32, #tpu.memory_space<hbm>> -> memref<128xi32, #tpu.memory_space<hbm>>
      %dma_wait3A_2316 = tpu.memref_slice %arg2[%add3A_1690] : memref<106496xi32, #tpu.memory_space<hbm>> -> memref<128xi32, #tpu.memory_space<hbm>>
      tpu.wait_dma2 semaphore(%run_scoped3A_2312 : memref<!tpu.dma_semaphore, #tpu.memory_space<semaphore_mem>>) src(%dma_wait3A_2316 : memref<128xi32, #tpu.memory_space<hbm>>) dst(%arg5 : memref<128xi32, #tpu.memory_space<vmem>>)
      tpu.yield
    }) : () -> ()
    %get3A_1691 = arith.constant 0 : index
    %get3A_1692 = tpu.vector_load %arg5[%get3A_1691] {strides = array<i32>} : memref<128xi32, #tpu.memory_space<vmem>>, vector<16xi32>,
    %get3A_1693 = vector.shape_cast %get3A_1692 : vector<16xi32> to vector<16xi32>
    %add3A_1694 = arith.constant 1900000 : i32
    %add3A_1695 = vector.broadcast %add3A_1694 : i32 to vector<16xi32>
    %add3A_1696 = arith.addi %get3A_1693, %add3A_1695 : vector<16xi32>
    %swap3A_1697 = arith.constant 0 : index
    %swap3A_1698 = tpu.vector_load %arg5[%swap3A_1697] {strides = array<i32>} : memref<128xi32, #tpu.memory_space<vmem>>, vector<16xi32>,
    %swap3A_1699 = vector.shape_cast %swap3A_1698 : vector<16xi32> to vector<16xi32>
    %swap3A_1700 = vector.shape_cast %add3A_1696 : vector<16xi32> to vector<16xi32>
    tpu.vector_store %arg5[%swap3A_1697], %swap3A_1700 {strides = array<i32>} : memref<128xi32, #tpu.memory_space<vmem>>, vector<16xi32>,
    %get3A_1701 = arith.constant 16 : index
    %get3A_1702 = tpu.vector_load %arg5[%get3A_1701] {strides = array<i32>} : memref<128xi32, #tpu.memory_space<vmem>>, vector<16xi32>,
    %get3A_1703 = vector.shape_cast %get3A_1702 : vector<16xi32> to vector<16xi32>
    %add3A_1704 = arith.constant 1900000 : i32
    %add3A_1705 = vector.broadcast %add3A_1704 : i32 to vector<16xi32>
    %add3A_1706 = arith.addi %get3A_1703, %add3A_1705 : vector<16xi32>
    %swap3A_1707 = arith.constant 16 : index
    %swap3A_1708 = tpu.vector_load %arg5[%swap3A_1707] {strides = array<i32>} : memref<128xi32, #tpu.memory_space<vmem>>, vector<16xi32>,
    %swap3A_1709 = vector.shape_cast %swap3A_1708 : vector<16xi32> to vector<16xi32>
    %swap3A_1710 = vector.shape_cast %add3A_1706 : vector<16xi32> to vector<16xi32>
    tpu.vector_store %arg5[%swap3A_1707], %swap3A_1710 {strides = array<i32>} : memref<128xi32, #tpu.memory_space<vmem>>, vector<16xi32>,
    %get3A_1711 = arith.constant 32 : index
    %get3A_1712 = tpu.vector_load %arg5[%get3A_1711] {strides = array<i32>} : memref<128xi32, #tpu.memory_space<vmem>>, vector<16xi32>,
    %get3A_1713 = vector.shape_cast %get3A_1712 : vector<16xi32> to vector<16xi32>
    %add3A_1714 = arith.constant 1900000 : i32
    %add3A_1715 = vector.broadcast %add3A_1714 : i32 to vector<16xi32>
    %add3A_1716 = arith.addi %get3A_1713, %add3A_1715 : vector<16xi32>
    %swap3A_1717 = arith.constant 32 : index
    %swap3A_1718 = tpu.vector_load %arg5[%swap3A_1717] {strides = array<i32>} : memref<128xi32, #tpu.memory_space<vmem>>, vector<16xi32>,
    %swap3A_1719 = vector.shape_cast %swap3A_1718 : vector<16xi32> to vector<16xi32>
    %swap3A_1720 = vector.shape_cast %add3A_1716 : vector<16xi32> to vector<16xi32>
    tpu.vector_store %arg5[%swap3A_1717], %swap3A_1720 {strides = array<i32>} : memref<128xi32, #tpu.memory_space<vmem>>, vector<16xi32>,
    %get3A_1721 = arith.constant 48 : index
    %get3A_1722 = tpu.vector_load %arg5[%get3A_1721] {strides = array<i32>} : memref<128xi32, #tpu.memory_space<vmem>>, vector<16xi32>,
    %get3A_1723 = vector.shape_cast %get3A_1722 : vector<16xi32> to vector<16xi32>
    %add3A_1724 = arith.constant 1900000 : i32
    %add3A_1725 = vector.broadcast %add3A_1724 : i32 to vector<16xi32>
    %add3A_1726 = arith.addi %get3A_1723, %add3A_1725 : vector<16xi32>
    %swap3A_1727 = arith.constant 48 : index
    %swap3A_1728 = tpu.vector_load %arg5[%swap3A_1727] {strides = array<i32>} : memref<128xi32, #tpu.memory_space<vmem>>, vector<16xi32>,
    %swap3A_1729 = vector.shape_cast %swap3A_1728 : vector<16xi32> to vector<16xi32>
    %swap3A_1730 = vector.shape_cast %add3A_1726 : vector<16xi32> to vector<16xi32>
    tpu.vector_store %arg5[%swap3A_1727], %swap3A_1730 {strides = array<i32>} : memref<128xi32, #tpu.memory_space<vmem>>, vector<16xi32>,
    %get3A_1731 = arith.constant 64 : index
    %get3A_1732 = tpu.vector_load %arg5[%get3A_1731] {strides = array<i32>} : memref<128xi32, #tpu.memory_space<vmem>>, vector<16xi32>,
    %get3A_1733 = vector.shape_cast %get3A_1732 : vector<16xi32> to vector<16xi32>
    %add3A_1734 = arith.constant 1900000 : i32
    %add3A_1735 = vector.broadcast %add3A_1734 : i32 to vector<16xi32>
    %add3A_1736 = arith.addi %get3A_1733, %add3A_1735 : vector<16xi32>
    %swap3A_1737 = arith.constant 64 : index
    %swap3A_1738 = tpu.vector_load %arg5[%swap3A_1737] {strides = array<i32>} : memref<128xi32, #tpu.memory_space<vmem>>, vector<16xi32>,
    %swap3A_1739 = vector.shape_cast %swap3A_1738 : vector<16xi32> to vector<16xi32>
    %swap3A_1740 = vector.shape_cast %add3A_1736 : vector<16xi32> to vector<16xi32>
    tpu.vector_store %arg5[%swap3A_1737], %swap3A_1740 {strides = array<i32>} : memref<128xi32, #tpu.memory_space<vmem>>, vector<16xi32>,
    %get3A_1741 = arith.constant 80 : index
    %get3A_1742 = tpu.vector_load %arg5[%get3A_1741] {strides = array<i32>} : memref<128xi32, #tpu.memory_space<vmem>>, vector<16xi32>,
    %get3A_1743 = vector.shape_cast %get3A_1742 : vector<16xi32> to vector<16xi32>
    %add3A_1744 = arith.constant 1900000 : i32
    %add3A_1745 = vector.broadcast %add3A_1744 : i32 to vector<16xi32>
    %add3A_1746 = arith.addi %get3A_1743, %add3A_1745 : vector<16xi32>
    %swap3A_1747 = arith.constant 80 : index
    %swap3A_1748 = tpu.vector_load %arg5[%swap3A_1747] {strides = array<i32>} : memref<128xi32, #tpu.memory_space<vmem>>, vector<16xi32>,
    %swap3A_1749 = vector.shape_cast %swap3A_1748 : vector<16xi32> to vector<16xi32>
    %swap3A_1750 = vector.shape_cast %add3A_1746 : vector<16xi32> to vector<16xi32>
    tpu.vector_store %arg5[%swap3A_1747], %swap3A_1750 {strides = array<i32>} : memref<128xi32, #tpu.memory_space<vmem>>, vector<16xi32>,
    %get3A_1751 = arith.constant 96 : index
    %get3A_1752 = tpu.vector_load %arg5[%get3A_1751] {strides = array<i32>} : memref<128xi32, #tpu.memory_space<vmem>>, vector<16xi32>,
    %get3A_1753 = vector.shape_cast %get3A_1752 : vector<16xi32> to vector<16xi32>
    %add3A_1754 = arith.constant 1900000 : i32
    %add3A_1755 = vector.broadcast %add3A_1754 : i32 to vector<16xi32>
    %add3A_1756 = arith.addi %get3A_1753, %add3A_1755 : vector<16xi32>
    %swap3A_1757 = arith.constant 96 : index
    %swap3A_1758 = tpu.vector_load %arg5[%swap3A_1757] {strides = array<i32>} : memref<128xi32, #tpu.memory_space<vmem>>, vector<16xi32>,
    %swap3A_1759 = vector.shape_cast %swap3A_1758 : vector<16xi32> to vector<16xi32>
    %swap3A_1760 = vector.shape_cast %add3A_1756 : vector<16xi32> to vector<16xi32>
    tpu.vector_store %arg5[%swap3A_1757], %swap3A_1760 {strides = array<i32>} : memref<128xi32, #tpu.memory_space<vmem>>, vector<16xi32>,
    %get3A_1761 = arith.constant 112 : index
    %get3A_1762 = tpu.vector_load %arg5[%get3A_1761] {strides = array<i32>} : memref<128xi32, #tpu.memory_space<vmem>>, vector<16xi32>,
    %get3A_1763 = vector.shape_cast %get3A_1762 : vector<16xi32> to vector<16xi32>
    %add3A_1764 = arith.constant 1900000 : i32
    %add3A_1765 = vector.broadcast %add3A_1764 : i32 to vector<16xi32>
    %add3A_1766 = arith.addi %get3A_1763, %add3A_1765 : vector<16xi32>
    %swap3A_1767 = arith.constant 112 : index
    %swap3A_1768 = tpu.vector_load %arg5[%swap3A_1767] {strides = array<i32>} : memref<128xi32, #tpu.memory_space<vmem>>, vector<16xi32>,
    %swap3A_1769 = vector.shape_cast %swap3A_1768 : vector<16xi32> to vector<16xi32>
    %swap3A_1770 = vector.shape_cast %add3A_1766 : vector<16xi32> to vector<16xi32>
    tpu.vector_store %arg5[%swap3A_1767], %swap3A_1770 {strides = array<i32>} : memref<128xi32, #tpu.memory_space<vmem>>, vector<16xi32>,
    %dma_start3A_1771 = arith.constant 0 : i32
    %dma_start3A_1772 = arith.constant 0 : i32
    %dma_start3A_1773 = tpu.memref_slice %arg3[%dma_start3A_1771, %dma_start3A_1772] : memref<2600000x32xf32, #tpu.memory_space<hbm>> -> memref<2600000x32xf32, #tpu.memory_space<hbm>>
    tpu.enqueue_indirect_dma source(%dma_start3A_1773 : memref<2600000x32xf32, #tpu.memory_space<hbm>>) target(%arg6 : memref<128x32xf32, #tpu.memory_space<vmem>>) offsets(%arg5 : memref<128xi32, #tpu.memory_space<vmem>>) semaphore(%arg7 : memref<!tpu.dma_semaphore, #tpu.memory_space<semaphore_mem>>)
    %dma_wait3A_1774 = arith.constant 0 : i32
    %dma_wait3A_1775 = arith.constant 0 : i32
    %dma_wait3A_1776 = tpu.memref_slice %arg3[%dma_wait3A_1774, %dma_wait3A_1775] : memref<2600000x32xf32, #tpu.memory_space<hbm>> -> memref<2600000x32xf32, #tpu.memory_space<hbm>>
    tpu.wait_indirect_dma semaphore(%arg7 : memref<!tpu.dma_semaphore, #tpu.memory_space<semaphore_mem>>) src(%dma_wait3A_1776 : memref<2600000x32xf32, #tpu.memory_space<hbm>>) dst(%arg6 : memref<128x32xf32, #tpu.memory_space<vmem>>)
    %run_scoped3A_1777 = arith.constant 19 : i32
    "tpu.region"() ({
      %run_scoped3A_2312 = tpu.sem_alloc : memref<!tpu.dma_semaphore, #tpu.memory_space<semaphore_mem>>
      %dma_start3A_2313 = arith.constant 0 : i32
      %dma_start3A_2314 = tpu.memref_slice %arg4[%run_scoped3A_1777, %mul3A_2, %dma_start3A_2313] : memref<26x4096x32xf32, #tpu.memory_space<hbm>> -> memref<1x128x32xf32, #tpu.memory_space<hbm>>
      %dma_start3A_2315 = tpu.memref_squeeze %dma_start3A_2314 : memref<1x128x32xf32, #tpu.memory_space<hbm>> -> memref<128x32xf32, #tpu.memory_space<hbm>>
      %dma_start3A_2316 = arith.constant 0 : i32
      %dma_start3A_2317 = tpu.memref_slice %arg4[%run_scoped3A_1777, %mul3A_2, %dma_start3A_2316] : memref<26x4096x32xf32, #tpu.memory_space<hbm>> -> memref<1x128x32xf32, #tpu.memory_space<hbm>>
      %dma_start3A_2318 = tpu.memref_squeeze %dma_start3A_2317 : memref<1x128x32xf32, #tpu.memory_space<hbm>> -> memref<128x32xf32, #tpu.memory_space<hbm>>
      tpu.enqueue_dma source(%arg6 : memref<128x32xf32, #tpu.memory_space<vmem>>) target(%dma_start3A_2318 : memref<128x32xf32, #tpu.memory_space<hbm>>) target_semaphore(%run_scoped3A_2312 : memref<!tpu.dma_semaphore, #tpu.memory_space<semaphore_mem>>)
      %dma_wait3A_2319 = arith.constant 0 : i32
      %dma_wait3A_2320 = tpu.memref_slice %arg4[%run_scoped3A_1777, %mul3A_2, %dma_wait3A_2319] : memref<26x4096x32xf32, #tpu.memory_space<hbm>> -> memref<1x128x32xf32, #tpu.memory_space<hbm>>
      %dma_wait3A_2321 = tpu.memref_squeeze %dma_wait3A_2320 : memref<1x128x32xf32, #tpu.memory_space<hbm>> -> memref<128x32xf32, #tpu.memory_space<hbm>>
      %dma_wait3A_2322 = arith.constant 0 : i32
      %dma_wait3A_2323 = tpu.memref_slice %arg4[%run_scoped3A_1777, %mul3A_2, %dma_wait3A_2322] : memref<26x4096x32xf32, #tpu.memory_space<hbm>> -> memref<1x128x32xf32, #tpu.memory_space<hbm>>
      %dma_wait3A_2324 = tpu.memref_squeeze %dma_wait3A_2323 : memref<1x128x32xf32, #tpu.memory_space<hbm>> -> memref<128x32xf32, #tpu.memory_space<hbm>>
      tpu.wait_dma2 semaphore(%run_scoped3A_2312 : memref<!tpu.dma_semaphore, #tpu.memory_space<semaphore_mem>>) src(%arg6 : memref<128x32xf32, #tpu.memory_space<vmem>>) dst(%dma_wait3A_2324 : memref<128x32xf32, #tpu.memory_space<hbm>>)
      tpu.yield
    }) : () -> ()
    %add3A_1778 = arith.constant 81920 : i32
    %add3A_1779 = arith.addi %add3A_1778, %mul3A_2 : i32
    "tpu.region"() ({
      %run_scoped3A_2312 = tpu.sem_alloc : memref<!tpu.dma_semaphore, #tpu.memory_space<semaphore_mem>>
      %dma_start3A_2313 = tpu.memref_slice %arg2[%add3A_1779] : memref<106496xi32, #tpu.memory_space<hbm>> -> memref<128xi32, #tpu.memory_space<hbm>>
      %dma_start3A_2314 = tpu.memref_slice %arg2[%add3A_1779] : memref<106496xi32, #tpu.memory_space<hbm>> -> memref<128xi32, #tpu.memory_space<hbm>>
      tpu.enqueue_dma source(%dma_start3A_2314 : memref<128xi32, #tpu.memory_space<hbm>>) target(%arg5 : memref<128xi32, #tpu.memory_space<vmem>>) target_semaphore(%run_scoped3A_2312 : memref<!tpu.dma_semaphore, #tpu.memory_space<semaphore_mem>>)
      %dma_wait3A_2315 = tpu.memref_slice %arg2[%add3A_1779] : memref<106496xi32, #tpu.memory_space<hbm>> -> memref<128xi32, #tpu.memory_space<hbm>>
      %dma_wait3A_2316 = tpu.memref_slice %arg2[%add3A_1779] : memref<106496xi32, #tpu.memory_space<hbm>> -> memref<128xi32, #tpu.memory_space<hbm>>
      tpu.wait_dma2 semaphore(%run_scoped3A_2312 : memref<!tpu.dma_semaphore, #tpu.memory_space<semaphore_mem>>) src(%dma_wait3A_2316 : memref<128xi32, #tpu.memory_space<hbm>>) dst(%arg5 : memref<128xi32, #tpu.memory_space<vmem>>)
      tpu.yield
    }) : () -> ()
    %get3A_1780 = arith.constant 0 : index
    %get3A_1781 = tpu.vector_load %arg5[%get3A_1780] {strides = array<i32>} : memref<128xi32, #tpu.memory_space<vmem>>, vector<16xi32>,
    %get3A_1782 = vector.shape_cast %get3A_1781 : vector<16xi32> to vector<16xi32>
    %add3A_1783 = arith.constant 2000000 : i32
    %add3A_1784 = vector.broadcast %add3A_1783 : i32 to vector<16xi32>
    %add3A_1785 = arith.addi %get3A_1782, %add3A_1784 : vector<16xi32>
    %swap3A_1786 = arith.constant 0 : index
    %swap3A_1787 = tpu.vector_load %arg5[%swap3A_1786] {strides = array<i32>} : memref<128xi32, #tpu.memory_space<vmem>>, vector<16xi32>,
    %swap3A_1788 = vector.shape_cast %swap3A_1787 : vector<16xi32> to vector<16xi32>
    %swap3A_1789 = vector.shape_cast %add3A_1785 : vector<16xi32> to vector<16xi32>
    tpu.vector_store %arg5[%swap3A_1786], %swap3A_1789 {strides = array<i32>} : memref<128xi32, #tpu.memory_space<vmem>>, vector<16xi32>,
    %get3A_1790 = arith.constant 16 : index
    %get3A_1791 = tpu.vector_load %arg5[%get3A_1790] {strides = array<i32>} : memref<128xi32, #tpu.memory_space<vmem>>, vector<16xi32>,
    %get3A_1792 = vector.shape_cast %get3A_1791 : vector<16xi32> to vector<16xi32>
    %add3A_1793 = arith.constant 2000000 : i32
    %add3A_1794 = vector.broadcast %add3A_1793 : i32 to vector<16xi32>
    %add3A_1795 = arith.addi %get3A_1792, %add3A_1794 : vector<16xi32>
    %swap3A_1796 = arith.constant 16 : index
    %swap3A_1797 = tpu.vector_load %arg5[%swap3A_1796] {strides = array<i32>} : memref<128xi32, #tpu.memory_space<vmem>>, vector<16xi32>,
    %swap3A_1798 = vector.shape_cast %swap3A_1797 : vector<16xi32> to vector<16xi32>
    %swap3A_1799 = vector.shape_cast %add3A_1795 : vector<16xi32> to vector<16xi32>
    tpu.vector_store %arg5[%swap3A_1796], %swap3A_1799 {strides = array<i32>} : memref<128xi32, #tpu.memory_space<vmem>>, vector<16xi32>,
    %get3A_1800 = arith.constant 32 : index
    %get3A_1801 = tpu.vector_load %arg5[%get3A_1800] {strides = array<i32>} : memref<128xi32, #tpu.memory_space<vmem>>, vector<16xi32>,
    %get3A_1802 = vector.shape_cast %get3A_1801 : vector<16xi32> to vector<16xi32>
    %add3A_1803 = arith.constant 2000000 : i32
    %add3A_1804 = vector.broadcast %add3A_1803 : i32 to vector<16xi32>
    %add3A_1805 = arith.addi %get3A_1802, %add3A_1804 : vector<16xi32>
    %swap3A_1806 = arith.constant 32 : index
    %swap3A_1807 = tpu.vector_load %arg5[%swap3A_1806] {strides = array<i32>} : memref<128xi32, #tpu.memory_space<vmem>>, vector<16xi32>,
    %swap3A_1808 = vector.shape_cast %swap3A_1807 : vector<16xi32> to vector<16xi32>
    %swap3A_1809 = vector.shape_cast %add3A_1805 : vector<16xi32> to vector<16xi32>
    tpu.vector_store %arg5[%swap3A_1806], %swap3A_1809 {strides = array<i32>} : memref<128xi32, #tpu.memory_space<vmem>>, vector<16xi32>,
    %get3A_1810 = arith.constant 48 : index
    %get3A_1811 = tpu.vector_load %arg5[%get3A_1810] {strides = array<i32>} : memref<128xi32, #tpu.memory_space<vmem>>, vector<16xi32>,
    %get3A_1812 = vector.shape_cast %get3A_1811 : vector<16xi32> to vector<16xi32>
    %add3A_1813 = arith.constant 2000000 : i32
    %add3A_1814 = vector.broadcast %add3A_1813 : i32 to vector<16xi32>
    %add3A_1815 = arith.addi %get3A_1812, %add3A_1814 : vector<16xi32>
    %swap3A_1816 = arith.constant 48 : index
    %swap3A_1817 = tpu.vector_load %arg5[%swap3A_1816] {strides = array<i32>} : memref<128xi32, #tpu.memory_space<vmem>>, vector<16xi32>,
    %swap3A_1818 = vector.shape_cast %swap3A_1817 : vector<16xi32> to vector<16xi32>
    %swap3A_1819 = vector.shape_cast %add3A_1815 : vector<16xi32> to vector<16xi32>
    tpu.vector_store %arg5[%swap3A_1816], %swap3A_1819 {strides = array<i32>} : memref<128xi32, #tpu.memory_space<vmem>>, vector<16xi32>,
    %get3A_1820 = arith.constant 64 : index
    %get3A_1821 = tpu.vector_load %arg5[%get3A_1820] {strides = array<i32>} : memref<128xi32, #tpu.memory_space<vmem>>, vector<16xi32>,
    %get3A_1822 = vector.shape_cast %get3A_1821 : vector<16xi32> to vector<16xi32>
    %add3A_1823 = arith.constant 2000000 : i32
    %add3A_1824 = vector.broadcast %add3A_1823 : i32 to vector<16xi32>
    %add3A_1825 = arith.addi %get3A_1822, %add3A_1824 : vector<16xi32>
    %swap3A_1826 = arith.constant 64 : index
    %swap3A_1827 = tpu.vector_load %arg5[%swap3A_1826] {strides = array<i32>} : memref<128xi32, #tpu.memory_space<vmem>>, vector<16xi32>,
    %swap3A_1828 = vector.shape_cast %swap3A_1827 : vector<16xi32> to vector<16xi32>
    %swap3A_1829 = vector.shape_cast %add3A_1825 : vector<16xi32> to vector<16xi32>
    tpu.vector_store %arg5[%swap3A_1826], %swap3A_1829 {strides = array<i32>} : memref<128xi32, #tpu.memory_space<vmem>>, vector<16xi32>,
    %get3A_1830 = arith.constant 80 : index
    %get3A_1831 = tpu.vector_load %arg5[%get3A_1830] {strides = array<i32>} : memref<128xi32, #tpu.memory_space<vmem>>, vector<16xi32>,
    %get3A_1832 = vector.shape_cast %get3A_1831 : vector<16xi32> to vector<16xi32>
    %add3A_1833 = arith.constant 2000000 : i32
    %add3A_1834 = vector.broadcast %add3A_1833 : i32 to vector<16xi32>
    %add3A_1835 = arith.addi %get3A_1832, %add3A_1834 : vector<16xi32>
    %swap3A_1836 = arith.constant 80 : index
    %swap3A_1837 = tpu.vector_load %arg5[%swap3A_1836] {strides = array<i32>} : memref<128xi32, #tpu.memory_space<vmem>>, vector<16xi32>,
    %swap3A_1838 = vector.shape_cast %swap3A_1837 : vector<16xi32> to vector<16xi32>
    %swap3A_1839 = vector.shape_cast %add3A_1835 : vector<16xi32> to vector<16xi32>
    tpu.vector_store %arg5[%swap3A_1836], %swap3A_1839 {strides = array<i32>} : memref<128xi32, #tpu.memory_space<vmem>>, vector<16xi32>,
    %get3A_1840 = arith.constant 96 : index
    %get3A_1841 = tpu.vector_load %arg5[%get3A_1840] {strides = array<i32>} : memref<128xi32, #tpu.memory_space<vmem>>, vector<16xi32>,
    %get3A_1842 = vector.shape_cast %get3A_1841 : vector<16xi32> to vector<16xi32>
    %add3A_1843 = arith.constant 2000000 : i32
    %add3A_1844 = vector.broadcast %add3A_1843 : i32 to vector<16xi32>
    %add3A_1845 = arith.addi %get3A_1842, %add3A_1844 : vector<16xi32>
    %swap3A_1846 = arith.constant 96 : index
    %swap3A_1847 = tpu.vector_load %arg5[%swap3A_1846] {strides = array<i32>} : memref<128xi32, #tpu.memory_space<vmem>>, vector<16xi32>,
    %swap3A_1848 = vector.shape_cast %swap3A_1847 : vector<16xi32> to vector<16xi32>
    %swap3A_1849 = vector.shape_cast %add3A_1845 : vector<16xi32> to vector<16xi32>
    tpu.vector_store %arg5[%swap3A_1846], %swap3A_1849 {strides = array<i32>} : memref<128xi32, #tpu.memory_space<vmem>>, vector<16xi32>,
    %get3A_1850 = arith.constant 112 : index
    %get3A_1851 = tpu.vector_load %arg5[%get3A_1850] {strides = array<i32>} : memref<128xi32, #tpu.memory_space<vmem>>, vector<16xi32>,
    %get3A_1852 = vector.shape_cast %get3A_1851 : vector<16xi32> to vector<16xi32>
    %add3A_1853 = arith.constant 2000000 : i32
    %add3A_1854 = vector.broadcast %add3A_1853 : i32 to vector<16xi32>
    %add3A_1855 = arith.addi %get3A_1852, %add3A_1854 : vector<16xi32>
    %swap3A_1856 = arith.constant 112 : index
    %swap3A_1857 = tpu.vector_load %arg5[%swap3A_1856] {strides = array<i32>} : memref<128xi32, #tpu.memory_space<vmem>>, vector<16xi32>,
    %swap3A_1858 = vector.shape_cast %swap3A_1857 : vector<16xi32> to vector<16xi32>
    %swap3A_1859 = vector.shape_cast %add3A_1855 : vector<16xi32> to vector<16xi32>
    tpu.vector_store %arg5[%swap3A_1856], %swap3A_1859 {strides = array<i32>} : memref<128xi32, #tpu.memory_space<vmem>>, vector<16xi32>,
    %dma_start3A_1860 = arith.constant 0 : i32
    %dma_start3A_1861 = arith.constant 0 : i32
    %dma_start3A_1862 = tpu.memref_slice %arg3[%dma_start3A_1860, %dma_start3A_1861] : memref<2600000x32xf32, #tpu.memory_space<hbm>> -> memref<2600000x32xf32, #tpu.memory_space<hbm>>
    tpu.enqueue_indirect_dma source(%dma_start3A_1862 : memref<2600000x32xf32, #tpu.memory_space<hbm>>) target(%arg6 : memref<128x32xf32, #tpu.memory_space<vmem>>) offsets(%arg5 : memref<128xi32, #tpu.memory_space<vmem>>) semaphore(%arg7 : memref<!tpu.dma_semaphore, #tpu.memory_space<semaphore_mem>>)
    %dma_wait3A_1863 = arith.constant 0 : i32
    %dma_wait3A_1864 = arith.constant 0 : i32
    %dma_wait3A_1865 = tpu.memref_slice %arg3[%dma_wait3A_1863, %dma_wait3A_1864] : memref<2600000x32xf32, #tpu.memory_space<hbm>> -> memref<2600000x32xf32, #tpu.memory_space<hbm>>
    tpu.wait_indirect_dma semaphore(%arg7 : memref<!tpu.dma_semaphore, #tpu.memory_space<semaphore_mem>>) src(%dma_wait3A_1865 : memref<2600000x32xf32, #tpu.memory_space<hbm>>) dst(%arg6 : memref<128x32xf32, #tpu.memory_space<vmem>>)
    %run_scoped3A_1866 = arith.constant 20 : i32
    "tpu.region"() ({
      %run_scoped3A_2312 = tpu.sem_alloc : memref<!tpu.dma_semaphore, #tpu.memory_space<semaphore_mem>>
      %dma_start3A_2313 = arith.constant 0 : i32
      %dma_start3A_2314 = tpu.memref_slice %arg4[%run_scoped3A_1866, %mul3A_2, %dma_start3A_2313] : memref<26x4096x32xf32, #tpu.memory_space<hbm>> -> memref<1x128x32xf32, #tpu.memory_space<hbm>>
      %dma_start3A_2315 = tpu.memref_squeeze %dma_start3A_2314 : memref<1x128x32xf32, #tpu.memory_space<hbm>> -> memref<128x32xf32, #tpu.memory_space<hbm>>
      %dma_start3A_2316 = arith.constant 0 : i32
      %dma_start3A_2317 = tpu.memref_slice %arg4[%run_scoped3A_1866, %mul3A_2, %dma_start3A_2316] : memref<26x4096x32xf32, #tpu.memory_space<hbm>> -> memref<1x128x32xf32, #tpu.memory_space<hbm>>
      %dma_start3A_2318 = tpu.memref_squeeze %dma_start3A_2317 : memref<1x128x32xf32, #tpu.memory_space<hbm>> -> memref<128x32xf32, #tpu.memory_space<hbm>>
      tpu.enqueue_dma source(%arg6 : memref<128x32xf32, #tpu.memory_space<vmem>>) target(%dma_start3A_2318 : memref<128x32xf32, #tpu.memory_space<hbm>>) target_semaphore(%run_scoped3A_2312 : memref<!tpu.dma_semaphore, #tpu.memory_space<semaphore_mem>>)
      %dma_wait3A_2319 = arith.constant 0 : i32
      %dma_wait3A_2320 = tpu.memref_slice %arg4[%run_scoped3A_1866, %mul3A_2, %dma_wait3A_2319] : memref<26x4096x32xf32, #tpu.memory_space<hbm>> -> memref<1x128x32xf32, #tpu.memory_space<hbm>>
      %dma_wait3A_2321 = tpu.memref_squeeze %dma_wait3A_2320 : memref<1x128x32xf32, #tpu.memory_space<hbm>> -> memref<128x32xf32, #tpu.memory_space<hbm>>
      %dma_wait3A_2322 = arith.constant 0 : i32
      %dma_wait3A_2323 = tpu.memref_slice %arg4[%run_scoped3A_1866, %mul3A_2, %dma_wait3A_2322] : memref<26x4096x32xf32, #tpu.memory_space<hbm>> -> memref<1x128x32xf32, #tpu.memory_space<hbm>>
      %dma_wait3A_2324 = tpu.memref_squeeze %dma_wait3A_2323 : memref<1x128x32xf32, #tpu.memory_space<hbm>> -> memref<128x32xf32, #tpu.memory_space<hbm>>
      tpu.wait_dma2 semaphore(%run_scoped3A_2312 : memref<!tpu.dma_semaphore, #tpu.memory_space<semaphore_mem>>) src(%arg6 : memref<128x32xf32, #tpu.memory_space<vmem>>) dst(%dma_wait3A_2324 : memref<128x32xf32, #tpu.memory_space<hbm>>)
      tpu.yield
    }) : () -> ()
    %add3A_1867 = arith.constant 86016 : i32
    %add3A_1868 = arith.addi %add3A_1867, %mul3A_2 : i32
    "tpu.region"() ({
      %run_scoped3A_2312 = tpu.sem_alloc : memref<!tpu.dma_semaphore, #tpu.memory_space<semaphore_mem>>
      %dma_start3A_2313 = tpu.memref_slice %arg2[%add3A_1868] : memref<106496xi32, #tpu.memory_space<hbm>> -> memref<128xi32, #tpu.memory_space<hbm>>
      %dma_start3A_2314 = tpu.memref_slice %arg2[%add3A_1868] : memref<106496xi32, #tpu.memory_space<hbm>> -> memref<128xi32, #tpu.memory_space<hbm>>
      tpu.enqueue_dma source(%dma_start3A_2314 : memref<128xi32, #tpu.memory_space<hbm>>) target(%arg5 : memref<128xi32, #tpu.memory_space<vmem>>) target_semaphore(%run_scoped3A_2312 : memref<!tpu.dma_semaphore, #tpu.memory_space<semaphore_mem>>)
      %dma_wait3A_2315 = tpu.memref_slice %arg2[%add3A_1868] : memref<106496xi32, #tpu.memory_space<hbm>> -> memref<128xi32, #tpu.memory_space<hbm>>
      %dma_wait3A_2316 = tpu.memref_slice %arg2[%add3A_1868] : memref<106496xi32, #tpu.memory_space<hbm>> -> memref<128xi32, #tpu.memory_space<hbm>>
      tpu.wait_dma2 semaphore(%run_scoped3A_2312 : memref<!tpu.dma_semaphore, #tpu.memory_space<semaphore_mem>>) src(%dma_wait3A_2316 : memref<128xi32, #tpu.memory_space<hbm>>) dst(%arg5 : memref<128xi32, #tpu.memory_space<vmem>>)
      tpu.yield
    }) : () -> ()
    %get3A_1869 = arith.constant 0 : index
    %get3A_1870 = tpu.vector_load %arg5[%get3A_1869] {strides = array<i32>} : memref<128xi32, #tpu.memory_space<vmem>>, vector<16xi32>,
    %get3A_1871 = vector.shape_cast %get3A_1870 : vector<16xi32> to vector<16xi32>
    %add3A_1872 = arith.constant 2100000 : i32
    %add3A_1873 = vector.broadcast %add3A_1872 : i32 to vector<16xi32>
    %add3A_1874 = arith.addi %get3A_1871, %add3A_1873 : vector<16xi32>
    %swap3A_1875 = arith.constant 0 : index
    %swap3A_1876 = tpu.vector_load %arg5[%swap3A_1875] {strides = array<i32>} : memref<128xi32, #tpu.memory_space<vmem>>, vector<16xi32>,
    %swap3A_1877 = vector.shape_cast %swap3A_1876 : vector<16xi32> to vector<16xi32>
    %swap3A_1878 = vector.shape_cast %add3A_1874 : vector<16xi32> to vector<16xi32>
    tpu.vector_store %arg5[%swap3A_1875], %swap3A_1878 {strides = array<i32>} : memref<128xi32, #tpu.memory_space<vmem>>, vector<16xi32>,
    %get3A_1879 = arith.constant 16 : index
    %get3A_1880 = tpu.vector_load %arg5[%get3A_1879] {strides = array<i32>} : memref<128xi32, #tpu.memory_space<vmem>>, vector<16xi32>,
    %get3A_1881 = vector.shape_cast %get3A_1880 : vector<16xi32> to vector<16xi32>
    %add3A_1882 = arith.constant 2100000 : i32
    %add3A_1883 = vector.broadcast %add3A_1882 : i32 to vector<16xi32>
    %add3A_1884 = arith.addi %get3A_1881, %add3A_1883 : vector<16xi32>
    %swap3A_1885 = arith.constant 16 : index
    %swap3A_1886 = tpu.vector_load %arg5[%swap3A_1885] {strides = array<i32>} : memref<128xi32, #tpu.memory_space<vmem>>, vector<16xi32>,
    %swap3A_1887 = vector.shape_cast %swap3A_1886 : vector<16xi32> to vector<16xi32>
    %swap3A_1888 = vector.shape_cast %add3A_1884 : vector<16xi32> to vector<16xi32>
    tpu.vector_store %arg5[%swap3A_1885], %swap3A_1888 {strides = array<i32>} : memref<128xi32, #tpu.memory_space<vmem>>, vector<16xi32>,
    %get3A_1889 = arith.constant 32 : index
    %get3A_1890 = tpu.vector_load %arg5[%get3A_1889] {strides = array<i32>} : memref<128xi32, #tpu.memory_space<vmem>>, vector<16xi32>,
    %get3A_1891 = vector.shape_cast %get3A_1890 : vector<16xi32> to vector<16xi32>
    %add3A_1892 = arith.constant 2100000 : i32
    %add3A_1893 = vector.broadcast %add3A_1892 : i32 to vector<16xi32>
    %add3A_1894 = arith.addi %get3A_1891, %add3A_1893 : vector<16xi32>
    %swap3A_1895 = arith.constant 32 : index
    %swap3A_1896 = tpu.vector_load %arg5[%swap3A_1895] {strides = array<i32>} : memref<128xi32, #tpu.memory_space<vmem>>, vector<16xi32>,
    %swap3A_1897 = vector.shape_cast %swap3A_1896 : vector<16xi32> to vector<16xi32>
    %swap3A_1898 = vector.shape_cast %add3A_1894 : vector<16xi32> to vector<16xi32>
    tpu.vector_store %arg5[%swap3A_1895], %swap3A_1898 {strides = array<i32>} : memref<128xi32, #tpu.memory_space<vmem>>, vector<16xi32>,
    %get3A_1899 = arith.constant 48 : index
    %get3A_1900 = tpu.vector_load %arg5[%get3A_1899] {strides = array<i32>} : memref<128xi32, #tpu.memory_space<vmem>>, vector<16xi32>,
    %get3A_1901 = vector.shape_cast %get3A_1900 : vector<16xi32> to vector<16xi32>
    %add3A_1902 = arith.constant 2100000 : i32
    %add3A_1903 = vector.broadcast %add3A_1902 : i32 to vector<16xi32>
    %add3A_1904 = arith.addi %get3A_1901, %add3A_1903 : vector<16xi32>
    %swap3A_1905 = arith.constant 48 : index
    %swap3A_1906 = tpu.vector_load %arg5[%swap3A_1905] {strides = array<i32>} : memref<128xi32, #tpu.memory_space<vmem>>, vector<16xi32>,
    %swap3A_1907 = vector.shape_cast %swap3A_1906 : vector<16xi32> to vector<16xi32>
    %swap3A_1908 = vector.shape_cast %add3A_1904 : vector<16xi32> to vector<16xi32>
    tpu.vector_store %arg5[%swap3A_1905], %swap3A_1908 {strides = array<i32>} : memref<128xi32, #tpu.memory_space<vmem>>, vector<16xi32>,
    %get3A_1909 = arith.constant 64 : index
    %get3A_1910 = tpu.vector_load %arg5[%get3A_1909] {strides = array<i32>} : memref<128xi32, #tpu.memory_space<vmem>>, vector<16xi32>,
    %get3A_1911 = vector.shape_cast %get3A_1910 : vector<16xi32> to vector<16xi32>
    %add3A_1912 = arith.constant 2100000 : i32
    %add3A_1913 = vector.broadcast %add3A_1912 : i32 to vector<16xi32>
    %add3A_1914 = arith.addi %get3A_1911, %add3A_1913 : vector<16xi32>
    %swap3A_1915 = arith.constant 64 : index
    %swap3A_1916 = tpu.vector_load %arg5[%swap3A_1915] {strides = array<i32>} : memref<128xi32, #tpu.memory_space<vmem>>, vector<16xi32>,
    %swap3A_1917 = vector.shape_cast %swap3A_1916 : vector<16xi32> to vector<16xi32>
    %swap3A_1918 = vector.shape_cast %add3A_1914 : vector<16xi32> to vector<16xi32>
    tpu.vector_store %arg5[%swap3A_1915], %swap3A_1918 {strides = array<i32>} : memref<128xi32, #tpu.memory_space<vmem>>, vector<16xi32>,
    %get3A_1919 = arith.constant 80 : index
    %get3A_1920 = tpu.vector_load %arg5[%get3A_1919] {strides = array<i32>} : memref<128xi32, #tpu.memory_space<vmem>>, vector<16xi32>,
    %get3A_1921 = vector.shape_cast %get3A_1920 : vector<16xi32> to vector<16xi32>
    %add3A_1922 = arith.constant 2100000 : i32
    %add3A_1923 = vector.broadcast %add3A_1922 : i32 to vector<16xi32>
    %add3A_1924 = arith.addi %get3A_1921, %add3A_1923 : vector<16xi32>
    %swap3A_1925 = arith.constant 80 : index
    %swap3A_1926 = tpu.vector_load %arg5[%swap3A_1925] {strides = array<i32>} : memref<128xi32, #tpu.memory_space<vmem>>, vector<16xi32>,
    %swap3A_1927 = vector.shape_cast %swap3A_1926 : vector<16xi32> to vector<16xi32>
    %swap3A_1928 = vector.shape_cast %add3A_1924 : vector<16xi32> to vector<16xi32>
    tpu.vector_store %arg5[%swap3A_1925], %swap3A_1928 {strides = array<i32>} : memref<128xi32, #tpu.memory_space<vmem>>, vector<16xi32>,
    %get3A_1929 = arith.constant 96 : index
    %get3A_1930 = tpu.vector_load %arg5[%get3A_1929] {strides = array<i32>} : memref<128xi32, #tpu.memory_space<vmem>>, vector<16xi32>,
    %get3A_1931 = vector.shape_cast %get3A_1930 : vector<16xi32> to vector<16xi32>
    %add3A_1932 = arith.constant 2100000 : i32
    %add3A_1933 = vector.broadcast %add3A_1932 : i32 to vector<16xi32>
    %add3A_1934 = arith.addi %get3A_1931, %add3A_1933 : vector<16xi32>
    %swap3A_1935 = arith.constant 96 : index
    %swap3A_1936 = tpu.vector_load %arg5[%swap3A_1935] {strides = array<i32>} : memref<128xi32, #tpu.memory_space<vmem>>, vector<16xi32>,
    %swap3A_1937 = vector.shape_cast %swap3A_1936 : vector<16xi32> to vector<16xi32>
    %swap3A_1938 = vector.shape_cast %add3A_1934 : vector<16xi32> to vector<16xi32>
    tpu.vector_store %arg5[%swap3A_1935], %swap3A_1938 {strides = array<i32>} : memref<128xi32, #tpu.memory_space<vmem>>, vector<16xi32>,
    %get3A_1939 = arith.constant 112 : index
    %get3A_1940 = tpu.vector_load %arg5[%get3A_1939] {strides = array<i32>} : memref<128xi32, #tpu.memory_space<vmem>>, vector<16xi32>,
    %get3A_1941 = vector.shape_cast %get3A_1940 : vector<16xi32> to vector<16xi32>
    %add3A_1942 = arith.constant 2100000 : i32
    %add3A_1943 = vector.broadcast %add3A_1942 : i32 to vector<16xi32>
    %add3A_1944 = arith.addi %get3A_1941, %add3A_1943 : vector<16xi32>
    %swap3A_1945 = arith.constant 112 : index
    %swap3A_1946 = tpu.vector_load %arg5[%swap3A_1945] {strides = array<i32>} : memref<128xi32, #tpu.memory_space<vmem>>, vector<16xi32>,
    %swap3A_1947 = vector.shape_cast %swap3A_1946 : vector<16xi32> to vector<16xi32>
    %swap3A_1948 = vector.shape_cast %add3A_1944 : vector<16xi32> to vector<16xi32>
    tpu.vector_store %arg5[%swap3A_1945], %swap3A_1948 {strides = array<i32>} : memref<128xi32, #tpu.memory_space<vmem>>, vector<16xi32>,
    %dma_start3A_1949 = arith.constant 0 : i32
    %dma_start3A_1950 = arith.constant 0 : i32
    %dma_start3A_1951 = tpu.memref_slice %arg3[%dma_start3A_1949, %dma_start3A_1950] : memref<2600000x32xf32, #tpu.memory_space<hbm>> -> memref<2600000x32xf32, #tpu.memory_space<hbm>>
    tpu.enqueue_indirect_dma source(%dma_start3A_1951 : memref<2600000x32xf32, #tpu.memory_space<hbm>>) target(%arg6 : memref<128x32xf32, #tpu.memory_space<vmem>>) offsets(%arg5 : memref<128xi32, #tpu.memory_space<vmem>>) semaphore(%arg7 : memref<!tpu.dma_semaphore, #tpu.memory_space<semaphore_mem>>)
    %dma_wait3A_1952 = arith.constant 0 : i32
    %dma_wait3A_1953 = arith.constant 0 : i32
    %dma_wait3A_1954 = tpu.memref_slice %arg3[%dma_wait3A_1952, %dma_wait3A_1953] : memref<2600000x32xf32, #tpu.memory_space<hbm>> -> memref<2600000x32xf32, #tpu.memory_space<hbm>>
    tpu.wait_indirect_dma semaphore(%arg7 : memref<!tpu.dma_semaphore, #tpu.memory_space<semaphore_mem>>) src(%dma_wait3A_1954 : memref<2600000x32xf32, #tpu.memory_space<hbm>>) dst(%arg6 : memref<128x32xf32, #tpu.memory_space<vmem>>)
    %run_scoped3A_1955 = arith.constant 21 : i32
    "tpu.region"() ({
      %run_scoped3A_2312 = tpu.sem_alloc : memref<!tpu.dma_semaphore, #tpu.memory_space<semaphore_mem>>
      %dma_start3A_2313 = arith.constant 0 : i32
      %dma_start3A_2314 = tpu.memref_slice %arg4[%run_scoped3A_1955, %mul3A_2, %dma_start3A_2313] : memref<26x4096x32xf32, #tpu.memory_space<hbm>> -> memref<1x128x32xf32, #tpu.memory_space<hbm>>
      %dma_start3A_2315 = tpu.memref_squeeze %dma_start3A_2314 : memref<1x128x32xf32, #tpu.memory_space<hbm>> -> memref<128x32xf32, #tpu.memory_space<hbm>>
      %dma_start3A_2316 = arith.constant 0 : i32
      %dma_start3A_2317 = tpu.memref_slice %arg4[%run_scoped3A_1955, %mul3A_2, %dma_start3A_2316] : memref<26x4096x32xf32, #tpu.memory_space<hbm>> -> memref<1x128x32xf32, #tpu.memory_space<hbm>>
      %dma_start3A_2318 = tpu.memref_squeeze %dma_start3A_2317 : memref<1x128x32xf32, #tpu.memory_space<hbm>> -> memref<128x32xf32, #tpu.memory_space<hbm>>
      tpu.enqueue_dma source(%arg6 : memref<128x32xf32, #tpu.memory_space<vmem>>) target(%dma_start3A_2318 : memref<128x32xf32, #tpu.memory_space<hbm>>) target_semaphore(%run_scoped3A_2312 : memref<!tpu.dma_semaphore, #tpu.memory_space<semaphore_mem>>)
      %dma_wait3A_2319 = arith.constant 0 : i32
      %dma_wait3A_2320 = tpu.memref_slice %arg4[%run_scoped3A_1955, %mul3A_2, %dma_wait3A_2319] : memref<26x4096x32xf32, #tpu.memory_space<hbm>> -> memref<1x128x32xf32, #tpu.memory_space<hbm>>
      %dma_wait3A_2321 = tpu.memref_squeeze %dma_wait3A_2320 : memref<1x128x32xf32, #tpu.memory_space<hbm>> -> memref<128x32xf32, #tpu.memory_space<hbm>>
      %dma_wait3A_2322 = arith.constant 0 : i32
      %dma_wait3A_2323 = tpu.memref_slice %arg4[%run_scoped3A_1955, %mul3A_2, %dma_wait3A_2322] : memref<26x4096x32xf32, #tpu.memory_space<hbm>> -> memref<1x128x32xf32, #tpu.memory_space<hbm>>
      %dma_wait3A_2324 = tpu.memref_squeeze %dma_wait3A_2323 : memref<1x128x32xf32, #tpu.memory_space<hbm>> -> memref<128x32xf32, #tpu.memory_space<hbm>>
      tpu.wait_dma2 semaphore(%run_scoped3A_2312 : memref<!tpu.dma_semaphore, #tpu.memory_space<semaphore_mem>>) src(%arg6 : memref<128x32xf32, #tpu.memory_space<vmem>>) dst(%dma_wait3A_2324 : memref<128x32xf32, #tpu.memory_space<hbm>>)
      tpu.yield
    }) : () -> ()
    %add3A_1956 = arith.constant 90112 : i32
    %add3A_1957 = arith.addi %add3A_1956, %mul3A_2 : i32
    "tpu.region"() ({
      %run_scoped3A_2312 = tpu.sem_alloc : memref<!tpu.dma_semaphore, #tpu.memory_space<semaphore_mem>>
      %dma_start3A_2313 = tpu.memref_slice %arg2[%add3A_1957] : memref<106496xi32, #tpu.memory_space<hbm>> -> memref<128xi32, #tpu.memory_space<hbm>>
      %dma_start3A_2314 = tpu.memref_slice %arg2[%add3A_1957] : memref<106496xi32, #tpu.memory_space<hbm>> -> memref<128xi32, #tpu.memory_space<hbm>>
      tpu.enqueue_dma source(%dma_start3A_2314 : memref<128xi32, #tpu.memory_space<hbm>>) target(%arg5 : memref<128xi32, #tpu.memory_space<vmem>>) target_semaphore(%run_scoped3A_2312 : memref<!tpu.dma_semaphore, #tpu.memory_space<semaphore_mem>>)
      %dma_wait3A_2315 = tpu.memref_slice %arg2[%add3A_1957] : memref<106496xi32, #tpu.memory_space<hbm>> -> memref<128xi32, #tpu.memory_space<hbm>>
      %dma_wait3A_2316 = tpu.memref_slice %arg2[%add3A_1957] : memref<106496xi32, #tpu.memory_space<hbm>> -> memref<128xi32, #tpu.memory_space<hbm>>
      tpu.wait_dma2 semaphore(%run_scoped3A_2312 : memref<!tpu.dma_semaphore, #tpu.memory_space<semaphore_mem>>) src(%dma_wait3A_2316 : memref<128xi32, #tpu.memory_space<hbm>>) dst(%arg5 : memref<128xi32, #tpu.memory_space<vmem>>)
      tpu.yield
    }) : () -> ()
    %get3A_1958 = arith.constant 0 : index
    %get3A_1959 = tpu.vector_load %arg5[%get3A_1958] {strides = array<i32>} : memref<128xi32, #tpu.memory_space<vmem>>, vector<16xi32>,
    %get3A_1960 = vector.shape_cast %get3A_1959 : vector<16xi32> to vector<16xi32>
    %add3A_1961 = arith.constant 2200000 : i32
    %add3A_1962 = vector.broadcast %add3A_1961 : i32 to vector<16xi32>
    %add3A_1963 = arith.addi %get3A_1960, %add3A_1962 : vector<16xi32>
    %swap3A_1964 = arith.constant 0 : index
    %swap3A_1965 = tpu.vector_load %arg5[%swap3A_1964] {strides = array<i32>} : memref<128xi32, #tpu.memory_space<vmem>>, vector<16xi32>,
    %swap3A_1966 = vector.shape_cast %swap3A_1965 : vector<16xi32> to vector<16xi32>
    %swap3A_1967 = vector.shape_cast %add3A_1963 : vector<16xi32> to vector<16xi32>
    tpu.vector_store %arg5[%swap3A_1964], %swap3A_1967 {strides = array<i32>} : memref<128xi32, #tpu.memory_space<vmem>>, vector<16xi32>,
    %get3A_1968 = arith.constant 16 : index
    %get3A_1969 = tpu.vector_load %arg5[%get3A_1968] {strides = array<i32>} : memref<128xi32, #tpu.memory_space<vmem>>, vector<16xi32>,
    %get3A_1970 = vector.shape_cast %get3A_1969 : vector<16xi32> to vector<16xi32>
    %add3A_1971 = arith.constant 2200000 : i32
    %add3A_1972 = vector.broadcast %add3A_1971 : i32 to vector<16xi32>
    %add3A_1973 = arith.addi %get3A_1970, %add3A_1972 : vector<16xi32>
    %swap3A_1974 = arith.constant 16 : index
    %swap3A_1975 = tpu.vector_load %arg5[%swap3A_1974] {strides = array<i32>} : memref<128xi32, #tpu.memory_space<vmem>>, vector<16xi32>,
    %swap3A_1976 = vector.shape_cast %swap3A_1975 : vector<16xi32> to vector<16xi32>
    %swap3A_1977 = vector.shape_cast %add3A_1973 : vector<16xi32> to vector<16xi32>
    tpu.vector_store %arg5[%swap3A_1974], %swap3A_1977 {strides = array<i32>} : memref<128xi32, #tpu.memory_space<vmem>>, vector<16xi32>,
    %get3A_1978 = arith.constant 32 : index
    %get3A_1979 = tpu.vector_load %arg5[%get3A_1978] {strides = array<i32>} : memref<128xi32, #tpu.memory_space<vmem>>, vector<16xi32>,
    %get3A_1980 = vector.shape_cast %get3A_1979 : vector<16xi32> to vector<16xi32>
    %add3A_1981 = arith.constant 2200000 : i32
    %add3A_1982 = vector.broadcast %add3A_1981 : i32 to vector<16xi32>
    %add3A_1983 = arith.addi %get3A_1980, %add3A_1982 : vector<16xi32>
    %swap3A_1984 = arith.constant 32 : index
    %swap3A_1985 = tpu.vector_load %arg5[%swap3A_1984] {strides = array<i32>} : memref<128xi32, #tpu.memory_space<vmem>>, vector<16xi32>,
    %swap3A_1986 = vector.shape_cast %swap3A_1985 : vector<16xi32> to vector<16xi32>
    %swap3A_1987 = vector.shape_cast %add3A_1983 : vector<16xi32> to vector<16xi32>
    tpu.vector_store %arg5[%swap3A_1984], %swap3A_1987 {strides = array<i32>} : memref<128xi32, #tpu.memory_space<vmem>>, vector<16xi32>,
    %get3A_1988 = arith.constant 48 : index
    %get3A_1989 = tpu.vector_load %arg5[%get3A_1988] {strides = array<i32>} : memref<128xi32, #tpu.memory_space<vmem>>, vector<16xi32>,
    %get3A_1990 = vector.shape_cast %get3A_1989 : vector<16xi32> to vector<16xi32>
    %add3A_1991 = arith.constant 2200000 : i32
    %add3A_1992 = vector.broadcast %add3A_1991 : i32 to vector<16xi32>
    %add3A_1993 = arith.addi %get3A_1990, %add3A_1992 : vector<16xi32>
    %swap3A_1994 = arith.constant 48 : index
    %swap3A_1995 = tpu.vector_load %arg5[%swap3A_1994] {strides = array<i32>} : memref<128xi32, #tpu.memory_space<vmem>>, vector<16xi32>,
    %swap3A_1996 = vector.shape_cast %swap3A_1995 : vector<16xi32> to vector<16xi32>
    %swap3A_1997 = vector.shape_cast %add3A_1993 : vector<16xi32> to vector<16xi32>
    tpu.vector_store %arg5[%swap3A_1994], %swap3A_1997 {strides = array<i32>} : memref<128xi32, #tpu.memory_space<vmem>>, vector<16xi32>,
    %get3A_1998 = arith.constant 64 : index
    %get3A_1999 = tpu.vector_load %arg5[%get3A_1998] {strides = array<i32>} : memref<128xi32, #tpu.memory_space<vmem>>, vector<16xi32>,
    %get3A_2000 = vector.shape_cast %get3A_1999 : vector<16xi32> to vector<16xi32>
    %add3A_2001 = arith.constant 2200000 : i32
    %add3A_2002 = vector.broadcast %add3A_2001 : i32 to vector<16xi32>
    %add3A_2003 = arith.addi %get3A_2000, %add3A_2002 : vector<16xi32>
    %swap3A_2004 = arith.constant 64 : index
    %swap3A_2005 = tpu.vector_load %arg5[%swap3A_2004] {strides = array<i32>} : memref<128xi32, #tpu.memory_space<vmem>>, vector<16xi32>,
    %swap3A_2006 = vector.shape_cast %swap3A_2005 : vector<16xi32> to vector<16xi32>
    %swap3A_2007 = vector.shape_cast %add3A_2003 : vector<16xi32> to vector<16xi32>
    tpu.vector_store %arg5[%swap3A_2004], %swap3A_2007 {strides = array<i32>} : memref<128xi32, #tpu.memory_space<vmem>>, vector<16xi32>,
    %get3A_2008 = arith.constant 80 : index
    %get3A_2009 = tpu.vector_load %arg5[%get3A_2008] {strides = array<i32>} : memref<128xi32, #tpu.memory_space<vmem>>, vector<16xi32>,
    %get3A_2010 = vector.shape_cast %get3A_2009 : vector<16xi32> to vector<16xi32>
    %add3A_2011 = arith.constant 2200000 : i32
    %add3A_2012 = vector.broadcast %add3A_2011 : i32 to vector<16xi32>
    %add3A_2013 = arith.addi %get3A_2010, %add3A_2012 : vector<16xi32>
    %swap3A_2014 = arith.constant 80 : index
    %swap3A_2015 = tpu.vector_load %arg5[%swap3A_2014] {strides = array<i32>} : memref<128xi32, #tpu.memory_space<vmem>>, vector<16xi32>,
    %swap3A_2016 = vector.shape_cast %swap3A_2015 : vector<16xi32> to vector<16xi32>
    %swap3A_2017 = vector.shape_cast %add3A_2013 : vector<16xi32> to vector<16xi32>
    tpu.vector_store %arg5[%swap3A_2014], %swap3A_2017 {strides = array<i32>} : memref<128xi32, #tpu.memory_space<vmem>>, vector<16xi32>,
    %get3A_2018 = arith.constant 96 : index
    %get3A_2019 = tpu.vector_load %arg5[%get3A_2018] {strides = array<i32>} : memref<128xi32, #tpu.memory_space<vmem>>, vector<16xi32>,
    %get3A_2020 = vector.shape_cast %get3A_2019 : vector<16xi32> to vector<16xi32>
    %add3A_2021 = arith.constant 2200000 : i32
    %add3A_2022 = vector.broadcast %add3A_2021 : i32 to vector<16xi32>
    %add3A_2023 = arith.addi %get3A_2020, %add3A_2022 : vector<16xi32>
    %swap3A_2024 = arith.constant 96 : index
    %swap3A_2025 = tpu.vector_load %arg5[%swap3A_2024] {strides = array<i32>} : memref<128xi32, #tpu.memory_space<vmem>>, vector<16xi32>,
    %swap3A_2026 = vector.shape_cast %swap3A_2025 : vector<16xi32> to vector<16xi32>
    %swap3A_2027 = vector.shape_cast %add3A_2023 : vector<16xi32> to vector<16xi32>
    tpu.vector_store %arg5[%swap3A_2024], %swap3A_2027 {strides = array<i32>} : memref<128xi32, #tpu.memory_space<vmem>>, vector<16xi32>,
    %get3A_2028 = arith.constant 112 : index
    %get3A_2029 = tpu.vector_load %arg5[%get3A_2028] {strides = array<i32>} : memref<128xi32, #tpu.memory_space<vmem>>, vector<16xi32>,
    %get3A_2030 = vector.shape_cast %get3A_2029 : vector<16xi32> to vector<16xi32>
    %add3A_2031 = arith.constant 2200000 : i32
    %add3A_2032 = vector.broadcast %add3A_2031 : i32 to vector<16xi32>
    %add3A_2033 = arith.addi %get3A_2030, %add3A_2032 : vector<16xi32>
    %swap3A_2034 = arith.constant 112 : index
    %swap3A_2035 = tpu.vector_load %arg5[%swap3A_2034] {strides = array<i32>} : memref<128xi32, #tpu.memory_space<vmem>>, vector<16xi32>,
    %swap3A_2036 = vector.shape_cast %swap3A_2035 : vector<16xi32> to vector<16xi32>
    %swap3A_2037 = vector.shape_cast %add3A_2033 : vector<16xi32> to vector<16xi32>
    tpu.vector_store %arg5[%swap3A_2034], %swap3A_2037 {strides = array<i32>} : memref<128xi32, #tpu.memory_space<vmem>>, vector<16xi32>,
    %dma_start3A_2038 = arith.constant 0 : i32
    %dma_start3A_2039 = arith.constant 0 : i32
    %dma_start3A_2040 = tpu.memref_slice %arg3[%dma_start3A_2038, %dma_start3A_2039] : memref<2600000x32xf32, #tpu.memory_space<hbm>> -> memref<2600000x32xf32, #tpu.memory_space<hbm>>
    tpu.enqueue_indirect_dma source(%dma_start3A_2040 : memref<2600000x32xf32, #tpu.memory_space<hbm>>) target(%arg6 : memref<128x32xf32, #tpu.memory_space<vmem>>) offsets(%arg5 : memref<128xi32, #tpu.memory_space<vmem>>) semaphore(%arg7 : memref<!tpu.dma_semaphore, #tpu.memory_space<semaphore_mem>>)
    %dma_wait3A_2041 = arith.constant 0 : i32
    %dma_wait3A_2042 = arith.constant 0 : i32
    %dma_wait3A_2043 = tpu.memref_slice %arg3[%dma_wait3A_2041, %dma_wait3A_2042] : memref<2600000x32xf32, #tpu.memory_space<hbm>> -> memref<2600000x32xf32, #tpu.memory_space<hbm>>
    tpu.wait_indirect_dma semaphore(%arg7 : memref<!tpu.dma_semaphore, #tpu.memory_space<semaphore_mem>>) src(%dma_wait3A_2043 : memref<2600000x32xf32, #tpu.memory_space<hbm>>) dst(%arg6 : memref<128x32xf32, #tpu.memory_space<vmem>>)
    %run_scoped3A_2044 = arith.constant 22 : i32
    "tpu.region"() ({
      %run_scoped3A_2312 = tpu.sem_alloc : memref<!tpu.dma_semaphore, #tpu.memory_space<semaphore_mem>>
      %dma_start3A_2313 = arith.constant 0 : i32
      %dma_start3A_2314 = tpu.memref_slice %arg4[%run_scoped3A_2044, %mul3A_2, %dma_start3A_2313] : memref<26x4096x32xf32, #tpu.memory_space<hbm>> -> memref<1x128x32xf32, #tpu.memory_space<hbm>>
      %dma_start3A_2315 = tpu.memref_squeeze %dma_start3A_2314 : memref<1x128x32xf32, #tpu.memory_space<hbm>> -> memref<128x32xf32, #tpu.memory_space<hbm>>
      %dma_start3A_2316 = arith.constant 0 : i32
      %dma_start3A_2317 = tpu.memref_slice %arg4[%run_scoped3A_2044, %mul3A_2, %dma_start3A_2316] : memref<26x4096x32xf32, #tpu.memory_space<hbm>> -> memref<1x128x32xf32, #tpu.memory_space<hbm>>
      %dma_start3A_2318 = tpu.memref_squeeze %dma_start3A_2317 : memref<1x128x32xf32, #tpu.memory_space<hbm>> -> memref<128x32xf32, #tpu.memory_space<hbm>>
      tpu.enqueue_dma source(%arg6 : memref<128x32xf32, #tpu.memory_space<vmem>>) target(%dma_start3A_2318 : memref<128x32xf32, #tpu.memory_space<hbm>>) target_semaphore(%run_scoped3A_2312 : memref<!tpu.dma_semaphore, #tpu.memory_space<semaphore_mem>>)
      %dma_wait3A_2319 = arith.constant 0 : i32
      %dma_wait3A_2320 = tpu.memref_slice %arg4[%run_scoped3A_2044, %mul3A_2, %dma_wait3A_2319] : memref<26x4096x32xf32, #tpu.memory_space<hbm>> -> memref<1x128x32xf32, #tpu.memory_space<hbm>>
      %dma_wait3A_2321 = tpu.memref_squeeze %dma_wait3A_2320 : memref<1x128x32xf32, #tpu.memory_space<hbm>> -> memref<128x32xf32, #tpu.memory_space<hbm>>
      %dma_wait3A_2322 = arith.constant 0 : i32
      %dma_wait3A_2323 = tpu.memref_slice %arg4[%run_scoped3A_2044, %mul3A_2, %dma_wait3A_2322] : memref<26x4096x32xf32, #tpu.memory_space<hbm>> -> memref<1x128x32xf32, #tpu.memory_space<hbm>>
      %dma_wait3A_2324 = tpu.memref_squeeze %dma_wait3A_2323 : memref<1x128x32xf32, #tpu.memory_space<hbm>> -> memref<128x32xf32, #tpu.memory_space<hbm>>
      tpu.wait_dma2 semaphore(%run_scoped3A_2312 : memref<!tpu.dma_semaphore, #tpu.memory_space<semaphore_mem>>) src(%arg6 : memref<128x32xf32, #tpu.memory_space<vmem>>) dst(%dma_wait3A_2324 : memref<128x32xf32, #tpu.memory_space<hbm>>)
      tpu.yield
    }) : () -> ()
    %add3A_2045 = arith.constant 94208 : i32
    %add3A_2046 = arith.addi %add3A_2045, %mul3A_2 : i32
    "tpu.region"() ({
      %run_scoped3A_2312 = tpu.sem_alloc : memref<!tpu.dma_semaphore, #tpu.memory_space<semaphore_mem>>
      %dma_start3A_2313 = tpu.memref_slice %arg2[%add3A_2046] : memref<106496xi32, #tpu.memory_space<hbm>> -> memref<128xi32, #tpu.memory_space<hbm>>
      %dma_start3A_2314 = tpu.memref_slice %arg2[%add3A_2046] : memref<106496xi32, #tpu.memory_space<hbm>> -> memref<128xi32, #tpu.memory_space<hbm>>
      tpu.enqueue_dma source(%dma_start3A_2314 : memref<128xi32, #tpu.memory_space<hbm>>) target(%arg5 : memref<128xi32, #tpu.memory_space<vmem>>) target_semaphore(%run_scoped3A_2312 : memref<!tpu.dma_semaphore, #tpu.memory_space<semaphore_mem>>)
      %dma_wait3A_2315 = tpu.memref_slice %arg2[%add3A_2046] : memref<106496xi32, #tpu.memory_space<hbm>> -> memref<128xi32, #tpu.memory_space<hbm>>
      %dma_wait3A_2316 = tpu.memref_slice %arg2[%add3A_2046] : memref<106496xi32, #tpu.memory_space<hbm>> -> memref<128xi32, #tpu.memory_space<hbm>>
      tpu.wait_dma2 semaphore(%run_scoped3A_2312 : memref<!tpu.dma_semaphore, #tpu.memory_space<semaphore_mem>>) src(%dma_wait3A_2316 : memref<128xi32, #tpu.memory_space<hbm>>) dst(%arg5 : memref<128xi32, #tpu.memory_space<vmem>>)
      tpu.yield
    }) : () -> ()
    %get3A_2047 = arith.constant 0 : index
    %get3A_2048 = tpu.vector_load %arg5[%get3A_2047] {strides = array<i32>} : memref<128xi32, #tpu.memory_space<vmem>>, vector<16xi32>,
    %get3A_2049 = vector.shape_cast %get3A_2048 : vector<16xi32> to vector<16xi32>
    %add3A_2050 = arith.constant 2300000 : i32
    %add3A_2051 = vector.broadcast %add3A_2050 : i32 to vector<16xi32>
    %add3A_2052 = arith.addi %get3A_2049, %add3A_2051 : vector<16xi32>
    %swap3A_2053 = arith.constant 0 : index
    %swap3A_2054 = tpu.vector_load %arg5[%swap3A_2053] {strides = array<i32>} : memref<128xi32, #tpu.memory_space<vmem>>, vector<16xi32>,
    %swap3A_2055 = vector.shape_cast %swap3A_2054 : vector<16xi32> to vector<16xi32>
    %swap3A_2056 = vector.shape_cast %add3A_2052 : vector<16xi32> to vector<16xi32>
    tpu.vector_store %arg5[%swap3A_2053], %swap3A_2056 {strides = array<i32>} : memref<128xi32, #tpu.memory_space<vmem>>, vector<16xi32>,
    %get3A_2057 = arith.constant 16 : index
    %get3A_2058 = tpu.vector_load %arg5[%get3A_2057] {strides = array<i32>} : memref<128xi32, #tpu.memory_space<vmem>>, vector<16xi32>,
    %get3A_2059 = vector.shape_cast %get3A_2058 : vector<16xi32> to vector<16xi32>
    %add3A_2060 = arith.constant 2300000 : i32
    %add3A_2061 = vector.broadcast %add3A_2060 : i32 to vector<16xi32>
    %add3A_2062 = arith.addi %get3A_2059, %add3A_2061 : vector<16xi32>
    %swap3A_2063 = arith.constant 16 : index
    %swap3A_2064 = tpu.vector_load %arg5[%swap3A_2063] {strides = array<i32>} : memref<128xi32, #tpu.memory_space<vmem>>, vector<16xi32>,
    %swap3A_2065 = vector.shape_cast %swap3A_2064 : vector<16xi32> to vector<16xi32>
    %swap3A_2066 = vector.shape_cast %add3A_2062 : vector<16xi32> to vector<16xi32>
    tpu.vector_store %arg5[%swap3A_2063], %swap3A_2066 {strides = array<i32>} : memref<128xi32, #tpu.memory_space<vmem>>, vector<16xi32>,
    %get3A_2067 = arith.constant 32 : index
    %get3A_2068 = tpu.vector_load %arg5[%get3A_2067] {strides = array<i32>} : memref<128xi32, #tpu.memory_space<vmem>>, vector<16xi32>,
    %get3A_2069 = vector.shape_cast %get3A_2068 : vector<16xi32> to vector<16xi32>
    %add3A_2070 = arith.constant 2300000 : i32
    %add3A_2071 = vector.broadcast %add3A_2070 : i32 to vector<16xi32>
    %add3A_2072 = arith.addi %get3A_2069, %add3A_2071 : vector<16xi32>
    %swap3A_2073 = arith.constant 32 : index
    %swap3A_2074 = tpu.vector_load %arg5[%swap3A_2073] {strides = array<i32>} : memref<128xi32, #tpu.memory_space<vmem>>, vector<16xi32>,
    %swap3A_2075 = vector.shape_cast %swap3A_2074 : vector<16xi32> to vector<16xi32>
    %swap3A_2076 = vector.shape_cast %add3A_2072 : vector<16xi32> to vector<16xi32>
    tpu.vector_store %arg5[%swap3A_2073], %swap3A_2076 {strides = array<i32>} : memref<128xi32, #tpu.memory_space<vmem>>, vector<16xi32>,
    %get3A_2077 = arith.constant 48 : index
    %get3A_2078 = tpu.vector_load %arg5[%get3A_2077] {strides = array<i32>} : memref<128xi32, #tpu.memory_space<vmem>>, vector<16xi32>,
    %get3A_2079 = vector.shape_cast %get3A_2078 : vector<16xi32> to vector<16xi32>
    %add3A_2080 = arith.constant 2300000 : i32
    %add3A_2081 = vector.broadcast %add3A_2080 : i32 to vector<16xi32>
    %add3A_2082 = arith.addi %get3A_2079, %add3A_2081 : vector<16xi32>
    %swap3A_2083 = arith.constant 48 : index
    %swap3A_2084 = tpu.vector_load %arg5[%swap3A_2083] {strides = array<i32>} : memref<128xi32, #tpu.memory_space<vmem>>, vector<16xi32>,
    %swap3A_2085 = vector.shape_cast %swap3A_2084 : vector<16xi32> to vector<16xi32>
    %swap3A_2086 = vector.shape_cast %add3A_2082 : vector<16xi32> to vector<16xi32>
    tpu.vector_store %arg5[%swap3A_2083], %swap3A_2086 {strides = array<i32>} : memref<128xi32, #tpu.memory_space<vmem>>, vector<16xi32>,
    %get3A_2087 = arith.constant 64 : index
    %get3A_2088 = tpu.vector_load %arg5[%get3A_2087] {strides = array<i32>} : memref<128xi32, #tpu.memory_space<vmem>>, vector<16xi32>,
    %get3A_2089 = vector.shape_cast %get3A_2088 : vector<16xi32> to vector<16xi32>
    %add3A_2090 = arith.constant 2300000 : i32
    %add3A_2091 = vector.broadcast %add3A_2090 : i32 to vector<16xi32>
    %add3A_2092 = arith.addi %get3A_2089, %add3A_2091 : vector<16xi32>
    %swap3A_2093 = arith.constant 64 : index
    %swap3A_2094 = tpu.vector_load %arg5[%swap3A_2093] {strides = array<i32>} : memref<128xi32, #tpu.memory_space<vmem>>, vector<16xi32>,
    %swap3A_2095 = vector.shape_cast %swap3A_2094 : vector<16xi32> to vector<16xi32>
    %swap3A_2096 = vector.shape_cast %add3A_2092 : vector<16xi32> to vector<16xi32>
    tpu.vector_store %arg5[%swap3A_2093], %swap3A_2096 {strides = array<i32>} : memref<128xi32, #tpu.memory_space<vmem>>, vector<16xi32>,
    %get3A_2097 = arith.constant 80 : index
    %get3A_2098 = tpu.vector_load %arg5[%get3A_2097] {strides = array<i32>} : memref<128xi32, #tpu.memory_space<vmem>>, vector<16xi32>,
    %get3A_2099 = vector.shape_cast %get3A_2098 : vector<16xi32> to vector<16xi32>
    %add3A_2100 = arith.constant 2300000 : i32
    %add3A_2101 = vector.broadcast %add3A_2100 : i32 to vector<16xi32>
    %add3A_2102 = arith.addi %get3A_2099, %add3A_2101 : vector<16xi32>
    %swap3A_2103 = arith.constant 80 : index
    %swap3A_2104 = tpu.vector_load %arg5[%swap3A_2103] {strides = array<i32>} : memref<128xi32, #tpu.memory_space<vmem>>, vector<16xi32>,
    %swap3A_2105 = vector.shape_cast %swap3A_2104 : vector<16xi32> to vector<16xi32>
    %swap3A_2106 = vector.shape_cast %add3A_2102 : vector<16xi32> to vector<16xi32>
    tpu.vector_store %arg5[%swap3A_2103], %swap3A_2106 {strides = array<i32>} : memref<128xi32, #tpu.memory_space<vmem>>, vector<16xi32>,
    %get3A_2107 = arith.constant 96 : index
    %get3A_2108 = tpu.vector_load %arg5[%get3A_2107] {strides = array<i32>} : memref<128xi32, #tpu.memory_space<vmem>>, vector<16xi32>,
    %get3A_2109 = vector.shape_cast %get3A_2108 : vector<16xi32> to vector<16xi32>
    %add3A_2110 = arith.constant 2300000 : i32
    %add3A_2111 = vector.broadcast %add3A_2110 : i32 to vector<16xi32>
    %add3A_2112 = arith.addi %get3A_2109, %add3A_2111 : vector<16xi32>
    %swap3A_2113 = arith.constant 96 : index
    %swap3A_2114 = tpu.vector_load %arg5[%swap3A_2113] {strides = array<i32>} : memref<128xi32, #tpu.memory_space<vmem>>, vector<16xi32>,
    %swap3A_2115 = vector.shape_cast %swap3A_2114 : vector<16xi32> to vector<16xi32>
    %swap3A_2116 = vector.shape_cast %add3A_2112 : vector<16xi32> to vector<16xi32>
    tpu.vector_store %arg5[%swap3A_2113], %swap3A_2116 {strides = array<i32>} : memref<128xi32, #tpu.memory_space<vmem>>, vector<16xi32>,
    %get3A_2117 = arith.constant 112 : index
    %get3A_2118 = tpu.vector_load %arg5[%get3A_2117] {strides = array<i32>} : memref<128xi32, #tpu.memory_space<vmem>>, vector<16xi32>,
    %get3A_2119 = vector.shape_cast %get3A_2118 : vector<16xi32> to vector<16xi32>
    %add3A_2120 = arith.constant 2300000 : i32
    %add3A_2121 = vector.broadcast %add3A_2120 : i32 to vector<16xi32>
    %add3A_2122 = arith.addi %get3A_2119, %add3A_2121 : vector<16xi32>
    %swap3A_2123 = arith.constant 112 : index
    %swap3A_2124 = tpu.vector_load %arg5[%swap3A_2123] {strides = array<i32>} : memref<128xi32, #tpu.memory_space<vmem>>, vector<16xi32>,
    %swap3A_2125 = vector.shape_cast %swap3A_2124 : vector<16xi32> to vector<16xi32>
    %swap3A_2126 = vector.shape_cast %add3A_2122 : vector<16xi32> to vector<16xi32>
    tpu.vector_store %arg5[%swap3A_2123], %swap3A_2126 {strides = array<i32>} : memref<128xi32, #tpu.memory_space<vmem>>, vector<16xi32>,
    %dma_start3A_2127 = arith.constant 0 : i32
    %dma_start3A_2128 = arith.constant 0 : i32
    %dma_start3A_2129 = tpu.memref_slice %arg3[%dma_start3A_2127, %dma_start3A_2128] : memref<2600000x32xf32, #tpu.memory_space<hbm>> -> memref<2600000x32xf32, #tpu.memory_space<hbm>>
    tpu.enqueue_indirect_dma source(%dma_start3A_2129 : memref<2600000x32xf32, #tpu.memory_space<hbm>>) target(%arg6 : memref<128x32xf32, #tpu.memory_space<vmem>>) offsets(%arg5 : memref<128xi32, #tpu.memory_space<vmem>>) semaphore(%arg7 : memref<!tpu.dma_semaphore, #tpu.memory_space<semaphore_mem>>)
    %dma_wait3A_2130 = arith.constant 0 : i32
    %dma_wait3A_2131 = arith.constant 0 : i32
    %dma_wait3A_2132 = tpu.memref_slice %arg3[%dma_wait3A_2130, %dma_wait3A_2131] : memref<2600000x32xf32, #tpu.memory_space<hbm>> -> memref<2600000x32xf32, #tpu.memory_space<hbm>>
    tpu.wait_indirect_dma semaphore(%arg7 : memref<!tpu.dma_semaphore, #tpu.memory_space<semaphore_mem>>) src(%dma_wait3A_2132 : memref<2600000x32xf32, #tpu.memory_space<hbm>>) dst(%arg6 : memref<128x32xf32, #tpu.memory_space<vmem>>)
    %run_scoped3A_2133 = arith.constant 23 : i32
    "tpu.region"() ({
      %run_scoped3A_2312 = tpu.sem_alloc : memref<!tpu.dma_semaphore, #tpu.memory_space<semaphore_mem>>
      %dma_start3A_2313 = arith.constant 0 : i32
      %dma_start3A_2314 = tpu.memref_slice %arg4[%run_scoped3A_2133, %mul3A_2, %dma_start3A_2313] : memref<26x4096x32xf32, #tpu.memory_space<hbm>> -> memref<1x128x32xf32, #tpu.memory_space<hbm>>
      %dma_start3A_2315 = tpu.memref_squeeze %dma_start3A_2314 : memref<1x128x32xf32, #tpu.memory_space<hbm>> -> memref<128x32xf32, #tpu.memory_space<hbm>>
      %dma_start3A_2316 = arith.constant 0 : i32
      %dma_start3A_2317 = tpu.memref_slice %arg4[%run_scoped3A_2133, %mul3A_2, %dma_start3A_2316] : memref<26x4096x32xf32, #tpu.memory_space<hbm>> -> memref<1x128x32xf32, #tpu.memory_space<hbm>>
      %dma_start3A_2318 = tpu.memref_squeeze %dma_start3A_2317 : memref<1x128x32xf32, #tpu.memory_space<hbm>> -> memref<128x32xf32, #tpu.memory_space<hbm>>
      tpu.enqueue_dma source(%arg6 : memref<128x32xf32, #tpu.memory_space<vmem>>) target(%dma_start3A_2318 : memref<128x32xf32, #tpu.memory_space<hbm>>) target_semaphore(%run_scoped3A_2312 : memref<!tpu.dma_semaphore, #tpu.memory_space<semaphore_mem>>)
      %dma_wait3A_2319 = arith.constant 0 : i32
      %dma_wait3A_2320 = tpu.memref_slice %arg4[%run_scoped3A_2133, %mul3A_2, %dma_wait3A_2319] : memref<26x4096x32xf32, #tpu.memory_space<hbm>> -> memref<1x128x32xf32, #tpu.memory_space<hbm>>
      %dma_wait3A_2321 = tpu.memref_squeeze %dma_wait3A_2320 : memref<1x128x32xf32, #tpu.memory_space<hbm>> -> memref<128x32xf32, #tpu.memory_space<hbm>>
      %dma_wait3A_2322 = arith.constant 0 : i32
      %dma_wait3A_2323 = tpu.memref_slice %arg4[%run_scoped3A_2133, %mul3A_2, %dma_wait3A_2322] : memref<26x4096x32xf32, #tpu.memory_space<hbm>> -> memref<1x128x32xf32, #tpu.memory_space<hbm>>
      %dma_wait3A_2324 = tpu.memref_squeeze %dma_wait3A_2323 : memref<1x128x32xf32, #tpu.memory_space<hbm>> -> memref<128x32xf32, #tpu.memory_space<hbm>>
      tpu.wait_dma2 semaphore(%run_scoped3A_2312 : memref<!tpu.dma_semaphore, #tpu.memory_space<semaphore_mem>>) src(%arg6 : memref<128x32xf32, #tpu.memory_space<vmem>>) dst(%dma_wait3A_2324 : memref<128x32xf32, #tpu.memory_space<hbm>>)
      tpu.yield
    }) : () -> ()
    %add3A_2134 = arith.constant 98304 : i32
    %add3A_2135 = arith.addi %add3A_2134, %mul3A_2 : i32
    "tpu.region"() ({
      %run_scoped3A_2312 = tpu.sem_alloc : memref<!tpu.dma_semaphore, #tpu.memory_space<semaphore_mem>>
      %dma_start3A_2313 = tpu.memref_slice %arg2[%add3A_2135] : memref<106496xi32, #tpu.memory_space<hbm>> -> memref<128xi32, #tpu.memory_space<hbm>>
      %dma_start3A_2314 = tpu.memref_slice %arg2[%add3A_2135] : memref<106496xi32, #tpu.memory_space<hbm>> -> memref<128xi32, #tpu.memory_space<hbm>>
      tpu.enqueue_dma source(%dma_start3A_2314 : memref<128xi32, #tpu.memory_space<hbm>>) target(%arg5 : memref<128xi32, #tpu.memory_space<vmem>>) target_semaphore(%run_scoped3A_2312 : memref<!tpu.dma_semaphore, #tpu.memory_space<semaphore_mem>>)
      %dma_wait3A_2315 = tpu.memref_slice %arg2[%add3A_2135] : memref<106496xi32, #tpu.memory_space<hbm>> -> memref<128xi32, #tpu.memory_space<hbm>>
      %dma_wait3A_2316 = tpu.memref_slice %arg2[%add3A_2135] : memref<106496xi32, #tpu.memory_space<hbm>> -> memref<128xi32, #tpu.memory_space<hbm>>
      tpu.wait_dma2 semaphore(%run_scoped3A_2312 : memref<!tpu.dma_semaphore, #tpu.memory_space<semaphore_mem>>) src(%dma_wait3A_2316 : memref<128xi32, #tpu.memory_space<hbm>>) dst(%arg5 : memref<128xi32, #tpu.memory_space<vmem>>)
      tpu.yield
    }) : () -> ()
    %get3A_2136 = arith.constant 0 : index
    %get3A_2137 = tpu.vector_load %arg5[%get3A_2136] {strides = array<i32>} : memref<128xi32, #tpu.memory_space<vmem>>, vector<16xi32>,
    %get3A_2138 = vector.shape_cast %get3A_2137 : vector<16xi32> to vector<16xi32>
    %add3A_2139 = arith.constant 2400000 : i32
    %add3A_2140 = vector.broadcast %add3A_2139 : i32 to vector<16xi32>
    %add3A_2141 = arith.addi %get3A_2138, %add3A_2140 : vector<16xi32>
    %swap3A_2142 = arith.constant 0 : index
    %swap3A_2143 = tpu.vector_load %arg5[%swap3A_2142] {strides = array<i32>} : memref<128xi32, #tpu.memory_space<vmem>>, vector<16xi32>,
    %swap3A_2144 = vector.shape_cast %swap3A_2143 : vector<16xi32> to vector<16xi32>
    %swap3A_2145 = vector.shape_cast %add3A_2141 : vector<16xi32> to vector<16xi32>
    tpu.vector_store %arg5[%swap3A_2142], %swap3A_2145 {strides = array<i32>} : memref<128xi32, #tpu.memory_space<vmem>>, vector<16xi32>,
    %get3A_2146 = arith.constant 16 : index
    %get3A_2147 = tpu.vector_load %arg5[%get3A_2146] {strides = array<i32>} : memref<128xi32, #tpu.memory_space<vmem>>, vector<16xi32>,
    %get3A_2148 = vector.shape_cast %get3A_2147 : vector<16xi32> to vector<16xi32>
    %add3A_2149 = arith.constant 2400000 : i32
    %add3A_2150 = vector.broadcast %add3A_2149 : i32 to vector<16xi32>
    %add3A_2151 = arith.addi %get3A_2148, %add3A_2150 : vector<16xi32>
    %swap3A_2152 = arith.constant 16 : index
    %swap3A_2153 = tpu.vector_load %arg5[%swap3A_2152] {strides = array<i32>} : memref<128xi32, #tpu.memory_space<vmem>>, vector<16xi32>,
    %swap3A_2154 = vector.shape_cast %swap3A_2153 : vector<16xi32> to vector<16xi32>
    %swap3A_2155 = vector.shape_cast %add3A_2151 : vector<16xi32> to vector<16xi32>
    tpu.vector_store %arg5[%swap3A_2152], %swap3A_2155 {strides = array<i32>} : memref<128xi32, #tpu.memory_space<vmem>>, vector<16xi32>,
    %get3A_2156 = arith.constant 32 : index
    %get3A_2157 = tpu.vector_load %arg5[%get3A_2156] {strides = array<i32>} : memref<128xi32, #tpu.memory_space<vmem>>, vector<16xi32>,
    %get3A_2158 = vector.shape_cast %get3A_2157 : vector<16xi32> to vector<16xi32>
    %add3A_2159 = arith.constant 2400000 : i32
    %add3A_2160 = vector.broadcast %add3A_2159 : i32 to vector<16xi32>
    %add3A_2161 = arith.addi %get3A_2158, %add3A_2160 : vector<16xi32>
    %swap3A_2162 = arith.constant 32 : index
    %swap3A_2163 = tpu.vector_load %arg5[%swap3A_2162] {strides = array<i32>} : memref<128xi32, #tpu.memory_space<vmem>>, vector<16xi32>,
    %swap3A_2164 = vector.shape_cast %swap3A_2163 : vector<16xi32> to vector<16xi32>
    %swap3A_2165 = vector.shape_cast %add3A_2161 : vector<16xi32> to vector<16xi32>
    tpu.vector_store %arg5[%swap3A_2162], %swap3A_2165 {strides = array<i32>} : memref<128xi32, #tpu.memory_space<vmem>>, vector<16xi32>,
    %get3A_2166 = arith.constant 48 : index
    %get3A_2167 = tpu.vector_load %arg5[%get3A_2166] {strides = array<i32>} : memref<128xi32, #tpu.memory_space<vmem>>, vector<16xi32>,
    %get3A_2168 = vector.shape_cast %get3A_2167 : vector<16xi32> to vector<16xi32>
    %add3A_2169 = arith.constant 2400000 : i32
    %add3A_2170 = vector.broadcast %add3A_2169 : i32 to vector<16xi32>
    %add3A_2171 = arith.addi %get3A_2168, %add3A_2170 : vector<16xi32>
    %swap3A_2172 = arith.constant 48 : index
    %swap3A_2173 = tpu.vector_load %arg5[%swap3A_2172] {strides = array<i32>} : memref<128xi32, #tpu.memory_space<vmem>>, vector<16xi32>,
    %swap3A_2174 = vector.shape_cast %swap3A_2173 : vector<16xi32> to vector<16xi32>
    %swap3A_2175 = vector.shape_cast %add3A_2171 : vector<16xi32> to vector<16xi32>
    tpu.vector_store %arg5[%swap3A_2172], %swap3A_2175 {strides = array<i32>} : memref<128xi32, #tpu.memory_space<vmem>>, vector<16xi32>,
    %get3A_2176 = arith.constant 64 : index
    %get3A_2177 = tpu.vector_load %arg5[%get3A_2176] {strides = array<i32>} : memref<128xi32, #tpu.memory_space<vmem>>, vector<16xi32>,
    %get3A_2178 = vector.shape_cast %get3A_2177 : vector<16xi32> to vector<16xi32>
    %add3A_2179 = arith.constant 2400000 : i32
    %add3A_2180 = vector.broadcast %add3A_2179 : i32 to vector<16xi32>
    %add3A_2181 = arith.addi %get3A_2178, %add3A_2180 : vector<16xi32>
    %swap3A_2182 = arith.constant 64 : index
    %swap3A_2183 = tpu.vector_load %arg5[%swap3A_2182] {strides = array<i32>} : memref<128xi32, #tpu.memory_space<vmem>>, vector<16xi32>,
    %swap3A_2184 = vector.shape_cast %swap3A_2183 : vector<16xi32> to vector<16xi32>
    %swap3A_2185 = vector.shape_cast %add3A_2181 : vector<16xi32> to vector<16xi32>
    tpu.vector_store %arg5[%swap3A_2182], %swap3A_2185 {strides = array<i32>} : memref<128xi32, #tpu.memory_space<vmem>>, vector<16xi32>,
    %get3A_2186 = arith.constant 80 : index
    %get3A_2187 = tpu.vector_load %arg5[%get3A_2186] {strides = array<i32>} : memref<128xi32, #tpu.memory_space<vmem>>, vector<16xi32>,
    %get3A_2188 = vector.shape_cast %get3A_2187 : vector<16xi32> to vector<16xi32>
    %add3A_2189 = arith.constant 2400000 : i32
    %add3A_2190 = vector.broadcast %add3A_2189 : i32 to vector<16xi32>
    %add3A_2191 = arith.addi %get3A_2188, %add3A_2190 : vector<16xi32>
    %swap3A_2192 = arith.constant 80 : index
    %swap3A_2193 = tpu.vector_load %arg5[%swap3A_2192] {strides = array<i32>} : memref<128xi32, #tpu.memory_space<vmem>>, vector<16xi32>,
    %swap3A_2194 = vector.shape_cast %swap3A_2193 : vector<16xi32> to vector<16xi32>
    %swap3A_2195 = vector.shape_cast %add3A_2191 : vector<16xi32> to vector<16xi32>
    tpu.vector_store %arg5[%swap3A_2192], %swap3A_2195 {strides = array<i32>} : memref<128xi32, #tpu.memory_space<vmem>>, vector<16xi32>,
    %get3A_2196 = arith.constant 96 : index
    %get3A_2197 = tpu.vector_load %arg5[%get3A_2196] {strides = array<i32>} : memref<128xi32, #tpu.memory_space<vmem>>, vector<16xi32>,
    %get3A_2198 = vector.shape_cast %get3A_2197 : vector<16xi32> to vector<16xi32>
    %add3A_2199 = arith.constant 2400000 : i32
    %add3A_2200 = vector.broadcast %add3A_2199 : i32 to vector<16xi32>
    %add3A_2201 = arith.addi %get3A_2198, %add3A_2200 : vector<16xi32>
    %swap3A_2202 = arith.constant 96 : index
    %swap3A_2203 = tpu.vector_load %arg5[%swap3A_2202] {strides = array<i32>} : memref<128xi32, #tpu.memory_space<vmem>>, vector<16xi32>,
    %swap3A_2204 = vector.shape_cast %swap3A_2203 : vector<16xi32> to vector<16xi32>
    %swap3A_2205 = vector.shape_cast %add3A_2201 : vector<16xi32> to vector<16xi32>
    tpu.vector_store %arg5[%swap3A_2202], %swap3A_2205 {strides = array<i32>} : memref<128xi32, #tpu.memory_space<vmem>>, vector<16xi32>,
    %get3A_2206 = arith.constant 112 : index
    %get3A_2207 = tpu.vector_load %arg5[%get3A_2206] {strides = array<i32>} : memref<128xi32, #tpu.memory_space<vmem>>, vector<16xi32>,
    %get3A_2208 = vector.shape_cast %get3A_2207 : vector<16xi32> to vector<16xi32>
    %add3A_2209 = arith.constant 2400000 : i32
    %add3A_2210 = vector.broadcast %add3A_2209 : i32 to vector<16xi32>
    %add3A_2211 = arith.addi %get3A_2208, %add3A_2210 : vector<16xi32>
    %swap3A_2212 = arith.constant 112 : index
    %swap3A_2213 = tpu.vector_load %arg5[%swap3A_2212] {strides = array<i32>} : memref<128xi32, #tpu.memory_space<vmem>>, vector<16xi32>,
    %swap3A_2214 = vector.shape_cast %swap3A_2213 : vector<16xi32> to vector<16xi32>
    %swap3A_2215 = vector.shape_cast %add3A_2211 : vector<16xi32> to vector<16xi32>
    tpu.vector_store %arg5[%swap3A_2212], %swap3A_2215 {strides = array<i32>} : memref<128xi32, #tpu.memory_space<vmem>>, vector<16xi32>,
    %dma_start3A_2216 = arith.constant 0 : i32
    %dma_start3A_2217 = arith.constant 0 : i32
    %dma_start3A_2218 = tpu.memref_slice %arg3[%dma_start3A_2216, %dma_start3A_2217] : memref<2600000x32xf32, #tpu.memory_space<hbm>> -> memref<2600000x32xf32, #tpu.memory_space<hbm>>
    tpu.enqueue_indirect_dma source(%dma_start3A_2218 : memref<2600000x32xf32, #tpu.memory_space<hbm>>) target(%arg6 : memref<128x32xf32, #tpu.memory_space<vmem>>) offsets(%arg5 : memref<128xi32, #tpu.memory_space<vmem>>) semaphore(%arg7 : memref<!tpu.dma_semaphore, #tpu.memory_space<semaphore_mem>>)
    %dma_wait3A_2219 = arith.constant 0 : i32
    %dma_wait3A_2220 = arith.constant 0 : i32
    %dma_wait3A_2221 = tpu.memref_slice %arg3[%dma_wait3A_2219, %dma_wait3A_2220] : memref<2600000x32xf32, #tpu.memory_space<hbm>> -> memref<2600000x32xf32, #tpu.memory_space<hbm>>
    tpu.wait_indirect_dma semaphore(%arg7 : memref<!tpu.dma_semaphore, #tpu.memory_space<semaphore_mem>>) src(%dma_wait3A_2221 : memref<2600000x32xf32, #tpu.memory_space<hbm>>) dst(%arg6 : memref<128x32xf32, #tpu.memory_space<vmem>>)
    %run_scoped3A_2222 = arith.constant 24 : i32
    "tpu.region"() ({
      %run_scoped3A_2312 = tpu.sem_alloc : memref<!tpu.dma_semaphore, #tpu.memory_space<semaphore_mem>>
      %dma_start3A_2313 = arith.constant 0 : i32
      %dma_start3A_2314 = tpu.memref_slice %arg4[%run_scoped3A_2222, %mul3A_2, %dma_start3A_2313] : memref<26x4096x32xf32, #tpu.memory_space<hbm>> -> memref<1x128x32xf32, #tpu.memory_space<hbm>>
      %dma_start3A_2315 = tpu.memref_squeeze %dma_start3A_2314 : memref<1x128x32xf32, #tpu.memory_space<hbm>> -> memref<128x32xf32, #tpu.memory_space<hbm>>
      %dma_start3A_2316 = arith.constant 0 : i32
      %dma_start3A_2317 = tpu.memref_slice %arg4[%run_scoped3A_2222, %mul3A_2, %dma_start3A_2316] : memref<26x4096x32xf32, #tpu.memory_space<hbm>> -> memref<1x128x32xf32, #tpu.memory_space<hbm>>
      %dma_start3A_2318 = tpu.memref_squeeze %dma_start3A_2317 : memref<1x128x32xf32, #tpu.memory_space<hbm>> -> memref<128x32xf32, #tpu.memory_space<hbm>>
      tpu.enqueue_dma source(%arg6 : memref<128x32xf32, #tpu.memory_space<vmem>>) target(%dma_start3A_2318 : memref<128x32xf32, #tpu.memory_space<hbm>>) target_semaphore(%run_scoped3A_2312 : memref<!tpu.dma_semaphore, #tpu.memory_space<semaphore_mem>>)
      %dma_wait3A_2319 = arith.constant 0 : i32
      %dma_wait3A_2320 = tpu.memref_slice %arg4[%run_scoped3A_2222, %mul3A_2, %dma_wait3A_2319] : memref<26x4096x32xf32, #tpu.memory_space<hbm>> -> memref<1x128x32xf32, #tpu.memory_space<hbm>>
      %dma_wait3A_2321 = tpu.memref_squeeze %dma_wait3A_2320 : memref<1x128x32xf32, #tpu.memory_space<hbm>> -> memref<128x32xf32, #tpu.memory_space<hbm>>
      %dma_wait3A_2322 = arith.constant 0 : i32
      %dma_wait3A_2323 = tpu.memref_slice %arg4[%run_scoped3A_2222, %mul3A_2, %dma_wait3A_2322] : memref<26x4096x32xf32, #tpu.memory_space<hbm>> -> memref<1x128x32xf32, #tpu.memory_space<hbm>>
      %dma_wait3A_2324 = tpu.memref_squeeze %dma_wait3A_2323 : memref<1x128x32xf32, #tpu.memory_space<hbm>> -> memref<128x32xf32, #tpu.memory_space<hbm>>
      tpu.wait_dma2 semaphore(%run_scoped3A_2312 : memref<!tpu.dma_semaphore, #tpu.memory_space<semaphore_mem>>) src(%arg6 : memref<128x32xf32, #tpu.memory_space<vmem>>) dst(%dma_wait3A_2324 : memref<128x32xf32, #tpu.memory_space<hbm>>)
      tpu.yield
    }) : () -> ()
    %add3A_2223 = arith.constant 102400 : i32
    %add3A_2224 = arith.addi %add3A_2223, %mul3A_2 : i32
    "tpu.region"() ({
      %run_scoped3A_2312 = tpu.sem_alloc : memref<!tpu.dma_semaphore, #tpu.memory_space<semaphore_mem>>
      %dma_start3A_2313 = tpu.memref_slice %arg2[%add3A_2224] : memref<106496xi32, #tpu.memory_space<hbm>> -> memref<128xi32, #tpu.memory_space<hbm>>
      %dma_start3A_2314 = tpu.memref_slice %arg2[%add3A_2224] : memref<106496xi32, #tpu.memory_space<hbm>> -> memref<128xi32, #tpu.memory_space<hbm>>
      tpu.enqueue_dma source(%dma_start3A_2314 : memref<128xi32, #tpu.memory_space<hbm>>) target(%arg5 : memref<128xi32, #tpu.memory_space<vmem>>) target_semaphore(%run_scoped3A_2312 : memref<!tpu.dma_semaphore, #tpu.memory_space<semaphore_mem>>)
      %dma_wait3A_2315 = tpu.memref_slice %arg2[%add3A_2224] : memref<106496xi32, #tpu.memory_space<hbm>> -> memref<128xi32, #tpu.memory_space<hbm>>
      %dma_wait3A_2316 = tpu.memref_slice %arg2[%add3A_2224] : memref<106496xi32, #tpu.memory_space<hbm>> -> memref<128xi32, #tpu.memory_space<hbm>>
      tpu.wait_dma2 semaphore(%run_scoped3A_2312 : memref<!tpu.dma_semaphore, #tpu.memory_space<semaphore_mem>>) src(%dma_wait3A_2316 : memref<128xi32, #tpu.memory_space<hbm>>) dst(%arg5 : memref<128xi32, #tpu.memory_space<vmem>>)
      tpu.yield
    }) : () -> ()
    %get3A_2225 = arith.constant 0 : index
    %get3A_2226 = tpu.vector_load %arg5[%get3A_2225] {strides = array<i32>} : memref<128xi32, #tpu.memory_space<vmem>>, vector<16xi32>,
    %get3A_2227 = vector.shape_cast %get3A_2226 : vector<16xi32> to vector<16xi32>
    %add3A_2228 = arith.constant 2500000 : i32
    %add3A_2229 = vector.broadcast %add3A_2228 : i32 to vector<16xi32>
    %add3A_2230 = arith.addi %get3A_2227, %add3A_2229 : vector<16xi32>
    %swap3A_2231 = arith.constant 0 : index
    %swap3A_2232 = tpu.vector_load %arg5[%swap3A_2231] {strides = array<i32>} : memref<128xi32, #tpu.memory_space<vmem>>, vector<16xi32>,
    %swap3A_2233 = vector.shape_cast %swap3A_2232 : vector<16xi32> to vector<16xi32>
    %swap3A_2234 = vector.shape_cast %add3A_2230 : vector<16xi32> to vector<16xi32>
    tpu.vector_store %arg5[%swap3A_2231], %swap3A_2234 {strides = array<i32>} : memref<128xi32, #tpu.memory_space<vmem>>, vector<16xi32>,
    %get3A_2235 = arith.constant 16 : index
    %get3A_2236 = tpu.vector_load %arg5[%get3A_2235] {strides = array<i32>} : memref<128xi32, #tpu.memory_space<vmem>>, vector<16xi32>,
    %get3A_2237 = vector.shape_cast %get3A_2236 : vector<16xi32> to vector<16xi32>
    %add3A_2238 = arith.constant 2500000 : i32
    %add3A_2239 = vector.broadcast %add3A_2238 : i32 to vector<16xi32>
    %add3A_2240 = arith.addi %get3A_2237, %add3A_2239 : vector<16xi32>
    %swap3A_2241 = arith.constant 16 : index
    %swap3A_2242 = tpu.vector_load %arg5[%swap3A_2241] {strides = array<i32>} : memref<128xi32, #tpu.memory_space<vmem>>, vector<16xi32>,
    %swap3A_2243 = vector.shape_cast %swap3A_2242 : vector<16xi32> to vector<16xi32>
    %swap3A_2244 = vector.shape_cast %add3A_2240 : vector<16xi32> to vector<16xi32>
    tpu.vector_store %arg5[%swap3A_2241], %swap3A_2244 {strides = array<i32>} : memref<128xi32, #tpu.memory_space<vmem>>, vector<16xi32>,
    %get3A_2245 = arith.constant 32 : index
    %get3A_2246 = tpu.vector_load %arg5[%get3A_2245] {strides = array<i32>} : memref<128xi32, #tpu.memory_space<vmem>>, vector<16xi32>,
    %get3A_2247 = vector.shape_cast %get3A_2246 : vector<16xi32> to vector<16xi32>
    %add3A_2248 = arith.constant 2500000 : i32
    %add3A_2249 = vector.broadcast %add3A_2248 : i32 to vector<16xi32>
    %add3A_2250 = arith.addi %get3A_2247, %add3A_2249 : vector<16xi32>
    %swap3A_2251 = arith.constant 32 : index
    %swap3A_2252 = tpu.vector_load %arg5[%swap3A_2251] {strides = array<i32>} : memref<128xi32, #tpu.memory_space<vmem>>, vector<16xi32>,
    %swap3A_2253 = vector.shape_cast %swap3A_2252 : vector<16xi32> to vector<16xi32>
    %swap3A_2254 = vector.shape_cast %add3A_2250 : vector<16xi32> to vector<16xi32>
    tpu.vector_store %arg5[%swap3A_2251], %swap3A_2254 {strides = array<i32>} : memref<128xi32, #tpu.memory_space<vmem>>, vector<16xi32>,
    %get3A_2255 = arith.constant 48 : index
    %get3A_2256 = tpu.vector_load %arg5[%get3A_2255] {strides = array<i32>} : memref<128xi32, #tpu.memory_space<vmem>>, vector<16xi32>,
    %get3A_2257 = vector.shape_cast %get3A_2256 : vector<16xi32> to vector<16xi32>
    %add3A_2258 = arith.constant 2500000 : i32
    %add3A_2259 = vector.broadcast %add3A_2258 : i32 to vector<16xi32>
    %add3A_2260 = arith.addi %get3A_2257, %add3A_2259 : vector<16xi32>
    %swap3A_2261 = arith.constant 48 : index
    %swap3A_2262 = tpu.vector_load %arg5[%swap3A_2261] {strides = array<i32>} : memref<128xi32, #tpu.memory_space<vmem>>, vector<16xi32>,
    %swap3A_2263 = vector.shape_cast %swap3A_2262 : vector<16xi32> to vector<16xi32>
    %swap3A_2264 = vector.shape_cast %add3A_2260 : vector<16xi32> to vector<16xi32>
    tpu.vector_store %arg5[%swap3A_2261], %swap3A_2264 {strides = array<i32>} : memref<128xi32, #tpu.memory_space<vmem>>, vector<16xi32>,
    %get3A_2265 = arith.constant 64 : index
    %get3A_2266 = tpu.vector_load %arg5[%get3A_2265] {strides = array<i32>} : memref<128xi32, #tpu.memory_space<vmem>>, vector<16xi32>,
    %get3A_2267 = vector.shape_cast %get3A_2266 : vector<16xi32> to vector<16xi32>
    %add3A_2268 = arith.constant 2500000 : i32
    %add3A_2269 = vector.broadcast %add3A_2268 : i32 to vector<16xi32>
    %add3A_2270 = arith.addi %get3A_2267, %add3A_2269 : vector<16xi32>
    %swap3A_2271 = arith.constant 64 : index
    %swap3A_2272 = tpu.vector_load %arg5[%swap3A_2271] {strides = array<i32>} : memref<128xi32, #tpu.memory_space<vmem>>, vector<16xi32>,
    %swap3A_2273 = vector.shape_cast %swap3A_2272 : vector<16xi32> to vector<16xi32>
    %swap3A_2274 = vector.shape_cast %add3A_2270 : vector<16xi32> to vector<16xi32>
    tpu.vector_store %arg5[%swap3A_2271], %swap3A_2274 {strides = array<i32>} : memref<128xi32, #tpu.memory_space<vmem>>, vector<16xi32>,
    %get3A_2275 = arith.constant 80 : index
    %get3A_2276 = tpu.vector_load %arg5[%get3A_2275] {strides = array<i32>} : memref<128xi32, #tpu.memory_space<vmem>>, vector<16xi32>,
    %get3A_2277 = vector.shape_cast %get3A_2276 : vector<16xi32> to vector<16xi32>
    %add3A_2278 = arith.constant 2500000 : i32
    %add3A_2279 = vector.broadcast %add3A_2278 : i32 to vector<16xi32>
    %add3A_2280 = arith.addi %get3A_2277, %add3A_2279 : vector<16xi32>
    %swap3A_2281 = arith.constant 80 : index
    %swap3A_2282 = tpu.vector_load %arg5[%swap3A_2281] {strides = array<i32>} : memref<128xi32, #tpu.memory_space<vmem>>, vector<16xi32>,
    %swap3A_2283 = vector.shape_cast %swap3A_2282 : vector<16xi32> to vector<16xi32>
    %swap3A_2284 = vector.shape_cast %add3A_2280 : vector<16xi32> to vector<16xi32>
    tpu.vector_store %arg5[%swap3A_2281], %swap3A_2284 {strides = array<i32>} : memref<128xi32, #tpu.memory_space<vmem>>, vector<16xi32>,
    %get3A_2285 = arith.constant 96 : index
    %get3A_2286 = tpu.vector_load %arg5[%get3A_2285] {strides = array<i32>} : memref<128xi32, #tpu.memory_space<vmem>>, vector<16xi32>,
    %get3A_2287 = vector.shape_cast %get3A_2286 : vector<16xi32> to vector<16xi32>
    %add3A_2288 = arith.constant 2500000 : i32
    %add3A_2289 = vector.broadcast %add3A_2288 : i32 to vector<16xi32>
    %add3A_2290 = arith.addi %get3A_2287, %add3A_2289 : vector<16xi32>
    %swap3A_2291 = arith.constant 96 : index
    %swap3A_2292 = tpu.vector_load %arg5[%swap3A_2291] {strides = array<i32>} : memref<128xi32, #tpu.memory_space<vmem>>, vector<16xi32>,
    %swap3A_2293 = vector.shape_cast %swap3A_2292 : vector<16xi32> to vector<16xi32>
    %swap3A_2294 = vector.shape_cast %add3A_2290 : vector<16xi32> to vector<16xi32>
    tpu.vector_store %arg5[%swap3A_2291], %swap3A_2294 {strides = array<i32>} : memref<128xi32, #tpu.memory_space<vmem>>, vector<16xi32>,
    %get3A_2295 = arith.constant 112 : index
    %get3A_2296 = tpu.vector_load %arg5[%get3A_2295] {strides = array<i32>} : memref<128xi32, #tpu.memory_space<vmem>>, vector<16xi32>,
    %get3A_2297 = vector.shape_cast %get3A_2296 : vector<16xi32> to vector<16xi32>
    %add3A_2298 = arith.constant 2500000 : i32
    %add3A_2299 = vector.broadcast %add3A_2298 : i32 to vector<16xi32>
    %add3A_2300 = arith.addi %get3A_2297, %add3A_2299 : vector<16xi32>
    %swap3A_2301 = arith.constant 112 : index
    %swap3A_2302 = tpu.vector_load %arg5[%swap3A_2301] {strides = array<i32>} : memref<128xi32, #tpu.memory_space<vmem>>, vector<16xi32>,
    %swap3A_2303 = vector.shape_cast %swap3A_2302 : vector<16xi32> to vector<16xi32>
    %swap3A_2304 = vector.shape_cast %add3A_2300 : vector<16xi32> to vector<16xi32>
    tpu.vector_store %arg5[%swap3A_2301], %swap3A_2304 {strides = array<i32>} : memref<128xi32, #tpu.memory_space<vmem>>, vector<16xi32>,
    %dma_start3A_2305 = arith.constant 0 : i32
    %dma_start3A_2306 = arith.constant 0 : i32
    %dma_start3A_2307 = tpu.memref_slice %arg3[%dma_start3A_2305, %dma_start3A_2306] : memref<2600000x32xf32, #tpu.memory_space<hbm>> -> memref<2600000x32xf32, #tpu.memory_space<hbm>>
    tpu.enqueue_indirect_dma source(%dma_start3A_2307 : memref<2600000x32xf32, #tpu.memory_space<hbm>>) target(%arg6 : memref<128x32xf32, #tpu.memory_space<vmem>>) offsets(%arg5 : memref<128xi32, #tpu.memory_space<vmem>>) semaphore(%arg7 : memref<!tpu.dma_semaphore, #tpu.memory_space<semaphore_mem>>)
    %dma_wait3A_2308 = arith.constant 0 : i32
    %dma_wait3A_2309 = arith.constant 0 : i32
    %dma_wait3A_2310 = tpu.memref_slice %arg3[%dma_wait3A_2308, %dma_wait3A_2309] : memref<2600000x32xf32, #tpu.memory_space<hbm>> -> memref<2600000x32xf32, #tpu.memory_space<hbm>>
    tpu.wait_indirect_dma semaphore(%arg7 : memref<!tpu.dma_semaphore, #tpu.memory_space<semaphore_mem>>) src(%dma_wait3A_2310 : memref<2600000x32xf32, #tpu.memory_space<hbm>>) dst(%arg6 : memref<128x32xf32, #tpu.memory_space<vmem>>)
    %run_scoped3A_2311 = arith.constant 25 : i32
    "tpu.region"() ({
      %run_scoped3A_2312 = tpu.sem_alloc : memref<!tpu.dma_semaphore, #tpu.memory_space<semaphore_mem>>
      %dma_start3A_2313 = arith.constant 0 : i32
      %dma_start3A_2314 = tpu.memref_slice %arg4[%run_scoped3A_2311, %mul3A_2, %dma_start3A_2313] : memref<26x4096x32xf32, #tpu.memory_space<hbm>> -> memref<1x128x32xf32, #tpu.memory_space<hbm>>
      %dma_start3A_2315 = tpu.memref_squeeze %dma_start3A_2314 : memref<1x128x32xf32, #tpu.memory_space<hbm>> -> memref<128x32xf32, #tpu.memory_space<hbm>>
      %dma_start3A_2316 = arith.constant 0 : i32
      %dma_start3A_2317 = tpu.memref_slice %arg4[%run_scoped3A_2311, %mul3A_2, %dma_start3A_2316] : memref<26x4096x32xf32, #tpu.memory_space<hbm>> -> memref<1x128x32xf32, #tpu.memory_space<hbm>>
      %dma_start3A_2318 = tpu.memref_squeeze %dma_start3A_2317 : memref<1x128x32xf32, #tpu.memory_space<hbm>> -> memref<128x32xf32, #tpu.memory_space<hbm>>
      tpu.enqueue_dma source(%arg6 : memref<128x32xf32, #tpu.memory_space<vmem>>) target(%dma_start3A_2318 : memref<128x32xf32, #tpu.memory_space<hbm>>) target_semaphore(%run_scoped3A_2312 : memref<!tpu.dma_semaphore, #tpu.memory_space<semaphore_mem>>)
      %dma_wait3A_2319 = arith.constant 0 : i32
      %dma_wait3A_2320 = tpu.memref_slice %arg4[%run_scoped3A_2311, %mul3A_2, %dma_wait3A_2319] : memref<26x4096x32xf32, #tpu.memory_space<hbm>> -> memref<1x128x32xf32, #tpu.memory_space<hbm>>
      %dma_wait3A_2321 = tpu.memref_squeeze %dma_wait3A_2320 : memref<1x128x32xf32, #tpu.memory_space<hbm>> -> memref<128x32xf32, #tpu.memory_space<hbm>>
      %dma_wait3A_2322 = arith.constant 0 : i32
      %dma_wait3A_2323 = tpu.memref_slice %arg4[%run_scoped3A_2311, %mul3A_2, %dma_wait3A_2322] : memref<26x4096x32xf32, #tpu.memory_space<hbm>> -> memref<1x128x32xf32, #tpu.memory_space<hbm>>
      %dma_wait3A_2324 = tpu.memref_squeeze %dma_wait3A_2323 : memref<1x128x32xf32, #tpu.memory_space<hbm>> -> memref<128x32xf32, #tpu.memory_space<hbm>>
      tpu.wait_dma2 semaphore(%run_scoped3A_2312 : memref<!tpu.dma_semaphore, #tpu.memory_space<semaphore_mem>>) src(%arg6 : memref<128x32xf32, #tpu.memory_space<vmem>>) dst(%dma_wait3A_2324 : memref<128x32xf32, #tpu.memory_space<hbm>>)
      tpu.yield
    }) : () -> ()
    return
  }
}

module attributes {stable_mosaic.version = 14 : i64} {
  func.func @_head_proj_body(%arg0: i32, %arg1: memref<26x512x32xf32, #tpu.memory_space<vmem>>, %arg2: memref<4x32x208xf32, #tpu.memory_space<vmem>>, %arg3: memref<512x128xf32, #tpu.memory_space<vmem>>) attributes {dimension_semantics = [#tpu.dimension_semantics<arbitrary>], iteration_bounds = array<i64: 8>, scalar_prefetch = 0 : i64, scratch_operands = 0 : i64, tpu.core_type = #tpu.core_type<tc>, window_params = [{transform_indices = @transform_0, window_bounds = array<i64: 26, 512, 32>}, {pipeline_mode = #tpu.pipeline_mode<synchronous>, transform_indices = @transform_1, window_bounds = array<i64: 4, 32, 208>}, {transform_indices = @transform_2, window_bounds = array<i64: 512, 128>}]} {
    %broadcast_in_dim3A = arith.constant 0.000000e+00 : f32
    %broadcast_in_dim3A_0 = vector.broadcast %broadcast_in_dim3A : f32 to vector<512x32xf32>
    %broadcast_in_dim3A_1 = arith.constant 0.000000e+00 : f32
    %broadcast_in_dim3A_2 = vector.broadcast %broadcast_in_dim3A_1 : f32 to vector<512x32xf32>
    %broadcast_in_dim3A_3 = arith.constant 0.000000e+00 : f32
    %broadcast_in_dim3A_4 = vector.broadcast %broadcast_in_dim3A_3 : f32 to vector<512x32xf32>
    %broadcast_in_dim3A_5 = arith.constant 0.000000e+00 : f32
    %broadcast_in_dim3A_6 = vector.broadcast %broadcast_in_dim3A_5 : f32 to vector<512x32xf32>
    %get3A = arith.constant 0 : index
    %get3A_7 = arith.constant 0 : index
    %get3A_8 = arith.constant 0 : index
    %get3A_9 = vector.load %arg1[%get3A, %get3A_7, %get3A_8] : memref<26x512x32xf32, #tpu.memory_space<vmem>>, vector<1x512x32xf32>
    %get3A_10 = vector.shape_cast %get3A_9 : vector<1x512x32xf32> to vector<512x32xf32>
    %get3A_11 = arith.constant 0 : index
    %get3A_12 = arith.constant 0 : index
    %get3A_13 = arith.constant 0 : index
    %get3A_14 = vector.load %arg2[%get3A_11, %get3A_12, %get3A_13] : memref<4x32x208xf32, #tpu.memory_space<vmem>>, vector<1x32x32xf32>
    %get3A_15 = vector.shape_cast %get3A_14 : vector<1x32x32xf32> to vector<32x32xf32>
    %dot_general3A = arith.constant dense<0.000000e+00> : vector<512x32xf32>
    %dot_general3A_16 = tpu.matmul %get3A_10, %get3A_15, %dot_general3A {dimension_numbers = #tpu.dot_dimension_numbers<[1], [1], [0], [0], [0, 0, 1, 0], [], []>, transpose_lhs_hint = false} : vector<512x32xf32>, vector<32x32xf32>, vector<512x32xf32> -> vector<512x32xf32>
    %add3A = arith.addf %broadcast_in_dim3A_0, %dot_general3A_16 : vector<512x32xf32>
    %get3A_17 = arith.constant 1 : index
    %get3A_18 = arith.constant 0 : index
    %get3A_19 = arith.constant 0 : index
    %get3A_20 = vector.load %arg1[%get3A_17, %get3A_18, %get3A_19] : memref<26x512x32xf32, #tpu.memory_space<vmem>>, vector<1x512x32xf32>
    %get3A_21 = vector.shape_cast %get3A_20 : vector<1x512x32xf32> to vector<512x32xf32>
    %get3A_22 = arith.constant 0 : index
    %get3A_23 = arith.constant 0 : index
    %get3A_24 = arith.constant 32 : index
    %get3A_25 = vector.load %arg2[%get3A_22, %get3A_23, %get3A_24] : memref<4x32x208xf32, #tpu.memory_space<vmem>>, vector<1x32x32xf32>
    %get3A_26 = vector.shape_cast %get3A_25 : vector<1x32x32xf32> to vector<32x32xf32>
    %dot_general3A_27 = arith.constant dense<0.000000e+00> : vector<512x32xf32>
    %dot_general3A_28 = tpu.matmul %get3A_21, %get3A_26, %dot_general3A_27 {dimension_numbers = #tpu.dot_dimension_numbers<[1], [1], [0], [0], [0, 0, 1, 0], [], []>, transpose_lhs_hint = false} : vector<512x32xf32>, vector<32x32xf32>, vector<512x32xf32> -> vector<512x32xf32>
    %add3A_29 = arith.addf %add3A, %dot_general3A_28 : vector<512x32xf32>
    %get3A_30 = arith.constant 2 : index
    %get3A_31 = arith.constant 0 : index
    %get3A_32 = arith.constant 0 : index
    %get3A_33 = vector.load %arg1[%get3A_30, %get3A_31, %get3A_32] : memref<26x512x32xf32, #tpu.memory_space<vmem>>, vector<1x512x32xf32>
    %get3A_34 = vector.shape_cast %get3A_33 : vector<1x512x32xf32> to vector<512x32xf32>
    %get3A_35 = arith.constant 0 : index
    %get3A_36 = arith.constant 0 : index
    %get3A_37 = arith.constant 64 : index
    %get3A_38 = vector.load %arg2[%get3A_35, %get3A_36, %get3A_37] : memref<4x32x208xf32, #tpu.memory_space<vmem>>, vector<1x32x32xf32>
    %get3A_39 = vector.shape_cast %get3A_38 : vector<1x32x32xf32> to vector<32x32xf32>
    %dot_general3A_40 = arith.constant dense<0.000000e+00> : vector<512x32xf32>
    %dot_general3A_41 = tpu.matmul %get3A_34, %get3A_39, %dot_general3A_40 {dimension_numbers = #tpu.dot_dimension_numbers<[1], [1], [0], [0], [0, 0, 1, 0], [], []>, transpose_lhs_hint = false} : vector<512x32xf32>, vector<32x32xf32>, vector<512x32xf32> -> vector<512x32xf32>
    %add3A_42 = arith.addf %add3A_29, %dot_general3A_41 : vector<512x32xf32>
    %get3A_43 = arith.constant 3 : index
    %get3A_44 = arith.constant 0 : index
    %get3A_45 = arith.constant 0 : index
    %get3A_46 = vector.load %arg1[%get3A_43, %get3A_44, %get3A_45] : memref<26x512x32xf32, #tpu.memory_space<vmem>>, vector<1x512x32xf32>
    %get3A_47 = vector.shape_cast %get3A_46 : vector<1x512x32xf32> to vector<512x32xf32>
    %get3A_48 = arith.constant 0 : index
    %get3A_49 = arith.constant 0 : index
    %get3A_50 = arith.constant 96 : index
    %get3A_51 = vector.load %arg2[%get3A_48, %get3A_49, %get3A_50] : memref<4x32x208xf32, #tpu.memory_space<vmem>>, vector<1x32x32xf32>
    %get3A_52 = vector.shape_cast %get3A_51 : vector<1x32x32xf32> to vector<32x32xf32>
    %dot_general3A_53 = arith.constant dense<0.000000e+00> : vector<512x32xf32>
    %dot_general3A_54 = tpu.matmul %get3A_47, %get3A_52, %dot_general3A_53 {dimension_numbers = #tpu.dot_dimension_numbers<[1], [1], [0], [0], [0, 0, 1, 0], [], []>, transpose_lhs_hint = false} : vector<512x32xf32>, vector<32x32xf32>, vector<512x32xf32> -> vector<512x32xf32>
    %add3A_55 = arith.addf %add3A_42, %dot_general3A_54 : vector<512x32xf32>
    %get3A_56 = arith.constant 4 : index
    %get3A_57 = arith.constant 0 : index
    %get3A_58 = arith.constant 0 : index
    %get3A_59 = vector.load %arg1[%get3A_56, %get3A_57, %get3A_58] : memref<26x512x32xf32, #tpu.memory_space<vmem>>, vector<1x512x32xf32>
    %get3A_60 = vector.shape_cast %get3A_59 : vector<1x512x32xf32> to vector<512x32xf32>
    %get3A_61 = arith.constant 0 : index
    %get3A_62 = arith.constant 0 : index
    %get3A_63 = arith.constant 128 : index
    %get3A_64 = vector.load %arg2[%get3A_61, %get3A_62, %get3A_63] : memref<4x32x208xf32, #tpu.memory_space<vmem>>, vector<1x32x32xf32>
    %get3A_65 = vector.shape_cast %get3A_64 : vector<1x32x32xf32> to vector<32x32xf32>
    %dot_general3A_66 = arith.constant dense<0.000000e+00> : vector<512x32xf32>
    %dot_general3A_67 = tpu.matmul %get3A_60, %get3A_65, %dot_general3A_66 {dimension_numbers = #tpu.dot_dimension_numbers<[1], [1], [0], [0], [0, 0, 1, 0], [], []>, transpose_lhs_hint = false} : vector<512x32xf32>, vector<32x32xf32>, vector<512x32xf32> -> vector<512x32xf32>
    %add3A_68 = arith.addf %add3A_55, %dot_general3A_67 : vector<512x32xf32>
    %get3A_69 = arith.constant 5 : index
    %get3A_70 = arith.constant 0 : index
    %get3A_71 = arith.constant 0 : index
    %get3A_72 = vector.load %arg1[%get3A_69, %get3A_70, %get3A_71] : memref<26x512x32xf32, #tpu.memory_space<vmem>>, vector<1x512x32xf32>
    %get3A_73 = vector.shape_cast %get3A_72 : vector<1x512x32xf32> to vector<512x32xf32>
    %get3A_74 = arith.constant 0 : index
    %get3A_75 = arith.constant 0 : index
    %get3A_76 = arith.constant 160 : index
    %get3A_77 = vector.load %arg2[%get3A_74, %get3A_75, %get3A_76] : memref<4x32x208xf32, #tpu.memory_space<vmem>>, vector<1x32x32xf32>
    %get3A_78 = vector.shape_cast %get3A_77 : vector<1x32x32xf32> to vector<32x32xf32>
    %dot_general3A_79 = arith.constant dense<0.000000e+00> : vector<512x32xf32>
    %dot_general3A_80 = tpu.matmul %get3A_73, %get3A_78, %dot_general3A_79 {dimension_numbers = #tpu.dot_dimension_numbers<[1], [1], [0], [0], [0, 0, 1, 0], [], []>, transpose_lhs_hint = false} : vector<512x32xf32>, vector<32x32xf32>, vector<512x32xf32> -> vector<512x32xf32>
    %add3A_81 = arith.addf %add3A_68, %dot_general3A_80 : vector<512x32xf32>
    %get3A_82 = arith.constant 6 : index
    %get3A_83 = arith.constant 0 : index
    %get3A_84 = arith.constant 0 : index
    %get3A_85 = vector.load %arg1[%get3A_82, %get3A_83, %get3A_84] : memref<26x512x32xf32, #tpu.memory_space<vmem>>, vector<1x512x32xf32>
    %get3A_86 = vector.shape_cast %get3A_85 : vector<1x512x32xf32> to vector<512x32xf32>
    %get3A_87 = arith.constant 0 : index
    %get3A_88 = arith.constant 0 : index
    %get3A_89 = arith.constant 192 : index
    %get3A_90 = vector.load %arg2[%get3A_87, %get3A_88, %get3A_89] : memref<4x32x208xf32, #tpu.memory_space<vmem>>, vector<1x32x16xf32>
    %get3A_91 = vector.shape_cast %get3A_90 : vector<1x32x16xf32> to vector<32x16xf32>
    %slice3A = vector.extract_strided_slice %get3A_86 {offsets = [0, 0], sizes = [512, 16], strides = [1, 1]} : vector<512x32xf32> to vector<512x16xf32>
    %dot_general3A_92 = arith.constant dense<0.000000e+00> : vector<512x32xf32>
    %dot_general3A_93 = tpu.matmul %slice3A, %get3A_91, %dot_general3A_92 {dimension_numbers = #tpu.dot_dimension_numbers<[1], [1], [0], [0], [0, 0, 1, 0], [], []>, transpose_lhs_hint = false} : vector<512x16xf32>, vector<32x16xf32>, vector<512x32xf32> -> vector<512x32xf32>
    %add3A_94 = arith.addf %add3A_81, %dot_general3A_93 : vector<512x32xf32>
    %get3A_95 = arith.constant 1 : index
    %get3A_96 = arith.constant 0 : index
    %get3A_97 = arith.constant 0 : index
    %get3A_98 = vector.load %arg2[%get3A_95, %get3A_96, %get3A_97] : memref<4x32x208xf32, #tpu.memory_space<vmem>>, vector<1x32x16xf32>
    %get3A_99 = vector.shape_cast %get3A_98 : vector<1x32x16xf32> to vector<32x16xf32>
    %slice3A_100 = vector.extract_strided_slice %get3A_86 {offsets = [0, 16], sizes = [512, 16], strides = [1, 1]} : vector<512x32xf32> to vector<512x16xf32>
    %dot_general3A_101 = arith.constant dense<0.000000e+00> : vector<512x32xf32>
    %dot_general3A_102 = tpu.matmul %slice3A_100, %get3A_99, %dot_general3A_101 {dimension_numbers = #tpu.dot_dimension_numbers<[1], [1], [0], [0], [0, 0, 1, 0], [], []>, transpose_lhs_hint = false} : vector<512x16xf32>, vector<32x16xf32>, vector<512x32xf32> -> vector<512x32xf32>
    %add3A_103 = arith.addf %broadcast_in_dim3A_2, %dot_general3A_102 : vector<512x32xf32>
    %get3A_104 = arith.constant 7 : index
    %get3A_105 = arith.constant 0 : index
    %get3A_106 = arith.constant 0 : index
    %get3A_107 = vector.load %arg1[%get3A_104, %get3A_105, %get3A_106] : memref<26x512x32xf32, #tpu.memory_space<vmem>>, vector<1x512x32xf32>
    %get3A_108 = vector.shape_cast %get3A_107 : vector<1x512x32xf32> to vector<512x32xf32>
    %get3A_109 = arith.constant 1 : index
    %get3A_110 = arith.constant 0 : index
    %get3A_111 = arith.constant 16 : index
    %get3A_112 = vector.load %arg2[%get3A_109, %get3A_110, %get3A_111] : memref<4x32x208xf32, #tpu.memory_space<vmem>>, vector<1x32x32xf32>
    %get3A_113 = vector.shape_cast %get3A_112 : vector<1x32x32xf32> to vector<32x32xf32>
    %dot_general3A_114 = arith.constant dense<0.000000e+00> : vector<512x32xf32>
    %dot_general3A_115 = tpu.matmul %get3A_108, %get3A_113, %dot_general3A_114 {dimension_numbers = #tpu.dot_dimension_numbers<[1], [1], [0], [0], [0, 0, 1, 0], [], []>, transpose_lhs_hint = false} : vector<512x32xf32>, vector<32x32xf32>, vector<512x32xf32> -> vector<512x32xf32>
    %add3A_116 = arith.addf %add3A_103, %dot_general3A_115 : vector<512x32xf32>
    %get3A_117 = arith.constant 8 : index
    %get3A_118 = arith.constant 0 : index
    %get3A_119 = arith.constant 0 : index
    %get3A_120 = vector.load %arg1[%get3A_117, %get3A_118, %get3A_119] : memref<26x512x32xf32, #tpu.memory_space<vmem>>, vector<1x512x32xf32>
    %get3A_121 = vector.shape_cast %get3A_120 : vector<1x512x32xf32> to vector<512x32xf32>
    %get3A_122 = arith.constant 1 : index
    %get3A_123 = arith.constant 0 : index
    %get3A_124 = arith.constant 48 : index
    %get3A_125 = vector.load %arg2[%get3A_122, %get3A_123, %get3A_124] : memref<4x32x208xf32, #tpu.memory_space<vmem>>, vector<1x32x32xf32>
    %get3A_126 = vector.shape_cast %get3A_125 : vector<1x32x32xf32> to vector<32x32xf32>
    %dot_general3A_127 = arith.constant dense<0.000000e+00> : vector<512x32xf32>
    %dot_general3A_128 = tpu.matmul %get3A_121, %get3A_126, %dot_general3A_127 {dimension_numbers = #tpu.dot_dimension_numbers<[1], [1], [0], [0], [0, 0, 1, 0], [], []>, transpose_lhs_hint = false} : vector<512x32xf32>, vector<32x32xf32>, vector<512x32xf32> -> vector<512x32xf32>
    %add3A_129 = arith.addf %add3A_116, %dot_general3A_128 : vector<512x32xf32>
    %get3A_130 = arith.constant 9 : index
    %get3A_131 = arith.constant 0 : index
    %get3A_132 = arith.constant 0 : index
    %get3A_133 = vector.load %arg1[%get3A_130, %get3A_131, %get3A_132] : memref<26x512x32xf32, #tpu.memory_space<vmem>>, vector<1x512x32xf32>
    %get3A_134 = vector.shape_cast %get3A_133 : vector<1x512x32xf32> to vector<512x32xf32>
    %get3A_135 = arith.constant 1 : index
    %get3A_136 = arith.constant 0 : index
    %get3A_137 = arith.constant 80 : index
    %get3A_138 = vector.load %arg2[%get3A_135, %get3A_136, %get3A_137] : memref<4x32x208xf32, #tpu.memory_space<vmem>>, vector<1x32x32xf32>
    %get3A_139 = vector.shape_cast %get3A_138 : vector<1x32x32xf32> to vector<32x32xf32>
    %dot_general3A_140 = arith.constant dense<0.000000e+00> : vector<512x32xf32>
    %dot_general3A_141 = tpu.matmul %get3A_134, %get3A_139, %dot_general3A_140 {dimension_numbers = #tpu.dot_dimension_numbers<[1], [1], [0], [0], [0, 0, 1, 0], [], []>, transpose_lhs_hint = false} : vector<512x32xf32>, vector<32x32xf32>, vector<512x32xf32> -> vector<512x32xf32>
    %add3A_142 = arith.addf %add3A_129, %dot_general3A_141 : vector<512x32xf32>
    %get3A_143 = arith.constant 10 : index
    %get3A_144 = arith.constant 0 : index
    %get3A_145 = arith.constant 0 : index
    %get3A_146 = vector.load %arg1[%get3A_143, %get3A_144, %get3A_145] : memref<26x512x32xf32, #tpu.memory_space<vmem>>, vector<1x512x32xf32>
    %get3A_147 = vector.shape_cast %get3A_146 : vector<1x512x32xf32> to vector<512x32xf32>
    %get3A_148 = arith.constant 1 : index
    %get3A_149 = arith.constant 0 : index
    %get3A_150 = arith.constant 112 : index
    %get3A_151 = vector.load %arg2[%get3A_148, %get3A_149, %get3A_150] : memref<4x32x208xf32, #tpu.memory_space<vmem>>, vector<1x32x32xf32>
    %get3A_152 = vector.shape_cast %get3A_151 : vector<1x32x32xf32> to vector<32x32xf32>
    %dot_general3A_153 = arith.constant dense<0.000000e+00> : vector<512x32xf32>
    %dot_general3A_154 = tpu.matmul %get3A_147, %get3A_152, %dot_general3A_153 {dimension_numbers = #tpu.dot_dimension_numbers<[1], [1], [0], [0], [0, 0, 1, 0], [], []>, transpose_lhs_hint = false} : vector<512x32xf32>, vector<32x32xf32>, vector<512x32xf32> -> vector<512x32xf32>
    %add3A_155 = arith.addf %add3A_142, %dot_general3A_154 : vector<512x32xf32>
    %get3A_156 = arith.constant 11 : index
    %get3A_157 = arith.constant 0 : index
    %get3A_158 = arith.constant 0 : index
    %get3A_159 = vector.load %arg1[%get3A_156, %get3A_157, %get3A_158] : memref<26x512x32xf32, #tpu.memory_space<vmem>>, vector<1x512x32xf32>
    %get3A_160 = vector.shape_cast %get3A_159 : vector<1x512x32xf32> to vector<512x32xf32>
    %get3A_161 = arith.constant 1 : index
    %get3A_162 = arith.constant 0 : index
    %get3A_163 = arith.constant 144 : index
    %get3A_164 = vector.load %arg2[%get3A_161, %get3A_162, %get3A_163] : memref<4x32x208xf32, #tpu.memory_space<vmem>>, vector<1x32x32xf32>
    %get3A_165 = vector.shape_cast %get3A_164 : vector<1x32x32xf32> to vector<32x32xf32>
    %dot_general3A_166 = arith.constant dense<0.000000e+00> : vector<512x32xf32>
    %dot_general3A_167 = tpu.matmul %get3A_160, %get3A_165, %dot_general3A_166 {dimension_numbers = #tpu.dot_dimension_numbers<[1], [1], [0], [0], [0, 0, 1, 0], [], []>, transpose_lhs_hint = false} : vector<512x32xf32>, vector<32x32xf32>, vector<512x32xf32> -> vector<512x32xf32>
    %add3A_168 = arith.addf %add3A_155, %dot_general3A_167 : vector<512x32xf32>
    %get3A_169 = arith.constant 12 : index
    %get3A_170 = arith.constant 0 : index
    %get3A_171 = arith.constant 0 : index
    %get3A_172 = vector.load %arg1[%get3A_169, %get3A_170, %get3A_171] : memref<26x512x32xf32, #tpu.memory_space<vmem>>, vector<1x512x32xf32>
    %get3A_173 = vector.shape_cast %get3A_172 : vector<1x512x32xf32> to vector<512x32xf32>
    %get3A_174 = arith.constant 1 : index
    %get3A_175 = arith.constant 0 : index
    %get3A_176 = arith.constant 176 : index
    %get3A_177 = vector.load %arg2[%get3A_174, %get3A_175, %get3A_176] : memref<4x32x208xf32, #tpu.memory_space<vmem>>, vector<1x32x32xf32>
    %get3A_178 = vector.shape_cast %get3A_177 : vector<1x32x32xf32> to vector<32x32xf32>
    %dot_general3A_179 = arith.constant dense<0.000000e+00> : vector<512x32xf32>
    %dot_general3A_180 = tpu.matmul %get3A_173, %get3A_178, %dot_general3A_179 {dimension_numbers = #tpu.dot_dimension_numbers<[1], [1], [0], [0], [0, 0, 1, 0], [], []>, transpose_lhs_hint = false} : vector<512x32xf32>, vector<32x32xf32>, vector<512x32xf32> -> vector<512x32xf32>
    %add3A_181 = arith.addf %add3A_168, %dot_general3A_180 : vector<512x32xf32>
    %get3A_182 = arith.constant 13 : index
    %get3A_183 = arith.constant 0 : index
    %get3A_184 = arith.constant 0 : index
    %get3A_185 = vector.load %arg1[%get3A_182, %get3A_183, %get3A_184] : memref<26x512x32xf32, #tpu.memory_space<vmem>>, vector<1x512x32xf32>
    %get3A_186 = vector.shape_cast %get3A_185 : vector<1x512x32xf32> to vector<512x32xf32>
    %get3A_187 = arith.constant 2 : index
    %get3A_188 = arith.constant 0 : index
    %get3A_189 = arith.constant 0 : index
    %get3A_190 = vector.load %arg2[%get3A_187, %get3A_188, %get3A_189] : memref<4x32x208xf32, #tpu.memory_space<vmem>>, vector<1x32x32xf32>
    %get3A_191 = vector.shape_cast %get3A_190 : vector<1x32x32xf32> to vector<32x32xf32>
    %dot_general3A_192 = arith.constant dense<0.000000e+00> : vector<512x32xf32>
    %dot_general3A_193 = tpu.matmul %get3A_186, %get3A_191, %dot_general3A_192 {dimension_numbers = #tpu.dot_dimension_numbers<[1], [1], [0], [0], [0, 0, 1, 0], [], []>, transpose_lhs_hint = false} : vector<512x32xf32>, vector<32x32xf32>, vector<512x32xf32> -> vector<512x32xf32>
    %add3A_194 = arith.addf %broadcast_in_dim3A_4, %dot_general3A_193 : vector<512x32xf32>
    %get3A_195 = arith.constant 14 : index
    %get3A_196 = arith.constant 0 : index
    %get3A_197 = arith.constant 0 : index
    %get3A_198 = vector.load %arg1[%get3A_195, %get3A_196, %get3A_197] : memref<26x512x32xf32, #tpu.memory_space<vmem>>, vector<1x512x32xf32>
    %get3A_199 = vector.shape_cast %get3A_198 : vector<1x512x32xf32> to vector<512x32xf32>
    %get3A_200 = arith.constant 2 : index
    %get3A_201 = arith.constant 0 : index
    %get3A_202 = arith.constant 32 : index
    %get3A_203 = vector.load %arg2[%get3A_200, %get3A_201, %get3A_202] : memref<4x32x208xf32, #tpu.memory_space<vmem>>, vector<1x32x32xf32>
    %get3A_204 = vector.shape_cast %get3A_203 : vector<1x32x32xf32> to vector<32x32xf32>
    %dot_general3A_205 = arith.constant dense<0.000000e+00> : vector<512x32xf32>
    %dot_general3A_206 = tpu.matmul %get3A_199, %get3A_204, %dot_general3A_205 {dimension_numbers = #tpu.dot_dimension_numbers<[1], [1], [0], [0], [0, 0, 1, 0], [], []>, transpose_lhs_hint = false} : vector<512x32xf32>, vector<32x32xf32>, vector<512x32xf32> -> vector<512x32xf32>
    %add3A_207 = arith.addf %add3A_194, %dot_general3A_206 : vector<512x32xf32>
    %get3A_208 = arith.constant 15 : index
    %get3A_209 = arith.constant 0 : index
    %get3A_210 = arith.constant 0 : index
    %get3A_211 = vector.load %arg1[%get3A_208, %get3A_209, %get3A_210] : memref<26x512x32xf32, #tpu.memory_space<vmem>>, vector<1x512x32xf32>
    %get3A_212 = vector.shape_cast %get3A_211 : vector<1x512x32xf32> to vector<512x32xf32>
    %get3A_213 = arith.constant 2 : index
    %get3A_214 = arith.constant 0 : index
    %get3A_215 = arith.constant 64 : index
    %get3A_216 = vector.load %arg2[%get3A_213, %get3A_214, %get3A_215] : memref<4x32x208xf32, #tpu.memory_space<vmem>>, vector<1x32x32xf32>
    %get3A_217 = vector.shape_cast %get3A_216 : vector<1x32x32xf32> to vector<32x32xf32>
    %dot_general3A_218 = arith.constant dense<0.000000e+00> : vector<512x32xf32>
    %dot_general3A_219 = tpu.matmul %get3A_212, %get3A_217, %dot_general3A_218 {dimension_numbers = #tpu.dot_dimension_numbers<[1], [1], [0], [0], [0, 0, 1, 0], [], []>, transpose_lhs_hint = false} : vector<512x32xf32>, vector<32x32xf32>, vector<512x32xf32> -> vector<512x32xf32>
    %add3A_220 = arith.addf %add3A_207, %dot_general3A_219 : vector<512x32xf32>
    %get3A_221 = arith.constant 16 : index
    %get3A_222 = arith.constant 0 : index
    %get3A_223 = arith.constant 0 : index
    %get3A_224 = vector.load %arg1[%get3A_221, %get3A_222, %get3A_223] : memref<26x512x32xf32, #tpu.memory_space<vmem>>, vector<1x512x32xf32>
    %get3A_225 = vector.shape_cast %get3A_224 : vector<1x512x32xf32> to vector<512x32xf32>
    %get3A_226 = arith.constant 2 : index
    %get3A_227 = arith.constant 0 : index
    %get3A_228 = arith.constant 96 : index
    %get3A_229 = vector.load %arg2[%get3A_226, %get3A_227, %get3A_228] : memref<4x32x208xf32, #tpu.memory_space<vmem>>, vector<1x32x32xf32>
    %get3A_230 = vector.shape_cast %get3A_229 : vector<1x32x32xf32> to vector<32x32xf32>
    %dot_general3A_231 = arith.constant dense<0.000000e+00> : vector<512x32xf32>
    %dot_general3A_232 = tpu.matmul %get3A_225, %get3A_230, %dot_general3A_231 {dimension_numbers = #tpu.dot_dimension_numbers<[1], [1], [0], [0], [0, 0, 1, 0], [], []>, transpose_lhs_hint = false} : vector<512x32xf32>, vector<32x32xf32>, vector<512x32xf32> -> vector<512x32xf32>
    %add3A_233 = arith.addf %add3A_220, %dot_general3A_232 : vector<512x32xf32>
    %get3A_234 = arith.constant 17 : index
    %get3A_235 = arith.constant 0 : index
    %get3A_236 = arith.constant 0 : index
    %get3A_237 = vector.load %arg1[%get3A_234, %get3A_235, %get3A_236] : memref<26x512x32xf32, #tpu.memory_space<vmem>>, vector<1x512x32xf32>
    %get3A_238 = vector.shape_cast %get3A_237 : vector<1x512x32xf32> to vector<512x32xf32>
    %get3A_239 = arith.constant 2 : index
    %get3A_240 = arith.constant 0 : index
    %get3A_241 = arith.constant 128 : index
    %get3A_242 = vector.load %arg2[%get3A_239, %get3A_240, %get3A_241] : memref<4x32x208xf32, #tpu.memory_space<vmem>>, vector<1x32x32xf32>
    %get3A_243 = vector.shape_cast %get3A_242 : vector<1x32x32xf32> to vector<32x32xf32>
    %dot_general3A_244 = arith.constant dense<0.000000e+00> : vector<512x32xf32>
    %dot_general3A_245 = tpu.matmul %get3A_238, %get3A_243, %dot_general3A_244 {dimension_numbers = #tpu.dot_dimension_numbers<[1], [1], [0], [0], [0, 0, 1, 0], [], []>, transpose_lhs_hint = false} : vector<512x32xf32>, vector<32x32xf32>, vector<512x32xf32> -> vector<512x32xf32>
    %add3A_246 = arith.addf %add3A_233, %dot_general3A_245 : vector<512x32xf32>
    %get3A_247 = arith.constant 18 : index
    %get3A_248 = arith.constant 0 : index
    %get3A_249 = arith.constant 0 : index
    %get3A_250 = vector.load %arg1[%get3A_247, %get3A_248, %get3A_249] : memref<26x512x32xf32, #tpu.memory_space<vmem>>, vector<1x512x32xf32>
    %get3A_251 = vector.shape_cast %get3A_250 : vector<1x512x32xf32> to vector<512x32xf32>
    %get3A_252 = arith.constant 2 : index
    %get3A_253 = arith.constant 0 : index
    %get3A_254 = arith.constant 160 : index
    %get3A_255 = vector.load %arg2[%get3A_252, %get3A_253, %get3A_254] : memref<4x32x208xf32, #tpu.memory_space<vmem>>, vector<1x32x32xf32>
    %get3A_256 = vector.shape_cast %get3A_255 : vector<1x32x32xf32> to vector<32x32xf32>
    %dot_general3A_257 = arith.constant dense<0.000000e+00> : vector<512x32xf32>
    %dot_general3A_258 = tpu.matmul %get3A_251, %get3A_256, %dot_general3A_257 {dimension_numbers = #tpu.dot_dimension_numbers<[1], [1], [0], [0], [0, 0, 1, 0], [], []>, transpose_lhs_hint = false} : vector<512x32xf32>, vector<32x32xf32>, vector<512x32xf32> -> vector<512x32xf32>
    %add3A_259 = arith.addf %add3A_246, %dot_general3A_258 : vector<512x32xf32>
    %get3A_260 = arith.constant 19 : index
    %get3A_261 = arith.constant 0 : index
    %get3A_262 = arith.constant 0 : index
    %get3A_263 = vector.load %arg1[%get3A_260, %get3A_261, %get3A_262] : memref<26x512x32xf32, #tpu.memory_space<vmem>>, vector<1x512x32xf32>
    %get3A_264 = vector.shape_cast %get3A_263 : vector<1x512x32xf32> to vector<512x32xf32>
    %get3A_265 = arith.constant 2 : index
    %get3A_266 = arith.constant 0 : index
    %get3A_267 = arith.constant 192 : index
    %get3A_268 = vector.load %arg2[%get3A_265, %get3A_266, %get3A_267] : memref<4x32x208xf32, #tpu.memory_space<vmem>>, vector<1x32x16xf32>
    %get3A_269 = vector.shape_cast %get3A_268 : vector<1x32x16xf32> to vector<32x16xf32>
    %slice3A_270 = vector.extract_strided_slice %get3A_264 {offsets = [0, 0], sizes = [512, 16], strides = [1, 1]} : vector<512x32xf32> to vector<512x16xf32>
    %dot_general3A_271 = arith.constant dense<0.000000e+00> : vector<512x32xf32>
    %dot_general3A_272 = tpu.matmul %slice3A_270, %get3A_269, %dot_general3A_271 {dimension_numbers = #tpu.dot_dimension_numbers<[1], [1], [0], [0], [0, 0, 1, 0], [], []>, transpose_lhs_hint = false} : vector<512x16xf32>, vector<32x16xf32>, vector<512x32xf32> -> vector<512x32xf32>
    %add3A_273 = arith.addf %add3A_259, %dot_general3A_272 : vector<512x32xf32>
    %get3A_274 = arith.constant 3 : index
    %get3A_275 = arith.constant 0 : index
    %get3A_276 = arith.constant 0 : index
    %get3A_277 = vector.load %arg2[%get3A_274, %get3A_275, %get3A_276] : memref<4x32x208xf32, #tpu.memory_space<vmem>>, vector<1x32x16xf32>
    %get3A_278 = vector.shape_cast %get3A_277 : vector<1x32x16xf32> to vector<32x16xf32>
    %slice3A_279 = vector.extract_strided_slice %get3A_264 {offsets = [0, 16], sizes = [512, 16], strides = [1, 1]} : vector<512x32xf32> to vector<512x16xf32>
    %dot_general3A_280 = arith.constant dense<0.000000e+00> : vector<512x32xf32>
    %dot_general3A_281 = tpu.matmul %slice3A_279, %get3A_278, %dot_general3A_280 {dimension_numbers = #tpu.dot_dimension_numbers<[1], [1], [0], [0], [0, 0, 1, 0], [], []>, transpose_lhs_hint = false} : vector<512x16xf32>, vector<32x16xf32>, vector<512x32xf32> -> vector<512x32xf32>
    %add3A_282 = arith.addf %broadcast_in_dim3A_6, %dot_general3A_281 : vector<512x32xf32>
    %get3A_283 = arith.constant 20 : index
    %get3A_284 = arith.constant 0 : index
    %get3A_285 = arith.constant 0 : index
    %get3A_286 = vector.load %arg1[%get3A_283, %get3A_284, %get3A_285] : memref<26x512x32xf32, #tpu.memory_space<vmem>>, vector<1x512x32xf32>
    %get3A_287 = vector.shape_cast %get3A_286 : vector<1x512x32xf32> to vector<512x32xf32>
    %get3A_288 = arith.constant 3 : index
    %get3A_289 = arith.constant 0 : index
    %get3A_290 = arith.constant 16 : index
    %get3A_291 = vector.load %arg2[%get3A_288, %get3A_289, %get3A_290] : memref<4x32x208xf32, #tpu.memory_space<vmem>>, vector<1x32x32xf32>
    %get3A_292 = vector.shape_cast %get3A_291 : vector<1x32x32xf32> to vector<32x32xf32>
    %dot_general3A_293 = arith.constant dense<0.000000e+00> : vector<512x32xf32>
    %dot_general3A_294 = tpu.matmul %get3A_287, %get3A_292, %dot_general3A_293 {dimension_numbers = #tpu.dot_dimension_numbers<[1], [1], [0], [0], [0, 0, 1, 0], [], []>, transpose_lhs_hint = false} : vector<512x32xf32>, vector<32x32xf32>, vector<512x32xf32> -> vector<512x32xf32>
    %add3A_295 = arith.addf %add3A_282, %dot_general3A_294 : vector<512x32xf32>
    %get3A_296 = arith.constant 21 : index
    %get3A_297 = arith.constant 0 : index
    %get3A_298 = arith.constant 0 : index
    %get3A_299 = vector.load %arg1[%get3A_296, %get3A_297, %get3A_298] : memref<26x512x32xf32, #tpu.memory_space<vmem>>, vector<1x512x32xf32>
    %get3A_300 = vector.shape_cast %get3A_299 : vector<1x512x32xf32> to vector<512x32xf32>
    %get3A_301 = arith.constant 3 : index
    %get3A_302 = arith.constant 0 : index
    %get3A_303 = arith.constant 48 : index
    %get3A_304 = vector.load %arg2[%get3A_301, %get3A_302, %get3A_303] : memref<4x32x208xf32, #tpu.memory_space<vmem>>, vector<1x32x32xf32>
    %get3A_305 = vector.shape_cast %get3A_304 : vector<1x32x32xf32> to vector<32x32xf32>
    %dot_general3A_306 = arith.constant dense<0.000000e+00> : vector<512x32xf32>
    %dot_general3A_307 = tpu.matmul %get3A_300, %get3A_305, %dot_general3A_306 {dimension_numbers = #tpu.dot_dimension_numbers<[1], [1], [0], [0], [0, 0, 1, 0], [], []>, transpose_lhs_hint = false} : vector<512x32xf32>, vector<32x32xf32>, vector<512x32xf32> -> vector<512x32xf32>
    %add3A_308 = arith.addf %add3A_295, %dot_general3A_307 : vector<512x32xf32>
    %get3A_309 = arith.constant 22 : index
    %get3A_310 = arith.constant 0 : index
    %get3A_311 = arith.constant 0 : index
    %get3A_312 = vector.load %arg1[%get3A_309, %get3A_310, %get3A_311] : memref<26x512x32xf32, #tpu.memory_space<vmem>>, vector<1x512x32xf32>
    %get3A_313 = vector.shape_cast %get3A_312 : vector<1x512x32xf32> to vector<512x32xf32>
    %get3A_314 = arith.constant 3 : index
    %get3A_315 = arith.constant 0 : index
    %get3A_316 = arith.constant 80 : index
    %get3A_317 = vector.load %arg2[%get3A_314, %get3A_315, %get3A_316] : memref<4x32x208xf32, #tpu.memory_space<vmem>>, vector<1x32x32xf32>
    %get3A_318 = vector.shape_cast %get3A_317 : vector<1x32x32xf32> to vector<32x32xf32>
    %dot_general3A_319 = arith.constant dense<0.000000e+00> : vector<512x32xf32>
    %dot_general3A_320 = tpu.matmul %get3A_313, %get3A_318, %dot_general3A_319 {dimension_numbers = #tpu.dot_dimension_numbers<[1], [1], [0], [0], [0, 0, 1, 0], [], []>, transpose_lhs_hint = false} : vector<512x32xf32>, vector<32x32xf32>, vector<512x32xf32> -> vector<512x32xf32>
    %add3A_321 = arith.addf %add3A_308, %dot_general3A_320 : vector<512x32xf32>
    %get3A_322 = arith.constant 23 : index
    %get3A_323 = arith.constant 0 : index
    %get3A_324 = arith.constant 0 : index
    %get3A_325 = vector.load %arg1[%get3A_322, %get3A_323, %get3A_324] : memref<26x512x32xf32, #tpu.memory_space<vmem>>, vector<1x512x32xf32>
    %get3A_326 = vector.shape_cast %get3A_325 : vector<1x512x32xf32> to vector<512x32xf32>
    %get3A_327 = arith.constant 3 : index
    %get3A_328 = arith.constant 0 : index
    %get3A_329 = arith.constant 112 : index
    %get3A_330 = vector.load %arg2[%get3A_327, %get3A_328, %get3A_329] : memref<4x32x208xf32, #tpu.memory_space<vmem>>, vector<1x32x32xf32>
    %get3A_331 = vector.shape_cast %get3A_330 : vector<1x32x32xf32> to vector<32x32xf32>
    %dot_general3A_332 = arith.constant dense<0.000000e+00> : vector<512x32xf32>
    %dot_general3A_333 = tpu.matmul %get3A_326, %get3A_331, %dot_general3A_332 {dimension_numbers = #tpu.dot_dimension_numbers<[1], [1], [0], [0], [0, 0, 1, 0], [], []>, transpose_lhs_hint = false} : vector<512x32xf32>, vector<32x32xf32>, vector<512x32xf32> -> vector<512x32xf32>
    %add3A_334 = arith.addf %add3A_321, %dot_general3A_333 : vector<512x32xf32>
    %get3A_335 = arith.constant 24 : index
    %get3A_336 = arith.constant 0 : index
    %get3A_337 = arith.constant 0 : index
    %get3A_338 = vector.load %arg1[%get3A_335, %get3A_336, %get3A_337] : memref<26x512x32xf32, #tpu.memory_space<vmem>>, vector<1x512x32xf32>
    %get3A_339 = vector.shape_cast %get3A_338 : vector<1x512x32xf32> to vector<512x32xf32>
    %get3A_340 = arith.constant 3 : index
    %get3A_341 = arith.constant 0 : index
    %get3A_342 = arith.constant 144 : index
    %get3A_343 = vector.load %arg2[%get3A_340, %get3A_341, %get3A_342] : memref<4x32x208xf32, #tpu.memory_space<vmem>>, vector<1x32x32xf32>
    %get3A_344 = vector.shape_cast %get3A_343 : vector<1x32x32xf32> to vector<32x32xf32>
    %dot_general3A_345 = arith.constant dense<0.000000e+00> : vector<512x32xf32>
    %dot_general3A_346 = tpu.matmul %get3A_339, %get3A_344, %dot_general3A_345 {dimension_numbers = #tpu.dot_dimension_numbers<[1], [1], [0], [0], [0, 0, 1, 0], [], []>, transpose_lhs_hint = false} : vector<512x32xf32>, vector<32x32xf32>, vector<512x32xf32> -> vector<512x32xf32>
    %add3A_347 = arith.addf %add3A_334, %dot_general3A_346 : vector<512x32xf32>
    %get3A_348 = arith.constant 25 : index
    %get3A_349 = arith.constant 0 : index
    %get3A_350 = arith.constant 0 : index
    %get3A_351 = vector.load %arg1[%get3A_348, %get3A_349, %get3A_350] : memref<26x512x32xf32, #tpu.memory_space<vmem>>, vector<1x512x32xf32>
    %get3A_352 = vector.shape_cast %get3A_351 : vector<1x512x32xf32> to vector<512x32xf32>
    %get3A_353 = arith.constant 3 : index
    %get3A_354 = arith.constant 0 : index
    %get3A_355 = arith.constant 176 : index
    %get3A_356 = vector.load %arg2[%get3A_353, %get3A_354, %get3A_355] : memref<4x32x208xf32, #tpu.memory_space<vmem>>, vector<1x32x32xf32>
    %get3A_357 = vector.shape_cast %get3A_356 : vector<1x32x32xf32> to vector<32x32xf32>
    %dot_general3A_358 = arith.constant dense<0.000000e+00> : vector<512x32xf32>
    %dot_general3A_359 = tpu.matmul %get3A_352, %get3A_357, %dot_general3A_358 {dimension_numbers = #tpu.dot_dimension_numbers<[1], [1], [0], [0], [0, 0, 1, 0], [], []>, transpose_lhs_hint = false} : vector<512x32xf32>, vector<32x32xf32>, vector<512x32xf32> -> vector<512x32xf32>
    %add3A_360 = arith.addf %add3A_347, %dot_general3A_359 : vector<512x32xf32>
    %concatenate3A = tpu.concatenate %add3A_94, %add3A_181, %add3A_273, %add3A_360 in 1 : vector<512x32xf32>, vector<512x32xf32>, vector<512x32xf32>, vector<512x32xf32> -> vector<512x128xf32>
    %swap3A = arith.constant 0 : index
    %swap3A_361 = arith.constant 0 : index
    %swap3A_362 = vector.load %arg3[%swap3A, %swap3A_361] : memref<512x128xf32, #tpu.memory_space<vmem>>, vector<512x128xf32>
    tpu.vector_store %arg3[%swap3A, %swap3A_361], %concatenate3A {strides = array<i32>} : memref<512x128xf32, #tpu.memory_space<vmem>>, vector<512x128xf32>,
    return
  }
  func.func @transform_0(%arg0: i32) -> (i32, i32, i32) {
    %c0_i32 = arith.constant 0 : i32
    %c0_i32_0 = arith.constant 0 : i32
    %c0_i32_1 = arith.constant 0 : i32
    return %c0_i32, %arg0, %c0_i32_0 : i32, i32, i32
  }
  func.func @transform_1(%arg0: i32) -> (i32, i32, i32) {
    %c0_i32 = arith.constant 0 : i32
    %c0_i32_0 = arith.constant 0 : i32
    %c0_i32_1 = arith.constant 0 : i32
    %c0_i32_2 = arith.constant 0 : i32
    return %c0_i32, %c0_i32_0, %c0_i32_1 : i32, i32, i32
  }
  func.func @transform_2(%arg0: i32) -> (i32, i32) {
    %c0_i32 = arith.constant 0 : i32
    %c0_i32_0 = arith.constant 0 : i32
    return %arg0, %c0_i32 : i32, i32
  }
}

</mosaic_0001>

<sc_bundles>
// kernel: kernel.5.cloned.1.call-start
scs
__scs_entry_jumppad:
0x0: {  	(pc) =	sbr.rel $0x88, $3  }
0x1: {  	(tag) =	ssettag $0x0;
	lr =	simm.s32 $0x1  }
0x2: {  	[smem:$0x3F9B] =	sst lr;
	_ =	strace $0xD0000000  }
0x3: {  	_ = 	snop  }
0x4: {  	_ = 	snop  }
0x5: {  	_ = 	snop  }
0x6: {  	_ = 	snop  }
0x7: {  	_ = 	snop  }
__scs_overlays_trampoline_lowered:
0x8: {  	[smem:$0x3FAA] =	sst s0  }
0x9: {  	[smem:$0x3FAB] =	sst s1  }
0xa: {  	[smem:$0x3FAC] =	sst s2  }
0xb: {  	[smem:$0x3FAD] =	sst s3  }
0xc: {  	[smem:$0x3FAE] =	sst s4  }
0xd: {  	[smem:$0x3FAF] =	sst s5  }
0xe: {  	[smem:$0x3FB0] =	sst s6  }
0xf: {  	[smem:$0x3FB1] =	sst s7  }
0x10: {  	[smem:$0x3FB2] =	sst s8  }
0x11: {  	[smem:$0x3FB3] =	sst s9;
	s0 =	simm.s32 @!p0 $0x0  }
0x12: {  	s1 =	sld [smem:$0x3F99];
	s0 =	simm.s32 @p0 $0x1  }
0x13: {  	[smem:$0x3FB4] =	sst s0;
	s0 =	simm.s32 @!p1 $0x0  }
0x14: {  	s2 =	sld [smem:$0x3F98];
	s0 =	simm.s32 @p1 $0x1  }
0x15: {  	[smem:$0x3FB5] =	sst s0;
	s0 =	simm.s32 @!p2 $0x0  }
0x16: {  	s3 =	sld [smem:$0x3FDB];
	s0 =	simm.s32 @p2 $0x1  }
0x17: {  	s4 =	simm.s32 $0x1BF5;
	[smem:$0x3FB7] =	sst s0  }
0x18: {  	s0 =	sld [smem:$0x3F9A];
	_ =	swait.ge [sflag:s4], $0x0  }
0x19: {  	s7 =	sld [smem:$0x3F9B]  }
0x1a: {  	s8 =	sadd.s32 $0xFFFFE003, lr  }
0x1b: {  	s9 =	sadd.s32 $0xFFFFFEF7, lr;
	s5 =	simm.s32 $0xFFFFFFFF;
	p2 =	slt.u32 s8, $0xFFFFF086  }
0x1c: {  	p1 =	slt.u32 s9, $0xF7A;
	s5 =	simm.s32 @!p2 $0x0  }
0x1d: {  	s5 =	simm.s32 @p1 $0x1;
	p0 =	seq.s32 s7, s2  }
0x1e: {  	s7 =	smul.u32 @!p0 $0xF7A, s2;
	p2 =	seq.s32 @!p0 s5, $0x0  }
0x1f: {  	s9 =	smul.u32 $0xF7A, s1;
	s8 =	simm.s32 @!p0 $0x1BF5;
	p2 =	por !p2, p0  }
0x20: {  	[sflag:s8] =	ssyncset.s32 @!p0 $0xFFFFF086;
	s6 =	sadd.s32 @!p0 s3, s7;
	s7 =	simm.s32 @!p0 $0x108  }
0x21: {  	s3 =	sadd.s32 s3, s9;
	s6 =	sadd.s32 @!p0 $0x88, s6;
	s7 =	simm.s32 @p2 $0x1082  }
0x22: {  	[simem:s7], [sflag:s8] =	dma.local @!p0 [hbm:s6], $0xF7A  }
0x23: {  	s9 =	sor.u32 $0xD0000000, s2;
	s6 =	simm.s32 $0x108;
	_ =	swait.ge @!p0 [sflag:s8], $0x0  }
0x24: {  	s3 =	sadd.s32 $0x88, s3;
	s6 =	simm.s32 @!p1 $0x1082;
	[sflag:s4] =	ssyncset.s32 $0xFFFFF086  }
0x25: {  	[simem:s6], [sflag:s4] =	dma.local [hbm:s3], $0xF7A  }
0x26: {  	[smem:$0x3F9B] =	sst s1;
	(tag) =	ssettag s2;
	_ =	strace s9  }
0x27: {  	s1 =	sld [smem:$0x3FAB]  }
0x28: {  	s2 =	sld [smem:$0x3FAC]  }
0x29: {  	s4 =	sld [smem:$0x3FAE]  }
0x2a: {  	p0 =	seq.s32 s5, $0x0;
	s5 =	sld [smem:$0x3FAF]  }
0x2b: {  	s6 =	sld [smem:$0x3FB0]  }
0x2c: {  	s7 =	sld [smem:$0x3FB1]  }
0x2d: {  	s3 =	simm.s32 $0x108;
	s8 =	sld [smem:$0x3FB2]  }
0x2e: {  	s3 =	simm.s32 @!p0 $0x1082;
	s9 =	sld [smem:$0x3FB3]  }
0x2f: {  	lr =	sadd.s32 s0, s3;
	s0 =	sld [smem:$0x3FAA]  }
0x30: {  	s3 =	sld [smem:$0x3FAD]  }
0x31: {  	[smem:$0x3FB6] =	sst s10  }
0x32: {  	s10 =	sld [smem:$0x3FB4];
	_ =	sdelay $0x3  }
0x33: {  	p0 =	seq.s32 s10, $0x1;
	s10 =	sld [smem:$0x3FB6];
	_ =	sdelay $0x3  }
0x34: {  	[smem:$0x3FB6] =	sst s10  }
0x35: {  	s10 =	sld [smem:$0x3FB5];
	_ =	sdelay $0x3  }
0x36: {  	p1 =	seq.s32 s10, $0x1;
	s10 =	sld [smem:$0x3FB6];
	_ =	sdelay $0x3  }
0x37: {  	[smem:$0x3FB6] =	sst s10  }
0x38: {  	s10 =	sld [smem:$0x3FB7]  }
0x39: {  	_ = 	snop;
	(pc) =	sbr.ind lr, $3  }
0x3a: {  	_ = 	snop  }
0x3b: {  	_ = 	snop  }
0x3c: {  	p2 =	seq.s32 s10, $0x1;
	s10 =	sld [smem:$0x3FB6]  }
0x3d: {  	_ =	shalt  }
0x3e: {  	_ =	shalt  }
0x3f: {  	_ =	shalt  }
0x40: {  	_ =	shalt  }
0x41: {  	_ =	shalt  }
0x42: {  	_ =	shalt  }
0x43: {  	_ =	shalt  }
0x44: {  	_ =	shalt  }
0x45: {  	_ =	shalt  }
0x46: {  	_ =	shalt  }
0x47: {  	_ =	shalt  }
0x48: {  	_ =	shalt  }
0x49: {  	_ =	shalt  }
0x4a: {  	_ =	shalt  }
0x4b: {  	_ =	shalt  }
0x4c: {  	_ =	shalt  }
0x4d: {  	_ =	shalt  }
0x4e: {  	_ =	shalt  }
0x4f: {  	_ =	shalt  }
0x50: {  	_ =	shalt  }
0x51: {  	_ =	shalt  }
0x52: {  	_ =	shalt  }
0x53: {  	_ =	shalt  }
0x54: {  	_ =	shalt  }
0x55: {  	_ =	shalt  }
0x56: {  	_ =	shalt  }
0x57: {  	_ =	shalt  }
0x58: {  	_ =	shalt  }
0x59: {  	_ =	shalt  }
0x5a: {  	_ =	shalt  }
0x5b: {  	_ =	shalt  }
0x5c: {  	_ =	shalt  }
0x5d: {  	_ =	shalt  }
0x5e: {  	_ =	shalt  }
0x5f: {  	_ =	shalt  }
0x60: {  	_ =	shalt  }
0x61: {  	_ =	shalt  }
0x62: {  	_ =	shalt  }
0x63: {  	_ =	shalt  }
0x64: {  	_ =	shalt  }
0x65: {  	_ =	shalt  }
0x66: {  	_ =	shalt  }
0x67: {  	_ =	shalt  }
0x68: {  	_ =	shalt  }
0x69: {  	_ =	shalt  }
0x6a: {  	_ =	shalt  }
0x6b: {  	_ =	shalt  }
0x6c: {  	_ =	shalt  }
0x6d: {  	_ =	shalt  }
0x6e: {  	_ =	shalt  }
0x6f: {  	_ =	shalt  }
0x70: {  	_ =	shalt  }
0x71: {  	_ =	shalt  }
0x72: {  	_ =	shalt  }
0x73: {  	_ =	shalt  }
0x74: {  	_ =	shalt  }
0x75: {  	_ =	shalt  }
0x76: {  	_ =	shalt  }
0x77: {  	_ =	shalt  }
0x78: {  	_ =	shalt  }
0x79: {  	_ =	shalt  }
0x7a: {  	_ =	shalt  }
0x7b: {  	_ =	shalt  }
0x7c: {  	_ =	shalt  }
0x7d: {  	_ =	shalt  }
0x7e: {  	_ =	shalt  }
0x7f: {  	_ =	shalt  }
0x80: {  	_ =	shalt  }
0x81: {  	_ =	shalt  }
0x82: {  	_ =	shalt  }
0x83: {  	_ =	shalt  }
0x84: {  	_ =	shalt  }
0x85: {  	_ =	shalt  }
0x86: {  	_ =	shalt  }
0x87: {  	_ =	shalt  }
.Lfunc_end0:
.L_simem_size_0:
called_computation_lowered:
.L_overlay_start_0:
0x88: {  	s2 =	sld [smem:$0x3FD9]  }
0x89: {  	s3 =	sld [smem:$0x3FFE];
	_ =	sdelay $0x1  }
0x8a: {  	s1 =	srdreg.scid  }
0x8b: {  	s0 =	sand.u32 $0x1, s1  }
0x8c: {  	s14 =	sshll.u32 s0, $0xA;
	s2 =	sadd.s32 s3, s2  }
0x8d: {  	s2 =	sadd.s32 s2, s14  }
0x8e: {  	[smem:$0x3FC2] =	sst s2  }
0x8f: {  	_ = 	snop  }
0x90: {  	s2 =	sld [smem:$0x3FD0];
	_ =	sdelay $0x2  }
0x91: {  	s15 =	simm.s32 $0xB;
	s4 =	simm.s32 $0x10  }
0x92: {  	[smem:s4], [sflag:s15] =	dma.local [hbm:s2], $0x1  }
0x93: {  	_ =	swait.eq [sflag:s15], $0x1  }
0x94: {  	[sflag:s15] =	ssyncset.done $0x0  }
0x95: {  	[sflag:s15] =	ssyncadd.s32 $0xFFFFFFFF  }
0x96: {  	s16 =	sld [smem:$0x10];
	(tm) =	ssettm $0x1  }
0x97: {  	s17 =	sld [smem:$0x3FFB];
	_ =	sdelay $0x3  }
0x98: {  	_ =	strace s17  }
0x99: {  	s3 =	sld [smem:$0x3FFC];
	_ =	sdelay $0x3  }
0x9a: {  	_ =	strace s3  }
0x9b: {  	s3 =	sld [smem:$0x3FFD];
	_ =	sdelay $0x3  }
0x9c: {  	_ =	strace s3  }
0x9d: {  	_ =	strace $0x8FFFFFFF  }
0x9e: {  	s18 =	sld [smem:$0x3FDB];
	_ =	sdelay $0x1  }
0x9f: {  	s19 =	simm.s32 $_scs_section_size  }
0xa0: {  	s5 =	simm.s32 $_size__tile_overlayer_lowered;
	s6 =	simm.s32 $_tile_overlayer_lowered  }
0xa1: {  	s22 =	simm.s32 $0x1BFF;
	s21 =	sshll.u32 s6, $0x1;
	s3 =	sadd.s32 s19, s18  }
0xa2: {  	s7 =	simm.s32 $0x0;
	s20 =	sshll.u32 s5, $0x1;
	s5 =	sadd.s32 s21, s3  }
0xa3: {  	[timem:s7], [sflag:s22] =	dma.local [hbm:s5], s20  }
0xa4: {  	_ =	swait.ge [sflag:s22], s20  }
0xa5: {  	s4 =	ssub.s32 $0x0, s20;
	[sflag:s22] =	ssyncset.done $0x0  }
0xa6: {  	[sflag:s22] =	ssyncadd.s32 s4;
	_ =	sdelay $0x1  }
0xa7: {  	s23 =	simm.s32 $0x1B8B  }
0xa8: {  	_ =	swait.ge [sflag:s23], $0x1  }
0xa9: {  	[sflag:s23] =	ssyncset.done $0x0  }
0xaa: {  	s25 =	simm.s32 $0x1B8E;
	s24 =	sld [smem:$0x3FFE];
	[sflag:s23] =	ssyncadd.s32 $0xFFFFFFFF  }
0xab: {  	s26 =	simm.s32 $execute0_lowered;
	[smem:$0x3FD2] =	sst s25  }
0xac: {  	s5 =	sshll.u32 s26, $0x1;
	_ =	strace $0x80000046;
	[dreg:$0x1] =	wrdreg $0xFFFFFFFF  }
0xad: {  	s28 =	simm.s32 $_size_execute0_lowered;
	s3 =	sadd.s32 s3, s5;
	[dreg:$0x0] =	wrdreg $0x0  }
0xae: {  	s5 =	sshll.u32 s28, $0x1;
	[dreg:$0x2] =	wrdreg s3  }
0xaf: {  	[dreg:$0x3] =	wrdreg s5  }
0xb0: {  	[dreg:$0x4] =	wrdreg $0xC0  }
0xb1: {  	_ =	task [dreg:s7], $0x5FFFF  }
0xb2: {  	[dreg:$0x1] =	wrdreg $0xFFFFFFFF  }
0xb3: {  	[dreg:$0x0] =	wrdreg $0x60  }
0xb4: {  	[dreg:$0x2] =	wrdreg s16  }
0xb5: {  	[dreg:$0x3] =	wrdreg s24  }
0xb6: {  	[dreg:$0x4] =	wrdreg $0x9  }
0xb7: {  	_ =	task.clear_ibuf [dreg:s7], $0x5FFFF;
	_ =	strace $0x90000046  }
0xb8: {  	s29 =	simm.s32 $0x9;
	_ =	strace $0x80000048  }
0xb9: {  	_ =	swait.ge [sflag:s29], $0x1  }
0xba: {  	[sflag:s29] =	ssyncadd.s32 $0xFFFFFFFF  }
0xbb: {  	_ =	strace $0x90000048  }
0xbc: {  	_ =	sfence  }
0xbd: {  	s30 =	sld [smem:$0x0];
	_ =	sdelay $0x2  }
0xbe: {  	s31 =	sshll.u32 s1, $0xD;
	s1 =	sshrl.u32 s1, $0x2  }
0xbf: {  	s3 =	sand.u32 $0x4000, s31;
	s1 =	sadd.s32 s1, s30  }
0xc0: {  	s0 =	sor.u32 s3, s0;
	s1 =	sshll.u32 s1, $0x11  }
0xc1: {  	s0 =	sor.u32 s1, s0  }
0xc2: {  	s0 =	sadd.s32 $0x8F2B, s0  }
0xc3: {  	[sflag:s0] =	ssyncadd.remote.s32 $0x1  }
0xc4: {  	_ =	sfence.sel $0xFFFF  }
0xc5: {  	[dreg:$0x0] =	wrdreg $0xFFFFFFFF;
	(pc) =	sbr.abs _section_cstart, $3  }
0xc6: {  	[dreg:$0x1] =	wrdreg $0xFFFFFFFF  }
0xc7: {  	_ =	task.clear_ibuf [dreg:s7], $0x2FFFF;
	_ =	strace $0x9FFFFFFF  }
0xc8: {  	(tm) =	ssettm $0x7FFFFFFF  }
0xc9: {  	_ =	shalt  }
tec
execute0_lowered:
.L_overlay_start_1:
0x0: {  	(tag) =	ssettag $0x1  }
0x1: {  	s1 =	srdreg.scid  }
0x2: {  	s0 =	stileid.u32;
	s5 =	sand.u32 $0x1, s1  }
0x3: {  	s19 =	sshll.u32 s0, $0x8;
	s2 =	sshll.u32 s5, $0x7  }
0x4: {  	s3 =	rddreg [dreg:$0x0];
	s6 =	sor.u32 s2, s19  }
0x5: {  	s4 =	rddreg [dreg:$0x1];
	s1 =	sshll.u32 s6, $0x2  }
0x6: {  	s2 =	simm.s32 $0x0;
	s6 =	sshrl.u32 s6, $0x3;
	s1 =	sadd.s32 s1, s4  }
0x7: {  	[smem:$0x7FF] =	sst s2;
	s3 =	sadd.s32 s3, s6;
	s20 =	sadd.s32 $0xE00, s1  }
0x8: {  	_ =	strace $0x80000047;
	s21 =	sadd.s32 $0x200, s3;
	[dreg:$0x3] =	wrdreg s20  }
0x9: {  	s22 =	sadd.s32 $0x4E00, s1;
	[dreg:$0x4] =	wrdreg s21  }
0xa: {  	s23 =	sadd.s32 $0x400, s3;
	[dreg:$0x5] =	wrdreg s22  }
0xb: {  	s24 =	sadd.s32 $0x8E00, s1;
	[dreg:$0x6] =	wrdreg s23  }
0xc: {  	s25 =	sadd.s32 $0x600, s3;
	[dreg:$0x7] =	wrdreg s24  }
0xd: {  	s26 =	sadd.s32 $0xCE00, s1;
	[dreg:$0x8] =	wrdreg s25  }
0xe: {  	s0 =	sadd.s32 $0x800, s3;
	[dreg:$0x9] =	wrdreg s26  }
0xf: {  	s7 =	sadd.s32 $0x10E00, s1;
	[dreg:$0xa] =	wrdreg s0  }
0x10: {  	s8 =	sadd.s32 $0xA00, s3;
	[dreg:$0xb] =	wrdreg s7  }
0x11: {  	s9 =	sadd.s32 $0x14E00, s1;
	[dreg:$0xc] =	wrdreg s8  }
0x12: {  	s10 =	sadd.s32 $0xC00, s3;
	[dreg:$0xd] =	wrdreg s9  }
0x13: {  	s11 =	sadd.s32 $0x18E00, s1;
	[dreg:$0xe] =	wrdreg s10  }
0x14: {  	s12 =	sadd.s32 $0xE00, s3;
	[dreg:$0xf] =	wrdreg s11  }
0x15: {  	s30 =	simm.s32 $0x2;
	s13 =	sadd.s32 $0x1CE00, s1;
	[dreg:$0x10] =	wrdreg s12  }
0x16: {  	s31 =	simm.s32 $0x80;
	s14 =	sadd.s32 $0x1000, s3;
	[dreg:$0x11] =	wrdreg s13  }
0x17: {  	s5 =	ssub.s32 $0x2, s5;
	s15 =	sadd.s32 $0x20E00, s1;
	[dreg:$0x12] =	wrdreg s14  }
0x18: {  	s4 =	sadd.s32 $0x27AD200, s4;
	s16 =	sadd.s32 $0x1200, s3;
	[dreg:$0x13] =	wrdreg s15  }
0x19: {  	s17 =	sadd.s32 $0x24E00, s1;
	s18 =	sadd.s32 $0x1400, s3;
	[dreg:$0x14] =	wrdreg s16  }
0x1a: {  	s19 =	sadd.s32 $0x28E00, s1;
	s6 =	sadd.s32 $0x1E00, s3;
	[dreg:$0x15] =	wrdreg s17  }
0x1b: {  	s28 =	sadd.s32 $0x3000, s3;
	s29 =	sadd.s32 $0x3200, s3;
	[dreg:$0x16] =	wrdreg s18  }
0x1c: {  	[dreg:$0x17] =	wrdreg s19;
	s20 =	sadd.s32 $0x1600, s3;
	s21 =	sadd.s32 $0x2CE00, s1  }
0x1d: {  	s22 =	sadd.s32 $0x1800, s3;
	s23 =	sadd.s32 $0x30E00, s1;
	s24 =	sadd.s32 $0x1A00, s3  }
0x1e: {  	s25 =	sadd.s32 $0x34E00, s1;
	s7 =	sshrl.u32 s5, $0x1;
	s26 =	sadd.s32 $0x1C00, s3  }
0x1f: {  	s8 =	sadd.s32 $0x2000, s3;
	s9 =	sadd.s32 $0x40E00, s1;
	[dreg:$0x18] =	wrdreg s20  }
0x20: {  	s10 =	sadd.s32 $0x2200, s3;
	s11 =	sadd.s32 $0x44E00, s1;
	[dreg:$0x19] =	wrdreg s21  }
0x21: {  	s12 =	sadd.s32 $0x2400, s3;
	s13 =	sadd.s32 $0x48E00, s1;
	[dreg:$0x1a] =	wrdreg s22  }
0x22: {  	s14 =	sadd.s32 $0x2600, s3;
	s15 =	sadd.s32 $0x4CE00, s1;
	[dreg:$0x1b] =	wrdreg s23  }
0x23: {  	s16 =	sadd.s32 $0x2800, s3;
	s17 =	sadd.s32 $0x50E00, s1;
	[dreg:$0x1c] =	wrdreg s24  }
0x24: {  	s18 =	sadd.s32 $0x2A00, s3;
	s19 =	sadd.s32 $0x54E00, s1;
	[dreg:$0x1d] =	wrdreg s25  }
0x25: {  	s25 =	ssub.s32 s5, s7;
	[dreg:$0x1e] =	wrdreg s26;
	s5 =	sadd.s32 $0x38E00, s1  }
0x26: {  	s7 =	sadd.s32 $0x3CE00, s1;
	s20 =	sadd.s32 $0x2C00, s3;
	s21 =	sadd.s32 $0x58E00, s1  }
0x27: {  	s22 =	sadd.s32 $0x5CE00, s1;
	s23 =	sadd.s32 $0x60E00, s1;
	s24 =	sadd.s32 $0x64E00, s1  }
0x28: {  	s26 =	sadd.s32 $0x2E00, s3;
	s1 =	simm.s32 $0x1;
	s25 =	smax.u32 s25, $0x1  }
.LBB2_1:
0x29: {  	[tilespmem:s2], [sflag:$0x2] =	stream.linear.gather [hbm4b:s3+s2], $0x80, $0x38;
	[tilespmem:$0x1080] =	vst v63  }
0x2a: {  	_ =	swait.ge [sflag:s30], $0x80  }
0x2b: {  	[sflag:s30] =	ssyncset.done $0x0  }
0x2c: {  	[sflag:s30] =	ssyncadd.s32 $0xFFFFFF80  }
0x2d: {  	[tilespmem:s31], [sflag:$0x1] =	stream.indirect.gather [hbm4b:s4+s31], $0x20, s2, s31, $0xb8;
	[tilespmem:$0x1080] =	vst v63  }
0x2e: {  	_ =	swait.ge [sflag:s1], $0x1000  }
0x2f: {  	[sflag:s1] =	ssyncset.done $0x0  }
0x30: {  	s0 =	rddreg [dreg:$0x3];
	[sflag:s1] =	ssyncadd.s32 $0xFFFFF000  }
0x31: {  	[hbm4b:s0+s2] =	stream.linear.scatter [tilespmem:s31], [sflag:$0x2], $0x1000, $0x38;
	[tilespmem:$0x1080] =	vst v63  }
0x32: {  	_ =	swait.ge [sflag:s30], $0x1000  }
0x33: {  	[sflag:s30] =	ssyncset.done $0x0  }
0x34: {  	s0 =	rddreg [dreg:$0x4];
	[sflag:s30] =	ssyncadd.s32 $0xFFFFF000  }
0x35: {  	[tilespmem:s2], [sflag:$0x2] =	stream.linear.gather [hbm4b:s0+s2], $0x80, $0x38;
	[tilespmem:$0x1080] =	vst v63  }
0x36: {  	_ =	swait.ge [sflag:s30], $0x80  }
0x37: {  	[sflag:s30] =	ssyncset.done $0x0  }
0x38: {  	[sflag:s30] =	ssyncadd.s32 $0xFFFFFF80  }
0x39: {  	v0 =	vld [tilespmem:$0x0]  }
0x3a: {  	v1 =	vld [tilespmem:$0x10]  }
0x3b: {  	v2 =	vld [tilespmem:$0x20]  }
0x3c: {  	v3 =	vld [tilespmem:$0x30]  }
0x3d: {  	v4 =	vld [tilespmem:$0x40]  }
0x3e: {  	v5 =	vld [tilespmem:$0x50];
	v0 =	vadd.s32 $0x186A0, v0  }
0x3f: {  	v45 =	vld [tilespmem:$0x60];
	v44 =	vadd.s32 $0x186A0, v1;
	[tilespmem:$0x0] =	vst v0  }
0x40: {  	v47 =	vld [tilespmem:$0x70];
	v46 =	vadd.s32 $0x186A0, v2;
	[tilespmem:$0x10] =	vst v44  }
0x41: {  	v48 =	vadd.s32 $0x186A0, v3;
	[tilespmem:$0x20] =	vst v46  }
0x42: {  	v49 =	vadd.s32 $0x186A0, v4;
	[tilespmem:$0x30] =	vst v48  }
0x43: {  	v50 =	vadd.s32 $0x186A0, v5;
	[tilespmem:$0x40] =	vst v49  }
0x44: {  	v51 =	vadd.s32 $0x186A0, v45;
	[tilespmem:$0x50] =	vst v50  }
0x45: {  	v52 =	vadd.s32 $0x186A0, v47;
	[tilespmem:$0x60] =	vst v51  }
0x46: {  	[tilespmem:$0x70] =	vst v52  }
0x47: {  	[tilespmem:s31], [sflag:$0x1] =	stream.indirect.gather [hbm4b:s4+s31], $0x20, s2, s31, $0xb8;
	[tilespmem:$0x1080] =	vst v63  }
0x48: {  	_ =	swait.ge [sflag:s1], $0x1000  }
0x49: {  	[sflag:s1] =	ssyncset.done $0x0  }
0x4a: {  	s0 =	rddreg [dreg:$0x5];
	[sflag:s1] =	ssyncadd.s32 $0xFFFFF000  }
0x4b: {  	[hbm4b:s0+s2] =	stream.linear.scatter [tilespmem:s31], [sflag:$0x2], $0x1000, $0x38;
	[tilespmem:$0x1080] =	vst v63  }
0x4c: {  	_ =	swait.ge [sflag:s30], $0x1000  }
0x4d: {  	[sflag:s30] =	ssyncset.done $0x0  }
0x4e: {  	s0 =	rddreg [dreg:$0x6];
	[sflag:s30] =	ssyncadd.s32 $0xFFFFF000  }
0x4f: {  	[tilespmem:s2], [sflag:$0x2] =	stream.linear.gather [hbm4b:s0+s2], $0x80, $0x38;
	[tilespmem:$0x1080] =	vst v63  }
0x50: {  	_ =	swait.ge [sflag:s30], $0x80  }
0x51: {  	[sflag:s30] =	ssyncset.done $0x0  }
0x52: {  	[sflag:s30] =	ssyncadd.s32 $0xFFFFFF80  }
0x53: {  	v53 =	vld [tilespmem:$0x0]  }
0x54: {  	v54 =	vld [tilespmem:$0x10]  }
0x55: {  	v55 =	vld [tilespmem:$0x20]  }
0x56: {  	v56 =	vld [tilespmem:$0x30]  }
0x57: {  	v57 =	vld [tilespmem:$0x40]  }
0x58: {  	v58 =	vld [tilespmem:$0x50];
	v0 =	vadd.s32 $0x30D40, v53  }
0x59: {  	v60 =	vld [tilespmem:$0x60];
	v59 =	vadd.s32 $0x30D40, v54;
	[tilespmem:$0x0] =	vst v0  }
0x5a: {  	v62 =	vld [tilespmem:$0x70];
	v61 =	vadd.s32 $0x30D40, v55;
	[tilespmem:$0x10] =	vst v59  }
0x5b: {  	v63 =	vadd.s32 $0x30D40, v56;
	[tilespmem:$0x20] =	vst v61  }
0x5c: {  	v4 =	vadd.s32 $0x30D40, v57;
	[tilespmem:$0x30] =	vst v63  }
0x5d: {  	v6 =	vadd.s32 $0x30D40, v58;
	[tilespmem:$0x40] =	vst v4  }
0x5e: {  	v7 =	vadd.s32 $0x30D40, v60;
	[tilespmem:$0x50] =	vst v6  }
0x5f: {  	v8 =	vadd.s32 $0x30D40, v62;
	[tilespmem:$0x60] =	vst v7  }
0x60: {  	[tilespmem:$0x70] =	vst v8  }
0x61: {  	[tilespmem:s31], [sflag:$0x1] =	stream.indirect.gather [hbm4b:s4+s31], $0x20, s2, s31, $0xb8;
	[tilespmem:$0x1080] =	vst v63  }
0x62: {  	_ =	swait.ge [sflag:s1], $0x1000  }
0x63: {  	[sflag:s1] =	ssyncset.done $0x0  }
0x64: {  	s0 =	rddreg [dreg:$0x7];
	[sflag:s1] =	ssyncadd.s32 $0xFFFFF000  }
0x65: {  	[hbm4b:s0+s2] =	stream.linear.scatter [tilespmem:s31], [sflag:$0x2], $0x1000, $0x38;
	[tilespmem:$0x1080] =	vst v63  }
0x66: {  	_ =	swait.ge [sflag:s30], $0x1000  }
0x67: {  	[sflag:s30] =	ssyncset.done $0x0  }
0x68: {  	s0 =	rddreg [dreg:$0x8];
	[sflag:s30] =	ssyncadd.s32 $0xFFFFF000  }
0x69: {  	[tilespmem:s2], [sflag:$0x2] =	stream.linear.gather [hbm4b:s0+s2], $0x80, $0x38;
	[tilespmem:$0x1080] =	vst v63  }
0x6a: {  	_ =	swait.ge [sflag:s30], $0x80  }
0x6b: {  	[sflag:s30] =	ssyncset.done $0x0  }
0x6c: {  	[sflag:s30] =	ssyncadd.s32 $0xFFFFFF80  }
0x6d: {  	v9 =	vld [tilespmem:$0x0]  }
0x6e: {  	v10 =	vld [tilespmem:$0x10]  }
0x6f: {  	v11 =	vld [tilespmem:$0x20]  }
0x70: {  	v12 =	vld [tilespmem:$0x30]  }
0x71: {  	v13 =	vld [tilespmem:$0x40]  }
0x72: {  	v14 =	vld [tilespmem:$0x50];
	v0 =	vadd.s32 $0x493E0, v9  }
0x73: {  	v16 =	vld [tilespmem:$0x60];
	v15 =	vadd.s32 $0x493E0, v10;
	[tilespmem:$0x0] =	vst v0  }
0x74: {  	v18 =	vld [tilespmem:$0x70];
	v17 =	vadd.s32 $0x493E0, v11;
	[tilespmem:$0x10] =	vst v15  }
0x75: {  	v19 =	vadd.s32 $0x493E0, v12;
	[tilespmem:$0x20] =	vst v17  }
0x76: {  	v20 =	vadd.s32 $0x493E0, v13;
	[tilespmem:$0x30] =	vst v19  }
0x77: {  	v21 =	vadd.s32 $0x493E0, v14;
	[tilespmem:$0x40] =	vst v20  }
0x78: {  	v22 =	vadd.s32 $0x493E0, v16;
	[tilespmem:$0x50] =	vst v21  }
0x79: {  	v23 =	vadd.s32 $0x493E0, v18;
	[tilespmem:$0x60] =	vst v22  }
0x7a: {  	[tilespmem:$0x70] =	vst v23  }
0x7b: {  	[tilespmem:s31], [sflag:$0x1] =	stream.indirect.gather [hbm4b:s4+s31], $0x20, s2, s31, $0xb8;
	[tilespmem:$0x1080] =	vst v63  }
0x7c: {  	_ =	swait.ge [sflag:s1], $0x1000  }
0x7d: {  	[sflag:s1] =	ssyncset.done $0x0  }
0x7e: {  	s0 =	rddreg [dreg:$0x9];
	[sflag:s1] =	ssyncadd.s32 $0xFFFFF000  }
0x7f: {  	[hbm4b:s0+s2] =	stream.linear.scatter [tilespmem:s31], [sflag:$0x2], $0x1000, $0x38;
	[tilespmem:$0x1080] =	vst v63  }
0x80: {  	_ =	swait.ge [sflag:s30], $0x1000  }
0x81: {  	[sflag:s30] =	ssyncset.done $0x0  }
0x82: {  	s0 =	rddreg [dreg:$0xa];
	[sflag:s30] =	ssyncadd.s32 $0xFFFFF000  }
0x83: {  	[tilespmem:s2], [sflag:$0x2] =	stream.linear.gather [hbm4b:s0+s2], $0x80, $0x38;
	[tilespmem:$0x1080] =	vst v63  }
0x84: {  	_ =	swait.ge [sflag:s30], $0x80  }
0x85: {  	[sflag:s30] =	ssyncset.done $0x0  }
0x86: {  	[sflag:s30] =	ssyncadd.s32 $0xFFFFFF80  }
0x87: {  	v24 =	vld [tilespmem:$0x0]  }
0x88: {  	v25 =	vld [tilespmem:$0x10]  }
0x89: {  	v26 =	vld [tilespmem:$0x20]  }
0x8a: {  	v27 =	vld [tilespmem:$0x30]  }
0x8b: {  	v28 =	vld [tilespmem:$0x40]  }
0x8c: {  	v29 =	vld [tilespmem:$0x50];
	v0 =	vadd.s32 $0x61A80, v24  }
0x8d: {  	v31 =	vld [tilespmem:$0x60];
	v30 =	vadd.s32 $0x61A80, v25;
	[tilespmem:$0x0] =	vst v0  }
0x8e: {  	v33 =	vld [tilespmem:$0x70];
	v32 =	vadd.s32 $0x61A80, v26;
	[tilespmem:$0x10] =	vst v30  }
0x8f: {  	v34 =	vadd.s32 $0x61A80, v27;
	[tilespmem:$0x20] =	vst v32  }
0x90: {  	v35 =	vadd.s32 $0x61A80, v28;
	[tilespmem:$0x30] =	vst v34  }
0x91: {  	v36 =	vadd.s32 $0x61A80, v29;
	[tilespmem:$0x40] =	vst v35  }
0x92: {  	v37 =	vadd.s32 $0x61A80, v31;
	[tilespmem:$0x50] =	vst v36  }
0x93: {  	v38 =	vadd.s32 $0x61A80, v33;
	[tilespmem:$0x60] =	vst v37  }
0x94: {  	[tilespmem:$0x70] =	vst v38  }
0x95: {  	[tilespmem:s31], [sflag:$0x1] =	stream.indirect.gather [hbm4b:s4+s31], $0x20, s2, s31, $0xb8;
	[tilespmem:$0x1080] =	vst v63  }
0x96: {  	_ =	swait.ge [sflag:s1], $0x1000  }
0x97: {  	[sflag:s1] =	ssyncset.done $0x0  }
0x98: {  	s0 =	rddreg [dreg:$0xb];
	[sflag:s1] =	ssyncadd.s32 $0xFFFFF000  }
0x99: {  	[hbm4b:s0+s2] =	stream.linear.scatter [tilespmem:s31], [sflag:$0x2], $0x1000, $0x38;
	[tilespmem:$0x1080] =	vst v63  }
0x9a: {  	_ =	swait.ge [sflag:s30], $0x1000  }
0x9b: {  	[sflag:s30] =	ssyncset.done $0x0  }
0x9c: {  	s0 =	rddreg [dreg:$0xc];
	[sflag:s30] =	ssyncadd.s32 $0xFFFFF000  }
0x9d: {  	[tilespmem:s2], [sflag:$0x2] =	stream.linear.gather [hbm4b:s0+s2], $0x80, $0x38;
	[tilespmem:$0x1080] =	vst v63  }
0x9e: {  	_ =	swait.ge [sflag:s30], $0x80  }
0x9f: {  	[sflag:s30] =	ssyncset.done $0x0  }
0xa0: {  	[sflag:s30] =	ssyncadd.s32 $0xFFFFFF80  }
0xa1: {  	v39 =	vld [tilespmem:$0x0]  }
0xa2: {  	v40 =	vld [tilespmem:$0x10]  }
0xa3: {  	v41 =	vld [tilespmem:$0x20]  }
0xa4: {  	v42 =	vld [tilespmem:$0x30]  }
0xa5: {  	v43 =	vld [tilespmem:$0x40]  }
0xa6: {  	v44 =	vld [tilespmem:$0x50];
	v0 =	vadd.s32 $0x7A120, v39  }
0xa7: {  	v46 =	vld [tilespmem:$0x60];
	v45 =	vadd.s32 $0x7A120, v40;
	[tilespmem:$0x0] =	vst v0  }
0xa8: {  	v48 =	vld [tilespmem:$0x70];
	v47 =	vadd.s32 $0x7A120, v41;
	[tilespmem:$0x10] =	vst v45  }
0xa9: {  	v49 =	vadd.s32 $0x7A120, v42;
	[tilespmem:$0x20] =	vst v47  }
0xaa: {  	v50 =	vadd.s32 $0x7A120, v43;
	[tilespmem:$0x30] =	vst v49  }
0xab: {  	v51 =	vadd.s32 $0x7A120, v44;
	[tilespmem:$0x40] =	vst v50  }
0xac: {  	v52 =	vadd.s32 $0x7A120, v46;
	[tilespmem:$0x50] =	vst v51  }
0xad: {  	v53 =	vadd.s32 $0x7A120, v48;
	[tilespmem:$0x60] =	vst v52  }
0xae: {  	[tilespmem:$0x70] =	vst v53  }
0xaf: {  	[tilespmem:s31], [sflag:$0x1] =	stream.indirect.gather [hbm4b:s4+s31], $0x20, s2, s31, $0xb8;
	[tilespmem:$0x1080] =	vst v63  }
0xb0: {  	_ =	swait.ge [sflag:s1], $0x1000  }
0xb1: {  	[sflag:s1] =	ssyncset.done $0x0  }
0xb2: {  	s0 =	rddreg [dreg:$0xd];
	[sflag:s1] =	ssyncadd.s32 $0xFFFFF000  }
0xb3: {  	[hbm4b:s0+s2] =	stream.linear.scatter [tilespmem:s31], [sflag:$0x2], $0x1000, $0x38;
	[tilespmem:$0x1080] =	vst v63  }
0xb4: {  	_ =	swait.ge [sflag:s30], $0x1000  }
0xb5: {  	[sflag:s30] =	ssyncset.done $0x0  }
0xb6: {  	s0 =	rddreg [dreg:$0xe];
	[sflag:s30] =	ssyncadd.s32 $0xFFFFF000  }
0xb7: {  	[tilespmem:s2], [sflag:$0x2] =	stream.linear.gather [hbm4b:s0+s2], $0x80, $0x38;
	[tilespmem:$0x1080] =	vst v63  }
0xb8: {  	_ =	swait.ge [sflag:s30], $0x80  }
0xb9: {  	[sflag:s30] =	ssyncset.done $0x0  }
0xba: {  	[sflag:s30] =	ssyncadd.s32 $0xFFFFFF80  }
0xbb: {  	v54 =	vld [tilespmem:$0x0]  }
0xbc: {  	v55 =	vld [tilespmem:$0x10]  }
0xbd: {  	v56 =	vld [tilespmem:$0x20]  }
0xbe: {  	v57 =	vld [tilespmem:$0x30]  }
0xbf: {  	v58 =	vld [tilespmem:$0x40]  }
0xc0: {  	v59 =	vld [tilespmem:$0x50];
	v0 =	vadd.s32 $0x927C0, v54  }
0xc1: {  	v61 =	vld [tilespmem:$0x60];
	v60 =	vadd.s32 $0x927C0, v55;
	[tilespmem:$0x0] =	vst v0  }
0xc2: {  	v62 =	vadd.s32 $0x927C0, v56;
	[tilespmem:$0x10] =	vst v60  }
0xc3: {  	v63 =	vadd.s32 $0x927C0, v57;
	[tilespmem:$0x20] =	vst v62  }
0xc4: {  	v6 =	vadd.s32 $0x927C0, v58;
	[tilespmem:$0x30] =	vst v63  }
0xc5: {  	v7 =	vadd.s32 $0x927C0, v59;
	[tilespmem:$0x40] =	vst v6  }
0xc6: {  	v8 =	vadd.s32 $0x927C0, v61;
	[tilespmem:$0x50] =	vst v7  }
0xc7: {  	[tilespmem:$0x60] =	vst v8  }
0xc8: {  	v0 =	vld [tilespmem:$0x70];
	_ =	sdelay $0x4  }
0xc9: {  	v0 =	vadd.s32 $0x927C0, v0  }
0xca: {  	[tilespmem:$0x70] =	vst v0  }
0xcb: {  	[tilespmem:s31], [sflag:$0x1] =	stream.indirect.gather [hbm4b:s4+s31], $0x20, s2, s31, $0xb8;
	[tilespmem:$0x1080] =	vst v63  }
0xcc: {  	_ =	swait.ge [sflag:s1], $0x1000  }
0xcd: {  	[sflag:s1] =	ssyncset.done $0x0  }
0xce: {  	s0 =	rddreg [dreg:$0xf];
	[sflag:s1] =	ssyncadd.s32 $0xFFFFF000  }
0xcf: {  	[hbm4b:s0+s2] =	stream.linear.scatter [tilespmem:s31], [sflag:$0x2], $0x1000, $0x38;
	[tilespmem:$0x1080] =	vst v63  }
0xd0: {  	_ =	swait.ge [sflag:s30], $0x1000  }
0xd1: {  	[sflag:s30] =	ssyncset.done $0x0  }
0xd2: {  	s0 =	rddreg [dreg:$0x10];
	[sflag:s30] =	ssyncadd.s32 $0xFFFFF000  }
0xd3: {  	[tilespmem:s2], [sflag:$0x2] =	stream.linear.gather [hbm4b:s0+s2], $0x80, $0x38;
	[tilespmem:$0x1080] =	vst v63  }
0xd4: {  	_ =	swait.ge [sflag:s30], $0x80  }
0xd5: {  	[sflag:s30] =	ssyncset.done $0x0  }
0xd6: {  	[sflag:s30] =	ssyncadd.s32 $0xFFFFFF80  }
0xd7: {  	v9 =	vld [tilespmem:$0x0]  }
0xd8: {  	v10 =	vld [tilespmem:$0x10]  }
0xd9: {  	v11 =	vld [tilespmem:$0x20]  }
0xda: {  	v12 =	vld [tilespmem:$0x30]  }
0xdb: {  	v13 =	vld [tilespmem:$0x40]  }
0xdc: {  	v14 =	vld [tilespmem:$0x50];
	v0 =	vadd.s32 $0xAAE60, v9  }
0xdd: {  	v16 =	vld [tilespmem:$0x60];
	v15 =	vadd.s32 $0xAAE60, v10;
	[tilespmem:$0x0] =	vst v0  }
0xde: {  	v18 =	vld [tilespmem:$0x70];
	v17 =	vadd.s32 $0xAAE60, v11;
	[tilespmem:$0x10] =	vst v15  }
0xdf: {  	v19 =	vadd.s32 $0xAAE60, v12;
	[tilespmem:$0x20] =	vst v17  }
0xe0: {  	v20 =	vadd.s32 $0xAAE60, v13;
	[tilespmem:$0x30] =	vst v19  }
0xe1: {  	v21 =	vadd.s32 $0xAAE60, v14;
	[tilespmem:$0x40] =	vst v20  }
0xe2: {  	v22 =	vadd.s32 $0xAAE60, v16;
	[tilespmem:$0x50] =	vst v21  }
0xe3: {  	v23 =	vadd.s32 $0xAAE60, v18;
	[tilespmem:$0x60] =	vst v22  }
0xe4: {  	[tilespmem:$0x70] =	vst v23  }
0xe5: {  	[tilespmem:s31], [sflag:$0x1] =	stream.indirect.gather [hbm4b:s4+s31], $0x20, s2, s31, $0xb8;
	[tilespmem:$0x1080] =	vst v63  }
0xe6: {  	_ =	swait.ge [sflag:s1], $0x1000  }
0xe7: {  	[sflag:s1] =	ssyncset.done $0x0  }
0xe8: {  	s0 =	rddreg [dreg:$0x11];
	[sflag:s1] =	ssyncadd.s32 $0xFFFFF000  }
0xe9: {  	[hbm4b:s0+s2] =	stream.linear.scatter [tilespmem:s31], [sflag:$0x2], $0x1000, $0x38;
	[tilespmem:$0x1080] =	vst v63  }
0xea: {  	_ =	swait.ge [sflag:s30], $0x1000  }
0xeb: {  	[sflag:s30] =	ssyncset.done $0x0  }
0xec: {  	s0 =	rddreg [dreg:$0x12];
	[sflag:s30] =	ssyncadd.s32 $0xFFFFF000  }
0xed: {  	[tilespmem:s2], [sflag:$0x2] =	stream.linear.gather [hbm4b:s0+s2], $0x80, $0x38;
	[tilespmem:$0x1080] =	vst v63  }
0xee: {  	_ =	swait.ge [sflag:s30], $0x80  }
0xef: {  	[sflag:s30] =	ssyncset.done $0x0  }
0xf0: {  	[sflag:s30] =	ssyncadd.s32 $0xFFFFFF80  }
0xf1: {  	v24 =	vld [tilespmem:$0x0]  }
0xf2: {  	v25 =	vld [tilespmem:$0x10]  }
0xf3: {  	v26 =	vld [tilespmem:$0x20]  }
0xf4: {  	v27 =	vld [tilespmem:$0x30]  }
0xf5: {  	v28 =	vld [tilespmem:$0x40]  }
0xf6: {  	v29 =	vld [tilespmem:$0x50];
	v0 =	vadd.s32 $0xC3500, v24  }
0xf7: {  	v31 =	vld [tilespmem:$0x60];
	v30 =	vadd.s32 $0xC3500, v25;
	[tilespmem:$0x0] =	vst v0  }
0xf8: {  	v33 =	vld [tilespmem:$0x70];
	v32 =	vadd.s32 $0xC3500, v26;
	[tilespmem:$0x10] =	vst v30  }
0xf9: {  	v34 =	vadd.s32 $0xC3500, v27;
	[tilespmem:$0x20] =	vst v32  }
0xfa: {  	v35 =	vadd.s32 $0xC3500, v28;
	[tilespmem:$0x30] =	vst v34  }
0xfb: {  	v36 =	vadd.s32 $0xC3500, v29;
	[tilespmem:$0x40] =	vst v35  }
0xfc: {  	v37 =	vadd.s32 $0xC3500, v31;
	[tilespmem:$0x50] =	vst v36  }
0xfd: {  	v38 =	vadd.s32 $0xC3500, v33;
	[tilespmem:$0x60] =	vst v37  }
0xfe: {  	[tilespmem:$0x70] =	vst v38  }
0xff: {  	[tilespmem:s31], [sflag:$0x1] =	stream.indirect.gather [hbm4b:s4+s31], $0x20, s2, s31, $0xb8;
	[tilespmem:$0x1080] =	vst v63  }
0x100: {  	_ =	swait.ge [sflag:s1], $0x1000  }
0x101: {  	[sflag:s1] =	ssyncset.done $0x0  }
0x102: {  	s0 =	rddreg [dreg:$0x13];
	[sflag:s1] =	ssyncadd.s32 $0xFFFFF000  }
0x103: {  	[hbm4b:s0+s2] =	stream.linear.scatter [tilespmem:s31], [sflag:$0x2], $0x1000, $0x38;
	[tilespmem:$0x1080] =	vst v63  }
0x104: {  	_ =	swait.ge [sflag:s30], $0x1000  }
0x105: {  	[sflag:s30] =	ssyncset.done $0x0  }
0x106: {  	s0 =	rddreg [dreg:$0x14];
	[sflag:s30] =	ssyncadd.s32 $0xFFFFF000  }
0x107: {  	[tilespmem:s2], [sflag:$0x2] =	stream.linear.gather [hbm4b:s0+s2], $0x80, $0x38;
	[tilespmem:$0x1080] =	vst v63  }
0x108: {  	_ =	swait.ge [sflag:s30], $0x80  }
0x109: {  	[sflag:s30] =	ssyncset.done $0x0  }
0x10a: {  	[sflag:s30] =	ssyncadd.s32 $0xFFFFFF80  }
0x10b: {  	v39 =	vld [tilespmem:$0x0]  }
0x10c: {  	v40 =	vld [tilespmem:$0x10]  }
0x10d: {  	v41 =	vld [tilespmem:$0x20]  }
0x10e: {  	v42 =	vld [tilespmem:$0x30]  }
0x10f: {  	v43 =	vld [tilespmem:$0x40]  }
0x110: {  	v44 =	vld [tilespmem:$0x50];
	v0 =	vadd.s32 $0xDBBA0, v39  }
0x111: {  	v46 =	vld [tilespmem:$0x60];
	v45 =	vadd.s32 $0xDBBA0, v40;
	[tilespmem:$0x0] =	vst v0  }
0x112: {  	v48 =	vld [tilespmem:$0x70];
	v47 =	vadd.s32 $0xDBBA0, v41;
	[tilespmem:$0x10] =	vst v45  }
0x113: {  	v49 =	vadd.s32 $0xDBBA0, v42;
	[tilespmem:$0x20] =	vst v47  }
0x114: {  	v50 =	vadd.s32 $0xDBBA0, v43;
	[tilespmem:$0x30] =	vst v49  }
0x115: {  	v51 =	vadd.s32 $0xDBBA0, v44;
	[tilespmem:$0x40] =	vst v50  }
0x116: {  	v52 =	vadd.s32 $0xDBBA0, v46;
	[tilespmem:$0x50] =	vst v51  }
0x117: {  	v53 =	vadd.s32 $0xDBBA0, v48;
	[tilespmem:$0x60] =	vst v52  }
0x118: {  	[tilespmem:$0x70] =	vst v53  }
0x119: {  	[tilespmem:s31], [sflag:$0x1] =	stream.indirect.gather [hbm4b:s4+s31], $0x20, s2, s31, $0xb8;
	[tilespmem:$0x1080] =	vst v63  }
0x11a: {  	_ =	swait.ge [sflag:s1], $0x1000  }
0x11b: {  	[sflag:s1] =	ssyncset.done $0x0  }
0x11c: {  	s0 =	rddreg [dreg:$0x15];
	[sflag:s1] =	ssyncadd.s32 $0xFFFFF000  }
0x11d: {  	[hbm4b:s0+s2] =	stream.linear.scatter [tilespmem:s31], [sflag:$0x2], $0x1000, $0x38;
	[tilespmem:$0x1080] =	vst v63  }
0x11e: {  	_ =	swait.ge [sflag:s30], $0x1000  }
0x11f: {  	[sflag:s30] =	ssyncset.done $0x0  }
0x120: {  	s0 =	rddreg [dreg:$0x16];
	[sflag:s30] =	ssyncadd.s32 $0xFFFFF000  }
0x121: {  	[tilespmem:s2], [sflag:$0x2] =	stream.linear.gather [hbm4b:s0+s2], $0x80, $0x38;
	[tilespmem:$0x1080] =	vst v63  }
0x122: {  	_ =	swait.ge [sflag:s30], $0x80  }
0x123: {  	[sflag:s30] =	ssyncset.done $0x0  }
0x124: {  	[sflag:s30] =	ssyncadd.s32 $0xFFFFFF80  }
0x125: {  	v54 =	vld [tilespmem:$0x0]  }
0x126: {  	v55 =	vld [tilespmem:$0x10]  }
0x127: {  	v56 =	vld [tilespmem:$0x20]  }
0x128: {  	v57 =	vld [tilespmem:$0x30]  }
0x129: {  	v58 =	vld [tilespmem:$0x40]  }
0x12a: {  	v59 =	vld [tilespmem:$0x50];
	v0 =	vadd.s32 $0xF4240, v54  }
0x12b: {  	v61 =	vld [tilespmem:$0x60];
	v60 =	vadd.s32 $0xF4240, v55;
	[tilespmem:$0x0] =	vst v0  }
0x12c: {  	v63 =	vld [tilespmem:$0x70];
	v62 =	vadd.s32 $0xF4240, v56;
	[tilespmem:$0x10] =	vst v60  }
0x12d: {  	v6 =	vadd.s32 $0xF4240, v57;
	[tilespmem:$0x20] =	vst v62  }
0x12e: {  	v7 =	vadd.s32 $0xF4240, v58;
	[tilespmem:$0x30] =	vst v6  }
0x12f: {  	v8 =	vadd.s32 $0xF4240, v59;
	[tilespmem:$0x40] =	vst v7  }
0x130: {  	v9 =	vadd.s32 $0xF4240, v61;
	[tilespmem:$0x50] =	vst v8  }
0x131: {  	v10 =	vadd.s32 $0xF4240, v63;
	[tilespmem:$0x60] =	vst v9  }
0x132: {  	[tilespmem:$0x70] =	vst v10  }
0x133: {  	[tilespmem:s31], [sflag:$0x1] =	stream.indirect.gather [hbm4b:s4+s31], $0x20, s2, s31, $0xb8;
	[tilespmem:$0x1080] =	vst v63  }
0x134: {  	_ =	swait.ge [sflag:s1], $0x1000  }
0x135: {  	[sflag:s1] =	ssyncset.done $0x0  }
0x136: {  	s0 =	rddreg [dreg:$0x17];
	[sflag:s1] =	ssyncadd.s32 $0xFFFFF000  }
0x137: {  	[hbm4b:s0+s2] =	stream.linear.scatter [tilespmem:s31], [sflag:$0x2], $0x1000, $0x38;
	[tilespmem:$0x1080] =	vst v63  }
0x138: {  	_ =	swait.ge [sflag:s30], $0x1000  }
0x139: {  	[sflag:s30] =	ssyncset.done $0x0  }
0x13a: {  	s0 =	rddreg [dreg:$0x18];
	[sflag:s30] =	ssyncadd.s32 $0xFFFFF000  }
0x13b: {  	[tilespmem:s2], [sflag:$0x2] =	stream.linear.gather [hbm4b:s0+s2], $0x80, $0x38;
	[tilespmem:$0x1080] =	vst v63  }
0x13c: {  	_ =	swait.ge [sflag:s30], $0x80  }
0x13d: {  	[sflag:s30] =	ssyncset.done $0x0  }
0x13e: {  	[sflag:s30] =	ssyncadd.s32 $0xFFFFFF80  }
0x13f: {  	v11 =	vld [tilespmem:$0x0]  }
0x140: {  	v12 =	vld [tilespmem:$0x10]  }
0x141: {  	v13 =	vld [tilespmem:$0x20]  }
0x142: {  	v14 =	vld [tilespmem:$0x30]  }
0x143: {  	v15 =	vld [tilespmem:$0x40]  }
0x144: {  	v16 =	vld [tilespmem:$0x50];
	v0 =	vadd.s32 $0x10C8E0, v11  }
0x145: {  	v18 =	vld [tilespmem:$0x60];
	v17 =	vadd.s32 $0x10C8E0, v12;
	[tilespmem:$0x0] =	vst v0  }
0x146: {  	v20 =	vld [tilespmem:$0x70];
	v19 =	vadd.s32 $0x10C8E0, v13;
	[tilespmem:$0x10] =	vst v17  }
0x147: {  	v21 =	vadd.s32 $0x10C8E0, v14;
	[tilespmem:$0x20] =	vst v19  }
0x148: {  	v22 =	vadd.s32 $0x10C8E0, v15;
	[tilespmem:$0x30] =	vst v21  }
0x149: {  	v23 =	vadd.s32 $0x10C8E0, v16;
	[tilespmem:$0x40] =	vst v22  }
0x14a: {  	v24 =	vadd.s32 $0x10C8E0, v18;
	[tilespmem:$0x50] =	vst v23  }
0x14b: {  	v25 =	vadd.s32 $0x10C8E0, v20;
	[tilespmem:$0x60] =	vst v24  }
0x14c: {  	[tilespmem:$0x70] =	vst v25  }
0x14d: {  	[tilespmem:s31], [sflag:$0x1] =	stream.indirect.gather [hbm4b:s4+s31], $0x20, s2, s31, $0xb8;
	[tilespmem:$0x1080] =	vst v63  }
0x14e: {  	_ =	swait.ge [sflag:s1], $0x1000  }
0x14f: {  	[sflag:s1] =	ssyncset.done $0x0  }
0x150: {  	s0 =	rddreg [dreg:$0x19];
	[sflag:s1] =	ssyncadd.s32 $0xFFFFF000  }
0x151: {  	[hbm4b:s0+s2] =	stream.linear.scatter [tilespmem:s31], [sflag:$0x2], $0x1000, $0x38;
	[tilespmem:$0x1080] =	vst v63  }
0x152: {  	_ =	swait.ge [sflag:s30], $0x1000  }
0x153: {  	[sflag:s30] =	ssyncset.done $0x0  }
0x154: {  	s0 =	rddreg [dreg:$0x1a];
	[sflag:s30] =	ssyncadd.s32 $0xFFFFF000  }
0x155: {  	[tilespmem:s2], [sflag:$0x2] =	stream.linear.gather [hbm4b:s0+s2], $0x80, $0x38;
	[tilespmem:$0x1080] =	vst v63  }
0x156: {  	_ =	swait.ge [sflag:s30], $0x80  }
0x157: {  	[sflag:s30] =	ssyncset.done $0x0  }
0x158: {  	[sflag:s30] =	ssyncadd.s32 $0xFFFFFF80  }
0x159: {  	v26 =	vld [tilespmem:$0x0]  }
0x15a: {  	v27 =	vld [tilespmem:$0x10]  }
0x15b: {  	v28 =	vld [tilespmem:$0x20]  }
0x15c: {  	v29 =	vld [tilespmem:$0x30]  }
0x15d: {  	v30 =	vld [tilespmem:$0x40]  }
0x15e: {  	v31 =	vld [tilespmem:$0x50];
	v0 =	vadd.s32 $0x124F80, v26  }
0x15f: {  	v33 =	vld [tilespmem:$0x60];
	v32 =	vadd.s32 $0x124F80, v27;
	[tilespmem:$0x0] =	vst v0  }
0x160: {  	v35 =	vld [tilespmem:$0x70];
	v34 =	vadd.s32 $0x124F80, v28;
	[tilespmem:$0x10] =	vst v32  }
0x161: {  	v36 =	vadd.s32 $0x124F80, v29;
	[tilespmem:$0x20] =	vst v34  }
0x162: {  	v37 =	vadd.s32 $0x124F80, v30;
	[tilespmem:$0x30] =	vst v36  }
0x163: {  	v38 =	vadd.s32 $0x124F80, v31;
	[tilespmem:$0x40] =	vst v37  }
0x164: {  	v39 =	vadd.s32 $0x124F80, v33;
	[tilespmem:$0x50] =	vst v38  }
0x165: {  	v40 =	vadd.s32 $0x124F80, v35;
	[tilespmem:$0x60] =	vst v39  }
0x166: {  	[tilespmem:$0x70] =	vst v40  }
0x167: {  	[tilespmem:s31], [sflag:$0x1] =	stream.indirect.gather [hbm4b:s4+s31], $0x20, s2, s31, $0xb8;
	[tilespmem:$0x1080] =	vst v63  }
0x168: {  	_ =	swait.ge [sflag:s1], $0x1000  }
0x169: {  	[sflag:s1] =	ssyncset.done $0x0  }
0x16a: {  	s0 =	rddreg [dreg:$0x1b];
	[sflag:s1] =	ssyncadd.s32 $0xFFFFF000  }
0x16b: {  	[hbm4b:s0+s2] =	stream.linear.scatter [tilespmem:s31], [sflag:$0x2], $0x1000, $0x38;
	[tilespmem:$0x1080] =	vst v63  }
0x16c: {  	_ =	swait.ge [sflag:s30], $0x1000  }
0x16d: {  	[sflag:s30] =	ssyncset.done $0x0  }
0x16e: {  	s0 =	rddreg [dreg:$0x1c];
	[sflag:s30] =	ssyncadd.s32 $0xFFFFF000  }
0x16f: {  	[tilespmem:s2], [sflag:$0x2] =	stream.linear.gather [hbm4b:s0+s2], $0x80, $0x38;
	[tilespmem:$0x1080] =	vst v63  }
0x170: {  	_ =	swait.ge [sflag:s30], $0x80  }
0x171: {  	[sflag:s30] =	ssyncset.done $0x0  }
0x172: {  	[sflag:s30] =	ssyncadd.s32 $0xFFFFFF80  }
0x173: {  	v41 =	vld [tilespmem:$0x0]  }
0x174: {  	v42 =	vld [tilespmem:$0x10]  }
0x175: {  	v43 =	vld [tilespmem:$0x20]  }
0x176: {  	v44 =	vld [tilespmem:$0x30]  }
0x177: {  	v45 =	vld [tilespmem:$0x40]  }
0x178: {  	v46 =	vld [tilespmem:$0x50];
	v0 =	vadd.s32 $0x13D620, v41  }
0x179: {  	v48 =	vld [tilespmem:$0x60];
	v47 =	vadd.s32 $0x13D620, v42;
	[tilespmem:$0x0] =	vst v0  }
0x17a: {  	v50 =	vld [tilespmem:$0x70];
	v49 =	vadd.s32 $0x13D620, v43;
	[tilespmem:$0x10] =	vst v47  }
0x17b: {  	v51 =	vadd.s32 $0x13D620, v44;
	[tilespmem:$0x20] =	vst v49  }
0x17c: {  	v52 =	vadd.s32 $0x13D620, v45;
	[tilespmem:$0x30] =	vst v51  }
0x17d: {  	v53 =	vadd.s32 $0x13D620, v46;
	[tilespmem:$0x40] =	vst v52  }
0x17e: {  	v54 =	vadd.s32 $0x13D620, v48;
	[tilespmem:$0x50] =	vst v53  }
0x17f: {  	v55 =	vadd.s32 $0x13D620, v50;
	[tilespmem:$0x60] =	vst v54  }
0x180: {  	[tilespmem:$0x70] =	vst v55  }
0x181: {  	[tilespmem:s31], [sflag:$0x1] =	stream.indirect.gather [hbm4b:s4+s31], $0x20, s2, s31, $0xb8;
	[tilespmem:$0x1080] =	vst v63  }
0x182: {  	_ =	swait.ge [sflag:s1], $0x1000  }
0x183: {  	[sflag:s1] =	ssyncset.done $0x0  }
0x184: {  	s0 =	rddreg [dreg:$0x1d];
	[sflag:s1] =	ssyncadd.s32 $0xFFFFF000  }
0x185: {  	[hbm4b:s0+s2] =	stream.linear.scatter [tilespmem:s31], [sflag:$0x2], $0x1000, $0x38;
	[tilespmem:$0x1080] =	vst v63  }
0x186: {  	_ =	swait.ge [sflag:s30], $0x1000  }
0x187: {  	[sflag:s30] =	ssyncset.done $0x0  }
0x188: {  	s0 =	rddreg [dreg:$0x1e];
	[sflag:s30] =	ssyncadd.s32 $0xFFFFF000  }
0x189: {  	[tilespmem:s2], [sflag:$0x2] =	stream.linear.gather [hbm4b:s0+s2], $0x80, $0x38;
	[tilespmem:$0x1080] =	vst v63  }
0x18a: {  	_ =	swait.ge [sflag:s30], $0x80  }
0x18b: {  	[sflag:s30] =	ssyncset.done $0x0  }
0x18c: {  	[sflag:s30] =	ssyncadd.s32 $0xFFFFFF80  }
0x18d: {  	v56 =	vld [tilespmem:$0x0]  }
0x18e: {  	v57 =	vld [tilespmem:$0x10]  }
0x18f: {  	v58 =	vld [tilespmem:$0x20]  }
0x190: {  	v59 =	vld [tilespmem:$0x30]  }
0x191: {  	v60 =	vld [tilespmem:$0x40]  }
0x192: {  	v61 =	vld [tilespmem:$0x50];
	v0 =	vadd.s32 $0x155CC0, v56  }
0x193: {  	v63 =	vld [tilespmem:$0x60];
	v62 =	vadd.s32 $0x155CC0, v57;
	[tilespmem:$0x0] =	vst v0  }
0x194: {  	v7 =	vld [tilespmem:$0x70];
	v6 =	vadd.s32 $0x155CC0, v58;
	[tilespmem:$0x10] =	vst v62  }
0x195: {  	v8 =	vadd.s32 $0x155CC0, v59;
	[tilespmem:$0x20] =	vst v6  }
0x196: {  	v9 =	vadd.s32 $0x155CC0, v60;
	[tilespmem:$0x30] =	vst v8  }
0x197: {  	v10 =	vadd.s32 $0x155CC0, v61;
	[tilespmem:$0x40] =	vst v9  }
0x198: {  	v11 =	vadd.s32 $0x155CC0, v63;
	[tilespmem:$0x50] =	vst v10  }
0x199: {  	v12 =	vadd.s32 $0x155CC0, v7;
	[tilespmem:$0x60] =	vst v11  }
0x19a: {  	[tilespmem:$0x70] =	vst v12  }
0x19b: {  	[tilespmem:s31], [sflag:$0x1] =	stream.indirect.gather [hbm4b:s4+s31], $0x20, s2, s31, $0xb8;
	[tilespmem:$0x1080] =	vst v63  }
0x19c: {  	_ =	swait.ge [sflag:s1], $0x1000  }
0x19d: {  	[sflag:s1] =	ssyncset.done $0x0  }
0x19e: {  	[sflag:s1] =	ssyncadd.s32 $0xFFFFF000  }
0x19f: {  	[hbm4b:s5+s2] =	stream.linear.scatter [tilespmem:s31], [sflag:$0x2], $0x1000, $0x38;
	[tilespmem:$0x1080] =	vst v63  }
0x1a0: {  	_ =	swait.ge [sflag:s30], $0x1000  }
0x1a1: {  	[sflag:s30] =	ssyncset.done $0x0  }
0x1a2: {  	[sflag:s30] =	ssyncadd.s32 $0xFFFFF000  }
0x1a3: {  	[tilespmem:s2], [sflag:$0x2] =	stream.linear.gather [hbm4b:s6+s2], $0x80, $0x38;
	[tilespmem:$0x1080] =	vst v63  }
0x1a4: {  	_ =	swait.ge [sflag:s30], $0x80  }
0x1a5: {  	[sflag:s30] =	ssyncset.done $0x0  }
0x1a6: {  	[sflag:s30] =	ssyncadd.s32 $0xFFFFFF80  }
0x1a7: {  	v13 =	vld [tilespmem:$0x0]  }
0x1a8: {  	v14 =	vld [tilespmem:$0x10]  }
0x1a9: {  	v15 =	vld [tilespmem:$0x20]  }
0x1aa: {  	v16 =	vld [tilespmem:$0x30]  }
0x1ab: {  	v17 =	vld [tilespmem:$0x40]  }
0x1ac: {  	v18 =	vld [tilespmem:$0x50];
	v0 =	vadd.s32 $0x16E360, v13  }
0x1ad: {  	v20 =	vld [tilespmem:$0x60];
	v19 =	vadd.s32 $0x16E360, v14;
	[tilespmem:$0x0] =	vst v0  }
0x1ae: {  	v22 =	vld [tilespmem:$0x70];
	v21 =	vadd.s32 $0x16E360, v15;
	[tilespmem:$0x10] =	vst v19  }
0x1af: {  	v23 =	vadd.s32 $0x16E360, v16;
	[tilespmem:$0x20] =	vst v21  }
0x1b0: {  	v24 =	vadd.s32 $0x16E360, v17;
	[tilespmem:$0x30] =	vst v23  }
0x1b1: {  	v25 =	vadd.s32 $0x16E360, v18;
	[tilespmem:$0x40] =	vst v24  }
0x1b2: {  	v26 =	vadd.s32 $0x16E360, v20;
	[tilespmem:$0x50] =	vst v25  }
0x1b3: {  	v27 =	vadd.s32 $0x16E360, v22;
	[tilespmem:$0x60] =	vst v26  }
0x1b4: {  	[tilespmem:$0x70] =	vst v27  }
0x1b5: {  	[tilespmem:s31], [sflag:$0x1] =	stream.indirect.gather [hbm4b:s4+s31], $0x20, s2, s31, $0xb8;
	[tilespmem:$0x1080] =	vst v63  }
0x1b6: {  	_ =	swait.ge [sflag:s1], $0x1000  }
0x1b7: {  	[sflag:s1] =	ssyncset.done $0x0  }
0x1b8: {  	[sflag:s1] =	ssyncadd.s32 $0xFFFFF000  }
0x1b9: {  	[hbm4b:s7+s2] =	stream.linear.scatter [tilespmem:s31], [sflag:$0x2], $0x1000, $0x38;
	[tilespmem:$0x1080] =	vst v63  }
0x1ba: {  	_ =	swait.ge [sflag:s30], $0x1000  }
0x1bb: {  	[sflag:s30] =	ssyncset.done $0x0  }
0x1bc: {  	[sflag:s30] =	ssyncadd.s32 $0xFFFFF000  }
0x1bd: {  	[tilespmem:s2], [sflag:$0x2] =	stream.linear.gather [hbm4b:s8+s2], $0x80, $0x38;
	[tilespmem:$0x1080] =	vst v63  }
0x1be: {  	_ =	swait.ge [sflag:s30], $0x80  }
0x1bf: {  	[sflag:s30] =	ssyncset.done $0x0  }
0x1c0: {  	[sflag:s30] =	ssyncadd.s32 $0xFFFFFF80  }
0x1c1: {  	v28 =	vld [tilespmem:$0x0]  }
0x1c2: {  	v29 =	vld [tilespmem:$0x10]  }
0x1c3: {  	v30 =	vld [tilespmem:$0x20]  }
0x1c4: {  	v31 =	vld [tilespmem:$0x30]  }
0x1c5: {  	v32 =	vld [tilespmem:$0x40]  }
0x1c6: {  	v33 =	vld [tilespmem:$0x50];
	v0 =	vadd.s32 $0x186A00, v28  }
0x1c7: {  	v35 =	vld [tilespmem:$0x60];
	v34 =	vadd.s32 $0x186A00, v29;
	[tilespmem:$0x0] =	vst v0  }
0x1c8: {  	v37 =	vld [tilespmem:$0x70];
	v36 =	vadd.s32 $0x186A00, v30;
	[tilespmem:$0x10] =	vst v34  }
0x1c9: {  	v38 =	vadd.s32 $0x186A00, v31;
	[tilespmem:$0x20] =	vst v36  }
0x1ca: {  	v39 =	vadd.s32 $0x186A00, v32;
	[tilespmem:$0x30] =	vst v38  }
0x1cb: {  	v40 =	vadd.s32 $0x186A00, v33;
	[tilespmem:$0x40] =	vst v39  }
0x1cc: {  	v41 =	vadd.s32 $0x186A00, v35;
	[tilespmem:$0x50] =	vst v40  }
0x1cd: {  	v42 =	vadd.s32 $0x186A00, v37;
	[tilespmem:$0x60] =	vst v41  }
0x1ce: {  	[tilespmem:$0x70] =	vst v42  }
0x1cf: {  	[tilespmem:s31], [sflag:$0x1] =	stream.indirect.gather [hbm4b:s4+s31], $0x20, s2, s31, $0xb8;
	[tilespmem:$0x1080] =	vst v63  }
0x1d0: {  	_ =	swait.ge [sflag:s1], $0x1000  }
0x1d1: {  	[sflag:s1] =	ssyncset.done $0x0  }
0x1d2: {  	[sflag:s1] =	ssyncadd.s32 $0xFFFFF000  }
0x1d3: {  	[hbm4b:s9+s2] =	stream.linear.scatter [tilespmem:s31], [sflag:$0x2], $0x1000, $0x38;
	[tilespmem:$0x1080] =	vst v63  }
0x1d4: {  	_ =	swait.ge [sflag:s30], $0x1000  }
0x1d5: {  	[sflag:s30] =	ssyncset.done $0x0  }
0x1d6: {  	[sflag:s30] =	ssyncadd.s32 $0xFFFFF000  }
0x1d7: {  	[tilespmem:s2], [sflag:$0x2] =	stream.linear.gather [hbm4b:s10+s2], $0x80, $0x38;
	[tilespmem:$0x1080] =	vst v63  }
0x1d8: {  	_ =	swait.ge [sflag:s30], $0x80  }
0x1d9: {  	[sflag:s30] =	ssyncset.done $0x0  }
0x1da: {  	[sflag:s30] =	ssyncadd.s32 $0xFFFFFF80  }
0x1db: {  	v43 =	vld [tilespmem:$0x0]  }
0x1dc: {  	v44 =	vld [tilespmem:$0x10]  }
0x1dd: {  	v45 =	vld [tilespmem:$0x20]  }
0x1de: {  	v46 =	vld [tilespmem:$0x30]  }
0x1df: {  	v47 =	vld [tilespmem:$0x40]  }
0x1e0: {  	v48 =	vld [tilespmem:$0x50];
	v0 =	vadd.s32 $0x19F0A0, v43  }
0x1e1: {  	v50 =	vld [tilespmem:$0x60];
	v49 =	vadd.s32 $0x19F0A0, v44;
	[tilespmem:$0x0] =	vst v0  }
0x1e2: {  	v52 =	vld [tilespmem:$0x70];
	v51 =	vadd.s32 $0x19F0A0, v45;
	[tilespmem:$0x10] =	vst v49  }
0x1e3: {  	v53 =	vadd.s32 $0x19F0A0, v46;
	[tilespmem:$0x20] =	vst v51  }
0x1e4: {  	v54 =	vadd.s32 $0x19F0A0, v47;
	[tilespmem:$0x30] =	vst v53  }
0x1e5: {  	v55 =	vadd.s32 $0x19F0A0, v48;
	[tilespmem:$0x40] =	vst v54  }
0x1e6: {  	v56 =	vadd.s32 $0x19F0A0, v50;
	[tilespmem:$0x50] =	vst v55  }
0x1e7: {  	v57 =	vadd.s32 $0x19F0A0, v52;
	[tilespmem:$0x60] =	vst v56  }
0x1e8: {  	[tilespmem:$0x70] =	vst v57  }
0x1e9: {  	[tilespmem:s31], [sflag:$0x1] =	stream.indirect.gather [hbm4b:s4+s31], $0x20, s2, s31, $0xb8;
	[tilespmem:$0x1080] =	vst v63  }
0x1ea: {  	_ =	swait.ge [sflag:s1], $0x1000  }
0x1eb: {  	[sflag:s1] =	ssyncset.done $0x0  }
0x1ec: {  	[sflag:s1] =	ssyncadd.s32 $0xFFFFF000  }
0x1ed: {  	[hbm4b:s11+s2] =	stream.linear.scatter [tilespmem:s31], [sflag:$0x2], $0x1000, $0x38;
	[tilespmem:$0x1080] =	vst v63  }
0x1ee: {  	_ =	swait.ge [sflag:s30], $0x1000  }
0x1ef: {  	[sflag:s30] =	ssyncset.done $0x0  }
0x1f0: {  	[sflag:s30] =	ssyncadd.s32 $0xFFFFF000  }
0x1f1: {  	[tilespmem:s2], [sflag:$0x2] =	stream.linear.gather [hbm4b:s12+s2], $0x80, $0x38;
	[tilespmem:$0x1080] =	vst v63  }
0x1f2: {  	_ =	swait.ge [sflag:s30], $0x80  }
0x1f3: {  	[sflag:s30] =	ssyncset.done $0x0  }
0x1f4: {  	[sflag:s30] =	ssyncadd.s32 $0xFFFFFF80  }
0x1f5: {  	v58 =	vld [tilespmem:$0x0]  }
0x1f6: {  	v59 =	vld [tilespmem:$0x10]  }
0x1f7: {  	v60 =	vld [tilespmem:$0x20]  }
0x1f8: {  	v61 =	vld [tilespmem:$0x30]  }
0x1f9: {  	v62 =	vld [tilespmem:$0x40]  }
0x1fa: {  	v63 =	vld [tilespmem:$0x50];
	v0 =	vadd.s32 $0x1B7740, v58  }
0x1fb: {  	v7 =	vld [tilespmem:$0x60];
	v6 =	vadd.s32 $0x1B7740, v59;
	[tilespmem:$0x0] =	vst v0  }
0x1fc: {  	v9 =	vld [tilespmem:$0x70];
	v8 =	vadd.s32 $0x1B7740, v60;
	[tilespmem:$0x10] =	vst v6  }
0x1fd: {  	v10 =	vadd.s32 $0x1B7740, v61;
	[tilespmem:$0x20] =	vst v8  }
0x1fe: {  	v11 =	vadd.s32 $0x1B7740, v62;
	[tilespmem:$0x30] =	vst v10  }
0x1ff: {  	v12 =	vadd.s32 $0x1B7740, v63;
	[tilespmem:$0x40] =	vst v11  }
0x200: {  	v13 =	vadd.s32 $0x1B7740, v7;
	[tilespmem:$0x50] =	vst v12  }
0x201: {  	v14 =	vadd.s32 $0x1B7740, v9;
	[tilespmem:$0x60] =	vst v13  }
0x202: {  	[tilespmem:$0x70] =	vst v14  }
0x203: {  	[tilespmem:s31], [sflag:$0x1] =	stream.indirect.gather [hbm4b:s4+s31], $0x20, s2, s31, $0xb8;
	[tilespmem:$0x1080] =	vst v63  }
0x204: {  	_ =	swait.ge [sflag:s1], $0x1000  }
0x205: {  	[sflag:s1] =	ssyncset.done $0x0  }
0x206: {  	[sflag:s1] =	ssyncadd.s32 $0xFFFFF000  }
0x207: {  	[hbm4b:s13+s2] =	stream.linear.scatter [tilespmem:s31], [sflag:$0x2], $0x1000, $0x38;
	[tilespmem:$0x1080] =	vst v63  }
0x208: {  	_ =	swait.ge [sflag:s30], $0x1000  }
0x209: {  	[sflag:s30] =	ssyncset.done $0x0  }
0x20a: {  	[sflag:s30] =	ssyncadd.s32 $0xFFFFF000  }
0x20b: {  	[tilespmem:s2], [sflag:$0x2] =	stream.linear.gather [hbm4b:s14+s2], $0x80, $0x38;
	[tilespmem:$0x1080] =	vst v63  }
0x20c: {  	_ =	swait.ge [sflag:s30], $0x80  }
0x20d: {  	[sflag:s30] =	ssyncset.done $0x0  }
0x20e: {  	[sflag:s30] =	ssyncadd.s32 $0xFFFFFF80  }
0x20f: {  	v15 =	vld [tilespmem:$0x0]  }
0x210: {  	v16 =	vld [tilespmem:$0x10]  }
0x211: {  	v17 =	vld [tilespmem:$0x20]  }
0x212: {  	v18 =	vld [tilespmem:$0x30]  }
0x213: {  	v19 =	vld [tilespmem:$0x40]  }
0x214: {  	v20 =	vld [tilespmem:$0x50];
	v0 =	vadd.s32 $0x1CFDE0, v15  }
0x215: {  	v22 =	vld [tilespmem:$0x60];
	v21 =	vadd.s32 $0x1CFDE0, v16;
	[tilespmem:$0x0] =	vst v0  }
0x216: {  	v24 =	vld [tilespmem:$0x70];
	v23 =	vadd.s32 $0x1CFDE0, v17;
	[tilespmem:$0x10] =	vst v21  }
0x217: {  	v25 =	vadd.s32 $0x1CFDE0, v18;
	[tilespmem:$0x20] =	vst v23  }
0x218: {  	v26 =	vadd.s32 $0x1CFDE0, v19;
	[tilespmem:$0x30] =	vst v25  }
0x219: {  	v27 =	vadd.s32 $0x1CFDE0, v20;
	[tilespmem:$0x40] =	vst v26  }
0x21a: {  	v28 =	vadd.s32 $0x1CFDE0, v22;
	[tilespmem:$0x50] =	vst v27  }
0x21b: {  	v29 =	vadd.s32 $0x1CFDE0, v24;
	[tilespmem:$0x60] =	vst v28  }
0x21c: {  	[tilespmem:$0x70] =	vst v29  }
0x21d: {  	[tilespmem:s31], [sflag:$0x1] =	stream.indirect.gather [hbm4b:s4+s31], $0x20, s2, s31, $0xb8;
	[tilespmem:$0x1080] =	vst v63  }
0x21e: {  	_ =	swait.ge [sflag:s1], $0x1000  }
0x21f: {  	[sflag:s1] =	ssyncset.done $0x0  }
0x220: {  	[sflag:s1] =	ssyncadd.s32 $0xFFFFF000  }
0x221: {  	[hbm4b:s15+s2] =	stream.linear.scatter [tilespmem:s31], [sflag:$0x2], $0x1000, $0x38;
	[tilespmem:$0x1080] =	vst v63  }
0x222: {  	_ =	swait.ge [sflag:s30], $0x1000  }
0x223: {  	[sflag:s30] =	ssyncset.done $0x0  }
0x224: {  	[sflag:s30] =	ssyncadd.s32 $0xFFFFF000  }
0x225: {  	[tilespmem:s2], [sflag:$0x2] =	stream.linear.gather [hbm4b:s16+s2], $0x80, $0x38;
	[tilespmem:$0x1080] =	vst v63  }
0x226: {  	_ =	swait.ge [sflag:s30], $0x80  }
0x227: {  	[sflag:s30] =	ssyncset.done $0x0  }
0x228: {  	[sflag:s30] =	ssyncadd.s32 $0xFFFFFF80  }
0x229: {  	v30 =	vld [tilespmem:$0x0]  }
0x22a: {  	v31 =	vld [tilespmem:$0x10]  }
0x22b: {  	v32 =	vld [tilespmem:$0x20]  }
0x22c: {  	v33 =	vld [tilespmem:$0x30]  }
0x22d: {  	v34 =	vld [tilespmem:$0x40]  }
0x22e: {  	v35 =	vld [tilespmem:$0x50];
	v0 =	vadd.s32 $0x1E8480, v30  }
0x22f: {  	v37 =	vld [tilespmem:$0x60];
	v36 =	vadd.s32 $0x1E8480, v31;
	[tilespmem:$0x0] =	vst v0  }
0x230: {  	v39 =	vld [tilespmem:$0x70];
	v38 =	vadd.s32 $0x1E8480, v32;
	[tilespmem:$0x10] =	vst v36  }
0x231: {  	v40 =	vadd.s32 $0x1E8480, v33;
	[tilespmem:$0x20] =	vst v38  }
0x232: {  	v41 =	vadd.s32 $0x1E8480, v34;
	[tilespmem:$0x30] =	vst v40  }
0x233: {  	v42 =	vadd.s32 $0x1E8480, v35;
	[tilespmem:$0x40] =	vst v41  }
0x234: {  	v43 =	vadd.s32 $0x1E8480, v37;
	[tilespmem:$0x50] =	vst v42  }
0x235: {  	v44 =	vadd.s32 $0x1E8480, v39;
	[tilespmem:$0x60] =	vst v43  }
0x236: {  	[tilespmem:$0x70] =	vst v44  }
0x237: {  	[tilespmem:s31], [sflag:$0x1] =	stream.indirect.gather [hbm4b:s4+s31], $0x20, s2, s31, $0xb8;
	[tilespmem:$0x1080] =	vst v63  }
0x238: {  	_ =	swait.ge [sflag:s1], $0x1000  }
0x239: {  	[sflag:s1] =	ssyncset.done $0x0  }
0x23a: {  	[sflag:s1] =	ssyncadd.s32 $0xFFFFF000  }
0x23b: {  	[hbm4b:s17+s2] =	stream.linear.scatter [tilespmem:s31], [sflag:$0x2], $0x1000, $0x38;
	[tilespmem:$0x1080] =	vst v63  }
0x23c: {  	_ =	swait.ge [sflag:s30], $0x1000  }
0x23d: {  	[sflag:s30] =	ssyncset.done $0x0  }
0x23e: {  	[sflag:s30] =	ssyncadd.s32 $0xFFFFF000  }
0x23f: {  	[tilespmem:s2], [sflag:$0x2] =	stream.linear.gather [hbm4b:s18+s2], $0x80, $0x38;
	[tilespmem:$0x1080] =	vst v63  }
0x240: {  	_ =	swait.ge [sflag:s30], $0x80  }
0x241: {  	[sflag:s30] =	ssyncset.done $0x0  }
0x242: {  	[sflag:s30] =	ssyncadd.s32 $0xFFFFFF80  }
0x243: {  	v45 =	vld [tilespmem:$0x0]  }
0x244: {  	v46 =	vld [tilespmem:$0x10]  }
0x245: {  	v47 =	vld [tilespmem:$0x20]  }
0x246: {  	v48 =	vld [tilespmem:$0x30]  }
0x247: {  	v49 =	vld [tilespmem:$0x40]  }
0x248: {  	v50 =	vld [tilespmem:$0x50];
	v0 =	vadd.s32 $0x200B20, v45  }
0x249: {  	v52 =	vld [tilespmem:$0x60];
	v51 =	vadd.s32 $0x200B20, v46;
	[tilespmem:$0x0] =	vst v0  }
0x24a: {  	v54 =	vld [tilespmem:$0x70];
	v53 =	vadd.s32 $0x200B20, v47;
	[tilespmem:$0x10] =	vst v51  }
0x24b: {  	v55 =	vadd.s32 $0x200B20, v48;
	[tilespmem:$0x20] =	vst v53  }
0x24c: {  	v56 =	vadd.s32 $0x200B20, v49;
	[tilespmem:$0x30] =	vst v55  }
0x24d: {  	v57 =	vadd.s32 $0x200B20, v50;
	[tilespmem:$0x40] =	vst v56  }
0x24e: {  	v58 =	vadd.s32 $0x200B20, v52;
	[tilespmem:$0x50] =	vst v57  }
0x24f: {  	v59 =	vadd.s32 $0x200B20, v54;
	[tilespmem:$0x60] =	vst v58  }
0x250: {  	[tilespmem:$0x70] =	vst v59  }
0x251: {  	[tilespmem:s31], [sflag:$0x1] =	stream.indirect.gather [hbm4b:s4+s31], $0x20, s2, s31, $0xb8;
	[tilespmem:$0x1080] =	vst v63  }
0x252: {  	_ =	swait.ge [sflag:s1], $0x1000  }
0x253: {  	[sflag:s1] =	ssyncset.done $0x0  }
0x254: {  	[sflag:s1] =	ssyncadd.s32 $0xFFFFF000  }
0x255: {  	[hbm4b:s19+s2] =	stream.linear.scatter [tilespmem:s31], [sflag:$0x2], $0x1000, $0x38;
	[tilespmem:$0x1080] =	vst v63  }
0x256: {  	_ =	swait.ge [sflag:s30], $0x1000  }
0x257: {  	[sflag:s30] =	ssyncset.done $0x0  }
0x258: {  	[sflag:s30] =	ssyncadd.s32 $0xFFFFF000  }
0x259: {  	[tilespmem:s2], [sflag:$0x2] =	stream.linear.gather [hbm4b:s20+s2], $0x80, $0x38;
	[tilespmem:$0x1080] =	vst v63  }
0x25a: {  	_ =	swait.ge [sflag:s30], $0x80  }
0x25b: {  	[sflag:s30] =	ssyncset.done $0x0  }
0x25c: {  	[sflag:s30] =	ssyncadd.s32 $0xFFFFFF80  }
0x25d: {  	v60 =	vld [tilespmem:$0x0]  }
0x25e: {  	v61 =	vld [tilespmem:$0x10]  }
0x25f: {  	v62 =	vld [tilespmem:$0x20]  }
0x260: {  	v63 =	vld [tilespmem:$0x30]  }
0x261: {  	v8 =	vld [tilespmem:$0x40]  }
0x262: {  	v9 =	vld [tilespmem:$0x50];
	v0 =	vadd.s32 $0x2191C0, v60  }
0x263: {  	v11 =	vld [tilespmem:$0x60];
	v10 =	vadd.s32 $0x2191C0, v61;
	[tilespmem:$0x0] =	vst v0  }
0x264: {  	v13 =	vld [tilespmem:$0x70];
	v12 =	vadd.s32 $0x2191C0, v62;
	[tilespmem:$0x10] =	vst v10  }
0x265: {  	v14 =	vadd.s32 $0x2191C0, v63;
	[tilespmem:$0x20] =	vst v12  }
0x266: {  	v15 =	vadd.s32 $0x2191C0, v8;
	[tilespmem:$0x30] =	vst v14  }
0x267: {  	v16 =	vadd.s32 $0x2191C0, v9;
	[tilespmem:$0x40] =	vst v15  }
0x268: {  	v17 =	vadd.s32 $0x2191C0, v11;
	[tilespmem:$0x50] =	vst v16  }
0x269: {  	v18 =	vadd.s32 $0x2191C0, v13;
	[tilespmem:$0x60] =	vst v17  }
0x26a: {  	[tilespmem:$0x70] =	vst v18  }
0x26b: {  	[tilespmem:s31], [sflag:$0x1] =	stream.indirect.gather [hbm4b:s4+s31], $0x20, s2, s31, $0xb8;
	[tilespmem:$0x1080] =	vst v63  }
0x26c: {  	_ =	swait.ge [sflag:s1], $0x1000  }
0x26d: {  	[sflag:s1] =	ssyncset.done $0x0  }
0x26e: {  	[sflag:s1] =	ssyncadd.s32 $0xFFFFF000  }
0x26f: {  	[hbm4b:s21+s2] =	stream.linear.scatter [tilespmem:s31], [sflag:$0x2], $0x1000, $0x38;
	[tilespmem:$0x1080] =	vst v63  }
0x270: {  	_ =	swait.ge [sflag:s30], $0x1000  }
0x271: {  	[sflag:s30] =	ssyncset.done $0x0  }
0x272: {  	[sflag:s30] =	ssyncadd.s32 $0xFFFFF000  }
0x273: {  	[tilespmem:s2], [sflag:$0x2] =	stream.linear.gather [hbm4b:s26+s2], $0x80, $0x38;
	[tilespmem:$0x1080] =	vst v63  }
0x274: {  	_ =	swait.ge [sflag:s30], $0x80  }
0x275: {  	[sflag:s30] =	ssyncset.done $0x0  }
0x276: {  	[sflag:s30] =	ssyncadd.s32 $0xFFFFFF80  }
0x277: {  	v19 =	vld [tilespmem:$0x0]  }
0x278: {  	v20 =	vld [tilespmem:$0x10]  }
0x279: {  	v21 =	vld [tilespmem:$0x20]  }
0x27a: {  	v22 =	vld [tilespmem:$0x30]  }
0x27b: {  	v23 =	vld [tilespmem:$0x40]  }
0x27c: {  	v24 =	vld [tilespmem:$0x50];
	v0 =	vadd.s32 $0x231860, v19  }
0x27d: {  	v26 =	vld [tilespmem:$0x60];
	v25 =	vadd.s32 $0x231860, v20;
	[tilespmem:$0x0] =	vst v0  }
0x27e: {  	v28 =	vld [tilespmem:$0x70];
	v27 =	vadd.s32 $0x231860, v21;
	[tilespmem:$0x10] =	vst v25  }
0x27f: {  	v29 =	vadd.s32 $0x231860, v22;
	[tilespmem:$0x20] =	vst v27  }
0x280: {  	v30 =	vadd.s32 $0x231860, v23;
	[tilespmem:$0x30] =	vst v29  }
0x281: {  	v31 =	vadd.s32 $0x231860, v24;
	[tilespmem:$0x40] =	vst v30  }
0x282: {  	v32 =	vadd.s32 $0x231860, v26;
	[tilespmem:$0x50] =	vst v31  }
0x283: {  	v33 =	vadd.s32 $0x231860, v28;
	[tilespmem:$0x60] =	vst v32  }
0x284: {  	[tilespmem:$0x70] =	vst v33  }
0x285: {  	[tilespmem:s31], [sflag:$0x1] =	stream.indirect.gather [hbm4b:s4+s31], $0x20, s2, s31, $0xb8;
	[tilespmem:$0x1080] =	vst v63  }
0x286: {  	_ =	swait.ge [sflag:s1], $0x1000  }
0x287: {  	[sflag:s1] =	ssyncset.done $0x0  }
0x288: {  	[sflag:s1] =	ssyncadd.s32 $0xFFFFF000  }
0x289: {  	[hbm4b:s22+s2] =	stream.linear.scatter [tilespmem:s31], [sflag:$0x2], $0x1000, $0x38;
	[tilespmem:$0x1080] =	vst v63  }
0x28a: {  	_ =	swait.ge [sflag:s30], $0x1000  }
0x28b: {  	[sflag:s30] =	ssyncset.done $0x0  }
0x28c: {  	[sflag:s30] =	ssyncadd.s32 $0xFFFFF000  }
0x28d: {  	[tilespmem:s2], [sflag:$0x2] =	stream.linear.gather [hbm4b:s28+s2], $0x80, $0x38;
	[tilespmem:$0x1080] =	vst v63  }
0x28e: {  	_ =	swait.ge [sflag:s30], $0x80  }
0x28f: {  	[sflag:s30] =	ssyncset.done $0x0  }
0x290: {  	[sflag:s30] =	ssyncadd.s32 $0xFFFFFF80  }
0x291: {  	v34 =	vld [tilespmem:$0x0]  }
0x292: {  	v35 =	vld [tilespmem:$0x10]  }
0x293: {  	v36 =	vld [tilespmem:$0x20]  }
0x294: {  	v37 =	vld [tilespmem:$0x30]  }
0x295: {  	v38 =	vld [tilespmem:$0x40]  }
0x296: {  	v39 =	vld [tilespmem:$0x50];
	v0 =	vadd.s32 $0x249F00, v34  }
0x297: {  	v41 =	vld [tilespmem:$0x60];
	v40 =	vadd.s32 $0x249F00, v35;
	[tilespmem:$0x0] =	vst v0  }
0x298: {  	v43 =	vld [tilespmem:$0x70];
	v42 =	vadd.s32 $0x249F00, v36;
	[tilespmem:$0x10] =	vst v40  }
0x299: {  	v44 =	vadd.s32 $0x249F00, v37;
	[tilespmem:$0x20] =	vst v42  }
0x29a: {  	v45 =	vadd.s32 $0x249F00, v38;
	[tilespmem:$0x30] =	vst v44  }
0x29b: {  	v46 =	vadd.s32 $0x249F00, v39;
	[tilespmem:$0x40] =	vst v45  }
0x29c: {  	v47 =	vadd.s32 $0x249F00, v41;
	[tilespmem:$0x50] =	vst v46  }
0x29d: {  	v48 =	vadd.s32 $0x249F00, v43;
	[tilespmem:$0x60] =	vst v47  }
0x29e: {  	[tilespmem:$0x70] =	vst v48  }
0x29f: {  	[tilespmem:s31], [sflag:$0x1] =	stream.indirect.gather [hbm4b:s4+s31], $0x20, s2, s31, $0xb8;
	[tilespmem:$0x1080] =	vst v63  }
0x2a0: {  	_ =	swait.ge [sflag:s1], $0x1000  }
0x2a1: {  	[sflag:s1] =	ssyncset.done $0x0  }
0x2a2: {  	[sflag:s1] =	ssyncadd.s32 $0xFFFFF000  }
0x2a3: {  	[hbm4b:s23+s2] =	stream.linear.scatter [tilespmem:s31], [sflag:$0x2], $0x1000, $0x38;
	[tilespmem:$0x1080] =	vst v63  }
0x2a4: {  	_ =	swait.ge [sflag:s30], $0x1000  }
0x2a5: {  	[sflag:s30] =	ssyncset.done $0x0  }
0x2a6: {  	[sflag:s30] =	ssyncadd.s32 $0xFFFFF000  }
0x2a7: {  	[tilespmem:s2], [sflag:$0x2] =	stream.linear.gather [hbm4b:s29+s2], $0x80, $0x38;
	[tilespmem:$0x1080] =	vst v63  }
0x2a8: {  	_ =	swait.ge [sflag:s30], $0x80  }
0x2a9: {  	[sflag:s30] =	ssyncset.done $0x0  }
0x2aa: {  	[sflag:s30] =	ssyncadd.s32 $0xFFFFFF80  }
0x2ab: {  	v49 =	vld [tilespmem:$0x0]  }
0x2ac: {  	v50 =	vld [tilespmem:$0x10]  }
0x2ad: {  	v51 =	vld [tilespmem:$0x20]  }
0x2ae: {  	v52 =	vld [tilespmem:$0x30]  }
0x2af: {  	v53 =	vld [tilespmem:$0x40]  }
0x2b0: {  	v54 =	vld [tilespmem:$0x50];
	v0 =	vadd.s32 $0x2625A0, v49  }
0x2b1: {  	v56 =	vld [tilespmem:$0x60];
	v55 =	vadd.s32 $0x2625A0, v50;
	[tilespmem:$0x0] =	vst v0  }
0x2b2: {  	v58 =	vld [tilespmem:$0x70];
	v57 =	vadd.s32 $0x2625A0, v51;
	[tilespmem:$0x10] =	vst v55  }
0x2b3: {  	v59 =	vadd.s32 $0x2625A0, v52;
	[tilespmem:$0x20] =	vst v57  }
0x2b4: {  	v60 =	vadd.s32 $0x2625A0, v53;
	[tilespmem:$0x30] =	vst v59  }
0x2b5: {  	v61 =	vadd.s32 $0x2625A0, v54;
	[tilespmem:$0x40] =	vst v60  }
0x2b6: {  	v62 =	vadd.s32 $0x2625A0, v56;
	[tilespmem:$0x50] =	vst v61  }
0x2b7: {  	v63 =	vadd.s32 $0x2625A0, v58;
	[tilespmem:$0x60] =	vst v62  }
0x2b8: {  	[tilespmem:$0x70] =	vst v63  }
0x2b9: {  	[tilespmem:s31], [sflag:$0x1] =	stream.indirect.gather [hbm4b:s4+s31], $0x20, s2, s31, $0xb8;
	[tilespmem:$0x1080] =	vst v63  }
0x2ba: {  	_ =	swait.ge [sflag:s1], $0x1000  }
0x2bb: {  	p0 =	sne.s32 s25, $0x1;
	[sflag:s1] =	ssyncset.done $0x0  }
.Ltmp0:
0x2bc: {  	[sflag:s1] =	ssyncadd.s32 $0xFFFFF000;
	(pc) =	sbr.rel @p0 .LBB2_1-.Ltmp0, $4  }
0x2bd: {  	[hbm4b:s24+s2] =	stream.linear.scatter [tilespmem:s31], [sflag:$0x2], $0x1000, $0x38;
	[tilespmem:$0x1080] =	vst v63  }
0x2be: {  	_ =	swait.ge [sflag:s30], $0x1000  }
0x2bf: {  	[sflag:s30] =	ssyncset.done $0x0  }
0x2c0: {  	s25 =	sadd.s32 $0xFFFFFFFF, s25;
	[sflag:s30] =	ssyncadd.s32 $0xFFFFF000  }
0x2c1: {  	_ =	sfence.sel $0x180000  }
0x2c2: {  	[bflag:$0x0] =	sbarrier.arrive $0xFFFF  }
0x2c3: {  	_ =	strace $0x90000047  }
0x2c4: {  	s0 =	stileid.u32;
	[bflag:$0x2] =	sbarrier.arrive $0xFFFF  }
0x2c5: {  	p0 =	sne.s32 s0, $0x0;
	s0 =	rddreg [dreg:$0x2]  }
0x2c6: {  	s0 =	sadd.s32 @!p0 $0x100000, s0  }
0x2c7: {  	[sflag:s0] =	ssyncadd.tile.s32 @!p0 $0x1;
	_ =	shalt  }
.Lfunc_end2:
_tile_overlayer_lowered:
.L_overlay_start_2:
0x2c8: {  	(tag) =	ssettag $0x2  }
0x2c9: {  	s0 =	rddreg [dreg:$0x0];
	s2 =	stileid.u32  }
0x2ca: {  	s1 =	rddreg [dreg:$0x1];
	p0 =	sne.s32 s2, $0x0  }
0x2cb: {  	s3 =	rddreg [dreg:$0x2];
	[bflag:$0x3] =	sbarrier.arrive $0xFFFF;
	s2 =	simm.s32 @!p0 $0x1C02  }
0x2cc: {  	[timem:s3], [sflag:s2] =	dma.local @!p0 [hbm:s0], s1  }
0x2cd: {  	s0 =	simm.s32 @!p0 $0x2  }
0x2ce: {  	_ =	swait.ge @!p0 [sflag:s0], s1  }
0x2cf: {  	s1 =	ssub.s32 @!p0 $0x0, s1;
	[sflag:s0] =	ssyncset.done @!p0 $0x0  }
0x2d0: {  	[sflag:s0] =	ssyncadd.s32 @!p0 s1  }
0x2d1: {  	[bflag:$0x3] =	sbarrier.arrive $0xFFFF  }
0x2d2: {  	_ =	shalt  }

// kernel: kernel.8.cloned.1.call-start
scs
__scs_entry_jumppad:
0x0: {  	(pc) =	sbr.rel $0x88, $3  }
0x1: {  	(tag) =	ssettag $0x0;
	lr =	simm.s32 $0x1  }
0x2: {  	[smem:$0x3F9B] =	sst lr;
	_ =	strace $0xD0000000  }
0x3: {  	_ = 	snop  }
0x4: {  	_ = 	snop  }
0x5: {  	_ = 	snop  }
0x6: {  	_ = 	snop  }
0x7: {  	_ = 	snop  }
__scs_overlays_trampoline_lowered:
0x8: {  	[smem:$0x3FAA] =	sst s0  }
0x9: {  	[smem:$0x3FAB] =	sst s1  }
0xa: {  	[smem:$0x3FAC] =	sst s2  }
0xb: {  	[smem:$0x3FAD] =	sst s3  }
0xc: {  	[smem:$0x3FAE] =	sst s4  }
0xd: {  	[smem:$0x3FAF] =	sst s5  }
0xe: {  	[smem:$0x3FB0] =	sst s6  }
0xf: {  	[smem:$0x3FB1] =	sst s7  }
0x10: {  	[smem:$0x3FB2] =	sst s8  }
0x11: {  	[smem:$0x3FB3] =	sst s9;
	s0 =	simm.s32 @!p0 $0x0  }
0x12: {  	s1 =	sld [smem:$0x3F99];
	s0 =	simm.s32 @p0 $0x1  }
0x13: {  	[smem:$0x3FB4] =	sst s0;
	s0 =	simm.s32 @!p1 $0x0  }
0x14: {  	s2 =	sld [smem:$0x3F98];
	s0 =	simm.s32 @p1 $0x1  }
0x15: {  	[smem:$0x3FB5] =	sst s0;
	s0 =	simm.s32 @!p2 $0x0  }
0x16: {  	s3 =	sld [smem:$0x3FDB];
	s0 =	simm.s32 @p2 $0x1  }
0x17: {  	s4 =	simm.s32 $0x1BF5;
	[smem:$0x3FB7] =	sst s0  }
0x18: {  	s0 =	sld [smem:$0x3F9A];
	_ =	swait.ge [sflag:s4], $0x0  }
0x19: {  	s7 =	sld [smem:$0x3F9B]  }
0x1a: {  	s8 =	sadd.s32 $0xFFFFE003, lr  }
0x1b: {  	s9 =	sadd.s32 $0xFFFFFEF7, lr;
	s5 =	simm.s32 $0xFFFFFFFF;
	p2 =	slt.u32 s8, $0xFFFFF086  }
0x1c: {  	p1 =	slt.u32 s9, $0xF7A;
	s5 =	simm.s32 @!p2 $0x0  }
0x1d: {  	s5 =	simm.s32 @p1 $0x1;
	p0 =	seq.s32 s7, s2  }
0x1e: {  	s7 =	smul.u32 @!p0 $0xF7A, s2;
	p2 =	seq.s32 @!p0 s5, $0x0  }
0x1f: {  	s9 =	smul.u32 $0xF7A, s1;
	s8 =	simm.s32 @!p0 $0x1BF5;
	p2 =	por !p2, p0  }
0x20: {  	[sflag:s8] =	ssyncset.s32 @!p0 $0xFFFFF086;
	s6 =	sadd.s32 @!p0 s3, s7;
	s7 =	simm.s32 @!p0 $0x108  }
0x21: {  	s3 =	sadd.s32 s3, s9;
	s6 =	sadd.s32 @!p0 $0x88, s6;
	s7 =	simm.s32 @p2 $0x1082  }
0x22: {  	[simem:s7], [sflag:s8] =	dma.local @!p0 [hbm:s6], $0xF7A  }
0x23: {  	s9 =	sor.u32 $0xD0000000, s2;
	s6 =	simm.s32 $0x108;
	_ =	swait.ge @!p0 [sflag:s8], $0x0  }
0x24: {  	s3 =	sadd.s32 $0x88, s3;
	s6 =	simm.s32 @!p1 $0x1082;
	[sflag:s4] =	ssyncset.s32 $0xFFFFF086  }
0x25: {  	[simem:s6], [sflag:s4] =	dma.local [hbm:s3], $0xF7A  }
0x26: {  	[smem:$0x3F9B] =	sst s1;
	(tag) =	ssettag s2;
	_ =	strace s9  }
0x27: {  	s1 =	sld [smem:$0x3FAB]  }
0x28: {  	s2 =	sld [smem:$0x3FAC]  }
0x29: {  	s4 =	sld [smem:$0x3FAE]  }
0x2a: {  	p0 =	seq.s32 s5, $0x0;
	s5 =	sld [smem:$0x3FAF]  }
0x2b: {  	s6 =	sld [smem:$0x3FB0]  }
0x2c: {  	s7 =	sld [smem:$0x3FB1]  }
0x2d: {  	s3 =	simm.s32 $0x108;
	s8 =	sld [smem:$0x3FB2]  }
0x2e: {  	s3 =	simm.s32 @!p0 $0x1082;
	s9 =	sld [smem:$0x3FB3]  }
0x2f: {  	lr =	sadd.s32 s0, s3;
	s0 =	sld [smem:$0x3FAA]  }
0x30: {  	s3 =	sld [smem:$0x3FAD]  }
0x31: {  	[smem:$0x3FB6] =	sst s10  }
0x32: {  	s10 =	sld [smem:$0x3FB4];
	_ =	sdelay $0x3  }
0x33: {  	p0 =	seq.s32 s10, $0x1;
	s10 =	sld [smem:$0x3FB6];
	_ =	sdelay $0x3  }
0x34: {  	[smem:$0x3FB6] =	sst s10  }
0x35: {  	s10 =	sld [smem:$0x3FB5];
	_ =	sdelay $0x3  }
0x36: {  	p1 =	seq.s32 s10, $0x1;
	s10 =	sld [smem:$0x3FB6];
	_ =	sdelay $0x3  }
0x37: {  	[smem:$0x3FB6] =	sst s10  }
0x38: {  	s10 =	sld [smem:$0x3FB7]  }
0x39: {  	_ = 	snop;
	(pc) =	sbr.ind lr, $3  }
0x3a: {  	_ = 	snop  }
0x3b: {  	_ = 	snop  }
0x3c: {  	p2 =	seq.s32 s10, $0x1;
	s10 =	sld [smem:$0x3FB6]  }
0x3d: {  	_ =	shalt  }
0x3e: {  	_ =	shalt  }
0x3f: {  	_ =	shalt  }
0x40: {  	_ =	shalt  }
0x41: {  	_ =	shalt  }
0x42: {  	_ =	shalt  }
0x43: {  	_ =	shalt  }
0x44: {  	_ =	shalt  }
0x45: {  	_ =	shalt  }
0x46: {  	_ =	shalt  }
0x47: {  	_ =	shalt  }
0x48: {  	_ =	shalt  }
0x49: {  	_ =	shalt  }
0x4a: {  	_ =	shalt  }
0x4b: {  	_ =	shalt  }
0x4c: {  	_ =	shalt  }
0x4d: {  	_ =	shalt  }
0x4e: {  	_ =	shalt  }
0x4f: {  	_ =	shalt  }
0x50: {  	_ =	shalt  }
0x51: {  	_ =	shalt  }
0x52: {  	_ =	shalt  }
0x53: {  	_ =	shalt  }
0x54: {  	_ =	shalt  }
0x55: {  	_ =	shalt  }
0x56: {  	_ =	shalt  }
0x57: {  	_ =	shalt  }
0x58: {  	_ =	shalt  }
0x59: {  	_ =	shalt  }
0x5a: {  	_ =	shalt  }
0x5b: {  	_ =	shalt  }
0x5c: {  	_ =	shalt  }
0x5d: {  	_ =	shalt  }
0x5e: {  	_ =	shalt  }
0x5f: {  	_ =	shalt  }
0x60: {  	_ =	shalt  }
0x61: {  	_ =	shalt  }
0x62: {  	_ =	shalt  }
0x63: {  	_ =	shalt  }
0x64: {  	_ =	shalt  }
0x65: {  	_ =	shalt  }
0x66: {  	_ =	shalt  }
0x67: {  	_ =	shalt  }
0x68: {  	_ =	shalt  }
0x69: {  	_ =	shalt  }
0x6a: {  	_ =	shalt  }
0x6b: {  	_ =	shalt  }
0x6c: {  	_ =	shalt  }
0x6d: {  	_ =	shalt  }
0x6e: {  	_ =	shalt  }
0x6f: {  	_ =	shalt  }
0x70: {  	_ =	shalt  }
0x71: {  	_ =	shalt  }
0x72: {  	_ =	shalt  }
0x73: {  	_ =	shalt  }
0x74: {  	_ =	shalt  }
0x75: {  	_ =	shalt  }
0x76: {  	_ =	shalt  }
0x77: {  	_ =	shalt  }
0x78: {  	_ =	shalt  }
0x79: {  	_ =	shalt  }
0x7a: {  	_ =	shalt  }
0x7b: {  	_ =	shalt  }
0x7c: {  	_ =	shalt  }
0x7d: {  	_ =	shalt  }
0x7e: {  	_ =	shalt  }
0x7f: {  	_ =	shalt  }
0x80: {  	_ =	shalt  }
0x81: {  	_ =	shalt  }
0x82: {  	_ =	shalt  }
0x83: {  	_ =	shalt  }
0x84: {  	_ =	shalt  }
0x85: {  	_ =	shalt  }
0x86: {  	_ =	shalt  }
0x87: {  	_ =	shalt  }
.Lfunc_end0:
.L_simem_size_0:
called_computation.1_lowered:
.L_overlay_start_0:
0x88: {  	s2 =	sld [smem:$0x3FD9]  }
0x89: {  	s3 =	sld [smem:$0x3FFE];
	_ =	sdelay $0x1  }
0x8a: {  	s1 =	srdreg.scid  }
0x8b: {  	s0 =	sand.u32 $0x1, s1  }
0x8c: {  	s15 =	sshll.u32 s0, $0xA;
	s2 =	sadd.s32 s3, s2  }
0x8d: {  	s2 =	sadd.s32 s2, s15  }
0x8e: {  	[smem:$0x3FC2] =	sst s2  }
0x8f: {  	_ = 	snop  }
0x90: {  	s4 =	sld [smem:$0x3FD0];
	_ =	sdelay $0x1  }
0x91: {  	s2 =	sld [smem:$0x3FC5]  }
0x92: {  	s5 =	simm.s32 $0xB;
	s6 =	simm.s32 $0x10;
	s16 =	sld [smem:$0x3FC4]  }
0x93: {  	[smem:s6], [sflag:s5] =	dma.local [hbm:s4], $0x1  }
0x94: {  	_ =	swait.eq [sflag:s5], $0x1  }
0x95: {  	[sflag:s5] =	ssyncset.done $0x0  }
0x96: {  	[sflag:s5] =	ssyncadd.s32 $0xFFFFFFFF  }
0x97: {  	s17 =	sld [smem:$0x11];
	(tm) =	ssettm $0x1  }
0x98: {  	s18 =	sld [smem:$0x3FFB];
	_ =	sdelay $0x3  }
0x99: {  	_ =	strace s18  }
0x9a: {  	s4 =	sld [smem:$0x3FFC];
	_ =	sdelay $0x3  }
0x9b: {  	_ =	strace s4  }
0x9c: {  	s4 =	sld [smem:$0x3FFD];
	_ =	sdelay $0x3  }
0x9d: {  	_ =	strace s4  }
0x9e: {  	_ =	strace $0x8FFFFFFF  }
0x9f: {  	s19 =	sld [smem:$0x3FDB];
	_ =	sdelay $0x1  }
0xa0: {  	s20 =	simm.s32 $_scs_section_size  }
0xa1: {  	s7 =	simm.s32 $_size__tile_overlayer_lowered;
	s8 =	simm.s32 $_tile_overlayer_lowered  }
0xa2: {  	s9 =	simm.s32 $0x1BFF;
	s21 =	sshll.u32 s8, $0x1;
	s6 =	sadd.s32 s20, s19  }
0xa3: {  	s22 =	simm.s32 $0x0;
	s7 =	sshll.u32 s7, $0x1;
	s8 =	sadd.s32 s21, s6  }
0xa4: {  	[timem:s22], [sflag:s9] =	dma.local [hbm:s8], s7  }
0xa5: {  	_ =	swait.ge [sflag:s9], s7  }
0xa6: {  	s7 =	ssub.s32 $0x0, s7;
	[sflag:s9] =	ssyncset.done $0x0  }
0xa7: {  	[sflag:s9] =	ssyncadd.s32 s7;
	_ =	sdelay $0x1  }
0xa8: {  	s23 =	simm.s32 $0x1B8B  }
0xa9: {  	_ =	swait.ge [sflag:s23], $0x1  }
0xaa: {  	[sflag:s23] =	ssyncset.done $0x0  }
0xab: {  	[sflag:s23] =	ssyncadd.s32 $0xFFFFFFFF  }
0xac: {  	s7 =	sld [smem:$0x0]  }
0xad: {  	s8 =	sand.u32 $0xFFFFFFFE, s1  }
0xae: {  	p0 =	sne.s32 s1, s8  }
0xaf: {  	s8 =	sshll.u32 @p0 s8, $0xE  }
0xb0: {  	s8 =	sadd.s32 @p0 $0x11B8D, s8;
	s9 =	sshll.u32 @p0 s7, $0x11  }
0xb1: {  	s8 =	sor.u32 @p0 s9, s8  }
0xb2: {  	[sflag:s8] =	ssyncadd.remote.s32 @p0 $0x1;
	_ =	sdelay $0x1  }
0xb3: {  	s8 =	simm.s32 @p0 $0x1B8D  }
0xb4: {  	_ =	swait.eq @p0 [sflag:s8], $0x1  }
0xb5: {  	[sflag:s8] =	ssyncadd.s32 @p0 $0xFFFFFFFF  }
0xb6: {  	s9 =	sshll.u32 @!p0 s1, $0xE  }
0xb7: {  	s9 =	sor.u32 @!p0 $0x4000, s9;
	s8 =	simm.s32 @!p0 $0x1B8D  }
0xb8: {  	s7 =	sshll.u32 @!p0 s7, $0x11;
	s9 =	sadd.s32 @!p0 $0x11B8D, s9;
	_ =	swait.eq @!p0 [sflag:s8], $0x1  }
0xb9: {  	s7 =	sor.u32 @!p0 s7, s9;
	[sflag:s8] =	ssyncadd.s32 @!p0 $0xFFFFFFFF  }
0xba: {  	s25 =	simm.s32 $0x1B8E;
	s24 =	sld [smem:$0x3FFE];
	[sflag:s7] =	ssyncadd.remote.s32 @!p0 $0x1  }
0xbb: {  	s26 =	simm.s32 $execute0_lowered;
	[smem:$0x3FD2] =	sst s25  }
0xbc: {  	s8 =	sshll.u32 s26, $0x1;
	_ =	strace $0x80000049;
	[dreg:$0x1] =	wrdreg $0xFFFFFFFF  }
0xbd: {  	s28 =	simm.s32 $_size_execute0_lowered;
	s6 =	sadd.s32 s6, s8;
	[dreg:$0x0] =	wrdreg $0x0  }
0xbe: {  	s8 =	sshll.u32 s28, $0x1;
	[dreg:$0x2] =	wrdreg s6  }
0xbf: {  	[dreg:$0x3] =	wrdreg s8  }
0xc0: {  	[dreg:$0x4] =	wrdreg $0xC0  }
0xc1: {  	_ =	task [dreg:s22], $0x5FFFF  }
0xc2: {  	[dreg:$0x1] =	wrdreg $0xFFFFFFFF  }
0xc3: {  	[dreg:$0x0] =	wrdreg $0x60  }
0xc4: {  	[dreg:$0x2] =	wrdreg s24  }
0xc5: {  	[dreg:$0x3] =	wrdreg s2  }
0xc6: {  	[dreg:$0x4] =	wrdreg s16  }
0xc7: {  	[dreg:$0x5] =	wrdreg s17  }
0xc8: {  	[dreg:$0x6] =	wrdreg $0xA  }
0xc9: {  	_ =	task.clear_ibuf [dreg:s22], $0x7FFFF;
	_ =	strace $0x90000049  }
0xca: {  	s29 =	simm.s32 $0xA;
	_ =	strace $0x8000004B  }
0xcb: {  	_ =	swait.ge [sflag:s29], $0x1  }
0xcc: {  	[sflag:s29] =	ssyncadd.s32 $0xFFFFFFFF  }
0xcd: {  	_ =	strace $0x9000004B  }
0xce: {  	_ =	sfence  }
0xcf: {  	s30 =	sld [smem:$0x0];
	_ =	sdelay $0x2  }
0xd0: {  	s31 =	sshll.u32 s1, $0xD;
	s1 =	sshrl.u32 s1, $0x2  }
0xd1: {  	s3 =	sand.u32 $0x4000, s31;
	s1 =	sadd.s32 s1, s30  }
0xd2: {  	s0 =	sor.u32 s3, s0;
	s1 =	sshll.u32 s1, $0x11  }
0xd3: {  	s0 =	sor.u32 s1, s0  }
0xd4: {  	s0 =	sadd.s32 $0x8F2B, s0  }
0xd5: {  	[sflag:s0] =	ssyncadd.remote.s32 $0x1  }
0xd6: {  	_ =	sfence.sel $0xFFFF  }
0xd7: {  	[dreg:$0x0] =	wrdreg $0xFFFFFFFF;
	(pc) =	sbr.abs _section_cstart, $3  }
0xd8: {  	[dreg:$0x1] =	wrdreg $0xFFFFFFFF  }
0xd9: {  	_ =	task.clear_ibuf [dreg:s22], $0x2FFFF;
	_ =	strace $0x9FFFFFFF  }
0xda: {  	(tm) =	ssettm $0x7FFFFFFF  }
0xdb: {  	_ =	shalt  }
tec
execute0_lowered:
.L_overlay_start_1:
0x0: {  	(tag) =	ssettag $0x1  }
0x1: {  	s0 =	rddreg [dreg:$0x0]  }
0x2: {  	s1 =	rddreg [dreg:$0x1]  }
0x3: {  	s4 =	rddreg [dreg:$0x3];
	s2 =	srdreg.scid  }
0x4: {  	s3 =	stileid.u32;
	s5 =	simm.s32 $0x0;
	s12 =	simm.s32 $0x9  }
0x5: {  	s13 =	simm.s32 $0x68;
	s14 =	simm.s32 $0x400;
	s15 =	simm.s32 $0x60  }
0x6: {  	s17 =	simm.s32 $0x100;
	s18 =	simm.s32 $0x6800;
	s21 =	simm.s32 $0x1  }
0x7: {  	s22 =	simm.s32 $0x200;
	s23 =	simm.s32 $0xCC00;
	s28 =	simm.s32 $0x300  }
0x8: {  	s29 =	simm.s32 $0x13000;
	s30 =	simm.s32 $0x368;
	s31 =	simm.s32 $0x16400  }
0x9: {  	s11 =	simm.s32 $0x0;
	s2 =	sand.u32 $0x1, s2;
	s3 =	sshll.u32 s3, $0x1  }
0xa: {  	[smem:$0x7FF] =	sst s5;
	s7 =	ssub.s32 $0x2, s2;
	s2 =	sor.u32 s2, s3  }
0xb: {  	s6 =	sadd.s32 $0x68E00, s0;
	s24 =	sshrl.u32 s7, $0x1;
	s8 =	smul.u32 $0xC80, s2  }
0xc: {  	_ =	strace $0x8000004A;
	s3 =	simm.s32 $0x4;
	s25 =	ssub.s32 s7, s24  }
0xd: {  	s7 =	sshll.u32 s2, $0x7;
	s2 =	simm.s32 $0x5;
	s26 =	sadd.s32 s6, s8  }
0xe: {  	s9 =	sor.u32 $0x4, s7;
	s0 =	smax.u32 s25, $0x1;
	[dreg:$0x5] =	wrdreg s26  }
0xf: {  	[dreg:$0x6] =	wrdreg s0;
	s26 =	simm.s32 $0x2;
	s0 =	simm.s32 $0x3  }
.LBB2_1:
0x10: {  	[dreg:$0x7] =	wrdreg s11  }
0x11: {  	s8 =	rddreg [dreg:$0x2];
	s10 =	simm.s32 $0x19400  }
0x12: {  	[tilespmem:s10], [sflag:$0x9] =	stream.linear.gather [hbm4b:s8+s5], $0x6400, $0x38;
	[tilespmem:$0x1F800] =	vst v63  }
0x13: {  	_ =	swait.ge [sflag:s12], $0x6400  }
0x14: {  	[sflag:s12] =	ssyncset.done $0x0  }
0x15: {  	s24 =	rddreg [dreg:$0x5];
	[sflag:s12] =	ssyncadd.s32 $0xFFFF9C00  }
0x16: {  	[tilespmem:s5], [sflag:$0x9] =	stream.linear.gather [hbm4b:s24+s5], $0xC8, $0x38;
	[tilespmem:$0x1F800] =	vst v63  }
0x17: {  	_ =	swait.ge [sflag:s12], $0xC8  }
0x18: {  	[sflag:s12] =	ssyncset.done $0x0  }
0x19: {  	[sflag:s12] =	ssyncadd.s32 $0xFFFFFF38  }
0x1a: {  	[tilespmem:s14], [sflag:$0x1] =	stream.indirect.gather [hbm4b:s1+s13], $0x80, s5, s13, $0xb8;
	[tilespmem:$0x1F800] =	vst v63  }
0x1b: {  	s25 =	simm.s32 $0x3800;
	s11 =	simm.s32 $0x0  }
0x1c: {  	[tilespmem:s25], [sflag:$0x1] =	stream.indirect.gather [hbm4b:s1+s15], $0x80, s13, s15, $0xb8;
	[tilespmem:$0x1F800] =	vst v63  }
.LBB2_2:
0x1d: {  	s16 =	sshll.u32 s11, $0x2  }
0x1e: {  	p0 =	seq.s32 s11, $0x0;
	s8 =	sor.u32 s16, s7  }
0x1f: {  	s19 =	simm.s32 @!p0 $0x6;
	s10 =	sor.u32 $0x1, s8  }
0x20: {  	_ =	swait.ge @!p0 [sflag:s19], $0x6400;
	s20 =	smul.u32 $0x19, s10  }
0x21: {  	[sflag:s19] =	ssyncset.done @!p0 $0x0  }
0x22: {  	s25 =	simm.s32 $0x0;
	[sflag:s19] =	ssyncadd.s32 @!p0 $0xFFFF9C00;
	s24 =	sadd.s32 s6, s20  }
0x23: {  	[tilespmem:s17], [sflag:$0x9] =	stream.linear.gather [hbm4b:s24+s25], $0xC8, $0x38;
	[tilespmem:$0x1F800] =	vst v63  }
0x24: {  	_ =	swait.ge [sflag:s12], $0xC8  }
0x25: {  	[sflag:s12] =	ssyncset.done $0x0  }
0x26: {  	[sflag:s12] =	ssyncadd.s32 $0xFFFFFF38  }
0x27: {  	[tilespmem:s18], [sflag:$0x2] =	stream.indirect.gather [hbm4b:s1+s13], $0x80, s17, s13, $0xb8;
	[tilespmem:$0x1F800] =	vst v63  }
0x28: {  	s24 =	simm.s32 $0x168;
	s25 =	simm.s32 $0x9C00  }
0x29: {  	[tilespmem:s25], [sflag:$0x2] =	stream.indirect.gather [hbm4b:s1+s15], $0x80, s24, s15, $0xb8;
	[tilespmem:$0x1F800] =	vst v63  }
0x2a: {  	_ =	swait.ge [sflag:s21], $0x6400  }
0x2b: {  	[sflag:s21] =	ssyncset.done $0x0  }
0x2c: {  	s19 =	simm.s32 $0x0;
	[sflag:s21] =	ssyncadd.s32 $0xFFFF9C00  }
0x2d: {  	v7 =	vld [tilespmem:s19+$0x19400]  }
0x2e: {  	v11 =	vld [tilespmem:s19+$0x19410]  }
0x2f: {  	v5 =	vld [tilespmem:s19+$0x19420]  }
0x30: {  	v4 =	vld [tilespmem:s19+$0x19430]  }
0x31: {  	v3 =	vld [tilespmem:s19+$0x19440]  }
0x32: {  	v2 =	vld [tilespmem:s19+$0x19450]  }
0x33: {  	v1 =	vld [tilespmem:s19+$0x19460]  }
0x34: {  	v0 =	vld [tilespmem:s19+$0x19470]  }
0x35: {  	v12 =	vld [tilespmem:s19+$0x400]  }
0x36: {  	v13 =	vld [tilespmem:s19+$0x410]  }
0x37: {  	v10 =	vld [tilespmem:s19+$0x420]  }
0x38: {  	v9 =	vld [tilespmem:s19+$0x430]  }
0x39: {  	v8 =	vld [tilespmem:s19+$0x440]  }
0x3a: {  	v6 =	vld [tilespmem:s19+$0x450];
	v12 =	vadd.f32 v7, v12  }
0x3b: {  	s20 =	simm.s32 $0x200;
	v11 =	vadd.f32 v11, v13;
	v7 =	vld [tilespmem:s19+$0x460]  }
.LBB2_3:
0x3c: {  	s24 =	sshra.s32 s20, $0x2;
	p1 =	sne.s32 s20, $0x18E00;
	[tilespmem:s19+$0x400] =	vst v12;
	v5 =	vadd.f32 v5, v10;
	v10 =	vld [tilespmem:s19+$0x470]  }
0x3d: {  	v12 =	vld [tilespmem:s24+$0x19400];
	[tilespmem:s19+$0x410] =	vst v11;
	v4 =	vadd.f32 v4, v9  }
0x3e: {  	v11 =	vld [tilespmem:s24+$0x19410];
	[tilespmem:s19+$0x420] =	vst v5;
	v3 =	vadd.f32 v3, v8  }
0x3f: {  	v5 =	vld [tilespmem:s24+$0x19420];
	[tilespmem:s19+$0x430] =	vst v4;
	v2 =	vadd.f32 v2, v6  }
0x40: {  	v4 =	vld [tilespmem:s24+$0x19430];
	[tilespmem:s19+$0x440] =	vst v3;
	v1 =	vadd.f32 v1, v7  }
0x41: {  	v3 =	vld [tilespmem:s24+$0x19440];
	[tilespmem:s19+$0x450] =	vst v2;
	v0 =	vadd.f32 v0, v10  }
0x42: {  	v2 =	vld [tilespmem:s24+$0x19450];
	[tilespmem:s19+$0x460] =	vst v1  }
0x43: {  	v1 =	vld [tilespmem:s24+$0x19460];
	[tilespmem:s19+$0x470] =	vst v0;
	s19 =	smov.u32 s24  }
0x44: {  	v0 =	vld [tilespmem:s19+$0x19470]  }
0x45: {  	v6 =	vld [tilespmem:s19+$0x400]  }
0x46: {  	v7 =	vld [tilespmem:s19+$0x410]  }
.Ltmp0:
0x47: {  	v10 =	vld [tilespmem:s19+$0x420];
	(pc) =	sbr.rel @p1 .LBB2_3-.Ltmp0, $4  }
0x48: {  	v9 =	vld [tilespmem:s19+$0x430]  }
0x49: {  	v8 =	vld [tilespmem:s19+$0x440]  }
0x4a: {  	v12 =	vadd.f32 v12, v6;
	v6 =	vld [tilespmem:s19+$0x450]  }
0x4b: {  	s20 =	sadd.s32 $0x200, s20;
	v11 =	vadd.f32 v11, v7;
	v7 =	vld [tilespmem:s19+$0x460]  }
0x4c: {  	[tilespmem:s19+$0x400] =	vst v12;
	v5 =	vadd.f32 v5, v10;
	v10 =	vld [tilespmem:s19+$0x470]  }
0x4d: {  	[tilespmem:s19+$0x410] =	vst v11;
	v4 =	vadd.f32 v4, v9  }
0x4e: {  	[tilespmem:s19+$0x420] =	vst v5;
	v3 =	vadd.f32 v3, v8  }
0x4f: {  	[tilespmem:s19+$0x430] =	vst v4;
	v2 =	vadd.f32 v2, v6  }
0x50: {  	s20 =	sadd.s32 s7, s16;
	[tilespmem:s19+$0x440] =	vst v3;
	v1 =	vadd.f32 v1, v7  }
0x51: {  	s20 =	smul.u32 $0xC80, s20;
	[tilespmem:s19+$0x450] =	vst v2;
	v0 =	vadd.f32 v0, v10  }
0x52: {  	[tilespmem:s19+$0x460] =	vst v1  }
0x53: {  	s20 =	sadd.s32 s4, s20;
	[tilespmem:s19+$0x470] =	vst v0  }
0x54: {  	[hbm4b:s20+s5] =	stream.linear.scatter [tilespmem:s14], [sflag:$0x5], $0x6400, $0x38;
	[tilespmem:$0x1F800] =	vst v63  }
0x55: {  	s19 =	sor.u32 $0x2, s8;
	s20 =	simm.s32 @!p0 $0x7  }
0x56: {  	s24 =	smul.u32 $0x19, s19;
	_ =	swait.ge @!p0 [sflag:s20], $0x6400  }
0x57: {  	[sflag:s20] =	ssyncset.done @!p0 $0x0  }
0x58: {  	s25 =	simm.s32 $0x0;
	s24 =	sadd.s32 s6, s24;
	[sflag:s20] =	ssyncadd.s32 @!p0 $0xFFFF9C00  }
0x59: {  	[tilespmem:s22], [sflag:$0x9] =	stream.linear.gather [hbm4b:s24+s25], $0xC8, $0x38;
	[tilespmem:$0x1F800] =	vst v63  }
0x5a: {  	_ =	swait.ge [sflag:s12], $0xC8  }
0x5b: {  	[sflag:s12] =	ssyncset.done $0x0  }
0x5c: {  	[sflag:s12] =	ssyncadd.s32 $0xFFFFFF38  }
0x5d: {  	[tilespmem:s23], [sflag:$0x3] =	stream.indirect.gather [hbm4b:s1+s13], $0x80, s22, s13, $0xb8;
	[tilespmem:$0x1F800] =	vst v63  }
0x5e: {  	s24 =	simm.s32 $0x268;
	s25 =	simm.s32 $0x10000  }
0x5f: {  	[tilespmem:s25], [sflag:$0x3] =	stream.indirect.gather [hbm4b:s1+s15], $0x80, s24, s15, $0xb8;
	[tilespmem:$0x1F800] =	vst v63  }
0x60: {  	_ =	swait.ge [sflag:s26], $0x6400  }
0x61: {  	[sflag:s26] =	ssyncset.done $0x0  }
0x62: {  	s20 =	simm.s32 $0x0;
	[sflag:s26] =	ssyncadd.s32 $0xFFFF9C00  }
0x63: {  	v7 =	vld [tilespmem:s20+$0x19400]  }
0x64: {  	v11 =	vld [tilespmem:s20+$0x19410]  }
0x65: {  	v5 =	vld [tilespmem:s20+$0x19420]  }
0x66: {  	v4 =	vld [tilespmem:s20+$0x19430]  }
0x67: {  	v3 =	vld [tilespmem:s20+$0x19440]  }
0x68: {  	v2 =	vld [tilespmem:s20+$0x19450]  }
0x69: {  	v1 =	vld [tilespmem:s20+$0x19460]  }
0x6a: {  	v0 =	vld [tilespmem:s20+$0x19470]  }
0x6b: {  	v12 =	vld [tilespmem:s20+$0x6800]  }
0x6c: {  	v13 =	vld [tilespmem:s20+$0x6810]  }
0x6d: {  	v10 =	vld [tilespmem:s20+$0x6820]  }
0x6e: {  	v9 =	vld [tilespmem:s20+$0x6830]  }
0x6f: {  	v8 =	vld [tilespmem:s20+$0x6840]  }
0x70: {  	v6 =	vld [tilespmem:s20+$0x6850];
	v12 =	vadd.f32 v7, v12  }
0x71: {  	s24 =	simm.s32 $0x200;
	v11 =	vadd.f32 v11, v13;
	v7 =	vld [tilespmem:s20+$0x6860]  }
.LBB2_5:
0x72: {  	s25 =	sshra.s32 s24, $0x2;
	p1 =	sne.s32 s24, $0x18E00;
	[tilespmem:s20+$0x6800] =	vst v12;
	v5 =	vadd.f32 v5, v10;
	v10 =	vld [tilespmem:s20+$0x6870]  }
0x73: {  	v12 =	vld [tilespmem:s25+$0x19400];
	[tilespmem:s20+$0x6810] =	vst v11;
	v4 =	vadd.f32 v4, v9  }
0x74: {  	v11 =	vld [tilespmem:s25+$0x19410];
	[tilespmem:s20+$0x6820] =	vst v5;
	v3 =	vadd.f32 v3, v8  }
0x75: {  	v5 =	vld [tilespmem:s25+$0x19420];
	[tilespmem:s20+$0x6830] =	vst v4;
	v2 =	vadd.f32 v2, v6  }
0x76: {  	v4 =	vld [tilespmem:s25+$0x19430];
	[tilespmem:s20+$0x6840] =	vst v3;
	v1 =	vadd.f32 v1, v7  }
0x77: {  	v3 =	vld [tilespmem:s25+$0x19440];
	[tilespmem:s20+$0x6850] =	vst v2;
	v0 =	vadd.f32 v0, v10  }
0x78: {  	v2 =	vld [tilespmem:s25+$0x19450];
	[tilespmem:s20+$0x6860] =	vst v1  }
0x79: {  	v1 =	vld [tilespmem:s25+$0x19460];
	[tilespmem:s20+$0x6870] =	vst v0;
	s20 =	smov.u32 s25  }
0x7a: {  	v0 =	vld [tilespmem:s20+$0x19470]  }
0x7b: {  	v6 =	vld [tilespmem:s20+$0x6800]  }
0x7c: {  	v7 =	vld [tilespmem:s20+$0x6810]  }
.Ltmp1:
0x7d: {  	v10 =	vld [tilespmem:s20+$0x6820];
	(pc) =	sbr.rel @p1 .LBB2_5-.Ltmp1, $4  }
0x7e: {  	v9 =	vld [tilespmem:s20+$0x6830]  }
0x7f: {  	v8 =	vld [tilespmem:s20+$0x6840]  }
0x80: {  	v12 =	vadd.f32 v12, v6;
	v6 =	vld [tilespmem:s20+$0x6850]  }
0x81: {  	s24 =	sadd.s32 $0x200, s24;
	v11 =	vadd.f32 v11, v7;
	v7 =	vld [tilespmem:s20+$0x6860]  }
0x82: {  	[tilespmem:s20+$0x6800] =	vst v12;
	v5 =	vadd.f32 v5, v10;
	v10 =	vld [tilespmem:s20+$0x6870]  }
0x83: {  	[tilespmem:s20+$0x6810] =	vst v11;
	v4 =	vadd.f32 v4, v9  }
0x84: {  	[tilespmem:s20+$0x6820] =	vst v5;
	v3 =	vadd.f32 v3, v8  }
0x85: {  	[tilespmem:s20+$0x6830] =	vst v4;
	v2 =	vadd.f32 v2, v6  }
0x86: {  	[tilespmem:s20+$0x6840] =	vst v3;
	v1 =	vadd.f32 v1, v7  }
0x87: {  	s10 =	smul.u32 $0xC80, s10;
	[tilespmem:s20+$0x6850] =	vst v2;
	v0 =	vadd.f32 v0, v10  }
0x88: {  	[tilespmem:s20+$0x6860] =	vst v1  }
0x89: {  	s10 =	sadd.s32 s4, s10;
	[tilespmem:s20+$0x6870] =	vst v0  }
0x8a: {  	[hbm4b:s10+s5] =	stream.linear.scatter [tilespmem:s18], [sflag:$0x6], $0x6400, $0x38;
	[tilespmem:$0x1F800] =	vst v63  }
0x8b: {  	s8 =	sor.u32 $0x3, s8;
	s10 =	simm.s32 @!p0 $0x8  }
0x8c: {  	s25 =	smul.u32 $0x19, s8;
	_ =	swait.ge @!p0 [sflag:s10], $0x6400  }
0x8d: {  	[sflag:s10] =	ssyncset.done @!p0 $0x0  }
0x8e: {  	s24 =	sadd.s32 s6, s25;
	s25 =	simm.s32 $0x0;
	[sflag:s10] =	ssyncadd.s32 @!p0 $0xFFFF9C00  }
0x8f: {  	[tilespmem:s28], [sflag:$0x9] =	stream.linear.gather [hbm4b:s24+s25], $0xC8, $0x38;
	[tilespmem:$0x1F800] =	vst v63  }
0x90: {  	_ =	swait.ge [sflag:s12], $0xC8  }
0x91: {  	[sflag:s12] =	ssyncset.done $0x0  }
0x92: {  	[sflag:s12] =	ssyncadd.s32 $0xFFFFFF38  }
0x93: {  	[tilespmem:s29], [sflag:$0x4] =	stream.indirect.gather [hbm4b:s1+s13], $0x80, s28, s13, $0xb8;
	[tilespmem:$0x1F800] =	vst v63  }
0x94: {  	_ = 	snop  }
0x95: {  	[tilespmem:s31], [sflag:$0x4] =	stream.indirect.gather [hbm4b:s1+s15], $0x80, s30, s15, $0xb8;
	[tilespmem:$0x1F800] =	vst v63  }
0x96: {  	_ =	swait.ge [sflag:s0], $0x6400  }
0x97: {  	[sflag:s0] =	ssyncset.done $0x0  }
0x98: {  	s10 =	simm.s32 $0x0;
	[sflag:s0] =	ssyncadd.s32 $0xFFFF9C00  }
0x99: {  	v7 =	vld [tilespmem:s10+$0x19400]  }
0x9a: {  	v11 =	vld [tilespmem:s10+$0x19410]  }
0x9b: {  	v5 =	vld [tilespmem:s10+$0x19420]  }
0x9c: {  	v4 =	vld [tilespmem:s10+$0x19430]  }
0x9d: {  	v3 =	vld [tilespmem:s10+$0x19440]  }
0x9e: {  	v2 =	vld [tilespmem:s10+$0x19450]  }
0x9f: {  	v1 =	vld [tilespmem:s10+$0x19460]  }
0xa0: {  	v0 =	vld [tilespmem:s10+$0x19470]  }
0xa1: {  	v12 =	vld [tilespmem:s10+$0xCC00]  }
0xa2: {  	v13 =	vld [tilespmem:s10+$0xCC10]  }
0xa3: {  	v10 =	vld [tilespmem:s10+$0xCC20]  }
0xa4: {  	v9 =	vld [tilespmem:s10+$0xCC30]  }
0xa5: {  	v8 =	vld [tilespmem:s10+$0xCC40]  }
0xa6: {  	v6 =	vld [tilespmem:s10+$0xCC50];
	v12 =	vadd.f32 v7, v12  }
0xa7: {  	s20 =	simm.s32 $0x200;
	v11 =	vadd.f32 v11, v13;
	v7 =	vld [tilespmem:s10+$0xCC60]  }
.LBB2_7:
0xa8: {  	s24 =	sshra.s32 s20, $0x2;
	p0 =	sne.s32 s20, $0x18E00;
	[tilespmem:s10+$0xCC00] =	vst v12;
	v5 =	vadd.f32 v5, v10;
	v10 =	vld [tilespmem:s10+$0xCC70]  }
0xa9: {  	v12 =	vld [tilespmem:s24+$0x19400];
	[tilespmem:s10+$0xCC10] =	vst v11;
	v4 =	vadd.f32 v4, v9  }
0xaa: {  	v11 =	vld [tilespmem:s24+$0x19410];
	[tilespmem:s10+$0xCC20] =	vst v5;
	v3 =	vadd.f32 v3, v8  }
0xab: {  	v5 =	vld [tilespmem:s24+$0x19420];
	[tilespmem:s10+$0xCC30] =	vst v4;
	v2 =	vadd.f32 v2, v6  }
0xac: {  	v4 =	vld [tilespmem:s24+$0x19430];
	[tilespmem:s10+$0xCC40] =	vst v3;
	v1 =	vadd.f32 v1, v7  }
0xad: {  	v3 =	vld [tilespmem:s24+$0x19440];
	[tilespmem:s10+$0xCC50] =	vst v2;
	v0 =	vadd.f32 v0, v10  }
0xae: {  	v2 =	vld [tilespmem:s24+$0x19450];
	[tilespmem:s10+$0xCC60] =	vst v1  }
0xaf: {  	v1 =	vld [tilespmem:s24+$0x19460];
	[tilespmem:s10+$0xCC70] =	vst v0;
	s10 =	smov.u32 s24  }
0xb0: {  	v0 =	vld [tilespmem:s10+$0x19470]  }
0xb1: {  	v6 =	vld [tilespmem:s10+$0xCC00]  }
0xb2: {  	v7 =	vld [tilespmem:s10+$0xCC10]  }
.Ltmp2:
0xb3: {  	v10 =	vld [tilespmem:s10+$0xCC20];
	(pc) =	sbr.rel @p0 .LBB2_7-.Ltmp2, $4  }
0xb4: {  	v9 =	vld [tilespmem:s10+$0xCC30]  }
0xb5: {  	v8 =	vld [tilespmem:s10+$0xCC40]  }
0xb6: {  	v12 =	vadd.f32 v12, v6;
	v6 =	vld [tilespmem:s10+$0xCC50]  }
0xb7: {  	s20 =	sadd.s32 $0x200, s20;
	v11 =	vadd.f32 v11, v7;
	v7 =	vld [tilespmem:s10+$0xCC60]  }
0xb8: {  	[tilespmem:s10+$0xCC00] =	vst v12;
	v5 =	vadd.f32 v5, v10;
	v10 =	vld [tilespmem:s10+$0xCC70]  }
0xb9: {  	[tilespmem:s10+$0xCC10] =	vst v11;
	v4 =	vadd.f32 v4, v9  }
0xba: {  	[tilespmem:s10+$0xCC20] =	vst v5;
	v3 =	vadd.f32 v3, v8  }
0xbb: {  	[tilespmem:s10+$0xCC30] =	vst v4;
	v2 =	vadd.f32 v2, v6  }
0xbc: {  	[tilespmem:s10+$0xCC40] =	vst v3;
	v1 =	vadd.f32 v1, v7  }
0xbd: {  	s19 =	smul.u32 $0xC80, s19;
	[tilespmem:s10+$0xCC50] =	vst v2;
	v0 =	vadd.f32 v0, v10  }
0xbe: {  	p0 =	seq.s32 s11, $0x1F;
	[tilespmem:s10+$0xCC60] =	vst v1  }
0xbf: {  	s25 =	sadd.s32 s4, s19;
	[tilespmem:s10+$0xCC70] =	vst v0;
	s10 =	sadd.s32 @!p0 s16, s9  }
0xc0: {  	[hbm4b:s25+s5] =	stream.linear.scatter [tilespmem:s23], [sflag:$0x7], $0x6400, $0x38;
	[tilespmem:$0x1F800] =	vst v63  }
0xc1: {  	s10 =	smul.u32 @!p0 $0x19, s10;
	_ =	swait.ge [sflag:s2], $0x6400  }
0xc2: {  	[sflag:s2] =	ssyncset.done $0x0  }
0xc3: {  	s16 =	simm.s32 @!p0 $0x0;
	s10 =	sadd.s32 @!p0 s6, s10;
	[sflag:s2] =	ssyncadd.s32 $0xFFFF9C00  }
0xc4: {  	[tilespmem:s16], [sflag:$0x9] =	stream.linear.gather @!p0 [hbm4b:s10+s16], $0xC8, $0x38;
	[tilespmem:$0x1F800] =	vst v63  }
0xc5: {  	s10 =	simm.s32 @!p0 $0x9  }
0xc6: {  	_ =	swait.ge @!p0 [sflag:s10], $0xC8  }
0xc7: {  	[sflag:s10] =	ssyncset.done @!p0 $0x0  }
0xc8: {  	s19 =	simm.s32 @!p0 $0x400;
	[sflag:s10] =	ssyncadd.s32 @!p0 $0xFFFFFF38;
	s10 =	simm.s32 @!p0 $0x68  }
0xc9: {  	[tilespmem:s19], [sflag:$0x1] =	stream.indirect.gather @!p0 [hbm4b:s1+s10], $0x80, s16, s10, $0xb8;
	[tilespmem:$0x1F800] =	vst v63  }
0xca: {  	s16 =	simm.s32 @!p0 $0x60;
	s19 =	simm.s32 @!p0 $0x3800  }
0xcb: {  	[tilespmem:s19], [sflag:$0x1] =	stream.indirect.gather @!p0 [hbm4b:s1+s16], $0x80, s10, s16, $0xb8;
	[tilespmem:$0x1F800] =	vst v63  }
0xcc: {  	_ =	swait.ge [sflag:s3], $0x6400  }
0xcd: {  	[sflag:s3] =	ssyncset.done $0x0  }
0xce: {  	s10 =	simm.s32 $0x0;
	[sflag:s3] =	ssyncadd.s32 $0xFFFF9C00  }
0xcf: {  	v7 =	vld [tilespmem:s10+$0x19400]  }
0xd0: {  	v11 =	vld [tilespmem:s10+$0x19410]  }
0xd1: {  	v5 =	vld [tilespmem:s10+$0x19420]  }
0xd2: {  	v4 =	vld [tilespmem:s10+$0x19430]  }
0xd3: {  	v3 =	vld [tilespmem:s10+$0x19440]  }
0xd4: {  	v2 =	vld [tilespmem:s10+$0x19450]  }
0xd5: {  	v1 =	vld [tilespmem:s10+$0x19460]  }
0xd6: {  	v0 =	vld [tilespmem:s10+$0x19470]  }
0xd7: {  	v12 =	vld [tilespmem:s10+$0x13000]  }
0xd8: {  	v13 =	vld [tilespmem:s10+$0x13010]  }
0xd9: {  	v10 =	vld [tilespmem:s10+$0x13020]  }
0xda: {  	v9 =	vld [tilespmem:s10+$0x13030]  }
0xdb: {  	v8 =	vld [tilespmem:s10+$0x13040]  }
0xdc: {  	v6 =	vld [tilespmem:s10+$0x13050];
	v12 =	vadd.f32 v7, v12  }
0xdd: {  	s16 =	simm.s32 $0x200;
	v11 =	vadd.f32 v11, v13;
	v7 =	vld [tilespmem:s10+$0x13060]  }
.LBB2_9:
0xde: {  	s19 =	sshra.s32 s16, $0x2;
	p0 =	sne.s32 s16, $0x18E00;
	[tilespmem:s10+$0x13000] =	vst v12;
	v5 =	vadd.f32 v5, v10;
	v10 =	vld [tilespmem:s10+$0x13070]  }
0xdf: {  	v12 =	vld [tilespmem:s19+$0x19400];
	[tilespmem:s10+$0x13010] =	vst v11;
	v4 =	vadd.f32 v4, v9  }
0xe0: {  	v11 =	vld [tilespmem:s19+$0x19410];
	[tilespmem:s10+$0x13020] =	vst v5;
	v3 =	vadd.f32 v3, v8  }
0xe1: {  	v5 =	vld [tilespmem:s19+$0x19420];
	[tilespmem:s10+$0x13030] =	vst v4;
	v2 =	vadd.f32 v2, v6  }
0xe2: {  	v4 =	vld [tilespmem:s19+$0x19430];
	[tilespmem:s10+$0x13040] =	vst v3;
	v1 =	vadd.f32 v1, v7  }
0xe3: {  	v3 =	vld [tilespmem:s19+$0x19440];
	[tilespmem:s10+$0x13050] =	vst v2;
	v0 =	vadd.f32 v0, v10  }
0xe4: {  	v2 =	vld [tilespmem:s19+$0x19450];
	[tilespmem:s10+$0x13060] =	vst v1  }
0xe5: {  	v1 =	vld [tilespmem:s19+$0x19460];
	[tilespmem:s10+$0x13070] =	vst v0;
	s10 =	smov.u32 s19  }
0xe6: {  	v0 =	vld [tilespmem:s10+$0x19470]  }
0xe7: {  	v6 =	vld [tilespmem:s10+$0x13000]  }
0xe8: {  	v7 =	vld [tilespmem:s10+$0x13010]  }
.Ltmp3:
0xe9: {  	v10 =	vld [tilespmem:s10+$0x13020];
	(pc) =	sbr.rel @p0 .LBB2_9-.Ltmp3, $4  }
0xea: {  	v9 =	vld [tilespmem:s10+$0x13030]  }
0xeb: {  	v8 =	vld [tilespmem:s10+$0x13040]  }
0xec: {  	v12 =	vadd.f32 v12, v6;
	v6 =	vld [tilespmem:s10+$0x13050]  }
0xed: {  	s16 =	sadd.s32 $0x200, s16;
	v11 =	vadd.f32 v11, v7;
	v7 =	vld [tilespmem:s10+$0x13060]  }
0xee: {  	[tilespmem:s10+$0x13000] =	vst v12;
	v5 =	vadd.f32 v5, v10;
	v63 =	vld [tilespmem:s10+$0x13070]  }
0xef: {  	[tilespmem:s10+$0x13010] =	vst v11;
	v4 =	vadd.f32 v4, v9  }
0xf0: {  	s11 =	sadd.s32 $0x1, s11;
	[tilespmem:s10+$0x13020] =	vst v5;
	v3 =	vadd.f32 v3, v8  }
0xf1: {  	p0 =	sne.s32 s11, $0x20;
	[tilespmem:s10+$0x13030] =	vst v4;
	v2 =	vadd.f32 v2, v6  }
.Ltmp4:
0xf2: {  	[tilespmem:s10+$0x13040] =	vst v3;
	v1 =	vadd.f32 v1, v7;
	(pc) =	sbr.rel @p0 .LBB2_2-.Ltmp4, $4  }
0xf3: {  	s8 =	smul.u32 $0xC80, s8;
	[tilespmem:s10+$0x13050] =	vst v2;
	v0 =	vadd.f32 v0, v63  }
0xf4: {  	[tilespmem:s10+$0x13060] =	vst v1  }
0xf5: {  	s8 =	sadd.s32 s4, s8;
	[tilespmem:s10+$0x13070] =	vst v0  }
0xf6: {  	[hbm4b:s8+s5] =	stream.linear.scatter [tilespmem:s29], [sflag:$0x8], $0x6400, $0x38;
	[tilespmem:$0x1F800] =	vst v63  }
0xf7: {  	s8 =	simm.s32 $0x6  }
0xf8: {  	_ =	swait.ge [sflag:s8], $0x6400  }
0xf9: {  	[sflag:s8] =	ssyncset.done $0x0  }
0xfa: {  	s24 =	simm.s32 $0x7;
	[sflag:s8] =	ssyncadd.s32 $0xFFFF9C00  }
0xfb: {  	_ =	swait.ge [sflag:s24], $0x6400  }
0xfc: {  	[sflag:s24] =	ssyncset.done $0x0  }
0xfd: {  	s10 =	simm.s32 $0x8;
	[sflag:s24] =	ssyncadd.s32 $0xFFFF9C00  }
0xfe: {  	_ =	swait.ge [sflag:s10], $0x6400  }
0xff: {  	s11 =	rddreg [dreg:$0x7]  }
0x100: {  	s25 =	rddreg [dreg:$0x6];
	s11 =	sadd.s32 $0x1, s11  }
0x101: {  	p0 =	sne.s32 s11, s25  }
.Ltmp5:
0x102: {  	_ = 	snop;
	(pc) =	sbr.rel @p0 .LBB2_1-.Ltmp5, $3  }
0x103: {  	_ =	sdelay $0x1  }
0x104: {  	[sflag:s10] =	ssyncset.done $0x0  }
0x105: {  	[sflag:s10] =	ssyncadd.s32 $0xFFFF9C00  }
0x106: {  	_ =	sfence.sel $0x180000  }
0x107: {  	[bflag:$0x0] =	sbarrier.arrive $0xFFFF  }
0x108: {  	_ =	strace $0x9000004A  }
0x109: {  	s0 =	stileid.u32;
	[bflag:$0x2] =	sbarrier.arrive $0xFFFF  }
0x10a: {  	p0 =	sne.s32 s0, $0x0;
	s0 =	rddreg [dreg:$0x4]  }
0x10b: {  	s0 =	sadd.s32 @!p0 $0x100000, s0  }
0x10c: {  	[sflag:s0] =	ssyncadd.tile.s32 @!p0 $0x1;
	_ =	shalt  }
.Lfunc_end2:
_tile_overlayer_lowered:
.L_overlay_start_2:
0x10d: {  	(tag) =	ssettag $0x2  }
0x10e: {  	s0 =	rddreg [dreg:$0x0];
	s2 =	stileid.u32  }
0x10f: {  	s1 =	rddreg [dreg:$0x1];
	p0 =	sne.s32 s2, $0x0  }
0x110: {  	s3 =	rddreg [dreg:$0x2];
	[bflag:$0x3] =	sbarrier.arrive $0xFFFF;
	s2 =	simm.s32 @!p0 $0x1C09  }
0x111: {  	[timem:s3], [sflag:s2] =	dma.local @!p0 [hbm:s0], s1  }
0x112: {  	s0 =	simm.s32 @!p0 $0x9  }
0x113: {  	_ =	swait.ge @!p0 [sflag:s0], s1  }
0x114: {  	s1 =	ssub.s32 @!p0 $0x0, s1;
	[sflag:s0] =	ssyncset.done @!p0 $0x0  }
0x115: {  	[sflag:s0] =	ssyncadd.s32 @!p0 s1  }
0x116: {  	[bflag:$0x3] =	sbarrier.arrive $0xFFFF  }
0x117: {  	_ =	shalt  }

</sc_bundles>
